<compile_context>
chip_gen: v7x
topology: tpu7x:2x2x1
jax: 0.10.2.dev20260603
libtpu: 0.0.44.dev20260713+nightly
codegen_flags: <defaults>
</compile_context>

<pallas_src>
import functools
import math

import jax
import jax.numpy as jnp
from jax import lax
from jax.experimental import pallas as pl
from jax.experimental.pallas import tpu as pltpu
from jax.experimental.pallas import tpu_sc as plsc

N = 50000
E = 300000
IN_DIM = 128
OUT_DIM = 128
H = 8
DK = OUT_DIM // H
SQRT_DK = math.sqrt(DK)

N2 = 2 * N
DUMMY = N2
ROWS = 100096
SLAB = ROWS // 16
ZCH = 92

EE = 2 * E
CHUNK = 128
NW = 32
NCHUNK = 150
PER_W = NCHUNK * CHUNK
EE_P = NW * PER_W

ROW_BLK = 1000
GMAX_BLK = 4096

_mesh = plsc.VectorSubcoreMesh(core_axis_name="c", subcore_axis_name="s")



def _matmul_bias_kernel(x_ref, w_ref, b_ref, o_ref):
    o_ref[...] = (
        jnp.dot(x_ref[...], w_ref[...], preferred_element_type=jnp.float32)
        + b_ref[0:1, :]
    )


def _matmul_bias(x, w, b):
    n, k = x.shape
    m = w.shape[1]
    b2 = jnp.broadcast_to(b[None, :], (8, m))
    return pl.pallas_call(
        _matmul_bias_kernel,
        grid=(n // ROW_BLK,),
        in_specs=[
            pl.BlockSpec((ROW_BLK, k), lambda i: (i, 0)),
            pl.BlockSpec((k, m), lambda i: (0, 0)),
            pl.BlockSpec((8, m), lambda i: (0, 0)),
        ],
        out_specs=pl.BlockSpec((ROW_BLK, m), lambda i: (i, 0)),
        out_shape=jax.ShapeDtypeStruct((n, m), jnp.float32),
    )(x, w, b2)


def _gmax_kernel(att_ref, o_ref):
    i = pl.program_id(0)
    m = jnp.broadcast_to(jnp.max(att_ref[...], axis=0, keepdims=True), (8, H))

    @pl.when(i == 0)
    def _():
        o_ref[...] = m

    @pl.when(i > 0)
    def _():
        o_ref[...] = jnp.maximum(o_ref[...], m)


def _gmax(att):
    return pl.pallas_call(
        _gmax_kernel,
        grid=(EE_P // GMAX_BLK,),
        in_specs=[pl.BlockSpec((GMAX_BLK, H), lambda i: (i, 0))],
        out_specs=pl.BlockSpec((8, H), lambda i: (0, 0)),
        out_shape=jax.ShapeDtypeStruct((8, H), jnp.float32),
    )(att)


def _exp_kernel(att_ref, g_ref, o_ref):
    e = jnp.exp(att_ref[...] - g_ref[0:1, :])
    o_ref[...] = jnp.concatenate([e, jnp.zeros_like(e)], axis=1)


def _exp_shift(att, g):
    return pl.pallas_call(
        _exp_kernel,
        grid=(EE_P // GMAX_BLK,),
        in_specs=[
            pl.BlockSpec((GMAX_BLK, H), lambda i: (i, 0)),
            pl.BlockSpec((8, H), lambda i: (0, 0)),
        ],
        out_specs=pl.BlockSpec((GMAX_BLK, 16), lambda i: (i, 0)),
        out_shape=jax.ShapeDtypeStruct((EE_P, 16), jnp.float32),
    )(att, g)


def _final_kernel(u0_ref, u1_ref, dn_ref, x_ref, w_ref, b_ref, a_ref, o_ref):
    hsum = (u0_ref[...] + u1_ref[...]) / dn_ref[...]
    hr = jnp.maximum(hsum, 0.0)
    t = jnp.dot(hr, w_ref[0], preferred_element_type=jnp.float32) + b_ref[0, 0:1, :]
    al = a_ref[0, 0:1, :]
    o_ref[...] = t * al + x_ref[...] * (1.0 - al)


def _final(u0, u1, dnr, x, w_stack, b_stack, a_stack):
    return pl.pallas_call(
        _final_kernel,
        grid=(N2 // ROW_BLK,),
        in_specs=[
            pl.BlockSpec((ROW_BLK, 128), lambda i: (i, 0)),
            pl.BlockSpec((ROW_BLK, 128), lambda i: (i, 0)),
            pl.BlockSpec((ROW_BLK, 128), lambda i: (i, 0)),
            pl.BlockSpec((ROW_BLK, 128), lambda i: (i, 0)),
            pl.BlockSpec((1, 128, 128), lambda i: (i // 50, 0, 0)),
            pl.BlockSpec((1, 8, 128), lambda i: (i // 50, 0, 0)),
            pl.BlockSpec((1, 8, 128), lambda i: (i // 50, 0, 0)),
        ],
        out_specs=pl.BlockSpec((ROW_BLK, 128), lambda i: (i, 0)),
        out_shape=jax.ShapeDtypeStruct((N2, 128), jnp.float32),
    )(u0, u1, dnr, x, w_stack, b_stack, a_stack)



def _worker():
    return lax.axis_index("s") * 2 + lax.axis_index("c")


def _att_body(qtab, kttab, src, dst, att_out, idx_s, idx_d, qbuf, ktbuf, abuf):
    base = _worker() * PER_W

    def chunk(ci, _):
        off = base + ci * CHUNK
        pltpu.sync_copy(src.at[pl.ds(off, CHUNK)], idx_s)
        pltpu.sync_copy(dst.at[pl.ds(off, CHUNK)], idx_d)
        pltpu.sync_copy(kttab.at[idx_s], ktbuf)
        pltpu.sync_copy(qtab.at[idx_d], qbuf)

        def edge_block(eb, _):
            rows = eb * 16 + lax.iota(jnp.int32, 16)
            for h in range(H):
                acc = jnp.zeros((16,), jnp.float32)
                for d in range(DK):
                    col = jnp.full((16,), h * DK + d, jnp.int32)
                    qv = plsc.load_gather(qbuf, [rows, col])
                    kv = plsc.load_gather(ktbuf, [rows, col])
                    acc = acc + qv * kv
                plsc.store_scatter(abuf, [rows * H + h], acc)
            return 0

        lax.fori_loop(0, CHUNK // 16, edge_block, 0)
        pltpu.sync_copy(abuf, att_out.at[pl.ds(off * H, CHUNK * H)])
        return 0

    lax.fori_loop(0, NCHUNK, chunk, 0)


_att_call = functools.partial(
    pl.kernel,
    out_type=jax.ShapeDtypeStruct((EE_P * H,), jnp.float32),
    mesh=_mesh,
    compiler_params=pltpu.CompilerParams(needs_layout_passes=False),
    scratch_types=[
        pltpu.VMEM((CHUNK,), jnp.int32),
        pltpu.VMEM((CHUNK,), jnp.int32),
        pltpu.VMEM((CHUNK, 128), jnp.float32),
        pltpu.VMEM((CHUNK, 128), jnp.float32),
        pltpu.VMEM((CHUNK * H,), jnp.float32),
    ],
)(_att_body)


def _zero_slab(zbuf, acc, sid):
    def z(i, _):
        pltpu.sync_copy(zbuf, acc.at[pl.ds(sid * SLAB + i * ZCH, ZCH)])
        return 0

    lax.fori_loop(0, SLAB // ZCH, z, 0)


def _zero_zbuf(zbuf):
    def z(i, _):
        zbuf[i, :] = jnp.zeros((16,), jnp.float32)
        return 0

    lax.fori_loop(0, ZCH, z, 0)


def _denom_body(ex, dst, dpart, idx_d, exbuf, zbuf, acc):
    cid = lax.axis_index("c")
    sid = lax.axis_index("s")
    base = _worker() * PER_W
    _zero_zbuf(zbuf)
    _zero_slab(zbuf, acc, sid)
    plsc.subcore_barrier()

    def chunk(ci, _):
        off = base + ci * CHUNK
        pltpu.sync_copy(dst.at[pl.ds(off, CHUNK)], idx_d)
        pltpu.sync_copy(ex.at[pl.ds(off, CHUNK)], exbuf)
        pltpu.sync_copy(exbuf, acc.at[idx_d], add=True)
        return 0

    lax.fori_loop(0, NCHUNK, chunk, 0)
    plsc.subcore_barrier()
    pltpu.sync_copy(
        acc.at[pl.ds(sid * SLAB, SLAB)], dpart.at[cid, pl.ds(sid * SLAB, SLAB)]
    )


_denom_call = functools.partial(
    pl.kernel,
    out_type=jax.ShapeDtypeStruct((2, ROWS, 16), jnp.float32),
    mesh=_mesh,
    compiler_params=pltpu.CompilerParams(needs_layout_passes=False),
    scratch_types=[
        pltpu.VMEM((CHUNK,), jnp.int32),
        pltpu.VMEM((CHUNK, 16), jnp.float32),
        pltpu.VMEM((ZCH, 16), jnp.float32),
        pltpu.VMEM_SHARED((ROWS, 16), jnp.float32),
    ],
)(_denom_body)


def _agg_body(vtt, ex, src, dst, opart, idx_s, idx_d, exbuf, vtbuf, wbuf, zbuf, acc):
    cid = lax.axis_index("c")
    sid = lax.axis_index("s")
    base = _worker() * PER_W
    _zero_zbuf(zbuf)
    _zero_slab(zbuf, acc, sid)
    plsc.subcore_barrier()

    for h in range(H):
        def chunk(ci, _):
            off = base + ci * CHUNK
            pltpu.sync_copy(src.at[pl.ds(off, CHUNK)], idx_s)
            pltpu.sync_copy(dst.at[pl.ds(off, CHUNK)], idx_d)
            pltpu.sync_copy(ex.at[pl.ds(off, CHUNK)], exbuf)
            pltpu.sync_copy(vtt.at[h].at[idx_s], vtbuf)

            hcol = jnp.full((16,), h, jnp.int32)

            def edge(i, _):
                ev = plsc.load_gather(exbuf, [jnp.full((16,), i, jnp.int32), hcol])
                wbuf[i, :] = vtbuf[i, :] * ev
                return 0

            lax.fori_loop(0, CHUNK, edge, 0)
            pltpu.sync_copy(wbuf, acc.at[idx_d], add=True)
            return 0

        lax.fori_loop(0, NCHUNK, chunk, 0)
        plsc.subcore_barrier()
        pltpu.sync_copy(
            acc.at[pl.ds(sid * SLAB, SLAB)],
            opart.at[cid, h, pl.ds(sid * SLAB, SLAB)],
        )
        _zero_slab(zbuf, acc, sid)
        plsc.subcore_barrier()


_agg_call = functools.partial(
    pl.kernel,
    out_type=jax.ShapeDtypeStruct((2, H, ROWS, DK), jnp.float32),
    mesh=_mesh,
    compiler_params=pltpu.CompilerParams(
        needs_layout_passes=False, use_tc_tiling_on_sc=False
    ),
    scratch_types=[
        pltpu.VMEM((CHUNK,), jnp.int32),
        pltpu.VMEM((CHUNK,), jnp.int32),
        pltpu.VMEM((CHUNK, 16), jnp.float32),
        pltpu.VMEM((CHUNK, DK), jnp.float32),
        pltpu.VMEM((CHUNK, DK), jnp.float32),
        pltpu.VMEM((ZCH, 16), jnp.float32),
        pltpu.VMEM_SHARED((ROWS, DK), jnp.float32),
    ],
)(_agg_body)



def _blockdiag(a):
    out = jnp.zeros((H * DK, H * DK), jnp.float32)
    for h in range(H):
        out = out.at[h * DK:(h + 1) * DK, h * DK:(h + 1) * DK].set(a[h])
    return out


def kernel(x_paper, x_author, edge_index_writes, edge_index_written_by, params):
    p = params
    scale_w = jnp.repeat(p["pri_writes"] / SQRT_DK, DK)
    scale_wb = jnp.repeat(p["pri_written_by"] / SQRT_DK, DK)

    bd_att_w = _blockdiag(p["att_writes"]) * scale_w[None, :]
    bd_att_wb = _blockdiag(p["att_written_by"]) * scale_wb[None, :]
    bd_msg_w = _blockdiag(p["msg_writes"])
    bd_msg_wb = _blockdiag(p["msg_written_by"])

    w_author = jnp.concatenate(
        [p["Wq_author"], p["Wk_author"] @ bd_att_w, p["Wv_author"] @ bd_msg_w],
        axis=1,
    )
    b_author = jnp.concatenate(
        [p["bq_author"], p["bk_author"] @ bd_att_w, p["bv_author"] @ bd_msg_w]
    )
    w_paper = jnp.concatenate(
        [p["Wq_paper"], p["Wk_paper"] @ bd_att_wb, p["Wv_paper"] @ bd_msg_wb],
        axis=1,
    )
    b_paper = jnp.concatenate(
        [p["bq_paper"], p["bk_paper"] @ bd_att_wb, p["bv_paper"] @ bd_msg_wb]
    )

    proj_p = _matmul_bias(x_paper, w_paper, b_paper)
    proj_a = _matmul_bias(x_author, w_author, b_author)

    zpad = jnp.zeros((ROWS - N2, 128), jnp.float32)
    qtab = jnp.concatenate([proj_p[:, :128], proj_a[:, :128], zpad])
    kttab = jnp.concatenate([proj_p[:, 128:256], proj_a[:, 128:256], zpad])
    vttab = jnp.concatenate([proj_p[:, 256:], proj_a[:, 256:], zpad])
    vtt = vttab.reshape(ROWS, H, DK).transpose(1, 0, 2)

    src_w, dst_w = edge_index_writes[0], edge_index_writes[1]
    src_wb, dst_wb = edge_index_written_by[0], edge_index_written_by[1]
    pad = jnp.full((EE_P - EE,), DUMMY, jnp.int32)
    src_all = jnp.concatenate([src_w + N, src_wb, pad])
    dst_all = jnp.concatenate([dst_w, dst_wb + N, pad])

    att = _att_call(qtab, kttab, src_all, dst_all).reshape(EE_P, H)
    g = _gmax(att)
    ex = _exp_shift(att, g)
    exh = ex[:, :H]
    dnf = jax.ops.segment_sum(exh, dst_all, num_segments=ROWS)
    dn = dnf[:N2] + 1e-30
    dnr = jnp.repeat(dn, DK, axis=1)
    vtg = vttab[src_all].reshape(EE_P, H, DK)
    w = exh[:, :, None] * vtg
    uf = jax.ops.segment_sum(w, dst_all, num_segments=ROWS).reshape(ROWS, 128)
    u0, u1 = uf[:N2], jnp.zeros((N2, 128), jnp.float32)

    x_stack = jnp.concatenate([x_paper, x_author])
    w_stack = jnp.stack([p["Wa_paper"], p["Wa_author"]])
    b_stack = jnp.stack(
        [
            jnp.broadcast_to(p["ba_paper"][None, :], (8, 128)),
            jnp.broadcast_to(p["ba_author"][None, :], (8, 128)),
        ]
    )
    a_stack = jnp.stack(
        [
            jnp.broadcast_to(jax.nn.sigmoid(p["skip_paper"])[None, :], (8, 128)),
            jnp.broadcast_to(jax.nn.sigmoid(p["skip_author"])[None, :], (8, 128)),
        ]
    )
    out = _final(u0, u1, dnr, x_stack, w_stack, b_stack, a_stack)
    return out[:N], out[N:]

# --- scband reference (transcript-rebuilt; emitter-appended) ---
"""Pipeline reference for scband-hgtlayer-24489903522221 (READ-ONLY COPY).

The authoritative reference and input builder live on the scoring server;
editing this copy changes nothing except your own understanding.
"""

import jax, jax.numpy as jnp
import numpy as np
import math

N = 50000
E = 300000
IN_DIM = 128
OUT_DIM = 128
H = 8
DK = OUT_DIM // H
NTYPES = ("paper", "author")
ETYPES = (("writes", "author", "paper"), ("written_by", "paper", "author"))


def _init_params(key):
    params = {}
    keys = iter(jax.random.split(key, 40))
    gain = math.sqrt(2.0)
    lim_w = gain * math.sqrt(6.0 / (IN_DIM + OUT_DIM))
    lim_b = 1.0 / math.sqrt(OUT_DIM)
    lim_r = gain * math.sqrt(6.0 / (DK * DK + H * DK))
    for t in NTYPES:
        for nm in ("k", "q", "v", "a"):
            params["W%s_%s" % (nm, t)] = jax.random.uniform(next(keys), (IN_DIM, OUT_DIM), jnp.float32, -lim_w, lim_w)
            params["b%s_%s" % (nm, t)] = jax.random.uniform(next(keys), (OUT_DIM,), jnp.float32, -lim_b, lim_b)
        params["skip_%s" % t] = jax.random.uniform(next(keys), (1,), jnp.float32, -1.0, 1.0)
    for e, _, _ in ETYPES:
        params["pri_%s" % e] = jax.random.uniform(next(keys), (H,), jnp.float32, -1.0 / math.sqrt(H), 1.0 / math.sqrt(H))
        params["att_%s" % e] = jax.random.uniform(next(keys), (H, DK, DK), jnp.float32, -lim_r, lim_r)
        params["msg_%s" % e] = jax.random.uniform(next(keys), (H, DK, DK), jnp.float32, -lim_r, lim_r)
    return params


def setup_inputs(seed: int = 0):
    key = jax.random.key(seed)
    k1, k2, k3, k4, k5 = jax.random.split(key, 5)
    return {
        "x_paper": jax.random.normal(k1, (N, IN_DIM), jnp.float32),
        "x_author": jax.random.normal(k2, (N, IN_DIM), jnp.float32),
        "edge_index_writes": jax.random.randint(k3, (2, E), 0, N, jnp.int32),
        "edge_index_written_by": jax.random.randint(k4, (2, E), 0, N, jnp.int32),
        "params": _init_params(k5),
    }


def _hgt_forward(x_paper, x_author, ei_writes, ei_written_by, params):
    sqrt_dk = math.sqrt(DK)
    feats = {"paper": x_paper, "author": x_author}
    eidx = {"writes": ei_writes, "written_by": ei_written_by}
    kqv = {}
    for t in NTYPES:
        kqv[t] = {nm: (feats[t] @ params["W%s_%s" % (nm, t)] + params["b%s_%s" % (nm, t)]).reshape(-1, H, DK) for nm in ("k", "q", "v")}
    tmsg = {}
    for e, srctype, dsttype in ETYPES:
        src, dst = eidx[e][0], eidx[e][1]
        k_src = kqv[srctype]["k"][src]
        v_src = kqv[srctype]["v"][src]
        q_dst = kqv[dsttype]["q"][dst]
        key_e = jnp.einsum("ehd,hdf->ehf", k_src, params["att_%s" % e])
        att = (q_dst * key_e).sum(-1) * params["pri_%s" % e] / sqrt_dk
        val = jnp.einsum("ehd,hdf->ehf", v_src, params["msg_%s" % e])
        a_max = jax.ops.segment_max(att, dst, num_segments=N)
        a_max = jnp.where(jnp.isfinite(a_max), a_max, 0.0)
        ex = jnp.exp(att - a_max[dst])
        denom = jax.ops.segment_sum(ex, dst, num_segments=N)
        attn = ex / denom[dst]
        h = jax.ops.segment_sum(attn[:, :, None] * val, dst, num_segments=N)
        tmsg[dsttype] = jax.nn.relu(h.reshape(N, OUT_DIM))
    outs = []
    for t in NTYPES:
        alpha = jax.nn.sigmoid(params["skip_%s" % t])
        trans = tmsg[t] @ params["Wa_%s" % t] + params["ba_%s" % t]
        outs.append(trans * alpha + feats[t] * (1.0 - alpha))
    return tuple(outs)


def reference(x_paper, x_author, edge_index_writes, edge_index_written_by, params):
    return _hgt_forward(x_paper, x_author, edge_index_writes, edge_index_written_by, params)

if __name__ == "__main__":
    import jax
    _d = setup_inputs()
    print(jax.jit(kernel)(*tuple(_d.values())))

</pallas_src>

<mosaic_0001>
#map = affine_map<(d0, d1) -> (0, 0)>
#map1 = affine_map<(d0, d1) -> (0)>
module attributes {stable_mosaic.version = 14 : i64} {
  func.func @_att_body(%arg0: i32, %arg1: i32, %arg2: memref<100096x128xf32, #tpu.memory_space<hbm>>, %arg3: memref<100096x128xf32, #tpu.memory_space<hbm>>, %arg4: memref<614400xi32, #tpu.memory_space<hbm>>, %arg5: memref<614400xi32, #tpu.memory_space<hbm>>, %arg6: memref<4915200xf32, #tpu.memory_space<hbm>>, %arg7: memref<128xi32, #tpu.memory_space<vmem>>, %arg8: memref<128xi32, #tpu.memory_space<vmem>>, %arg9: memref<128x128xf32, #tpu.memory_space<vmem>>, %arg10: memref<128x128xf32, #tpu.memory_space<vmem>>, %arg11: memref<1024xf32, #tpu.memory_space<vmem>>) attributes {dimension_semantics = [#tpu.dimension_semantics<core_parallel>, #tpu.dimension_semantics<subcore_parallel>], iteration_bounds = array<i64: 2, 16>, scalar_prefetch = 0 : i64, scratch_operands = 5 : i64, tpu.core_type = #tpu.core_type<sc_vector_subcore>, window_params = [{transform_indices = #map}, {transform_indices = #map}, {transform_indices = #map1}, {transform_indices = #map1}, {transform_indices = #map1}]} {
    %mul3A = arith.constant 2 : i32
    %mul3A_0 = arith.muli %arg1, %mul3A : i32
    %add3A = arith.addi %mul3A_0, %arg0 : i32
    %mul3A_1 = arith.constant 19200 : i32
    %mul3A_2 = arith.muli %add3A, %mul3A_1 : i32
    %scan3A = arith.constant 0 : i32
    %scan3A_3 = arith.constant 0 : i32
    %scan3A_4 = arith.constant 150 : i32
    %scan3A_5 = arith.addi %scan3A_3, %scan3A_4 : i32
    %scan3A_6 = arith.constant 1 : i32
    %scan3A_7 = scf.for %scan3A_9 = %scan3A_3 to %scan3A_5 step %scan3A_6 iter_args(%scan3A_10 = %scan3A) -> (i32)  : i32 {
      %mul3A_11 = arith.constant 128 : i32
      %mul3A_12 = arith.muli %scan3A_9, %mul3A_11 : i32
      %add3A_13 = arith.addi %mul3A_2, %mul3A_12 : i32
      "tpu.region"() ({
        %run_scoped3A = tpu.sem_alloc : memref<!tpu.dma_semaphore, #tpu.memory_space<semaphore_mem>>
        %dma_start3A = tpu.memref_slice %arg4[%add3A_13] : memref<614400xi32, #tpu.memory_space<hbm>> -> memref<128xi32, #tpu.memory_space<hbm>>
        %dma_start3A_24 = tpu.memref_slice %arg4[%add3A_13] : memref<614400xi32, #tpu.memory_space<hbm>> -> memref<128xi32, #tpu.memory_space<hbm>>
        tpu.enqueue_dma source(%dma_start3A_24 : memref<128xi32, #tpu.memory_space<hbm>>) target(%arg7 : memref<128xi32, #tpu.memory_space<vmem>>) target_semaphore(%run_scoped3A : memref<!tpu.dma_semaphore, #tpu.memory_space<semaphore_mem>>)
        %dma_wait3A = tpu.memref_slice %arg4[%add3A_13] : memref<614400xi32, #tpu.memory_space<hbm>> -> memref<128xi32, #tpu.memory_space<hbm>>
        %dma_wait3A_25 = tpu.memref_slice %arg4[%add3A_13] : memref<614400xi32, #tpu.memory_space<hbm>> -> memref<128xi32, #tpu.memory_space<hbm>>
        tpu.wait_dma2 semaphore(%run_scoped3A : memref<!tpu.dma_semaphore, #tpu.memory_space<semaphore_mem>>) src(%dma_wait3A_25 : memref<128xi32, #tpu.memory_space<hbm>>) dst(%arg7 : memref<128xi32, #tpu.memory_space<vmem>>)
        tpu.yield
      }) : () -> ()
      "tpu.region"() ({
        %run_scoped3A = tpu.sem_alloc : memref<!tpu.dma_semaphore, #tpu.memory_space<semaphore_mem>>
        %dma_start3A = tpu.memref_slice %arg5[%add3A_13] : memref<614400xi32, #tpu.memory_space<hbm>> -> memref<128xi32, #tpu.memory_space<hbm>>
        %dma_start3A_24 = tpu.memref_slice %arg5[%add3A_13] : memref<614400xi32, #tpu.memory_space<hbm>> -> memref<128xi32, #tpu.memory_space<hbm>>
        tpu.enqueue_dma source(%dma_start3A_24 : memref<128xi32, #tpu.memory_space<hbm>>) target(%arg8 : memref<128xi32, #tpu.memory_space<vmem>>) target_semaphore(%run_scoped3A : memref<!tpu.dma_semaphore, #tpu.memory_space<semaphore_mem>>)
        %dma_wait3A = tpu.memref_slice %arg5[%add3A_13] : memref<614400xi32, #tpu.memory_space<hbm>> -> memref<128xi32, #tpu.memory_space<hbm>>
        %dma_wait3A_25 = tpu.memref_slice %arg5[%add3A_13] : memref<614400xi32, #tpu.memory_space<hbm>> -> memref<128xi32, #tpu.memory_space<hbm>>
        tpu.wait_dma2 semaphore(%run_scoped3A : memref<!tpu.dma_semaphore, #tpu.memory_space<semaphore_mem>>) src(%dma_wait3A_25 : memref<128xi32, #tpu.memory_space<hbm>>) dst(%arg8 : memref<128xi32, #tpu.memory_space<vmem>>)
        tpu.yield
      }) : () -> ()
      "tpu.region"() ({
        %run_scoped3A = tpu.sem_alloc : memref<!tpu.dma_semaphore, #tpu.memory_space<semaphore_mem>>
        %dma_start3A = arith.constant 0 : i32
        %dma_start3A_24 = arith.constant 0 : i32
        %dma_start3A_25 = tpu.memref_slice %arg3[%dma_start3A, %dma_start3A_24] : memref<100096x128xf32, #tpu.memory_space<hbm>> -> memref<100096x128xf32, #tpu.memory_space<hbm>>
        tpu.enqueue_indirect_dma source(%dma_start3A_25 : memref<100096x128xf32, #tpu.memory_space<hbm>>) target(%arg10 : memref<128x128xf32, #tpu.memory_space<vmem>>) offsets(%arg7 : memref<128xi32, #tpu.memory_space<vmem>>) semaphore(%run_scoped3A : memref<!tpu.dma_semaphore, #tpu.memory_space<semaphore_mem>>)
        %dma_wait3A = arith.constant 0 : i32
        %dma_wait3A_26 = arith.constant 0 : i32
        %dma_wait3A_27 = tpu.memref_slice %arg3[%dma_wait3A, %dma_wait3A_26] : memref<100096x128xf32, #tpu.memory_space<hbm>> -> memref<100096x128xf32, #tpu.memory_space<hbm>>
        tpu.wait_indirect_dma semaphore(%run_scoped3A : memref<!tpu.dma_semaphore, #tpu.memory_space<semaphore_mem>>) src(%dma_wait3A_27 : memref<100096x128xf32, #tpu.memory_space<hbm>>) dst(%arg10 : memref<128x128xf32, #tpu.memory_space<vmem>>)
        tpu.yield
      }) : () -> ()
      "tpu.region"() ({
        %run_scoped3A = tpu.sem_alloc : memref<!tpu.dma_semaphore, #tpu.memory_space<semaphore_mem>>
        %dma_start3A = arith.constant 0 : i32
        %dma_start3A_24 = arith.constant 0 : i32
        %dma_start3A_25 = tpu.memref_slice %arg2[%dma_start3A, %dma_start3A_24] : memref<100096x128xf32, #tpu.memory_space<hbm>> -> memref<100096x128xf32, #tpu.memory_space<hbm>>
        tpu.enqueue_indirect_dma source(%dma_start3A_25 : memref<100096x128xf32, #tpu.memory_space<hbm>>) target(%arg9 : memref<128x128xf32, #tpu.memory_space<vmem>>) offsets(%arg8 : memref<128xi32, #tpu.memory_space<vmem>>) semaphore(%run_scoped3A : memref<!tpu.dma_semaphore, #tpu.memory_space<semaphore_mem>>)
        %dma_wait3A = arith.constant 0 : i32
        %dma_wait3A_26 = arith.constant 0 : i32
        %dma_wait3A_27 = tpu.memref_slice %arg2[%dma_wait3A, %dma_wait3A_26] : memref<100096x128xf32, #tpu.memory_space<hbm>> -> memref<100096x128xf32, #tpu.memory_space<hbm>>
        tpu.wait_indirect_dma semaphore(%run_scoped3A : memref<!tpu.dma_semaphore, #tpu.memory_space<semaphore_mem>>) src(%dma_wait3A_27 : memref<100096x128xf32, #tpu.memory_space<hbm>>) dst(%arg9 : memref<128x128xf32, #tpu.memory_space<vmem>>)
        tpu.yield
      }) : () -> ()
      %scan3A_14 = arith.constant 0 : i32
      %scan3A_15 = arith.constant 0 : i32
      %scan3A_16 = arith.constant 8 : i32
      %scan3A_17 = arith.addi %scan3A_15, %scan3A_16 : i32
      %scan3A_18 = arith.constant 1 : i32
      %scan3A_19 = scf.for %scan3A_24 = %scan3A_15 to %scan3A_17 step %scan3A_18 iter_args(%scan3A_25 = %scan3A_14) -> (i32)  : i32 {
        %mul3A_26 = arith.constant 16 : i32
        %mul3A_27 = arith.muli %scan3A_24, %mul3A_26 : i32
        %iota3A = tpu.iota {dimensions = array<i32: 0>} : vector<16xi32>
        %add3A_28 = vector.broadcast %mul3A_27 : i32 to vector<16xi32>
        %add3A_29 = arith.addi %add3A_28, %iota3A : vector<16xi32>
        %broadcast_in_dim3A = arith.constant 0.000000e+00 : f32
        %broadcast_in_dim3A_30 = vector.broadcast %broadcast_in_dim3A : f32 to vector<16xf32>
        %broadcast_in_dim3A_31 = arith.constant 0 : i32
        %broadcast_in_dim3A_32 = vector.broadcast %broadcast_in_dim3A_31 : i32 to vector<16xi32>
        %gather3A = tpu.vector_load_idx %arg9[%add3A_29, %broadcast_in_dim3A_32] : memref<128x128xf32, #tpu.memory_space<vmem>>[vector<16xi32>, vector<16xi32>], vector<16xf32>,
        %gather3A_33 = tpu.vector_load_idx %arg10[%add3A_29, %broadcast_in_dim3A_32] : memref<128x128xf32, #tpu.memory_space<vmem>>[vector<16xi32>, vector<16xi32>], vector<16xf32>,
        %mul3A_34 = arith.mulf %gather3A, %gather3A_33 : vector<16xf32>
        %add3A_35 = arith.addf %broadcast_in_dim3A_30, %mul3A_34 : vector<16xf32>
        %broadcast_in_dim3A_36 = arith.constant 1 : i32
        %broadcast_in_dim3A_37 = vector.broadcast %broadcast_in_dim3A_36 : i32 to vector<16xi32>
        %gather3A_38 = tpu.vector_load_idx %arg9[%add3A_29, %broadcast_in_dim3A_37] : memref<128x128xf32, #tpu.memory_space<vmem>>[vector<16xi32>, vector<16xi32>], vector<16xf32>,
        %gather3A_39 = tpu.vector_load_idx %arg10[%add3A_29, %broadcast_in_dim3A_37] : memref<128x128xf32, #tpu.memory_space<vmem>>[vector<16xi32>, vector<16xi32>], vector<16xf32>,
        %mul3A_40 = arith.mulf %gather3A_38, %gather3A_39 : vector<16xf32>
        %add3A_41 = arith.addf %add3A_35, %mul3A_40 : vector<16xf32>
        %broadcast_in_dim3A_42 = arith.constant 2 : i32
        %broadcast_in_dim3A_43 = vector.broadcast %broadcast_in_dim3A_42 : i32 to vector<16xi32>
        %gather3A_44 = tpu.vector_load_idx %arg9[%add3A_29, %broadcast_in_dim3A_43] : memref<128x128xf32, #tpu.memory_space<vmem>>[vector<16xi32>, vector<16xi32>], vector<16xf32>,
        %gather3A_45 = tpu.vector_load_idx %arg10[%add3A_29, %broadcast_in_dim3A_43] : memref<128x128xf32, #tpu.memory_space<vmem>>[vector<16xi32>, vector<16xi32>], vector<16xf32>,
        %mul3A_46 = arith.mulf %gather3A_44, %gather3A_45 : vector<16xf32>
        %add3A_47 = arith.addf %add3A_41, %mul3A_46 : vector<16xf32>
        %broadcast_in_dim3A_48 = arith.constant 3 : i32
        %broadcast_in_dim3A_49 = vector.broadcast %broadcast_in_dim3A_48 : i32 to vector<16xi32>
        %gather3A_50 = tpu.vector_load_idx %arg9[%add3A_29, %broadcast_in_dim3A_49] : memref<128x128xf32, #tpu.memory_space<vmem>>[vector<16xi32>, vector<16xi32>], vector<16xf32>,
        %gather3A_51 = tpu.vector_load_idx %arg10[%add3A_29, %broadcast_in_dim3A_49] : memref<128x128xf32, #tpu.memory_space<vmem>>[vector<16xi32>, vector<16xi32>], vector<16xf32>,
        %mul3A_52 = arith.mulf %gather3A_50, %gather3A_51 : vector<16xf32>
        %add3A_53 = arith.addf %add3A_47, %mul3A_52 : vector<16xf32>
        %broadcast_in_dim3A_54 = arith.constant 4 : i32
        %broadcast_in_dim3A_55 = vector.broadcast %broadcast_in_dim3A_54 : i32 to vector<16xi32>
        %gather3A_56 = tpu.vector_load_idx %arg9[%add3A_29, %broadcast_in_dim3A_55] : memref<128x128xf32, #tpu.memory_space<vmem>>[vector<16xi32>, vector<16xi32>], vector<16xf32>,
        %gather3A_57 = tpu.vector_load_idx %arg10[%add3A_29, %broadcast_in_dim3A_55] : memref<128x128xf32, #tpu.memory_space<vmem>>[vector<16xi32>, vector<16xi32>], vector<16xf32>,
        %mul3A_58 = arith.mulf %gather3A_56, %gather3A_57 : vector<16xf32>
        %add3A_59 = arith.addf %add3A_53, %mul3A_58 : vector<16xf32>
        %broadcast_in_dim3A_60 = arith.constant 5 : i32
        %broadcast_in_dim3A_61 = vector.broadcast %broadcast_in_dim3A_60 : i32 to vector<16xi32>
        %gather3A_62 = tpu.vector_load_idx %arg9[%add3A_29, %broadcast_in_dim3A_61] : memref<128x128xf32, #tpu.memory_space<vmem>>[vector<16xi32>, vector<16xi32>], vector<16xf32>,
        %gather3A_63 = tpu.vector_load_idx %arg10[%add3A_29, %broadcast_in_dim3A_61] : memref<128x128xf32, #tpu.memory_space<vmem>>[vector<16xi32>, vector<16xi32>], vector<16xf32>,
        %mul3A_64 = arith.mulf %gather3A_62, %gather3A_63 : vector<16xf32>
        %add3A_65 = arith.addf %add3A_59, %mul3A_64 : vector<16xf32>
        %broadcast_in_dim3A_66 = arith.constant 6 : i32
        %broadcast_in_dim3A_67 = vector.broadcast %broadcast_in_dim3A_66 : i32 to vector<16xi32>
        %gather3A_68 = tpu.vector_load_idx %arg9[%add3A_29, %broadcast_in_dim3A_67] : memref<128x128xf32, #tpu.memory_space<vmem>>[vector<16xi32>, vector<16xi32>], vector<16xf32>,
        %gather3A_69 = tpu.vector_load_idx %arg10[%add3A_29, %broadcast_in_dim3A_67] : memref<128x128xf32, #tpu.memory_space<vmem>>[vector<16xi32>, vector<16xi32>], vector<16xf32>,
        %mul3A_70 = arith.mulf %gather3A_68, %gather3A_69 : vector<16xf32>
        %add3A_71 = arith.addf %add3A_65, %mul3A_70 : vector<16xf32>
        %broadcast_in_dim3A_72 = arith.constant 7 : i32
        %broadcast_in_dim3A_73 = vector.broadcast %broadcast_in_dim3A_72 : i32 to vector<16xi32>
        %gather3A_74 = tpu.vector_load_idx %arg9[%add3A_29, %broadcast_in_dim3A_73] : memref<128x128xf32, #tpu.memory_space<vmem>>[vector<16xi32>, vector<16xi32>], vector<16xf32>,
        %gather3A_75 = tpu.vector_load_idx %arg10[%add3A_29, %broadcast_in_dim3A_73] : memref<128x128xf32, #tpu.memory_space<vmem>>[vector<16xi32>, vector<16xi32>], vector<16xf32>,
        %mul3A_76 = arith.mulf %gather3A_74, %gather3A_75 : vector<16xf32>
        %add3A_77 = arith.addf %add3A_71, %mul3A_76 : vector<16xf32>
        %broadcast_in_dim3A_78 = arith.constant 8 : i32
        %broadcast_in_dim3A_79 = vector.broadcast %broadcast_in_dim3A_78 : i32 to vector<16xi32>
        %gather3A_80 = tpu.vector_load_idx %arg9[%add3A_29, %broadcast_in_dim3A_79] : memref<128x128xf32, #tpu.memory_space<vmem>>[vector<16xi32>, vector<16xi32>], vector<16xf32>,
        %gather3A_81 = tpu.vector_load_idx %arg10[%add3A_29, %broadcast_in_dim3A_79] : memref<128x128xf32, #tpu.memory_space<vmem>>[vector<16xi32>, vector<16xi32>], vector<16xf32>,
        %mul3A_82 = arith.mulf %gather3A_80, %gather3A_81 : vector<16xf32>
        %add3A_83 = arith.addf %add3A_77, %mul3A_82 : vector<16xf32>
        %broadcast_in_dim3A_84 = arith.constant 9 : i32
        %broadcast_in_dim3A_85 = vector.broadcast %broadcast_in_dim3A_84 : i32 to vector<16xi32>
        %gather3A_86 = tpu.vector_load_idx %arg9[%add3A_29, %broadcast_in_dim3A_85] : memref<128x128xf32, #tpu.memory_space<vmem>>[vector<16xi32>, vector<16xi32>], vector<16xf32>,
        %gather3A_87 = tpu.vector_load_idx %arg10[%add3A_29, %broadcast_in_dim3A_85] : memref<128x128xf32, #tpu.memory_space<vmem>>[vector<16xi32>, vector<16xi32>], vector<16xf32>,
        %mul3A_88 = arith.mulf %gather3A_86, %gather3A_87 : vector<16xf32>
        %add3A_89 = arith.addf %add3A_83, %mul3A_88 : vector<16xf32>
        %broadcast_in_dim3A_90 = arith.constant 10 : i32
        %broadcast_in_dim3A_91 = vector.broadcast %broadcast_in_dim3A_90 : i32 to vector<16xi32>
        %gather3A_92 = tpu.vector_load_idx %arg9[%add3A_29, %broadcast_in_dim3A_91] : memref<128x128xf32, #tpu.memory_space<vmem>>[vector<16xi32>, vector<16xi32>], vector<16xf32>,
        %gather3A_93 = tpu.vector_load_idx %arg10[%add3A_29, %broadcast_in_dim3A_91] : memref<128x128xf32, #tpu.memory_space<vmem>>[vector<16xi32>, vector<16xi32>], vector<16xf32>,
        %mul3A_94 = arith.mulf %gather3A_92, %gather3A_93 : vector<16xf32>
        %add3A_95 = arith.addf %add3A_89, %mul3A_94 : vector<16xf32>
        %broadcast_in_dim3A_96 = arith.constant 11 : i32
        %broadcast_in_dim3A_97 = vector.broadcast %broadcast_in_dim3A_96 : i32 to vector<16xi32>
        %gather3A_98 = tpu.vector_load_idx %arg9[%add3A_29, %broadcast_in_dim3A_97] : memref<128x128xf32, #tpu.memory_space<vmem>>[vector<16xi32>, vector<16xi32>], vector<16xf32>,
        %gather3A_99 = tpu.vector_load_idx %arg10[%add3A_29, %broadcast_in_dim3A_97] : memref<128x128xf32, #tpu.memory_space<vmem>>[vector<16xi32>, vector<16xi32>], vector<16xf32>,
        %mul3A_100 = arith.mulf %gather3A_98, %gather3A_99 : vector<16xf32>
        %add3A_101 = arith.addf %add3A_95, %mul3A_100 : vector<16xf32>
        %broadcast_in_dim3A_102 = arith.constant 12 : i32
        %broadcast_in_dim3A_103 = vector.broadcast %broadcast_in_dim3A_102 : i32 to vector<16xi32>
        %gather3A_104 = tpu.vector_load_idx %arg9[%add3A_29, %broadcast_in_dim3A_103] : memref<128x128xf32, #tpu.memory_space<vmem>>[vector<16xi32>, vector<16xi32>], vector<16xf32>,
        %gather3A_105 = tpu.vector_load_idx %arg10[%add3A_29, %broadcast_in_dim3A_103] : memref<128x128xf32, #tpu.memory_space<vmem>>[vector<16xi32>, vector<16xi32>], vector<16xf32>,
        %mul3A_106 = arith.mulf %gather3A_104, %gather3A_105 : vector<16xf32>
        %add3A_107 = arith.addf %add3A_101, %mul3A_106 : vector<16xf32>
        %broadcast_in_dim3A_108 = arith.constant 13 : i32
        %broadcast_in_dim3A_109 = vector.broadcast %broadcast_in_dim3A_108 : i32 to vector<16xi32>
        %gather3A_110 = tpu.vector_load_idx %arg9[%add3A_29, %broadcast_in_dim3A_109] : memref<128x128xf32, #tpu.memory_space<vmem>>[vector<16xi32>, vector<16xi32>], vector<16xf32>,
        %gather3A_111 = tpu.vector_load_idx %arg10[%add3A_29, %broadcast_in_dim3A_109] : memref<128x128xf32, #tpu.memory_space<vmem>>[vector<16xi32>, vector<16xi32>], vector<16xf32>,
        %mul3A_112 = arith.mulf %gather3A_110, %gather3A_111 : vector<16xf32>
        %add3A_113 = arith.addf %add3A_107, %mul3A_112 : vector<16xf32>
        %broadcast_in_dim3A_114 = arith.constant 14 : i32
        %broadcast_in_dim3A_115 = vector.broadcast %broadcast_in_dim3A_114 : i32 to vector<16xi32>
        %gather3A_116 = tpu.vector_load_idx %arg9[%add3A_29, %broadcast_in_dim3A_115] : memref<128x128xf32, #tpu.memory_space<vmem>>[vector<16xi32>, vector<16xi32>], vector<16xf32>,
        %gather3A_117 = tpu.vector_load_idx %arg10[%add3A_29, %broadcast_in_dim3A_115] : memref<128x128xf32, #tpu.memory_space<vmem>>[vector<16xi32>, vector<16xi32>], vector<16xf32>,
        %mul3A_118 = arith.mulf %gather3A_116, %gather3A_117 : vector<16xf32>
        %add3A_119 = arith.addf %add3A_113, %mul3A_118 : vector<16xf32>
        %broadcast_in_dim3A_120 = arith.constant 15 : i32
        %broadcast_in_dim3A_121 = vector.broadcast %broadcast_in_dim3A_120 : i32 to vector<16xi32>
        %gather3A_122 = tpu.vector_load_idx %arg9[%add3A_29, %broadcast_in_dim3A_121] : memref<128x128xf32, #tpu.memory_space<vmem>>[vector<16xi32>, vector<16xi32>], vector<16xf32>,
        %gather3A_123 = tpu.vector_load_idx %arg10[%add3A_29, %broadcast_in_dim3A_121] : memref<128x128xf32, #tpu.memory_space<vmem>>[vector<16xi32>, vector<16xi32>], vector<16xf32>,
        %mul3A_124 = arith.mulf %gather3A_122, %gather3A_123 : vector<16xf32>
        %add3A_125 = arith.addf %add3A_119, %mul3A_124 : vector<16xf32>
        %mul3A_126 = arith.constant 8 : i32
        %mul3A_127 = vector.broadcast %mul3A_126 : i32 to vector<16xi32>
        %mul3A_128 = arith.muli %add3A_29, %mul3A_127 : vector<16xi32>
        %add3A_129 = arith.constant 0 : i32
        %add3A_130 = vector.broadcast %add3A_129 : i32 to vector<16xi32>
        %add3A_131 = arith.addi %mul3A_128, %add3A_130 : vector<16xi32>
        tpu.vector_store_idx %arg11[%add3A_131], %add3A_125 : memref<1024xf32, #tpu.memory_space<vmem>>[vector<16xi32>], vector<16xf32>,
        %broadcast_in_dim3A_132 = arith.constant 0.000000e+00 : f32
        %broadcast_in_dim3A_133 = vector.broadcast %broadcast_in_dim3A_132 : f32 to vector<16xf32>
        %broadcast_in_dim3A_134 = arith.constant 16 : i32
        %broadcast_in_dim3A_135 = vector.broadcast %broadcast_in_dim3A_134 : i32 to vector<16xi32>
        %gather3A_136 = tpu.vector_load_idx %arg9[%add3A_29, %broadcast_in_dim3A_135] : memref<128x128xf32, #tpu.memory_space<vmem>>[vector<16xi32>, vector<16xi32>], vector<16xf32>,
        %gather3A_137 = tpu.vector_load_idx %arg10[%add3A_29, %broadcast_in_dim3A_135] : memref<128x128xf32, #tpu.memory_space<vmem>>[vector<16xi32>, vector<16xi32>], vector<16xf32>,
        %mul3A_138 = arith.mulf %gather3A_136, %gather3A_137 : vector<16xf32>
        %add3A_139 = arith.addf %broadcast_in_dim3A_133, %mul3A_138 : vector<16xf32>
        %broadcast_in_dim3A_140 = arith.constant 17 : i32
        %broadcast_in_dim3A_141 = vector.broadcast %broadcast_in_dim3A_140 : i32 to vector<16xi32>
        %gather3A_142 = tpu.vector_load_idx %arg9[%add3A_29, %broadcast_in_dim3A_141] : memref<128x128xf32, #tpu.memory_space<vmem>>[vector<16xi32>, vector<16xi32>], vector<16xf32>,
        %gather3A_143 = tpu.vector_load_idx %arg10[%add3A_29, %broadcast_in_dim3A_141] : memref<128x128xf32, #tpu.memory_space<vmem>>[vector<16xi32>, vector<16xi32>], vector<16xf32>,
        %mul3A_144 = arith.mulf %gather3A_142, %gather3A_143 : vector<16xf32>
        %add3A_145 = arith.addf %add3A_139, %mul3A_144 : vector<16xf32>
        %broadcast_in_dim3A_146 = arith.constant 18 : i32
        %broadcast_in_dim3A_147 = vector.broadcast %broadcast_in_dim3A_146 : i32 to vector<16xi32>
        %gather3A_148 = tpu.vector_load_idx %arg9[%add3A_29, %broadcast_in_dim3A_147] : memref<128x128xf32, #tpu.memory_space<vmem>>[vector<16xi32>, vector<16xi32>], vector<16xf32>,
        %gather3A_149 = tpu.vector_load_idx %arg10[%add3A_29, %broadcast_in_dim3A_147] : memref<128x128xf32, #tpu.memory_space<vmem>>[vector<16xi32>, vector<16xi32>], vector<16xf32>,
        %mul3A_150 = arith.mulf %gather3A_148, %gather3A_149 : vector<16xf32>
        %add3A_151 = arith.addf %add3A_145, %mul3A_150 : vector<16xf32>
        %broadcast_in_dim3A_152 = arith.constant 19 : i32
        %broadcast_in_dim3A_153 = vector.broadcast %broadcast_in_dim3A_152 : i32 to vector<16xi32>
        %gather3A_154 = tpu.vector_load_idx %arg9[%add3A_29, %broadcast_in_dim3A_153] : memref<128x128xf32, #tpu.memory_space<vmem>>[vector<16xi32>, vector<16xi32>], vector<16xf32>,
        %gather3A_155 = tpu.vector_load_idx %arg10[%add3A_29, %broadcast_in_dim3A_153] : memref<128x128xf32, #tpu.memory_space<vmem>>[vector<16xi32>, vector<16xi32>], vector<16xf32>,
        %mul3A_156 = arith.mulf %gather3A_154, %gather3A_155 : vector<16xf32>
        %add3A_157 = arith.addf %add3A_151, %mul3A_156 : vector<16xf32>
        %broadcast_in_dim3A_158 = arith.constant 20 : i32
        %broadcast_in_dim3A_159 = vector.broadcast %broadcast_in_dim3A_158 : i32 to vector<16xi32>
        %gather3A_160 = tpu.vector_load_idx %arg9[%add3A_29, %broadcast_in_dim3A_159] : memref<128x128xf32, #tpu.memory_space<vmem>>[vector<16xi32>, vector<16xi32>], vector<16xf32>,
        %gather3A_161 = tpu.vector_load_idx %arg10[%add3A_29, %broadcast_in_dim3A_159] : memref<128x128xf32, #tpu.memory_space<vmem>>[vector<16xi32>, vector<16xi32>], vector<16xf32>,
        %mul3A_162 = arith.mulf %gather3A_160, %gather3A_161 : vector<16xf32>
        %add3A_163 = arith.addf %add3A_157, %mul3A_162 : vector<16xf32>
        %broadcast_in_dim3A_164 = arith.constant 21 : i32
        %broadcast_in_dim3A_165 = vector.broadcast %broadcast_in_dim3A_164 : i32 to vector<16xi32>
        %gather3A_166 = tpu.vector_load_idx %arg9[%add3A_29, %broadcast_in_dim3A_165] : memref<128x128xf32, #tpu.memory_space<vmem>>[vector<16xi32>, vector<16xi32>], vector<16xf32>,
        %gather3A_167 = tpu.vector_load_idx %arg10[%add3A_29, %broadcast_in_dim3A_165] : memref<128x128xf32, #tpu.memory_space<vmem>>[vector<16xi32>, vector<16xi32>], vector<16xf32>,
        %mul3A_168 = arith.mulf %gather3A_166, %gather3A_167 : vector<16xf32>
        %add3A_169 = arith.addf %add3A_163, %mul3A_168 : vector<16xf32>
        %broadcast_in_dim3A_170 = arith.constant 22 : i32
        %broadcast_in_dim3A_171 = vector.broadcast %broadcast_in_dim3A_170 : i32 to vector<16xi32>
        %gather3A_172 = tpu.vector_load_idx %arg9[%add3A_29, %broadcast_in_dim3A_171] : memref<128x128xf32, #tpu.memory_space<vmem>>[vector<16xi32>, vector<16xi32>], vector<16xf32>,
        %gather3A_173 = tpu.vector_load_idx %arg10[%add3A_29, %broadcast_in_dim3A_171] : memref<128x128xf32, #tpu.memory_space<vmem>>[vector<16xi32>, vector<16xi32>], vector<16xf32>,
        %mul3A_174 = arith.mulf %gather3A_172, %gather3A_173 : vector<16xf32>
        %add3A_175 = arith.addf %add3A_169, %mul3A_174 : vector<16xf32>
        %broadcast_in_dim3A_176 = arith.constant 23 : i32
        %broadcast_in_dim3A_177 = vector.broadcast %broadcast_in_dim3A_176 : i32 to vector<16xi32>
        %gather3A_178 = tpu.vector_load_idx %arg9[%add3A_29, %broadcast_in_dim3A_177] : memref<128x128xf32, #tpu.memory_space<vmem>>[vector<16xi32>, vector<16xi32>], vector<16xf32>,
        %gather3A_179 = tpu.vector_load_idx %arg10[%add3A_29, %broadcast_in_dim3A_177] : memref<128x128xf32, #tpu.memory_space<vmem>>[vector<16xi32>, vector<16xi32>], vector<16xf32>,
        %mul3A_180 = arith.mulf %gather3A_178, %gather3A_179 : vector<16xf32>
        %add3A_181 = arith.addf %add3A_175, %mul3A_180 : vector<16xf32>
        %broadcast_in_dim3A_182 = arith.constant 24 : i32
        %broadcast_in_dim3A_183 = vector.broadcast %broadcast_in_dim3A_182 : i32 to vector<16xi32>
        %gather3A_184 = tpu.vector_load_idx %arg9[%add3A_29, %broadcast_in_dim3A_183] : memref<128x128xf32, #tpu.memory_space<vmem>>[vector<16xi32>, vector<16xi32>], vector<16xf32>,
        %gather3A_185 = tpu.vector_load_idx %arg10[%add3A_29, %broadcast_in_dim3A_183] : memref<128x128xf32, #tpu.memory_space<vmem>>[vector<16xi32>, vector<16xi32>], vector<16xf32>,
        %mul3A_186 = arith.mulf %gather3A_184, %gather3A_185 : vector<16xf32>
        %add3A_187 = arith.addf %add3A_181, %mul3A_186 : vector<16xf32>
        %broadcast_in_dim3A_188 = arith.constant 25 : i32
        %broadcast_in_dim3A_189 = vector.broadcast %broadcast_in_dim3A_188 : i32 to vector<16xi32>
        %gather3A_190 = tpu.vector_load_idx %arg9[%add3A_29, %broadcast_in_dim3A_189] : memref<128x128xf32, #tpu.memory_space<vmem>>[vector<16xi32>, vector<16xi32>], vector<16xf32>,
        %gather3A_191 = tpu.vector_load_idx %arg10[%add3A_29, %broadcast_in_dim3A_189] : memref<128x128xf32, #tpu.memory_space<vmem>>[vector<16xi32>, vector<16xi32>], vector<16xf32>,
        %mul3A_192 = arith.mulf %gather3A_190, %gather3A_191 : vector<16xf32>
        %add3A_193 = arith.addf %add3A_187, %mul3A_192 : vector<16xf32>
        %broadcast_in_dim3A_194 = arith.constant 26 : i32
        %broadcast_in_dim3A_195 = vector.broadcast %broadcast_in_dim3A_194 : i32 to vector<16xi32>
        %gather3A_196 = tpu.vector_load_idx %arg9[%add3A_29, %broadcast_in_dim3A_195] : memref<128x128xf32, #tpu.memory_space<vmem>>[vector<16xi32>, vector<16xi32>], vector<16xf32>,
        %gather3A_197 = tpu.vector_load_idx %arg10[%add3A_29, %broadcast_in_dim3A_195] : memref<128x128xf32, #tpu.memory_space<vmem>>[vector<16xi32>, vector<16xi32>], vector<16xf32>,
        %mul3A_198 = arith.mulf %gather3A_196, %gather3A_197 : vector<16xf32>
        %add3A_199 = arith.addf %add3A_193, %mul3A_198 : vector<16xf32>
        %broadcast_in_dim3A_200 = arith.constant 27 : i32
        %broadcast_in_dim3A_201 = vector.broadcast %broadcast_in_dim3A_200 : i32 to vector<16xi32>
        %gather3A_202 = tpu.vector_load_idx %arg9[%add3A_29, %broadcast_in_dim3A_201] : memref<128x128xf32, #tpu.memory_space<vmem>>[vector<16xi32>, vector<16xi32>], vector<16xf32>,
        %gather3A_203 = tpu.vector_load_idx %arg10[%add3A_29, %broadcast_in_dim3A_201] : memref<128x128xf32, #tpu.memory_space<vmem>>[vector<16xi32>, vector<16xi32>], vector<16xf32>,
        %mul3A_204 = arith.mulf %gather3A_202, %gather3A_203 : vector<16xf32>
        %add3A_205 = arith.addf %add3A_199, %mul3A_204 : vector<16xf32>
        %broadcast_in_dim3A_206 = arith.constant 28 : i32
        %broadcast_in_dim3A_207 = vector.broadcast %broadcast_in_dim3A_206 : i32 to vector<16xi32>
        %gather3A_208 = tpu.vector_load_idx %arg9[%add3A_29, %broadcast_in_dim3A_207] : memref<128x128xf32, #tpu.memory_space<vmem>>[vector<16xi32>, vector<16xi32>], vector<16xf32>,
        %gather3A_209 = tpu.vector_load_idx %arg10[%add3A_29, %broadcast_in_dim3A_207] : memref<128x128xf32, #tpu.memory_space<vmem>>[vector<16xi32>, vector<16xi32>], vector<16xf32>,
        %mul3A_210 = arith.mulf %gather3A_208, %gather3A_209 : vector<16xf32>
        %add3A_211 = arith.addf %add3A_205, %mul3A_210 : vector<16xf32>
        %broadcast_in_dim3A_212 = arith.constant 29 : i32
        %broadcast_in_dim3A_213 = vector.broadcast %broadcast_in_dim3A_212 : i32 to vector<16xi32>
        %gather3A_214 = tpu.vector_load_idx %arg9[%add3A_29, %broadcast_in_dim3A_213] : memref<128x128xf32, #tpu.memory_space<vmem>>[vector<16xi32>, vector<16xi32>], vector<16xf32>,
        %gather3A_215 = tpu.vector_load_idx %arg10[%add3A_29, %broadcast_in_dim3A_213] : memref<128x128xf32, #tpu.memory_space<vmem>>[vector<16xi32>, vector<16xi32>], vector<16xf32>,
        %mul3A_216 = arith.mulf %gather3A_214, %gather3A_215 : vector<16xf32>
        %add3A_217 = arith.addf %add3A_211, %mul3A_216 : vector<16xf32>
        %broadcast_in_dim3A_218 = arith.constant 30 : i32
        %broadcast_in_dim3A_219 = vector.broadcast %broadcast_in_dim3A_218 : i32 to vector<16xi32>
        %gather3A_220 = tpu.vector_load_idx %arg9[%add3A_29, %broadcast_in_dim3A_219] : memref<128x128xf32, #tpu.memory_space<vmem>>[vector<16xi32>, vector<16xi32>], vector<16xf32>,
        %gather3A_221 = tpu.vector_load_idx %arg10[%add3A_29, %broadcast_in_dim3A_219] : memref<128x128xf32, #tpu.memory_space<vmem>>[vector<16xi32>, vector<16xi32>], vector<16xf32>,
        %mul3A_222 = arith.mulf %gather3A_220, %gather3A_221 : vector<16xf32>
        %add3A_223 = arith.addf %add3A_217, %mul3A_222 : vector<16xf32>
        %broadcast_in_dim3A_224 = arith.constant 31 : i32
        %broadcast_in_dim3A_225 = vector.broadcast %broadcast_in_dim3A_224 : i32 to vector<16xi32>
        %gather3A_226 = tpu.vector_load_idx %arg9[%add3A_29, %broadcast_in_dim3A_225] : memref<128x128xf32, #tpu.memory_space<vmem>>[vector<16xi32>, vector<16xi32>], vector<16xf32>,
        %gather3A_227 = tpu.vector_load_idx %arg10[%add3A_29, %broadcast_in_dim3A_225] : memref<128x128xf32, #tpu.memory_space<vmem>>[vector<16xi32>, vector<16xi32>], vector<16xf32>,
        %mul3A_228 = arith.mulf %gather3A_226, %gather3A_227 : vector<16xf32>
        %add3A_229 = arith.addf %add3A_223, %mul3A_228 : vector<16xf32>
        %mul3A_230 = arith.constant 8 : i32
        %mul3A_231 = vector.broadcast %mul3A_230 : i32 to vector<16xi32>
        %mul3A_232 = arith.muli %add3A_29, %mul3A_231 : vector<16xi32>
        %add3A_233 = arith.constant 1 : i32
        %add3A_234 = vector.broadcast %add3A_233 : i32 to vector<16xi32>
        %add3A_235 = arith.addi %mul3A_232, %add3A_234 : vector<16xi32>
        tpu.vector_store_idx %arg11[%add3A_235], %add3A_229 : memref<1024xf32, #tpu.memory_space<vmem>>[vector<16xi32>], vector<16xf32>,
        %broadcast_in_dim3A_236 = arith.constant 0.000000e+00 : f32
        %broadcast_in_dim3A_237 = vector.broadcast %broadcast_in_dim3A_236 : f32 to vector<16xf32>
        %broadcast_in_dim3A_238 = arith.constant 32 : i32
        %broadcast_in_dim3A_239 = vector.broadcast %broadcast_in_dim3A_238 : i32 to vector<16xi32>
        %gather3A_240 = tpu.vector_load_idx %arg9[%add3A_29, %broadcast_in_dim3A_239] : memref<128x128xf32, #tpu.memory_space<vmem>>[vector<16xi32>, vector<16xi32>], vector<16xf32>,
        %gather3A_241 = tpu.vector_load_idx %arg10[%add3A_29, %broadcast_in_dim3A_239] : memref<128x128xf32, #tpu.memory_space<vmem>>[vector<16xi32>, vector<16xi32>], vector<16xf32>,
        %mul3A_242 = arith.mulf %gather3A_240, %gather3A_241 : vector<16xf32>
        %add3A_243 = arith.addf %broadcast_in_dim3A_237, %mul3A_242 : vector<16xf32>
        %broadcast_in_dim3A_244 = arith.constant 33 : i32
        %broadcast_in_dim3A_245 = vector.broadcast %broadcast_in_dim3A_244 : i32 to vector<16xi32>
        %gather3A_246 = tpu.vector_load_idx %arg9[%add3A_29, %broadcast_in_dim3A_245] : memref<128x128xf32, #tpu.memory_space<vmem>>[vector<16xi32>, vector<16xi32>], vector<16xf32>,
        %gather3A_247 = tpu.vector_load_idx %arg10[%add3A_29, %broadcast_in_dim3A_245] : memref<128x128xf32, #tpu.memory_space<vmem>>[vector<16xi32>, vector<16xi32>], vector<16xf32>,
        %mul3A_248 = arith.mulf %gather3A_246, %gather3A_247 : vector<16xf32>
        %add3A_249 = arith.addf %add3A_243, %mul3A_248 : vector<16xf32>
        %broadcast_in_dim3A_250 = arith.constant 34 : i32
        %broadcast_in_dim3A_251 = vector.broadcast %broadcast_in_dim3A_250 : i32 to vector<16xi32>
        %gather3A_252 = tpu.vector_load_idx %arg9[%add3A_29, %broadcast_in_dim3A_251] : memref<128x128xf32, #tpu.memory_space<vmem>>[vector<16xi32>, vector<16xi32>], vector<16xf32>,
        %gather3A_253 = tpu.vector_load_idx %arg10[%add3A_29, %broadcast_in_dim3A_251] : memref<128x128xf32, #tpu.memory_space<vmem>>[vector<16xi32>, vector<16xi32>], vector<16xf32>,
        %mul3A_254 = arith.mulf %gather3A_252, %gather3A_253 : vector<16xf32>
        %add3A_255 = arith.addf %add3A_249, %mul3A_254 : vector<16xf32>
        %broadcast_in_dim3A_256 = arith.constant 35 : i32
        %broadcast_in_dim3A_257 = vector.broadcast %broadcast_in_dim3A_256 : i32 to vector<16xi32>
        %gather3A_258 = tpu.vector_load_idx %arg9[%add3A_29, %broadcast_in_dim3A_257] : memref<128x128xf32, #tpu.memory_space<vmem>>[vector<16xi32>, vector<16xi32>], vector<16xf32>,
        %gather3A_259 = tpu.vector_load_idx %arg10[%add3A_29, %broadcast_in_dim3A_257] : memref<128x128xf32, #tpu.memory_space<vmem>>[vector<16xi32>, vector<16xi32>], vector<16xf32>,
        %mul3A_260 = arith.mulf %gather3A_258, %gather3A_259 : vector<16xf32>
        %add3A_261 = arith.addf %add3A_255, %mul3A_260 : vector<16xf32>
        %broadcast_in_dim3A_262 = arith.constant 36 : i32
        %broadcast_in_dim3A_263 = vector.broadcast %broadcast_in_dim3A_262 : i32 to vector<16xi32>
        %gather3A_264 = tpu.vector_load_idx %arg9[%add3A_29, %broadcast_in_dim3A_263] : memref<128x128xf32, #tpu.memory_space<vmem>>[vector<16xi32>, vector<16xi32>], vector<16xf32>,
        %gather3A_265 = tpu.vector_load_idx %arg10[%add3A_29, %broadcast_in_dim3A_263] : memref<128x128xf32, #tpu.memory_space<vmem>>[vector<16xi32>, vector<16xi32>], vector<16xf32>,
        %mul3A_266 = arith.mulf %gather3A_264, %gather3A_265 : vector<16xf32>
        %add3A_267 = arith.addf %add3A_261, %mul3A_266 : vector<16xf32>
        %broadcast_in_dim3A_268 = arith.constant 37 : i32
        %broadcast_in_dim3A_269 = vector.broadcast %broadcast_in_dim3A_268 : i32 to vector<16xi32>
        %gather3A_270 = tpu.vector_load_idx %arg9[%add3A_29, %broadcast_in_dim3A_269] : memref<128x128xf32, #tpu.memory_space<vmem>>[vector<16xi32>, vector<16xi32>], vector<16xf32>,
        %gather3A_271 = tpu.vector_load_idx %arg10[%add3A_29, %broadcast_in_dim3A_269] : memref<128x128xf32, #tpu.memory_space<vmem>>[vector<16xi32>, vector<16xi32>], vector<16xf32>,
        %mul3A_272 = arith.mulf %gather3A_270, %gather3A_271 : vector<16xf32>
        %add3A_273 = arith.addf %add3A_267, %mul3A_272 : vector<16xf32>
        %broadcast_in_dim3A_274 = arith.constant 38 : i32
        %broadcast_in_dim3A_275 = vector.broadcast %broadcast_in_dim3A_274 : i32 to vector<16xi32>
        %gather3A_276 = tpu.vector_load_idx %arg9[%add3A_29, %broadcast_in_dim3A_275] : memref<128x128xf32, #tpu.memory_space<vmem>>[vector<16xi32>, vector<16xi32>], vector<16xf32>,
        %gather3A_277 = tpu.vector_load_idx %arg10[%add3A_29, %broadcast_in_dim3A_275] : memref<128x128xf32, #tpu.memory_space<vmem>>[vector<16xi32>, vector<16xi32>], vector<16xf32>,
        %mul3A_278 = arith.mulf %gather3A_276, %gather3A_277 : vector<16xf32>
        %add3A_279 = arith.addf %add3A_273, %mul3A_278 : vector<16xf32>
        %broadcast_in_dim3A_280 = arith.constant 39 : i32
        %broadcast_in_dim3A_281 = vector.broadcast %broadcast_in_dim3A_280 : i32 to vector<16xi32>
        %gather3A_282 = tpu.vector_load_idx %arg9[%add3A_29, %broadcast_in_dim3A_281] : memref<128x128xf32, #tpu.memory_space<vmem>>[vector<16xi32>, vector<16xi32>], vector<16xf32>,
        %gather3A_283 = tpu.vector_load_idx %arg10[%add3A_29, %broadcast_in_dim3A_281] : memref<128x128xf32, #tpu.memory_space<vmem>>[vector<16xi32>, vector<16xi32>], vector<16xf32>,
        %mul3A_284 = arith.mulf %gather3A_282, %gather3A_283 : vector<16xf32>
        %add3A_285 = arith.addf %add3A_279, %mul3A_284 : vector<16xf32>
        %broadcast_in_dim3A_286 = arith.constant 40 : i32
        %broadcast_in_dim3A_287 = vector.broadcast %broadcast_in_dim3A_286 : i32 to vector<16xi32>
        %gather3A_288 = tpu.vector_load_idx %arg9[%add3A_29, %broadcast_in_dim3A_287] : memref<128x128xf32, #tpu.memory_space<vmem>>[vector<16xi32>, vector<16xi32>], vector<16xf32>,
        %gather3A_289 = tpu.vector_load_idx %arg10[%add3A_29, %broadcast_in_dim3A_287] : memref<128x128xf32, #tpu.memory_space<vmem>>[vector<16xi32>, vector<16xi32>], vector<16xf32>,
        %mul3A_290 = arith.mulf %gather3A_288, %gather3A_289 : vector<16xf32>
        %add3A_291 = arith.addf %add3A_285, %mul3A_290 : vector<16xf32>
        %broadcast_in_dim3A_292 = arith.constant 41 : i32
        %broadcast_in_dim3A_293 = vector.broadcast %broadcast_in_dim3A_292 : i32 to vector<16xi32>
        %gather3A_294 = tpu.vector_load_idx %arg9[%add3A_29, %broadcast_in_dim3A_293] : memref<128x128xf32, #tpu.memory_space<vmem>>[vector<16xi32>, vector<16xi32>], vector<16xf32>,
        %gather3A_295 = tpu.vector_load_idx %arg10[%add3A_29, %broadcast_in_dim3A_293] : memref<128x128xf32, #tpu.memory_space<vmem>>[vector<16xi32>, vector<16xi32>], vector<16xf32>,
        %mul3A_296 = arith.mulf %gather3A_294, %gather3A_295 : vector<16xf32>
        %add3A_297 = arith.addf %add3A_291, %mul3A_296 : vector<16xf32>
        %broadcast_in_dim3A_298 = arith.constant 42 : i32
        %broadcast_in_dim3A_299 = vector.broadcast %broadcast_in_dim3A_298 : i32 to vector<16xi32>
        %gather3A_300 = tpu.vector_load_idx %arg9[%add3A_29, %broadcast_in_dim3A_299] : memref<128x128xf32, #tpu.memory_space<vmem>>[vector<16xi32>, vector<16xi32>], vector<16xf32>,
        %gather3A_301 = tpu.vector_load_idx %arg10[%add3A_29, %broadcast_in_dim3A_299] : memref<128x128xf32, #tpu.memory_space<vmem>>[vector<16xi32>, vector<16xi32>], vector<16xf32>,
        %mul3A_302 = arith.mulf %gather3A_300, %gather3A_301 : vector<16xf32>
        %add3A_303 = arith.addf %add3A_297, %mul3A_302 : vector<16xf32>
        %broadcast_in_dim3A_304 = arith.constant 43 : i32
        %broadcast_in_dim3A_305 = vector.broadcast %broadcast_in_dim3A_304 : i32 to vector<16xi32>
        %gather3A_306 = tpu.vector_load_idx %arg9[%add3A_29, %broadcast_in_dim3A_305] : memref<128x128xf32, #tpu.memory_space<vmem>>[vector<16xi32>, vector<16xi32>], vector<16xf32>,
        %gather3A_307 = tpu.vector_load_idx %arg10[%add3A_29, %broadcast_in_dim3A_305] : memref<128x128xf32, #tpu.memory_space<vmem>>[vector<16xi32>, vector<16xi32>], vector<16xf32>,
        %mul3A_308 = arith.mulf %gather3A_306, %gather3A_307 : vector<16xf32>
        %add3A_309 = arith.addf %add3A_303, %mul3A_308 : vector<16xf32>
        %broadcast_in_dim3A_310 = arith.constant 44 : i32
        %broadcast_in_dim3A_311 = vector.broadcast %broadcast_in_dim3A_310 : i32 to vector<16xi32>
        %gather3A_312 = tpu.vector_load_idx %arg9[%add3A_29, %broadcast_in_dim3A_311] : memref<128x128xf32, #tpu.memory_space<vmem>>[vector<16xi32>, vector<16xi32>], vector<16xf32>,
        %gather3A_313 = tpu.vector_load_idx %arg10[%add3A_29, %broadcast_in_dim3A_311] : memref<128x128xf32, #tpu.memory_space<vmem>>[vector<16xi32>, vector<16xi32>], vector<16xf32>,
        %mul3A_314 = arith.mulf %gather3A_312, %gather3A_313 : vector<16xf32>
        %add3A_315 = arith.addf %add3A_309, %mul3A_314 : vector<16xf32>
        %broadcast_in_dim3A_316 = arith.constant 45 : i32
        %broadcast_in_dim3A_317 = vector.broadcast %broadcast_in_dim3A_316 : i32 to vector<16xi32>
        %gather3A_318 = tpu.vector_load_idx %arg9[%add3A_29, %broadcast_in_dim3A_317] : memref<128x128xf32, #tpu.memory_space<vmem>>[vector<16xi32>, vector<16xi32>], vector<16xf32>,
        %gather3A_319 = tpu.vector_load_idx %arg10[%add3A_29, %broadcast_in_dim3A_317] : memref<128x128xf32, #tpu.memory_space<vmem>>[vector<16xi32>, vector<16xi32>], vector<16xf32>,
        %mul3A_320 = arith.mulf %gather3A_318, %gather3A_319 : vector<16xf32>
        %add3A_321 = arith.addf %add3A_315, %mul3A_320 : vector<16xf32>
        %broadcast_in_dim3A_322 = arith.constant 46 : i32
        %broadcast_in_dim3A_323 = vector.broadcast %broadcast_in_dim3A_322 : i32 to vector<16xi32>
        %gather3A_324 = tpu.vector_load_idx %arg9[%add3A_29, %broadcast_in_dim3A_323] : memref<128x128xf32, #tpu.memory_space<vmem>>[vector<16xi32>, vector<16xi32>], vector<16xf32>,
        %gather3A_325 = tpu.vector_load_idx %arg10[%add3A_29, %broadcast_in_dim3A_323] : memref<128x128xf32, #tpu.memory_space<vmem>>[vector<16xi32>, vector<16xi32>], vector<16xf32>,
        %mul3A_326 = arith.mulf %gather3A_324, %gather3A_325 : vector<16xf32>
        %add3A_327 = arith.addf %add3A_321, %mul3A_326 : vector<16xf32>
        %broadcast_in_dim3A_328 = arith.constant 47 : i32
        %broadcast_in_dim3A_329 = vector.broadcast %broadcast_in_dim3A_328 : i32 to vector<16xi32>
        %gather3A_330 = tpu.vector_load_idx %arg9[%add3A_29, %broadcast_in_dim3A_329] : memref<128x128xf32, #tpu.memory_space<vmem>>[vector<16xi32>, vector<16xi32>], vector<16xf32>,
        %gather3A_331 = tpu.vector_load_idx %arg10[%add3A_29, %broadcast_in_dim3A_329] : memref<128x128xf32, #tpu.memory_space<vmem>>[vector<16xi32>, vector<16xi32>], vector<16xf32>,
        %mul3A_332 = arith.mulf %gather3A_330, %gather3A_331 : vector<16xf32>
        %add3A_333 = arith.addf %add3A_327, %mul3A_332 : vector<16xf32>
        %mul3A_334 = arith.constant 8 : i32
        %mul3A_335 = vector.broadcast %mul3A_334 : i32 to vector<16xi32>
        %mul3A_336 = arith.muli %add3A_29, %mul3A_335 : vector<16xi32>
        %add3A_337 = arith.constant 2 : i32
        %add3A_338 = vector.broadcast %add3A_337 : i32 to vector<16xi32>
        %add3A_339 = arith.addi %mul3A_336, %add3A_338 : vector<16xi32>
        tpu.vector_store_idx %arg11[%add3A_339], %add3A_333 : memref<1024xf32, #tpu.memory_space<vmem>>[vector<16xi32>], vector<16xf32>,
        %broadcast_in_dim3A_340 = arith.constant 0.000000e+00 : f32
        %broadcast_in_dim3A_341 = vector.broadcast %broadcast_in_dim3A_340 : f32 to vector<16xf32>
        %broadcast_in_dim3A_342 = arith.constant 48 : i32
        %broadcast_in_dim3A_343 = vector.broadcast %broadcast_in_dim3A_342 : i32 to vector<16xi32>
        %gather3A_344 = tpu.vector_load_idx %arg9[%add3A_29, %broadcast_in_dim3A_343] : memref<128x128xf32, #tpu.memory_space<vmem>>[vector<16xi32>, vector<16xi32>], vector<16xf32>,
        %gather3A_345 = tpu.vector_load_idx %arg10[%add3A_29, %broadcast_in_dim3A_343] : memref<128x128xf32, #tpu.memory_space<vmem>>[vector<16xi32>, vector<16xi32>], vector<16xf32>,
        %mul3A_346 = arith.mulf %gather3A_344, %gather3A_345 : vector<16xf32>
        %add3A_347 = arith.addf %broadcast_in_dim3A_341, %mul3A_346 : vector<16xf32>
        %broadcast_in_dim3A_348 = arith.constant 49 : i32
        %broadcast_in_dim3A_349 = vector.broadcast %broadcast_in_dim3A_348 : i32 to vector<16xi32>
        %gather3A_350 = tpu.vector_load_idx %arg9[%add3A_29, %broadcast_in_dim3A_349] : memref<128x128xf32, #tpu.memory_space<vmem>>[vector<16xi32>, vector<16xi32>], vector<16xf32>,
        %gather3A_351 = tpu.vector_load_idx %arg10[%add3A_29, %broadcast_in_dim3A_349] : memref<128x128xf32, #tpu.memory_space<vmem>>[vector<16xi32>, vector<16xi32>], vector<16xf32>,
        %mul3A_352 = arith.mulf %gather3A_350, %gather3A_351 : vector<16xf32>
        %add3A_353 = arith.addf %add3A_347, %mul3A_352 : vector<16xf32>
        %broadcast_in_dim3A_354 = arith.constant 50 : i32
        %broadcast_in_dim3A_355 = vector.broadcast %broadcast_in_dim3A_354 : i32 to vector<16xi32>
        %gather3A_356 = tpu.vector_load_idx %arg9[%add3A_29, %broadcast_in_dim3A_355] : memref<128x128xf32, #tpu.memory_space<vmem>>[vector<16xi32>, vector<16xi32>], vector<16xf32>,
        %gather3A_357 = tpu.vector_load_idx %arg10[%add3A_29, %broadcast_in_dim3A_355] : memref<128x128xf32, #tpu.memory_space<vmem>>[vector<16xi32>, vector<16xi32>], vector<16xf32>,
        %mul3A_358 = arith.mulf %gather3A_356, %gather3A_357 : vector<16xf32>
        %add3A_359 = arith.addf %add3A_353, %mul3A_358 : vector<16xf32>
        %broadcast_in_dim3A_360 = arith.constant 51 : i32
        %broadcast_in_dim3A_361 = vector.broadcast %broadcast_in_dim3A_360 : i32 to vector<16xi32>
        %gather3A_362 = tpu.vector_load_idx %arg9[%add3A_29, %broadcast_in_dim3A_361] : memref<128x128xf32, #tpu.memory_space<vmem>>[vector<16xi32>, vector<16xi32>], vector<16xf32>,
        %gather3A_363 = tpu.vector_load_idx %arg10[%add3A_29, %broadcast_in_dim3A_361] : memref<128x128xf32, #tpu.memory_space<vmem>>[vector<16xi32>, vector<16xi32>], vector<16xf32>,
        %mul3A_364 = arith.mulf %gather3A_362, %gather3A_363 : vector<16xf32>
        %add3A_365 = arith.addf %add3A_359, %mul3A_364 : vector<16xf32>
        %broadcast_in_dim3A_366 = arith.constant 52 : i32
        %broadcast_in_dim3A_367 = vector.broadcast %broadcast_in_dim3A_366 : i32 to vector<16xi32>
        %gather3A_368 = tpu.vector_load_idx %arg9[%add3A_29, %broadcast_in_dim3A_367] : memref<128x128xf32, #tpu.memory_space<vmem>>[vector<16xi32>, vector<16xi32>], vector<16xf32>,
        %gather3A_369 = tpu.vector_load_idx %arg10[%add3A_29, %broadcast_in_dim3A_367] : memref<128x128xf32, #tpu.memory_space<vmem>>[vector<16xi32>, vector<16xi32>], vector<16xf32>,
        %mul3A_370 = arith.mulf %gather3A_368, %gather3A_369 : vector<16xf32>
        %add3A_371 = arith.addf %add3A_365, %mul3A_370 : vector<16xf32>
        %broadcast_in_dim3A_372 = arith.constant 53 : i32
        %broadcast_in_dim3A_373 = vector.broadcast %broadcast_in_dim3A_372 : i32 to vector<16xi32>
        %gather3A_374 = tpu.vector_load_idx %arg9[%add3A_29, %broadcast_in_dim3A_373] : memref<128x128xf32, #tpu.memory_space<vmem>>[vector<16xi32>, vector<16xi32>], vector<16xf32>,
        %gather3A_375 = tpu.vector_load_idx %arg10[%add3A_29, %broadcast_in_dim3A_373] : memref<128x128xf32, #tpu.memory_space<vmem>>[vector<16xi32>, vector<16xi32>], vector<16xf32>,
        %mul3A_376 = arith.mulf %gather3A_374, %gather3A_375 : vector<16xf32>
        %add3A_377 = arith.addf %add3A_371, %mul3A_376 : vector<16xf32>
        %broadcast_in_dim3A_378 = arith.constant 54 : i32
        %broadcast_in_dim3A_379 = vector.broadcast %broadcast_in_dim3A_378 : i32 to vector<16xi32>
        %gather3A_380 = tpu.vector_load_idx %arg9[%add3A_29, %broadcast_in_dim3A_379] : memref<128x128xf32, #tpu.memory_space<vmem>>[vector<16xi32>, vector<16xi32>], vector<16xf32>,
        %gather3A_381 = tpu.vector_load_idx %arg10[%add3A_29, %broadcast_in_dim3A_379] : memref<128x128xf32, #tpu.memory_space<vmem>>[vector<16xi32>, vector<16xi32>], vector<16xf32>,
        %mul3A_382 = arith.mulf %gather3A_380, %gather3A_381 : vector<16xf32>
        %add3A_383 = arith.addf %add3A_377, %mul3A_382 : vector<16xf32>
        %broadcast_in_dim3A_384 = arith.constant 55 : i32
        %broadcast_in_dim3A_385 = vector.broadcast %broadcast_in_dim3A_384 : i32 to vector<16xi32>
        %gather3A_386 = tpu.vector_load_idx %arg9[%add3A_29, %broadcast_in_dim3A_385] : memref<128x128xf32, #tpu.memory_space<vmem>>[vector<16xi32>, vector<16xi32>], vector<16xf32>,
        %gather3A_387 = tpu.vector_load_idx %arg10[%add3A_29, %broadcast_in_dim3A_385] : memref<128x128xf32, #tpu.memory_space<vmem>>[vector<16xi32>, vector<16xi32>], vector<16xf32>,
        %mul3A_388 = arith.mulf %gather3A_386, %gather3A_387 : vector<16xf32>
        %add3A_389 = arith.addf %add3A_383, %mul3A_388 : vector<16xf32>
        %broadcast_in_dim3A_390 = arith.constant 56 : i32
        %broadcast_in_dim3A_391 = vector.broadcast %broadcast_in_dim3A_390 : i32 to vector<16xi32>
        %gather3A_392 = tpu.vector_load_idx %arg9[%add3A_29, %broadcast_in_dim3A_391] : memref<128x128xf32, #tpu.memory_space<vmem>>[vector<16xi32>, vector<16xi32>], vector<16xf32>,
        %gather3A_393 = tpu.vector_load_idx %arg10[%add3A_29, %broadcast_in_dim3A_391] : memref<128x128xf32, #tpu.memory_space<vmem>>[vector<16xi32>, vector<16xi32>], vector<16xf32>,
        %mul3A_394 = arith.mulf %gather3A_392, %gather3A_393 : vector<16xf32>
        %add3A_395 = arith.addf %add3A_389, %mul3A_394 : vector<16xf32>
        %broadcast_in_dim3A_396 = arith.constant 57 : i32
        %broadcast_in_dim3A_397 = vector.broadcast %broadcast_in_dim3A_396 : i32 to vector<16xi32>
        %gather3A_398 = tpu.vector_load_idx %arg9[%add3A_29, %broadcast_in_dim3A_397] : memref<128x128xf32, #tpu.memory_space<vmem>>[vector<16xi32>, vector<16xi32>], vector<16xf32>,
        %gather3A_399 = tpu.vector_load_idx %arg10[%add3A_29, %broadcast_in_dim3A_397] : memref<128x128xf32, #tpu.memory_space<vmem>>[vector<16xi32>, vector<16xi32>], vector<16xf32>,
        %mul3A_400 = arith.mulf %gather3A_398, %gather3A_399 : vector<16xf32>
        %add3A_401 = arith.addf %add3A_395, %mul3A_400 : vector<16xf32>
        %broadcast_in_dim3A_402 = arith.constant 58 : i32
        %broadcast_in_dim3A_403 = vector.broadcast %broadcast_in_dim3A_402 : i32 to vector<16xi32>
        %gather3A_404 = tpu.vector_load_idx %arg9[%add3A_29, %broadcast_in_dim3A_403] : memref<128x128xf32, #tpu.memory_space<vmem>>[vector<16xi32>, vector<16xi32>], vector<16xf32>,
        %gather3A_405 = tpu.vector_load_idx %arg10[%add3A_29, %broadcast_in_dim3A_403] : memref<128x128xf32, #tpu.memory_space<vmem>>[vector<16xi32>, vector<16xi32>], vector<16xf32>,
        %mul3A_406 = arith.mulf %gather3A_404, %gather3A_405 : vector<16xf32>
        %add3A_407 = arith.addf %add3A_401, %mul3A_406 : vector<16xf32>
        %broadcast_in_dim3A_408 = arith.constant 59 : i32
        %broadcast_in_dim3A_409 = vector.broadcast %broadcast_in_dim3A_408 : i32 to vector<16xi32>
        %gather3A_410 = tpu.vector_load_idx %arg9[%add3A_29, %broadcast_in_dim3A_409] : memref<128x128xf32, #tpu.memory_space<vmem>>[vector<16xi32>, vector<16xi32>], vector<16xf32>,
        %gather3A_411 = tpu.vector_load_idx %arg10[%add3A_29, %broadcast_in_dim3A_409] : memref<128x128xf32, #tpu.memory_space<vmem>>[vector<16xi32>, vector<16xi32>], vector<16xf32>,
        %mul3A_412 = arith.mulf %gather3A_410, %gather3A_411 : vector<16xf32>
        %add3A_413 = arith.addf %add3A_407, %mul3A_412 : vector<16xf32>
        %broadcast_in_dim3A_414 = arith.constant 60 : i32
        %broadcast_in_dim3A_415 = vector.broadcast %broadcast_in_dim3A_414 : i32 to vector<16xi32>
        %gather3A_416 = tpu.vector_load_idx %arg9[%add3A_29, %broadcast_in_dim3A_415] : memref<128x128xf32, #tpu.memory_space<vmem>>[vector<16xi32>, vector<16xi32>], vector<16xf32>,
        %gather3A_417 = tpu.vector_load_idx %arg10[%add3A_29, %broadcast_in_dim3A_415] : memref<128x128xf32, #tpu.memory_space<vmem>>[vector<16xi32>, vector<16xi32>], vector<16xf32>,
        %mul3A_418 = arith.mulf %gather3A_416, %gather3A_417 : vector<16xf32>
        %add3A_419 = arith.addf %add3A_413, %mul3A_418 : vector<16xf32>
        %broadcast_in_dim3A_420 = arith.constant 61 : i32
        %broadcast_in_dim3A_421 = vector.broadcast %broadcast_in_dim3A_420 : i32 to vector<16xi32>
        %gather3A_422 = tpu.vector_load_idx %arg9[%add3A_29, %broadcast_in_dim3A_421] : memref<128x128xf32, #tpu.memory_space<vmem>>[vector<16xi32>, vector<16xi32>], vector<16xf32>,
        %gather3A_423 = tpu.vector_load_idx %arg10[%add3A_29, %broadcast_in_dim3A_421] : memref<128x128xf32, #tpu.memory_space<vmem>>[vector<16xi32>, vector<16xi32>], vector<16xf32>,
        %mul3A_424 = arith.mulf %gather3A_422, %gather3A_423 : vector<16xf32>
        %add3A_425 = arith.addf %add3A_419, %mul3A_424 : vector<16xf32>
        %broadcast_in_dim3A_426 = arith.constant 62 : i32
        %broadcast_in_dim3A_427 = vector.broadcast %broadcast_in_dim3A_426 : i32 to vector<16xi32>
        %gather3A_428 = tpu.vector_load_idx %arg9[%add3A_29, %broadcast_in_dim3A_427] : memref<128x128xf32, #tpu.memory_space<vmem>>[vector<16xi32>, vector<16xi32>], vector<16xf32>,
        %gather3A_429 = tpu.vector_load_idx %arg10[%add3A_29, %broadcast_in_dim3A_427] : memref<128x128xf32, #tpu.memory_space<vmem>>[vector<16xi32>, vector<16xi32>], vector<16xf32>,
        %mul3A_430 = arith.mulf %gather3A_428, %gather3A_429 : vector<16xf32>
        %add3A_431 = arith.addf %add3A_425, %mul3A_430 : vector<16xf32>
        %broadcast_in_dim3A_432 = arith.constant 63 : i32
        %broadcast_in_dim3A_433 = vector.broadcast %broadcast_in_dim3A_432 : i32 to vector<16xi32>
        %gather3A_434 = tpu.vector_load_idx %arg9[%add3A_29, %broadcast_in_dim3A_433] : memref<128x128xf32, #tpu.memory_space<vmem>>[vector<16xi32>, vector<16xi32>], vector<16xf32>,
        %gather3A_435 = tpu.vector_load_idx %arg10[%add3A_29, %broadcast_in_dim3A_433] : memref<128x128xf32, #tpu.memory_space<vmem>>[vector<16xi32>, vector<16xi32>], vector<16xf32>,
        %mul3A_436 = arith.mulf %gather3A_434, %gather3A_435 : vector<16xf32>
        %add3A_437 = arith.addf %add3A_431, %mul3A_436 : vector<16xf32>
        %mul3A_438 = arith.constant 8 : i32
        %mul3A_439 = vector.broadcast %mul3A_438 : i32 to vector<16xi32>
        %mul3A_440 = arith.muli %add3A_29, %mul3A_439 : vector<16xi32>
        %add3A_441 = arith.constant 3 : i32
        %add3A_442 = vector.broadcast %add3A_441 : i32 to vector<16xi32>
        %add3A_443 = arith.addi %mul3A_440, %add3A_442 : vector<16xi32>
        tpu.vector_store_idx %arg11[%add3A_443], %add3A_437 : memref<1024xf32, #tpu.memory_space<vmem>>[vector<16xi32>], vector<16xf32>,
        %broadcast_in_dim3A_444 = arith.constant 0.000000e+00 : f32
        %broadcast_in_dim3A_445 = vector.broadcast %broadcast_in_dim3A_444 : f32 to vector<16xf32>
        %broadcast_in_dim3A_446 = arith.constant 64 : i32
        %broadcast_in_dim3A_447 = vector.broadcast %broadcast_in_dim3A_446 : i32 to vector<16xi32>
        %gather3A_448 = tpu.vector_load_idx %arg9[%add3A_29, %broadcast_in_dim3A_447] : memref<128x128xf32, #tpu.memory_space<vmem>>[vector<16xi32>, vector<16xi32>], vector<16xf32>,
        %gather3A_449 = tpu.vector_load_idx %arg10[%add3A_29, %broadcast_in_dim3A_447] : memref<128x128xf32, #tpu.memory_space<vmem>>[vector<16xi32>, vector<16xi32>], vector<16xf32>,
        %mul3A_450 = arith.mulf %gather3A_448, %gather3A_449 : vector<16xf32>
        %add3A_451 = arith.addf %broadcast_in_dim3A_445, %mul3A_450 : vector<16xf32>
        %broadcast_in_dim3A_452 = arith.constant 65 : i32
        %broadcast_in_dim3A_453 = vector.broadcast %broadcast_in_dim3A_452 : i32 to vector<16xi32>
        %gather3A_454 = tpu.vector_load_idx %arg9[%add3A_29, %broadcast_in_dim3A_453] : memref<128x128xf32, #tpu.memory_space<vmem>>[vector<16xi32>, vector<16xi32>], vector<16xf32>,
        %gather3A_455 = tpu.vector_load_idx %arg10[%add3A_29, %broadcast_in_dim3A_453] : memref<128x128xf32, #tpu.memory_space<vmem>>[vector<16xi32>, vector<16xi32>], vector<16xf32>,
        %mul3A_456 = arith.mulf %gather3A_454, %gather3A_455 : vector<16xf32>
        %add3A_457 = arith.addf %add3A_451, %mul3A_456 : vector<16xf32>
        %broadcast_in_dim3A_458 = arith.constant 66 : i32
        %broadcast_in_dim3A_459 = vector.broadcast %broadcast_in_dim3A_458 : i32 to vector<16xi32>
        %gather3A_460 = tpu.vector_load_idx %arg9[%add3A_29, %broadcast_in_dim3A_459] : memref<128x128xf32, #tpu.memory_space<vmem>>[vector<16xi32>, vector<16xi32>], vector<16xf32>,
        %gather3A_461 = tpu.vector_load_idx %arg10[%add3A_29, %broadcast_in_dim3A_459] : memref<128x128xf32, #tpu.memory_space<vmem>>[vector<16xi32>, vector<16xi32>], vector<16xf32>,
        %mul3A_462 = arith.mulf %gather3A_460, %gather3A_461 : vector<16xf32>
        %add3A_463 = arith.addf %add3A_457, %mul3A_462 : vector<16xf32>
        %broadcast_in_dim3A_464 = arith.constant 67 : i32
        %broadcast_in_dim3A_465 = vector.broadcast %broadcast_in_dim3A_464 : i32 to vector<16xi32>
        %gather3A_466 = tpu.vector_load_idx %arg9[%add3A_29, %broadcast_in_dim3A_465] : memref<128x128xf32, #tpu.memory_space<vmem>>[vector<16xi32>, vector<16xi32>], vector<16xf32>,
        %gather3A_467 = tpu.vector_load_idx %arg10[%add3A_29, %broadcast_in_dim3A_465] : memref<128x128xf32, #tpu.memory_space<vmem>>[vector<16xi32>, vector<16xi32>], vector<16xf32>,
        %mul3A_468 = arith.mulf %gather3A_466, %gather3A_467 : vector<16xf32>
        %add3A_469 = arith.addf %add3A_463, %mul3A_468 : vector<16xf32>
        %broadcast_in_dim3A_470 = arith.constant 68 : i32
        %broadcast_in_dim3A_471 = vector.broadcast %broadcast_in_dim3A_470 : i32 to vector<16xi32>
        %gather3A_472 = tpu.vector_load_idx %arg9[%add3A_29, %broadcast_in_dim3A_471] : memref<128x128xf32, #tpu.memory_space<vmem>>[vector<16xi32>, vector<16xi32>], vector<16xf32>,
        %gather3A_473 = tpu.vector_load_idx %arg10[%add3A_29, %broadcast_in_dim3A_471] : memref<128x128xf32, #tpu.memory_space<vmem>>[vector<16xi32>, vector<16xi32>], vector<16xf32>,
        %mul3A_474 = arith.mulf %gather3A_472, %gather3A_473 : vector<16xf32>
        %add3A_475 = arith.addf %add3A_469, %mul3A_474 : vector<16xf32>
        %broadcast_in_dim3A_476 = arith.constant 69 : i32
        %broadcast_in_dim3A_477 = vector.broadcast %broadcast_in_dim3A_476 : i32 to vector<16xi32>
        %gather3A_478 = tpu.vector_load_idx %arg9[%add3A_29, %broadcast_in_dim3A_477] : memref<128x128xf32, #tpu.memory_space<vmem>>[vector<16xi32>, vector<16xi32>], vector<16xf32>,
        %gather3A_479 = tpu.vector_load_idx %arg10[%add3A_29, %broadcast_in_dim3A_477] : memref<128x128xf32, #tpu.memory_space<vmem>>[vector<16xi32>, vector<16xi32>], vector<16xf32>,
        %mul3A_480 = arith.mulf %gather3A_478, %gather3A_479 : vector<16xf32>
        %add3A_481 = arith.addf %add3A_475, %mul3A_480 : vector<16xf32>
        %broadcast_in_dim3A_482 = arith.constant 70 : i32
        %broadcast_in_dim3A_483 = vector.broadcast %broadcast_in_dim3A_482 : i32 to vector<16xi32>
        %gather3A_484 = tpu.vector_load_idx %arg9[%add3A_29, %broadcast_in_dim3A_483] : memref<128x128xf32, #tpu.memory_space<vmem>>[vector<16xi32>, vector<16xi32>], vector<16xf32>,
        %gather3A_485 = tpu.vector_load_idx %arg10[%add3A_29, %broadcast_in_dim3A_483] : memref<128x128xf32, #tpu.memory_space<vmem>>[vector<16xi32>, vector<16xi32>], vector<16xf32>,
        %mul3A_486 = arith.mulf %gather3A_484, %gather3A_485 : vector<16xf32>
        %add3A_487 = arith.addf %add3A_481, %mul3A_486 : vector<16xf32>
        %broadcast_in_dim3A_488 = arith.constant 71 : i32
        %broadcast_in_dim3A_489 = vector.broadcast %broadcast_in_dim3A_488 : i32 to vector<16xi32>
        %gather3A_490 = tpu.vector_load_idx %arg9[%add3A_29, %broadcast_in_dim3A_489] : memref<128x128xf32, #tpu.memory_space<vmem>>[vector<16xi32>, vector<16xi32>], vector<16xf32>,
        %gather3A_491 = tpu.vector_load_idx %arg10[%add3A_29, %broadcast_in_dim3A_489] : memref<128x128xf32, #tpu.memory_space<vmem>>[vector<16xi32>, vector<16xi32>], vector<16xf32>,
        %mul3A_492 = arith.mulf %gather3A_490, %gather3A_491 : vector<16xf32>
        %add3A_493 = arith.addf %add3A_487, %mul3A_492 : vector<16xf32>
        %broadcast_in_dim3A_494 = arith.constant 72 : i32
        %broadcast_in_dim3A_495 = vector.broadcast %broadcast_in_dim3A_494 : i32 to vector<16xi32>
        %gather3A_496 = tpu.vector_load_idx %arg9[%add3A_29, %broadcast_in_dim3A_495] : memref<128x128xf32, #tpu.memory_space<vmem>>[vector<16xi32>, vector<16xi32>], vector<16xf32>,
        %gather3A_497 = tpu.vector_load_idx %arg10[%add3A_29, %broadcast_in_dim3A_495] : memref<128x128xf32, #tpu.memory_space<vmem>>[vector<16xi32>, vector<16xi32>], vector<16xf32>,
        %mul3A_498 = arith.mulf %gather3A_496, %gather3A_497 : vector<16xf32>
        %add3A_499 = arith.addf %add3A_493, %mul3A_498 : vector<16xf32>
        %broadcast_in_dim3A_500 = arith.constant 73 : i32
        %broadcast_in_dim3A_501 = vector.broadcast %broadcast_in_dim3A_500 : i32 to vector<16xi32>
        %gather3A_502 = tpu.vector_load_idx %arg9[%add3A_29, %broadcast_in_dim3A_501] : memref<128x128xf32, #tpu.memory_space<vmem>>[vector<16xi32>, vector<16xi32>], vector<16xf32>,
        %gather3A_503 = tpu.vector_load_idx %arg10[%add3A_29, %broadcast_in_dim3A_501] : memref<128x128xf32, #tpu.memory_space<vmem>>[vector<16xi32>, vector<16xi32>], vector<16xf32>,
        %mul3A_504 = arith.mulf %gather3A_502, %gather3A_503 : vector<16xf32>
        %add3A_505 = arith.addf %add3A_499, %mul3A_504 : vector<16xf32>
        %broadcast_in_dim3A_506 = arith.constant 74 : i32
        %broadcast_in_dim3A_507 = vector.broadcast %broadcast_in_dim3A_506 : i32 to vector<16xi32>
        %gather3A_508 = tpu.vector_load_idx %arg9[%add3A_29, %broadcast_in_dim3A_507] : memref<128x128xf32, #tpu.memory_space<vmem>>[vector<16xi32>, vector<16xi32>], vector<16xf32>,
        %gather3A_509 = tpu.vector_load_idx %arg10[%add3A_29, %broadcast_in_dim3A_507] : memref<128x128xf32, #tpu.memory_space<vmem>>[vector<16xi32>, vector<16xi32>], vector<16xf32>,
        %mul3A_510 = arith.mulf %gather3A_508, %gather3A_509 : vector<16xf32>
        %add3A_511 = arith.addf %add3A_505, %mul3A_510 : vector<16xf32>
        %broadcast_in_dim3A_512 = arith.constant 75 : i32
        %broadcast_in_dim3A_513 = vector.broadcast %broadcast_in_dim3A_512 : i32 to vector<16xi32>
        %gather3A_514 = tpu.vector_load_idx %arg9[%add3A_29, %broadcast_in_dim3A_513] : memref<128x128xf32, #tpu.memory_space<vmem>>[vector<16xi32>, vector<16xi32>], vector<16xf32>,
        %gather3A_515 = tpu.vector_load_idx %arg10[%add3A_29, %broadcast_in_dim3A_513] : memref<128x128xf32, #tpu.memory_space<vmem>>[vector<16xi32>, vector<16xi32>], vector<16xf32>,
        %mul3A_516 = arith.mulf %gather3A_514, %gather3A_515 : vector<16xf32>
        %add3A_517 = arith.addf %add3A_511, %mul3A_516 : vector<16xf32>
        %broadcast_in_dim3A_518 = arith.constant 76 : i32
        %broadcast_in_dim3A_519 = vector.broadcast %broadcast_in_dim3A_518 : i32 to vector<16xi32>
        %gather3A_520 = tpu.vector_load_idx %arg9[%add3A_29, %broadcast_in_dim3A_519] : memref<128x128xf32, #tpu.memory_space<vmem>>[vector<16xi32>, vector<16xi32>], vector<16xf32>,
        %gather3A_521 = tpu.vector_load_idx %arg10[%add3A_29, %broadcast_in_dim3A_519] : memref<128x128xf32, #tpu.memory_space<vmem>>[vector<16xi32>, vector<16xi32>], vector<16xf32>,
        %mul3A_522 = arith.mulf %gather3A_520, %gather3A_521 : vector<16xf32>
        %add3A_523 = arith.addf %add3A_517, %mul3A_522 : vector<16xf32>
        %broadcast_in_dim3A_524 = arith.constant 77 : i32
        %broadcast_in_dim3A_525 = vector.broadcast %broadcast_in_dim3A_524 : i32 to vector<16xi32>
        %gather3A_526 = tpu.vector_load_idx %arg9[%add3A_29, %broadcast_in_dim3A_525] : memref<128x128xf32, #tpu.memory_space<vmem>>[vector<16xi32>, vector<16xi32>], vector<16xf32>,
        %gather3A_527 = tpu.vector_load_idx %arg10[%add3A_29, %broadcast_in_dim3A_525] : memref<128x128xf32, #tpu.memory_space<vmem>>[vector<16xi32>, vector<16xi32>], vector<16xf32>,
        %mul3A_528 = arith.mulf %gather3A_526, %gather3A_527 : vector<16xf32>
        %add3A_529 = arith.addf %add3A_523, %mul3A_528 : vector<16xf32>
        %broadcast_in_dim3A_530 = arith.constant 78 : i32
        %broadcast_in_dim3A_531 = vector.broadcast %broadcast_in_dim3A_530 : i32 to vector<16xi32>
        %gather3A_532 = tpu.vector_load_idx %arg9[%add3A_29, %broadcast_in_dim3A_531] : memref<128x128xf32, #tpu.memory_space<vmem>>[vector<16xi32>, vector<16xi32>], vector<16xf32>,
        %gather3A_533 = tpu.vector_load_idx %arg10[%add3A_29, %broadcast_in_dim3A_531] : memref<128x128xf32, #tpu.memory_space<vmem>>[vector<16xi32>, vector<16xi32>], vector<16xf32>,
        %mul3A_534 = arith.mulf %gather3A_532, %gather3A_533 : vector<16xf32>
        %add3A_535 = arith.addf %add3A_529, %mul3A_534 : vector<16xf32>
        %broadcast_in_dim3A_536 = arith.constant 79 : i32
        %broadcast_in_dim3A_537 = vector.broadcast %broadcast_in_dim3A_536 : i32 to vector<16xi32>
        %gather3A_538 = tpu.vector_load_idx %arg9[%add3A_29, %broadcast_in_dim3A_537] : memref<128x128xf32, #tpu.memory_space<vmem>>[vector<16xi32>, vector<16xi32>], vector<16xf32>,
        %gather3A_539 = tpu.vector_load_idx %arg10[%add3A_29, %broadcast_in_dim3A_537] : memref<128x128xf32, #tpu.memory_space<vmem>>[vector<16xi32>, vector<16xi32>], vector<16xf32>,
        %mul3A_540 = arith.mulf %gather3A_538, %gather3A_539 : vector<16xf32>
        %add3A_541 = arith.addf %add3A_535, %mul3A_540 : vector<16xf32>
        %mul3A_542 = arith.constant 8 : i32
        %mul3A_543 = vector.broadcast %mul3A_542 : i32 to vector<16xi32>
        %mul3A_544 = arith.muli %add3A_29, %mul3A_543 : vector<16xi32>
        %add3A_545 = arith.constant 4 : i32
        %add3A_546 = vector.broadcast %add3A_545 : i32 to vector<16xi32>
        %add3A_547 = arith.addi %mul3A_544, %add3A_546 : vector<16xi32>
        tpu.vector_store_idx %arg11[%add3A_547], %add3A_541 : memref<1024xf32, #tpu.memory_space<vmem>>[vector<16xi32>], vector<16xf32>,
        %broadcast_in_dim3A_548 = arith.constant 0.000000e+00 : f32
        %broadcast_in_dim3A_549 = vector.broadcast %broadcast_in_dim3A_548 : f32 to vector<16xf32>
        %broadcast_in_dim3A_550 = arith.constant 80 : i32
        %broadcast_in_dim3A_551 = vector.broadcast %broadcast_in_dim3A_550 : i32 to vector<16xi32>
        %gather3A_552 = tpu.vector_load_idx %arg9[%add3A_29, %broadcast_in_dim3A_551] : memref<128x128xf32, #tpu.memory_space<vmem>>[vector<16xi32>, vector<16xi32>], vector<16xf32>,
        %gather3A_553 = tpu.vector_load_idx %arg10[%add3A_29, %broadcast_in_dim3A_551] : memref<128x128xf32, #tpu.memory_space<vmem>>[vector<16xi32>, vector<16xi32>], vector<16xf32>,
        %mul3A_554 = arith.mulf %gather3A_552, %gather3A_553 : vector<16xf32>
        %add3A_555 = arith.addf %broadcast_in_dim3A_549, %mul3A_554 : vector<16xf32>
        %broadcast_in_dim3A_556 = arith.constant 81 : i32
        %broadcast_in_dim3A_557 = vector.broadcast %broadcast_in_dim3A_556 : i32 to vector<16xi32>
        %gather3A_558 = tpu.vector_load_idx %arg9[%add3A_29, %broadcast_in_dim3A_557] : memref<128x128xf32, #tpu.memory_space<vmem>>[vector<16xi32>, vector<16xi32>], vector<16xf32>,
        %gather3A_559 = tpu.vector_load_idx %arg10[%add3A_29, %broadcast_in_dim3A_557] : memref<128x128xf32, #tpu.memory_space<vmem>>[vector<16xi32>, vector<16xi32>], vector<16xf32>,
        %mul3A_560 = arith.mulf %gather3A_558, %gather3A_559 : vector<16xf32>
        %add3A_561 = arith.addf %add3A_555, %mul3A_560 : vector<16xf32>
        %broadcast_in_dim3A_562 = arith.constant 82 : i32
        %broadcast_in_dim3A_563 = vector.broadcast %broadcast_in_dim3A_562 : i32 to vector<16xi32>
        %gather3A_564 = tpu.vector_load_idx %arg9[%add3A_29, %broadcast_in_dim3A_563] : memref<128x128xf32, #tpu.memory_space<vmem>>[vector<16xi32>, vector<16xi32>], vector<16xf32>,
        %gather3A_565 = tpu.vector_load_idx %arg10[%add3A_29, %broadcast_in_dim3A_563] : memref<128x128xf32, #tpu.memory_space<vmem>>[vector<16xi32>, vector<16xi32>], vector<16xf32>,
        %mul3A_566 = arith.mulf %gather3A_564, %gather3A_565 : vector<16xf32>
        %add3A_567 = arith.addf %add3A_561, %mul3A_566 : vector<16xf32>
        %broadcast_in_dim3A_568 = arith.constant 83 : i32
        %broadcast_in_dim3A_569 = vector.broadcast %broadcast_in_dim3A_568 : i32 to vector<16xi32>
        %gather3A_570 = tpu.vector_load_idx %arg9[%add3A_29, %broadcast_in_dim3A_569] : memref<128x128xf32, #tpu.memory_space<vmem>>[vector<16xi32>, vector<16xi32>], vector<16xf32>,
        %gather3A_571 = tpu.vector_load_idx %arg10[%add3A_29, %broadcast_in_dim3A_569] : memref<128x128xf32, #tpu.memory_space<vmem>>[vector<16xi32>, vector<16xi32>], vector<16xf32>,
        %mul3A_572 = arith.mulf %gather3A_570, %gather3A_571 : vector<16xf32>
        %add3A_573 = arith.addf %add3A_567, %mul3A_572 : vector<16xf32>
        %broadcast_in_dim3A_574 = arith.constant 84 : i32
        %broadcast_in_dim3A_575 = vector.broadcast %broadcast_in_dim3A_574 : i32 to vector<16xi32>
        %gather3A_576 = tpu.vector_load_idx %arg9[%add3A_29, %broadcast_in_dim3A_575] : memref<128x128xf32, #tpu.memory_space<vmem>>[vector<16xi32>, vector<16xi32>], vector<16xf32>,
        %gather3A_577 = tpu.vector_load_idx %arg10[%add3A_29, %broadcast_in_dim3A_575] : memref<128x128xf32, #tpu.memory_space<vmem>>[vector<16xi32>, vector<16xi32>], vector<16xf32>,
        %mul3A_578 = arith.mulf %gather3A_576, %gather3A_577 : vector<16xf32>
        %add3A_579 = arith.addf %add3A_573, %mul3A_578 : vector<16xf32>
        %broadcast_in_dim3A_580 = arith.constant 85 : i32
        %broadcast_in_dim3A_581 = vector.broadcast %broadcast_in_dim3A_580 : i32 to vector<16xi32>
        %gather3A_582 = tpu.vector_load_idx %arg9[%add3A_29, %broadcast_in_dim3A_581] : memref<128x128xf32, #tpu.memory_space<vmem>>[vector<16xi32>, vector<16xi32>], vector<16xf32>,
        %gather3A_583 = tpu.vector_load_idx %arg10[%add3A_29, %broadcast_in_dim3A_581] : memref<128x128xf32, #tpu.memory_space<vmem>>[vector<16xi32>, vector<16xi32>], vector<16xf32>,
        %mul3A_584 = arith.mulf %gather3A_582, %gather3A_583 : vector<16xf32>
        %add3A_585 = arith.addf %add3A_579, %mul3A_584 : vector<16xf32>
        %broadcast_in_dim3A_586 = arith.constant 86 : i32
        %broadcast_in_dim3A_587 = vector.broadcast %broadcast_in_dim3A_586 : i32 to vector<16xi32>
        %gather3A_588 = tpu.vector_load_idx %arg9[%add3A_29, %broadcast_in_dim3A_587] : memref<128x128xf32, #tpu.memory_space<vmem>>[vector<16xi32>, vector<16xi32>], vector<16xf32>,
        %gather3A_589 = tpu.vector_load_idx %arg10[%add3A_29, %broadcast_in_dim3A_587] : memref<128x128xf32, #tpu.memory_space<vmem>>[vector<16xi32>, vector<16xi32>], vector<16xf32>,
        %mul3A_590 = arith.mulf %gather3A_588, %gather3A_589 : vector<16xf32>
        %add3A_591 = arith.addf %add3A_585, %mul3A_590 : vector<16xf32>
        %broadcast_in_dim3A_592 = arith.constant 87 : i32
        %broadcast_in_dim3A_593 = vector.broadcast %broadcast_in_dim3A_592 : i32 to vector<16xi32>
        %gather3A_594 = tpu.vector_load_idx %arg9[%add3A_29, %broadcast_in_dim3A_593] : memref<128x128xf32, #tpu.memory_space<vmem>>[vector<16xi32>, vector<16xi32>], vector<16xf32>,
        %gather3A_595 = tpu.vector_load_idx %arg10[%add3A_29, %broadcast_in_dim3A_593] : memref<128x128xf32, #tpu.memory_space<vmem>>[vector<16xi32>, vector<16xi32>], vector<16xf32>,
        %mul3A_596 = arith.mulf %gather3A_594, %gather3A_595 : vector<16xf32>
        %add3A_597 = arith.addf %add3A_591, %mul3A_596 : vector<16xf32>
        %broadcast_in_dim3A_598 = arith.constant 88 : i32
        %broadcast_in_dim3A_599 = vector.broadcast %broadcast_in_dim3A_598 : i32 to vector<16xi32>
        %gather3A_600 = tpu.vector_load_idx %arg9[%add3A_29, %broadcast_in_dim3A_599] : memref<128x128xf32, #tpu.memory_space<vmem>>[vector<16xi32>, vector<16xi32>], vector<16xf32>,
        %gather3A_601 = tpu.vector_load_idx %arg10[%add3A_29, %broadcast_in_dim3A_599] : memref<128x128xf32, #tpu.memory_space<vmem>>[vector<16xi32>, vector<16xi32>], vector<16xf32>,
        %mul3A_602 = arith.mulf %gather3A_600, %gather3A_601 : vector<16xf32>
        %add3A_603 = arith.addf %add3A_597, %mul3A_602 : vector<16xf32>
        %broadcast_in_dim3A_604 = arith.constant 89 : i32
        %broadcast_in_dim3A_605 = vector.broadcast %broadcast_in_dim3A_604 : i32 to vector<16xi32>
        %gather3A_606 = tpu.vector_load_idx %arg9[%add3A_29, %broadcast_in_dim3A_605] : memref<128x128xf32, #tpu.memory_space<vmem>>[vector<16xi32>, vector<16xi32>], vector<16xf32>,
        %gather3A_607 = tpu.vector_load_idx %arg10[%add3A_29, %broadcast_in_dim3A_605] : memref<128x128xf32, #tpu.memory_space<vmem>>[vector<16xi32>, vector<16xi32>], vector<16xf32>,
        %mul3A_608 = arith.mulf %gather3A_606, %gather3A_607 : vector<16xf32>
        %add3A_609 = arith.addf %add3A_603, %mul3A_608 : vector<16xf32>
        %broadcast_in_dim3A_610 = arith.constant 90 : i32
        %broadcast_in_dim3A_611 = vector.broadcast %broadcast_in_dim3A_610 : i32 to vector<16xi32>
        %gather3A_612 = tpu.vector_load_idx %arg9[%add3A_29, %broadcast_in_dim3A_611] : memref<128x128xf32, #tpu.memory_space<vmem>>[vector<16xi32>, vector<16xi32>], vector<16xf32>,
        %gather3A_613 = tpu.vector_load_idx %arg10[%add3A_29, %broadcast_in_dim3A_611] : memref<128x128xf32, #tpu.memory_space<vmem>>[vector<16xi32>, vector<16xi32>], vector<16xf32>,
        %mul3A_614 = arith.mulf %gather3A_612, %gather3A_613 : vector<16xf32>
        %add3A_615 = arith.addf %add3A_609, %mul3A_614 : vector<16xf32>
        %broadcast_in_dim3A_616 = arith.constant 91 : i32
        %broadcast_in_dim3A_617 = vector.broadcast %broadcast_in_dim3A_616 : i32 to vector<16xi32>
        %gather3A_618 = tpu.vector_load_idx %arg9[%add3A_29, %broadcast_in_dim3A_617] : memref<128x128xf32, #tpu.memory_space<vmem>>[vector<16xi32>, vector<16xi32>], vector<16xf32>,
        %gather3A_619 = tpu.vector_load_idx %arg10[%add3A_29, %broadcast_in_dim3A_617] : memref<128x128xf32, #tpu.memory_space<vmem>>[vector<16xi32>, vector<16xi32>], vector<16xf32>,
        %mul3A_620 = arith.mulf %gather3A_618, %gather3A_619 : vector<16xf32>
        %add3A_621 = arith.addf %add3A_615, %mul3A_620 : vector<16xf32>
        %broadcast_in_dim3A_622 = arith.constant 92 : i32
        %broadcast_in_dim3A_623 = vector.broadcast %broadcast_in_dim3A_622 : i32 to vector<16xi32>
        %gather3A_624 = tpu.vector_load_idx %arg9[%add3A_29, %broadcast_in_dim3A_623] : memref<128x128xf32, #tpu.memory_space<vmem>>[vector<16xi32>, vector<16xi32>], vector<16xf32>,
        %gather3A_625 = tpu.vector_load_idx %arg10[%add3A_29, %broadcast_in_dim3A_623] : memref<128x128xf32, #tpu.memory_space<vmem>>[vector<16xi32>, vector<16xi32>], vector<16xf32>,
        %mul3A_626 = arith.mulf %gather3A_624, %gather3A_625 : vector<16xf32>
        %add3A_627 = arith.addf %add3A_621, %mul3A_626 : vector<16xf32>
        %broadcast_in_dim3A_628 = arith.constant 93 : i32
        %broadcast_in_dim3A_629 = vector.broadcast %broadcast_in_dim3A_628 : i32 to vector<16xi32>
        %gather3A_630 = tpu.vector_load_idx %arg9[%add3A_29, %broadcast_in_dim3A_629] : memref<128x128xf32, #tpu.memory_space<vmem>>[vector<16xi32>, vector<16xi32>], vector<16xf32>,
        %gather3A_631 = tpu.vector_load_idx %arg10[%add3A_29, %broadcast_in_dim3A_629] : memref<128x128xf32, #tpu.memory_space<vmem>>[vector<16xi32>, vector<16xi32>], vector<16xf32>,
        %mul3A_632 = arith.mulf %gather3A_630, %gather3A_631 : vector<16xf32>
        %add3A_633 = arith.addf %add3A_627, %mul3A_632 : vector<16xf32>
        %broadcast_in_dim3A_634 = arith.constant 94 : i32
        %broadcast_in_dim3A_635 = vector.broadcast %broadcast_in_dim3A_634 : i32 to vector<16xi32>
        %gather3A_636 = tpu.vector_load_idx %arg9[%add3A_29, %broadcast_in_dim3A_635] : memref<128x128xf32, #tpu.memory_space<vmem>>[vector<16xi32>, vector<16xi32>], vector<16xf32>,
        %gather3A_637 = tpu.vector_load_idx %arg10[%add3A_29, %broadcast_in_dim3A_635] : memref<128x128xf32, #tpu.memory_space<vmem>>[vector<16xi32>, vector<16xi32>], vector<16xf32>,
        %mul3A_638 = arith.mulf %gather3A_636, %gather3A_637 : vector<16xf32>
        %add3A_639 = arith.addf %add3A_633, %mul3A_638 : vector<16xf32>
        %broadcast_in_dim3A_640 = arith.constant 95 : i32
        %broadcast_in_dim3A_641 = vector.broadcast %broadcast_in_dim3A_640 : i32 to vector<16xi32>
        %gather3A_642 = tpu.vector_load_idx %arg9[%add3A_29, %broadcast_in_dim3A_641] : memref<128x128xf32, #tpu.memory_space<vmem>>[vector<16xi32>, vector<16xi32>], vector<16xf32>,
        %gather3A_643 = tpu.vector_load_idx %arg10[%add3A_29, %broadcast_in_dim3A_641] : memref<128x128xf32, #tpu.memory_space<vmem>>[vector<16xi32>, vector<16xi32>], vector<16xf32>,
        %mul3A_644 = arith.mulf %gather3A_642, %gather3A_643 : vector<16xf32>
        %add3A_645 = arith.addf %add3A_639, %mul3A_644 : vector<16xf32>
        %mul3A_646 = arith.constant 8 : i32
        %mul3A_647 = vector.broadcast %mul3A_646 : i32 to vector<16xi32>
        %mul3A_648 = arith.muli %add3A_29, %mul3A_647 : vector<16xi32>
        %add3A_649 = arith.constant 5 : i32
        %add3A_650 = vector.broadcast %add3A_649 : i32 to vector<16xi32>
        %add3A_651 = arith.addi %mul3A_648, %add3A_650 : vector<16xi32>
        tpu.vector_store_idx %arg11[%add3A_651], %add3A_645 : memref<1024xf32, #tpu.memory_space<vmem>>[vector<16xi32>], vector<16xf32>,
        %broadcast_in_dim3A_652 = arith.constant 0.000000e+00 : f32
        %broadcast_in_dim3A_653 = vector.broadcast %broadcast_in_dim3A_652 : f32 to vector<16xf32>
        %broadcast_in_dim3A_654 = arith.constant 96 : i32
        %broadcast_in_dim3A_655 = vector.broadcast %broadcast_in_dim3A_654 : i32 to vector<16xi32>
        %gather3A_656 = tpu.vector_load_idx %arg9[%add3A_29, %broadcast_in_dim3A_655] : memref<128x128xf32, #tpu.memory_space<vmem>>[vector<16xi32>, vector<16xi32>], vector<16xf32>,
        %gather3A_657 = tpu.vector_load_idx %arg10[%add3A_29, %broadcast_in_dim3A_655] : memref<128x128xf32, #tpu.memory_space<vmem>>[vector<16xi32>, vector<16xi32>], vector<16xf32>,
        %mul3A_658 = arith.mulf %gather3A_656, %gather3A_657 : vector<16xf32>
        %add3A_659 = arith.addf %broadcast_in_dim3A_653, %mul3A_658 : vector<16xf32>
        %broadcast_in_dim3A_660 = arith.constant 97 : i32
        %broadcast_in_dim3A_661 = vector.broadcast %broadcast_in_dim3A_660 : i32 to vector<16xi32>
        %gather3A_662 = tpu.vector_load_idx %arg9[%add3A_29, %broadcast_in_dim3A_661] : memref<128x128xf32, #tpu.memory_space<vmem>>[vector<16xi32>, vector<16xi32>], vector<16xf32>,
        %gather3A_663 = tpu.vector_load_idx %arg10[%add3A_29, %broadcast_in_dim3A_661] : memref<128x128xf32, #tpu.memory_space<vmem>>[vector<16xi32>, vector<16xi32>], vector<16xf32>,
        %mul3A_664 = arith.mulf %gather3A_662, %gather3A_663 : vector<16xf32>
        %add3A_665 = arith.addf %add3A_659, %mul3A_664 : vector<16xf32>
        %broadcast_in_dim3A_666 = arith.constant 98 : i32
        %broadcast_in_dim3A_667 = vector.broadcast %broadcast_in_dim3A_666 : i32 to vector<16xi32>
        %gather3A_668 = tpu.vector_load_idx %arg9[%add3A_29, %broadcast_in_dim3A_667] : memref<128x128xf32, #tpu.memory_space<vmem>>[vector<16xi32>, vector<16xi32>], vector<16xf32>,
        %gather3A_669 = tpu.vector_load_idx %arg10[%add3A_29, %broadcast_in_dim3A_667] : memref<128x128xf32, #tpu.memory_space<vmem>>[vector<16xi32>, vector<16xi32>], vector<16xf32>,
        %mul3A_670 = arith.mulf %gather3A_668, %gather3A_669 : vector<16xf32>
        %add3A_671 = arith.addf %add3A_665, %mul3A_670 : vector<16xf32>
        %broadcast_in_dim3A_672 = arith.constant 99 : i32
        %broadcast_in_dim3A_673 = vector.broadcast %broadcast_in_dim3A_672 : i32 to vector<16xi32>
        %gather3A_674 = tpu.vector_load_idx %arg9[%add3A_29, %broadcast_in_dim3A_673] : memref<128x128xf32, #tpu.memory_space<vmem>>[vector<16xi32>, vector<16xi32>], vector<16xf32>,
        %gather3A_675 = tpu.vector_load_idx %arg10[%add3A_29, %broadcast_in_dim3A_673] : memref<128x128xf32, #tpu.memory_space<vmem>>[vector<16xi32>, vector<16xi32>], vector<16xf32>,
        %mul3A_676 = arith.mulf %gather3A_674, %gather3A_675 : vector<16xf32>
        %add3A_677 = arith.addf %add3A_671, %mul3A_676 : vector<16xf32>
        %broadcast_in_dim3A_678 = arith.constant 100 : i32
        %broadcast_in_dim3A_679 = vector.broadcast %broadcast_in_dim3A_678 : i32 to vector<16xi32>
        %gather3A_680 = tpu.vector_load_idx %arg9[%add3A_29, %broadcast_in_dim3A_679] : memref<128x128xf32, #tpu.memory_space<vmem>>[vector<16xi32>, vector<16xi32>], vector<16xf32>,
        %gather3A_681 = tpu.vector_load_idx %arg10[%add3A_29, %broadcast_in_dim3A_679] : memref<128x128xf32, #tpu.memory_space<vmem>>[vector<16xi32>, vector<16xi32>], vector<16xf32>,
        %mul3A_682 = arith.mulf %gather3A_680, %gather3A_681 : vector<16xf32>
        %add3A_683 = arith.addf %add3A_677, %mul3A_682 : vector<16xf32>
        %broadcast_in_dim3A_684 = arith.constant 101 : i32
        %broadcast_in_dim3A_685 = vector.broadcast %broadcast_in_dim3A_684 : i32 to vector<16xi32>
        %gather3A_686 = tpu.vector_load_idx %arg9[%add3A_29, %broadcast_in_dim3A_685] : memref<128x128xf32, #tpu.memory_space<vmem>>[vector<16xi32>, vector<16xi32>], vector<16xf32>,
        %gather3A_687 = tpu.vector_load_idx %arg10[%add3A_29, %broadcast_in_dim3A_685] : memref<128x128xf32, #tpu.memory_space<vmem>>[vector<16xi32>, vector<16xi32>], vector<16xf32>,
        %mul3A_688 = arith.mulf %gather3A_686, %gather3A_687 : vector<16xf32>
        %add3A_689 = arith.addf %add3A_683, %mul3A_688 : vector<16xf32>
        %broadcast_in_dim3A_690 = arith.constant 102 : i32
        %broadcast_in_dim3A_691 = vector.broadcast %broadcast_in_dim3A_690 : i32 to vector<16xi32>
        %gather3A_692 = tpu.vector_load_idx %arg9[%add3A_29, %broadcast_in_dim3A_691] : memref<128x128xf32, #tpu.memory_space<vmem>>[vector<16xi32>, vector<16xi32>], vector<16xf32>,
        %gather3A_693 = tpu.vector_load_idx %arg10[%add3A_29, %broadcast_in_dim3A_691] : memref<128x128xf32, #tpu.memory_space<vmem>>[vector<16xi32>, vector<16xi32>], vector<16xf32>,
        %mul3A_694 = arith.mulf %gather3A_692, %gather3A_693 : vector<16xf32>
        %add3A_695 = arith.addf %add3A_689, %mul3A_694 : vector<16xf32>
        %broadcast_in_dim3A_696 = arith.constant 103 : i32
        %broadcast_in_dim3A_697 = vector.broadcast %broadcast_in_dim3A_696 : i32 to vector<16xi32>
        %gather3A_698 = tpu.vector_load_idx %arg9[%add3A_29, %broadcast_in_dim3A_697] : memref<128x128xf32, #tpu.memory_space<vmem>>[vector<16xi32>, vector<16xi32>], vector<16xf32>,
        %gather3A_699 = tpu.vector_load_idx %arg10[%add3A_29, %broadcast_in_dim3A_697] : memref<128x128xf32, #tpu.memory_space<vmem>>[vector<16xi32>, vector<16xi32>], vector<16xf32>,
        %mul3A_700 = arith.mulf %gather3A_698, %gather3A_699 : vector<16xf32>
        %add3A_701 = arith.addf %add3A_695, %mul3A_700 : vector<16xf32>
        %broadcast_in_dim3A_702 = arith.constant 104 : i32
        %broadcast_in_dim3A_703 = vector.broadcast %broadcast_in_dim3A_702 : i32 to vector<16xi32>
        %gather3A_704 = tpu.vector_load_idx %arg9[%add3A_29, %broadcast_in_dim3A_703] : memref<128x128xf32, #tpu.memory_space<vmem>>[vector<16xi32>, vector<16xi32>], vector<16xf32>,
        %gather3A_705 = tpu.vector_load_idx %arg10[%add3A_29, %broadcast_in_dim3A_703] : memref<128x128xf32, #tpu.memory_space<vmem>>[vector<16xi32>, vector<16xi32>], vector<16xf32>,
        %mul3A_706 = arith.mulf %gather3A_704, %gather3A_705 : vector<16xf32>
        %add3A_707 = arith.addf %add3A_701, %mul3A_706 : vector<16xf32>
        %broadcast_in_dim3A_708 = arith.constant 105 : i32
        %broadcast_in_dim3A_709 = vector.broadcast %broadcast_in_dim3A_708 : i32 to vector<16xi32>
        %gather3A_710 = tpu.vector_load_idx %arg9[%add3A_29, %broadcast_in_dim3A_709] : memref<128x128xf32, #tpu.memory_space<vmem>>[vector<16xi32>, vector<16xi32>], vector<16xf32>,
        %gather3A_711 = tpu.vector_load_idx %arg10[%add3A_29, %broadcast_in_dim3A_709] : memref<128x128xf32, #tpu.memory_space<vmem>>[vector<16xi32>, vector<16xi32>], vector<16xf32>,
        %mul3A_712 = arith.mulf %gather3A_710, %gather3A_711 : vector<16xf32>
        %add3A_713 = arith.addf %add3A_707, %mul3A_712 : vector<16xf32>
        %broadcast_in_dim3A_714 = arith.constant 106 : i32
        %broadcast_in_dim3A_715 = vector.broadcast %broadcast_in_dim3A_714 : i32 to vector<16xi32>
        %gather3A_716 = tpu.vector_load_idx %arg9[%add3A_29, %broadcast_in_dim3A_715] : memref<128x128xf32, #tpu.memory_space<vmem>>[vector<16xi32>, vector<16xi32>], vector<16xf32>,
        %gather3A_717 = tpu.vector_load_idx %arg10[%add3A_29, %broadcast_in_dim3A_715] : memref<128x128xf32, #tpu.memory_space<vmem>>[vector<16xi32>, vector<16xi32>], vector<16xf32>,
        %mul3A_718 = arith.mulf %gather3A_716, %gather3A_717 : vector<16xf32>
        %add3A_719 = arith.addf %add3A_713, %mul3A_718 : vector<16xf32>
        %broadcast_in_dim3A_720 = arith.constant 107 : i32
        %broadcast_in_dim3A_721 = vector.broadcast %broadcast_in_dim3A_720 : i32 to vector<16xi32>
        %gather3A_722 = tpu.vector_load_idx %arg9[%add3A_29, %broadcast_in_dim3A_721] : memref<128x128xf32, #tpu.memory_space<vmem>>[vector<16xi32>, vector<16xi32>], vector<16xf32>,
        %gather3A_723 = tpu.vector_load_idx %arg10[%add3A_29, %broadcast_in_dim3A_721] : memref<128x128xf32, #tpu.memory_space<vmem>>[vector<16xi32>, vector<16xi32>], vector<16xf32>,
        %mul3A_724 = arith.mulf %gather3A_722, %gather3A_723 : vector<16xf32>
        %add3A_725 = arith.addf %add3A_719, %mul3A_724 : vector<16xf32>
        %broadcast_in_dim3A_726 = arith.constant 108 : i32
        %broadcast_in_dim3A_727 = vector.broadcast %broadcast_in_dim3A_726 : i32 to vector<16xi32>
        %gather3A_728 = tpu.vector_load_idx %arg9[%add3A_29, %broadcast_in_dim3A_727] : memref<128x128xf32, #tpu.memory_space<vmem>>[vector<16xi32>, vector<16xi32>], vector<16xf32>,
        %gather3A_729 = tpu.vector_load_idx %arg10[%add3A_29, %broadcast_in_dim3A_727] : memref<128x128xf32, #tpu.memory_space<vmem>>[vector<16xi32>, vector<16xi32>], vector<16xf32>,
        %mul3A_730 = arith.mulf %gather3A_728, %gather3A_729 : vector<16xf32>
        %add3A_731 = arith.addf %add3A_725, %mul3A_730 : vector<16xf32>
        %broadcast_in_dim3A_732 = arith.constant 109 : i32
        %broadcast_in_dim3A_733 = vector.broadcast %broadcast_in_dim3A_732 : i32 to vector<16xi32>
        %gather3A_734 = tpu.vector_load_idx %arg9[%add3A_29, %broadcast_in_dim3A_733] : memref<128x128xf32, #tpu.memory_space<vmem>>[vector<16xi32>, vector<16xi32>], vector<16xf32>,
        %gather3A_735 = tpu.vector_load_idx %arg10[%add3A_29, %broadcast_in_dim3A_733] : memref<128x128xf32, #tpu.memory_space<vmem>>[vector<16xi32>, vector<16xi32>], vector<16xf32>,
        %mul3A_736 = arith.mulf %gather3A_734, %gather3A_735 : vector<16xf32>
        %add3A_737 = arith.addf %add3A_731, %mul3A_736 : vector<16xf32>
        %broadcast_in_dim3A_738 = arith.constant 110 : i32
        %broadcast_in_dim3A_739 = vector.broadcast %broadcast_in_dim3A_738 : i32 to vector<16xi32>
        %gather3A_740 = tpu.vector_load_idx %arg9[%add3A_29, %broadcast_in_dim3A_739] : memref<128x128xf32, #tpu.memory_space<vmem>>[vector<16xi32>, vector<16xi32>], vector<16xf32>,
        %gather3A_741 = tpu.vector_load_idx %arg10[%add3A_29, %broadcast_in_dim3A_739] : memref<128x128xf32, #tpu.memory_space<vmem>>[vector<16xi32>, vector<16xi32>], vector<16xf32>,
        %mul3A_742 = arith.mulf %gather3A_740, %gather3A_741 : vector<16xf32>
        %add3A_743 = arith.addf %add3A_737, %mul3A_742 : vector<16xf32>
        %broadcast_in_dim3A_744 = arith.constant 111 : i32
        %broadcast_in_dim3A_745 = vector.broadcast %broadcast_in_dim3A_744 : i32 to vector<16xi32>
        %gather3A_746 = tpu.vector_load_idx %arg9[%add3A_29, %broadcast_in_dim3A_745] : memref<128x128xf32, #tpu.memory_space<vmem>>[vector<16xi32>, vector<16xi32>], vector<16xf32>,
        %gather3A_747 = tpu.vector_load_idx %arg10[%add3A_29, %broadcast_in_dim3A_745] : memref<128x128xf32, #tpu.memory_space<vmem>>[vector<16xi32>, vector<16xi32>], vector<16xf32>,
        %mul3A_748 = arith.mulf %gather3A_746, %gather3A_747 : vector<16xf32>
        %add3A_749 = arith.addf %add3A_743, %mul3A_748 : vector<16xf32>
        %mul3A_750 = arith.constant 8 : i32
        %mul3A_751 = vector.broadcast %mul3A_750 : i32 to vector<16xi32>
        %mul3A_752 = arith.muli %add3A_29, %mul3A_751 : vector<16xi32>
        %add3A_753 = arith.constant 6 : i32
        %add3A_754 = vector.broadcast %add3A_753 : i32 to vector<16xi32>
        %add3A_755 = arith.addi %mul3A_752, %add3A_754 : vector<16xi32>
        tpu.vector_store_idx %arg11[%add3A_755], %add3A_749 : memref<1024xf32, #tpu.memory_space<vmem>>[vector<16xi32>], vector<16xf32>,
        %broadcast_in_dim3A_756 = arith.constant 0.000000e+00 : f32
        %broadcast_in_dim3A_757 = vector.broadcast %broadcast_in_dim3A_756 : f32 to vector<16xf32>
        %broadcast_in_dim3A_758 = arith.constant 112 : i32
        %broadcast_in_dim3A_759 = vector.broadcast %broadcast_in_dim3A_758 : i32 to vector<16xi32>
        %gather3A_760 = tpu.vector_load_idx %arg9[%add3A_29, %broadcast_in_dim3A_759] : memref<128x128xf32, #tpu.memory_space<vmem>>[vector<16xi32>, vector<16xi32>], vector<16xf32>,
        %gather3A_761 = tpu.vector_load_idx %arg10[%add3A_29, %broadcast_in_dim3A_759] : memref<128x128xf32, #tpu.memory_space<vmem>>[vector<16xi32>, vector<16xi32>], vector<16xf32>,
        %mul3A_762 = arith.mulf %gather3A_760, %gather3A_761 : vector<16xf32>
        %add3A_763 = arith.addf %broadcast_in_dim3A_757, %mul3A_762 : vector<16xf32>
        %broadcast_in_dim3A_764 = arith.constant 113 : i32
        %broadcast_in_dim3A_765 = vector.broadcast %broadcast_in_dim3A_764 : i32 to vector<16xi32>
        %gather3A_766 = tpu.vector_load_idx %arg9[%add3A_29, %broadcast_in_dim3A_765] : memref<128x128xf32, #tpu.memory_space<vmem>>[vector<16xi32>, vector<16xi32>], vector<16xf32>,
        %gather3A_767 = tpu.vector_load_idx %arg10[%add3A_29, %broadcast_in_dim3A_765] : memref<128x128xf32, #tpu.memory_space<vmem>>[vector<16xi32>, vector<16xi32>], vector<16xf32>,
        %mul3A_768 = arith.mulf %gather3A_766, %gather3A_767 : vector<16xf32>
        %add3A_769 = arith.addf %add3A_763, %mul3A_768 : vector<16xf32>
        %broadcast_in_dim3A_770 = arith.constant 114 : i32
        %broadcast_in_dim3A_771 = vector.broadcast %broadcast_in_dim3A_770 : i32 to vector<16xi32>
        %gather3A_772 = tpu.vector_load_idx %arg9[%add3A_29, %broadcast_in_dim3A_771] : memref<128x128xf32, #tpu.memory_space<vmem>>[vector<16xi32>, vector<16xi32>], vector<16xf32>,
        %gather3A_773 = tpu.vector_load_idx %arg10[%add3A_29, %broadcast_in_dim3A_771] : memref<128x128xf32, #tpu.memory_space<vmem>>[vector<16xi32>, vector<16xi32>], vector<16xf32>,
        %mul3A_774 = arith.mulf %gather3A_772, %gather3A_773 : vector<16xf32>
        %add3A_775 = arith.addf %add3A_769, %mul3A_774 : vector<16xf32>
        %broadcast_in_dim3A_776 = arith.constant 115 : i32
        %broadcast_in_dim3A_777 = vector.broadcast %broadcast_in_dim3A_776 : i32 to vector<16xi32>
        %gather3A_778 = tpu.vector_load_idx %arg9[%add3A_29, %broadcast_in_dim3A_777] : memref<128x128xf32, #tpu.memory_space<vmem>>[vector<16xi32>, vector<16xi32>], vector<16xf32>,
        %gather3A_779 = tpu.vector_load_idx %arg10[%add3A_29, %broadcast_in_dim3A_777] : memref<128x128xf32, #tpu.memory_space<vmem>>[vector<16xi32>, vector<16xi32>], vector<16xf32>,
        %mul3A_780 = arith.mulf %gather3A_778, %gather3A_779 : vector<16xf32>
        %add3A_781 = arith.addf %add3A_775, %mul3A_780 : vector<16xf32>
        %broadcast_in_dim3A_782 = arith.constant 116 : i32
        %broadcast_in_dim3A_783 = vector.broadcast %broadcast_in_dim3A_782 : i32 to vector<16xi32>
        %gather3A_784 = tpu.vector_load_idx %arg9[%add3A_29, %broadcast_in_dim3A_783] : memref<128x128xf32, #tpu.memory_space<vmem>>[vector<16xi32>, vector<16xi32>], vector<16xf32>,
        %gather3A_785 = tpu.vector_load_idx %arg10[%add3A_29, %broadcast_in_dim3A_783] : memref<128x128xf32, #tpu.memory_space<vmem>>[vector<16xi32>, vector<16xi32>], vector<16xf32>,
        %mul3A_786 = arith.mulf %gather3A_784, %gather3A_785 : vector<16xf32>
        %add3A_787 = arith.addf %add3A_781, %mul3A_786 : vector<16xf32>
        %broadcast_in_dim3A_788 = arith.constant 117 : i32
        %broadcast_in_dim3A_789 = vector.broadcast %broadcast_in_dim3A_788 : i32 to vector<16xi32>
        %gather3A_790 = tpu.vector_load_idx %arg9[%add3A_29, %broadcast_in_dim3A_789] : memref<128x128xf32, #tpu.memory_space<vmem>>[vector<16xi32>, vector<16xi32>], vector<16xf32>,
        %gather3A_791 = tpu.vector_load_idx %arg10[%add3A_29, %broadcast_in_dim3A_789] : memref<128x128xf32, #tpu.memory_space<vmem>>[vector<16xi32>, vector<16xi32>], vector<16xf32>,
        %mul3A_792 = arith.mulf %gather3A_790, %gather3A_791 : vector<16xf32>
        %add3A_793 = arith.addf %add3A_787, %mul3A_792 : vector<16xf32>
        %broadcast_in_dim3A_794 = arith.constant 118 : i32
        %broadcast_in_dim3A_795 = vector.broadcast %broadcast_in_dim3A_794 : i32 to vector<16xi32>
        %gather3A_796 = tpu.vector_load_idx %arg9[%add3A_29, %broadcast_in_dim3A_795] : memref<128x128xf32, #tpu.memory_space<vmem>>[vector<16xi32>, vector<16xi32>], vector<16xf32>,
        %gather3A_797 = tpu.vector_load_idx %arg10[%add3A_29, %broadcast_in_dim3A_795] : memref<128x128xf32, #tpu.memory_space<vmem>>[vector<16xi32>, vector<16xi32>], vector<16xf32>,
        %mul3A_798 = arith.mulf %gather3A_796, %gather3A_797 : vector<16xf32>
        %add3A_799 = arith.addf %add3A_793, %mul3A_798 : vector<16xf32>
        %broadcast_in_dim3A_800 = arith.constant 119 : i32
        %broadcast_in_dim3A_801 = vector.broadcast %broadcast_in_dim3A_800 : i32 to vector<16xi32>
        %gather3A_802 = tpu.vector_load_idx %arg9[%add3A_29, %broadcast_in_dim3A_801] : memref<128x128xf32, #tpu.memory_space<vmem>>[vector<16xi32>, vector<16xi32>], vector<16xf32>,
        %gather3A_803 = tpu.vector_load_idx %arg10[%add3A_29, %broadcast_in_dim3A_801] : memref<128x128xf32, #tpu.memory_space<vmem>>[vector<16xi32>, vector<16xi32>], vector<16xf32>,
        %mul3A_804 = arith.mulf %gather3A_802, %gather3A_803 : vector<16xf32>
        %add3A_805 = arith.addf %add3A_799, %mul3A_804 : vector<16xf32>
        %broadcast_in_dim3A_806 = arith.constant 120 : i32
        %broadcast_in_dim3A_807 = vector.broadcast %broadcast_in_dim3A_806 : i32 to vector<16xi32>
        %gather3A_808 = tpu.vector_load_idx %arg9[%add3A_29, %broadcast_in_dim3A_807] : memref<128x128xf32, #tpu.memory_space<vmem>>[vector<16xi32>, vector<16xi32>], vector<16xf32>,
        %gather3A_809 = tpu.vector_load_idx %arg10[%add3A_29, %broadcast_in_dim3A_807] : memref<128x128xf32, #tpu.memory_space<vmem>>[vector<16xi32>, vector<16xi32>], vector<16xf32>,
        %mul3A_810 = arith.mulf %gather3A_808, %gather3A_809 : vector<16xf32>
        %add3A_811 = arith.addf %add3A_805, %mul3A_810 : vector<16xf32>
        %broadcast_in_dim3A_812 = arith.constant 121 : i32
        %broadcast_in_dim3A_813 = vector.broadcast %broadcast_in_dim3A_812 : i32 to vector<16xi32>
        %gather3A_814 = tpu.vector_load_idx %arg9[%add3A_29, %broadcast_in_dim3A_813] : memref<128x128xf32, #tpu.memory_space<vmem>>[vector<16xi32>, vector<16xi32>], vector<16xf32>,
        %gather3A_815 = tpu.vector_load_idx %arg10[%add3A_29, %broadcast_in_dim3A_813] : memref<128x128xf32, #tpu.memory_space<vmem>>[vector<16xi32>, vector<16xi32>], vector<16xf32>,
        %mul3A_816 = arith.mulf %gather3A_814, %gather3A_815 : vector<16xf32>
        %add3A_817 = arith.addf %add3A_811, %mul3A_816 : vector<16xf32>
        %broadcast_in_dim3A_818 = arith.constant 122 : i32
        %broadcast_in_dim3A_819 = vector.broadcast %broadcast_in_dim3A_818 : i32 to vector<16xi32>
        %gather3A_820 = tpu.vector_load_idx %arg9[%add3A_29, %broadcast_in_dim3A_819] : memref<128x128xf32, #tpu.memory_space<vmem>>[vector<16xi32>, vector<16xi32>], vector<16xf32>,
        %gather3A_821 = tpu.vector_load_idx %arg10[%add3A_29, %broadcast_in_dim3A_819] : memref<128x128xf32, #tpu.memory_space<vmem>>[vector<16xi32>, vector<16xi32>], vector<16xf32>,
        %mul3A_822 = arith.mulf %gather3A_820, %gather3A_821 : vector<16xf32>
        %add3A_823 = arith.addf %add3A_817, %mul3A_822 : vector<16xf32>
        %broadcast_in_dim3A_824 = arith.constant 123 : i32
        %broadcast_in_dim3A_825 = vector.broadcast %broadcast_in_dim3A_824 : i32 to vector<16xi32>
        %gather3A_826 = tpu.vector_load_idx %arg9[%add3A_29, %broadcast_in_dim3A_825] : memref<128x128xf32, #tpu.memory_space<vmem>>[vector<16xi32>, vector<16xi32>], vector<16xf32>,
        %gather3A_827 = tpu.vector_load_idx %arg10[%add3A_29, %broadcast_in_dim3A_825] : memref<128x128xf32, #tpu.memory_space<vmem>>[vector<16xi32>, vector<16xi32>], vector<16xf32>,
        %mul3A_828 = arith.mulf %gather3A_826, %gather3A_827 : vector<16xf32>
        %add3A_829 = arith.addf %add3A_823, %mul3A_828 : vector<16xf32>
        %broadcast_in_dim3A_830 = arith.constant 124 : i32
        %broadcast_in_dim3A_831 = vector.broadcast %broadcast_in_dim3A_830 : i32 to vector<16xi32>
        %gather3A_832 = tpu.vector_load_idx %arg9[%add3A_29, %broadcast_in_dim3A_831] : memref<128x128xf32, #tpu.memory_space<vmem>>[vector<16xi32>, vector<16xi32>], vector<16xf32>,
        %gather3A_833 = tpu.vector_load_idx %arg10[%add3A_29, %broadcast_in_dim3A_831] : memref<128x128xf32, #tpu.memory_space<vmem>>[vector<16xi32>, vector<16xi32>], vector<16xf32>,
        %mul3A_834 = arith.mulf %gather3A_832, %gather3A_833 : vector<16xf32>
        %add3A_835 = arith.addf %add3A_829, %mul3A_834 : vector<16xf32>
        %broadcast_in_dim3A_836 = arith.constant 125 : i32
        %broadcast_in_dim3A_837 = vector.broadcast %broadcast_in_dim3A_836 : i32 to vector<16xi32>
        %gather3A_838 = tpu.vector_load_idx %arg9[%add3A_29, %broadcast_in_dim3A_837] : memref<128x128xf32, #tpu.memory_space<vmem>>[vector<16xi32>, vector<16xi32>], vector<16xf32>,
        %gather3A_839 = tpu.vector_load_idx %arg10[%add3A_29, %broadcast_in_dim3A_837] : memref<128x128xf32, #tpu.memory_space<vmem>>[vector<16xi32>, vector<16xi32>], vector<16xf32>,
        %mul3A_840 = arith.mulf %gather3A_838, %gather3A_839 : vector<16xf32>
        %add3A_841 = arith.addf %add3A_835, %mul3A_840 : vector<16xf32>
        %broadcast_in_dim3A_842 = arith.constant 126 : i32
        %broadcast_in_dim3A_843 = vector.broadcast %broadcast_in_dim3A_842 : i32 to vector<16xi32>
        %gather3A_844 = tpu.vector_load_idx %arg9[%add3A_29, %broadcast_in_dim3A_843] : memref<128x128xf32, #tpu.memory_space<vmem>>[vector<16xi32>, vector<16xi32>], vector<16xf32>,
        %gather3A_845 = tpu.vector_load_idx %arg10[%add3A_29, %broadcast_in_dim3A_843] : memref<128x128xf32, #tpu.memory_space<vmem>>[vector<16xi32>, vector<16xi32>], vector<16xf32>,
        %mul3A_846 = arith.mulf %gather3A_844, %gather3A_845 : vector<16xf32>
        %add3A_847 = arith.addf %add3A_841, %mul3A_846 : vector<16xf32>
        %broadcast_in_dim3A_848 = arith.constant 127 : i32
        %broadcast_in_dim3A_849 = vector.broadcast %broadcast_in_dim3A_848 : i32 to vector<16xi32>
        %gather3A_850 = tpu.vector_load_idx %arg9[%add3A_29, %broadcast_in_dim3A_849] : memref<128x128xf32, #tpu.memory_space<vmem>>[vector<16xi32>, vector<16xi32>], vector<16xf32>,
        %gather3A_851 = tpu.vector_load_idx %arg10[%add3A_29, %broadcast_in_dim3A_849] : memref<128x128xf32, #tpu.memory_space<vmem>>[vector<16xi32>, vector<16xi32>], vector<16xf32>,
        %mul3A_852 = arith.mulf %gather3A_850, %gather3A_851 : vector<16xf32>
        %add3A_853 = arith.addf %add3A_847, %mul3A_852 : vector<16xf32>
        %mul3A_854 = arith.constant 8 : i32
        %mul3A_855 = vector.broadcast %mul3A_854 : i32 to vector<16xi32>
        %mul3A_856 = arith.muli %add3A_29, %mul3A_855 : vector<16xi32>
        %add3A_857 = arith.constant 7 : i32
        %add3A_858 = vector.broadcast %add3A_857 : i32 to vector<16xi32>
        %add3A_859 = arith.addi %mul3A_856, %add3A_858 : vector<16xi32>
        tpu.vector_store_idx %arg11[%add3A_859], %add3A_853 : memref<1024xf32, #tpu.memory_space<vmem>>[vector<16xi32>], vector<16xf32>,
        %scan3A_860 = arith.constant 0 : i32
        scf.yield %scan3A_860 : i32
      }
      %scan3A_20 = arith.constant 8 : i32
      %mul3A_21 = arith.constant 8 : i32
      %mul3A_22 = arith.muli %add3A_13, %mul3A_21 : i32
      "tpu.region"() ({
        %run_scoped3A = tpu.sem_alloc : memref<!tpu.dma_semaphore, #tpu.memory_space<semaphore_mem>>
        %dma_start3A = tpu.memref_slice %arg6[%mul3A_22] : memref<4915200xf32, #tpu.memory_space<hbm>> -> memref<1024xf32, #tpu.memory_space<hbm>>
        %dma_start3A_24 = tpu.memref_slice %arg6[%mul3A_22] : memref<4915200xf32, #tpu.memory_space<hbm>> -> memref<1024xf32, #tpu.memory_space<hbm>>
        tpu.enqueue_dma source(%arg11 : memref<1024xf32, #tpu.memory_space<vmem>>) target(%dma_start3A_24 : memref<1024xf32, #tpu.memory_space<hbm>>) target_semaphore(%run_scoped3A : memref<!tpu.dma_semaphore, #tpu.memory_space<semaphore_mem>>)
        %dma_wait3A = tpu.memref_slice %arg6[%mul3A_22] : memref<4915200xf32, #tpu.memory_space<hbm>> -> memref<1024xf32, #tpu.memory_space<hbm>>
        %dma_wait3A_25 = tpu.memref_slice %arg6[%mul3A_22] : memref<4915200xf32, #tpu.memory_space<hbm>> -> memref<1024xf32, #tpu.memory_space<hbm>>
        tpu.wait_dma2 semaphore(%run_scoped3A : memref<!tpu.dma_semaphore, #tpu.memory_space<semaphore_mem>>) src(%arg11 : memref<1024xf32, #tpu.memory_space<vmem>>) dst(%dma_wait3A_25 : memref<1024xf32, #tpu.memory_space<hbm>>)
        tpu.yield
      }) : () -> ()
      %scan3A_23 = arith.constant 0 : i32
      scf.yield %scan3A_23 : i32
    }
    %scan3A_8 = arith.constant 150 : i32
    return
  }
}

module attributes {stable_mosaic.version = 14 : i64} {
  func.func @_matmul_bias_kernel(%arg0: i32, %arg1: memref<1000x128xf32, #tpu.memory_space<vmem>>, %arg2: memref<128x384xf32, #tpu.memory_space<vmem>>, %arg3: memref<8x384xf32, #tpu.memory_space<vmem>>, %arg4: memref<1000x384xf32, #tpu.memory_space<vmem>>) attributes {dimension_semantics = [#tpu.dimension_semantics<arbitrary>], iteration_bounds = array<i64: 50>, scalar_prefetch = 0 : i64, scratch_operands = 0 : i64, tpu.core_type = #tpu.core_type<tc>, window_params = [{transform_indices = @transform_0, window_bounds = array<i64: 1000, 128>}, {pipeline_mode = #tpu.pipeline_mode<synchronous>, transform_indices = @transform_1, window_bounds = array<i64: 128, 384>}, {pipeline_mode = #tpu.pipeline_mode<synchronous>, transform_indices = @transform_2, window_bounds = array<i64: 8, 384>}, {transform_indices = @transform_3, window_bounds = array<i64: 1000, 384>}]} {
    %get3A = arith.constant 0 : index
    %get3A_0 = arith.constant 0 : index
    %get3A_1 = vector.load %arg1[%get3A, %get3A_0] : memref<1000x128xf32, #tpu.memory_space<vmem>>, vector<1000x128xf32>
    %get3A_2 = arith.constant 0 : index
    %get3A_3 = arith.constant 0 : index
    %get3A_4 = vector.load %arg2[%get3A_2, %get3A_3] : memref<128x384xf32, #tpu.memory_space<vmem>>, vector<128x384xf32>
    %dot_general3A = arith.constant dense<0.000000e+00> : vector<1000x384xf32>
    %dot_general3A_5 = tpu.matmul %get3A_1, %get3A_4, %dot_general3A {dimension_numbers = #tpu.dot_dimension_numbers<[1], [0], [0], [1], [0, 0, 1, 1], [], []>, transpose_lhs_hint = false} : vector<1000x128xf32>, vector<128x384xf32>, vector<1000x384xf32> -> vector<1000x384xf32>
    %get3A_6 = arith.constant 0 : index
    %get3A_7 = arith.constant 0 : index
    %get3A_8 = vector.load %arg3[%get3A_6, %get3A_7] : memref<8x384xf32, #tpu.memory_space<vmem>>, vector<1x384xf32>
    %add3A = vector.broadcast %get3A_8 : vector<1x384xf32> to vector<1000x384xf32>
    %add3A_9 = arith.addf %dot_general3A_5, %add3A : vector<1000x384xf32>
    %swap3A = arith.constant 0 : index
    %swap3A_10 = arith.constant 0 : index
    %swap3A_11 = vector.load %arg4[%swap3A, %swap3A_10] : memref<1000x384xf32, #tpu.memory_space<vmem>>, vector<1000x384xf32>
    tpu.vector_store %arg4[%swap3A, %swap3A_10], %add3A_9 {strides = array<i32>} : memref<1000x384xf32, #tpu.memory_space<vmem>>, vector<1000x384xf32>,
    return
  }
  func.func @transform_0(%arg0: i32) -> (i32, i32) {
    %c0_i32 = arith.constant 0 : i32
    %c0_i32_0 = arith.constant 0 : i32
    return %arg0, %c0_i32 : i32, i32
  }
  func.func @transform_1(%arg0: i32) -> (i32, i32) {
    %c0_i32 = arith.constant 0 : i32
    %c0_i32_0 = arith.constant 0 : i32
    %c0_i32_1 = arith.constant 0 : i32
    return %c0_i32, %c0_i32_0 : i32, i32
  }
  func.func @transform_2(%arg0: i32) -> (i32, i32) {
    %c0_i32 = arith.constant 0 : i32
    %c0_i32_0 = arith.constant 0 : i32
    %c0_i32_1 = arith.constant 0 : i32
    return %c0_i32, %c0_i32_0 : i32, i32
  }
  func.func @transform_3(%arg0: i32) -> (i32, i32) {
    %c0_i32 = arith.constant 0 : i32
    %c0_i32_0 = arith.constant 0 : i32
    return %arg0, %c0_i32 : i32, i32
  }
}

module attributes {stable_mosaic.version = 14 : i64} {
  func.func @_gmax_kernel(%arg0: i32, %arg1: memref<4096x8xf32, #tpu.memory_space<vmem>>, %arg2: memref<8x8xf32, #tpu.memory_space<vmem>>) attributes {dimension_semantics = [#tpu.dimension_semantics<arbitrary>], iteration_bounds = array<i64: 150>, scalar_prefetch = 0 : i64, scratch_operands = 0 : i64, tpu.core_type = #tpu.core_type<tc>, window_params = [{transform_indices = @transform_0, window_bounds = array<i64: 4096, 8>}, {pipeline_mode = #tpu.pipeline_mode<synchronous>, transform_indices = @transform_1, window_bounds = array<i64: 8, 8>}]} {
    %get3A = arith.constant 0 : index
    %get3A_0 = arith.constant 0 : index
    %get3A_1 = vector.load %arg1[%get3A, %get3A_0] : memref<4096x8xf32, #tpu.memory_space<vmem>>, vector<4096x8xf32>
    %reduce_max3A = arith.constant dense<0xFF800000> : vector<8xf32>
    %reduce_max3A_2 = vector.multi_reduction <maximumf>, %get3A_1, %reduce_max3A [0] : vector<4096x8xf32> to vector<8xf32>
    %broadcast_in_dim3A = vector.shape_cast %reduce_max3A_2 : vector<8xf32> to vector<1x8xf32>
    %broadcast_in_dim3A_3 = vector.shape_cast %broadcast_in_dim3A : vector<1x8xf32> to vector<1x8xf32>
    %broadcast_in_dim3A_4 = vector.broadcast %broadcast_in_dim3A_3 : vector<1x8xf32> to vector<8x8xf32>
    %eq3A = arith.constant 0 : i32
    %eq3A_5 = arith.cmpi eq, %arg0, %eq3A : i32
    %convert_element_type3A = arith.extui %eq3A_5 : i1 to i32
    %cond3A = arith.constant 0 : i32
    %cond3A_6 = arith.cmpi ne, %convert_element_type3A, %cond3A : i32
    scf.if %cond3A_6 {
      %swap3A = arith.constant 0 : index
      %swap3A_11 = arith.constant 0 : index
      %swap3A_12 = vector.load %arg2[%swap3A, %swap3A_11] : memref<8x8xf32, #tpu.memory_space<vmem>>, vector<8x8xf32>
      tpu.vector_store %arg2[%swap3A, %swap3A_11], %broadcast_in_dim3A_4 {strides = array<i32>} : memref<8x8xf32, #tpu.memory_space<vmem>>, vector<8x8xf32>,
    } else {
    }
    %gt3A = arith.constant 0 : i32
    %gt3A_7 = arith.cmpi sgt, %arg0, %gt3A : i32
    %convert_element_type3A_8 = arith.extui %gt3A_7 : i1 to i32
    %cond3A_9 = arith.constant 0 : i32
    %cond3A_10 = arith.cmpi ne, %convert_element_type3A_8, %cond3A_9 : i32
    scf.if %cond3A_10 {
      %get3A_11 = arith.constant 0 : index
      %get3A_12 = arith.constant 0 : index
      %get3A_13 = vector.load %arg2[%get3A_11, %get3A_12] : memref<8x8xf32, #tpu.memory_space<vmem>>, vector<8x8xf32>
      %max3A = arith.maximumf %get3A_13, %broadcast_in_dim3A_4 : vector<8x8xf32>
      %swap3A = arith.constant 0 : index
      %swap3A_14 = arith.constant 0 : index
      %swap3A_15 = vector.load %arg2[%swap3A, %swap3A_14] : memref<8x8xf32, #tpu.memory_space<vmem>>, vector<8x8xf32>
      tpu.vector_store %arg2[%swap3A, %swap3A_14], %max3A {strides = array<i32>} : memref<8x8xf32, #tpu.memory_space<vmem>>, vector<8x8xf32>,
    } else {
    }
    return
  }
  func.func @transform_0(%arg0: i32) -> (i32, i32) {
    %c0_i32 = arith.constant 0 : i32
    %c0_i32_0 = arith.constant 0 : i32
    return %arg0, %c0_i32 : i32, i32
  }
  func.func @transform_1(%arg0: i32) -> (i32, i32) {
    %c0_i32 = arith.constant 0 : i32
    %c0_i32_0 = arith.constant 0 : i32
    %c0_i32_1 = arith.constant 0 : i32
    return %c0_i32, %c0_i32_0 : i32, i32
  }
}

module attributes {stable_mosaic.version = 14 : i64} {
  func.func @_exp_kernel(%arg0: i32, %arg1: memref<4096x8xf32, #tpu.memory_space<vmem>>, %arg2: memref<8x8xf32, #tpu.memory_space<vmem>>, %arg3: memref<4096x16xf32, #tpu.memory_space<vmem>>) attributes {dimension_semantics = [#tpu.dimension_semantics<arbitrary>], iteration_bounds = array<i64: 150>, scalar_prefetch = 0 : i64, scratch_operands = 0 : i64, tpu.core_type = #tpu.core_type<tc>, window_params = [{transform_indices = @transform_0, window_bounds = array<i64: 4096, 8>}, {pipeline_mode = #tpu.pipeline_mode<synchronous>, transform_indices = @transform_1, window_bounds = array<i64: 8, 8>}, {transform_indices = @transform_2, window_bounds = array<i64: 4096, 16>}]} {
    %get3A = arith.constant 0 : index
    %get3A_0 = arith.constant 0 : index
    %get3A_1 = vector.load %arg1[%get3A, %get3A_0] : memref<4096x8xf32, #tpu.memory_space<vmem>>, vector<4096x8xf32>
    %get3A_2 = arith.constant 0 : index
    %get3A_3 = arith.constant 0 : index
    %get3A_4 = vector.load %arg2[%get3A_2, %get3A_3] : memref<8x8xf32, #tpu.memory_space<vmem>>, vector<1x8xf32>
    %sub3A = vector.broadcast %get3A_4 : vector<1x8xf32> to vector<4096x8xf32>
    %sub3A_5 = arith.subf %get3A_1, %sub3A : vector<4096x8xf32>
    %exp3A = math.exp %sub3A_5 : vector<4096x8xf32>
    %broadcast_in_dim3A = arith.constant 0.000000e+00 : f32
    %broadcast_in_dim3A_6 = vector.broadcast %broadcast_in_dim3A : f32 to vector<4096x8xf32>
    %concatenate3A = tpu.concatenate %exp3A, %broadcast_in_dim3A_6 in 1 : vector<4096x8xf32>, vector<4096x8xf32> -> vector<4096x16xf32>
    %swap3A = arith.constant 0 : index
    %swap3A_7 = arith.constant 0 : index
    %swap3A_8 = vector.load %arg3[%swap3A, %swap3A_7] : memref<4096x16xf32, #tpu.memory_space<vmem>>, vector<4096x16xf32>
    tpu.vector_store %arg3[%swap3A, %swap3A_7], %concatenate3A {strides = array<i32>} : memref<4096x16xf32, #tpu.memory_space<vmem>>, vector<4096x16xf32>,
    return
  }
  func.func @transform_0(%arg0: i32) -> (i32, i32) {
    %c0_i32 = arith.constant 0 : i32
    %c0_i32_0 = arith.constant 0 : i32
    return %arg0, %c0_i32 : i32, i32
  }
  func.func @transform_1(%arg0: i32) -> (i32, i32) {
    %c0_i32 = arith.constant 0 : i32
    %c0_i32_0 = arith.constant 0 : i32
    %c0_i32_1 = arith.constant 0 : i32
    return %c0_i32, %c0_i32_0 : i32, i32
  }
  func.func @transform_2(%arg0: i32) -> (i32, i32) {
    %c0_i32 = arith.constant 0 : i32
    %c0_i32_0 = arith.constant 0 : i32
    return %arg0, %c0_i32 : i32, i32
  }
}

module attributes {stable_mosaic.version = 14 : i64} {
  func.func @_final_kernel(%arg0: i32, %arg1: memref<1000x128xf32, #tpu.memory_space<vmem>>, %arg2: memref<1000x128xf32, #tpu.memory_space<vmem>>, %arg3: memref<1000x128xf32, #tpu.memory_space<vmem>>, %arg4: memref<1000x128xf32, #tpu.memory_space<vmem>>, %arg5: memref<1x128x128xf32, #tpu.memory_space<vmem>>, %arg6: memref<1x8x128xf32, #tpu.memory_space<vmem>>, %arg7: memref<1x8x128xf32, #tpu.memory_space<vmem>>, %arg8: memref<1000x128xf32, #tpu.memory_space<vmem>>) attributes {dimension_semantics = [#tpu.dimension_semantics<arbitrary>], iteration_bounds = array<i64: 100>, scalar_prefetch = 0 : i64, scratch_operands = 0 : i64, tpu.core_type = #tpu.core_type<tc>, window_params = [{transform_indices = @transform_0, window_bounds = array<i64: 1000, 128>}, {transform_indices = @transform_1, window_bounds = array<i64: 1000, 128>}, {transform_indices = @transform_2, window_bounds = array<i64: 1000, 128>}, {transform_indices = @transform_3, window_bounds = array<i64: 1000, 128>}, {transform_indices = @transform_4, window_bounds = array<i64: 1, 128, 128>}, {transform_indices = @transform_5, window_bounds = array<i64: 1, 8, 128>}, {transform_indices = @transform_6, window_bounds = array<i64: 1, 8, 128>}, {transform_indices = @transform_7, window_bounds = array<i64: 1000, 128>}]} {
    %get3A = arith.constant 0 : index
    %get3A_0 = arith.constant 0 : index
    %get3A_1 = vector.load %arg1[%get3A, %get3A_0] : memref<1000x128xf32, #tpu.memory_space<vmem>>, vector<1000x128xf32>
    %get3A_2 = arith.constant 0 : index
    %get3A_3 = arith.constant 0 : index
    %get3A_4 = vector.load %arg2[%get3A_2, %get3A_3] : memref<1000x128xf32, #tpu.memory_space<vmem>>, vector<1000x128xf32>
    %add3A = arith.addf %get3A_1, %get3A_4 : vector<1000x128xf32>
    %get3A_5 = arith.constant 0 : index
    %get3A_6 = arith.constant 0 : index
    %get3A_7 = vector.load %arg3[%get3A_5, %get3A_6] : memref<1000x128xf32, #tpu.memory_space<vmem>>, vector<1000x128xf32>
    %div3A = arith.divf %add3A, %get3A_7 : vector<1000x128xf32>
    %max3A = arith.constant 0.000000e+00 : f32
    %max3A_8 = vector.broadcast %max3A : f32 to vector<1000x128xf32>
    %max3A_9 = arith.maximumf %div3A, %max3A_8 : vector<1000x128xf32>
    %get3A_10 = arith.constant 0 : index
    %get3A_11 = arith.constant 0 : index
    %get3A_12 = arith.constant 0 : index
    %get3A_13 = vector.load %arg5[%get3A_10, %get3A_11, %get3A_12] : memref<1x128x128xf32, #tpu.memory_space<vmem>>, vector<1x128x128xf32>
    %get3A_14 = vector.shape_cast %get3A_13 : vector<1x128x128xf32> to vector<128x128xf32>
    %dot_general3A = arith.constant dense<0.000000e+00> : vector<1000x128xf32>
    %dot_general3A_15 = tpu.matmul %max3A_9, %get3A_14, %dot_general3A {dimension_numbers = #tpu.dot_dimension_numbers<[1], [0], [0], [1], [0, 0, 1, 1], [], []>, transpose_lhs_hint = false} : vector<1000x128xf32>, vector<128x128xf32>, vector<1000x128xf32> -> vector<1000x128xf32>
    %get3A_16 = arith.constant 0 : index
    %get3A_17 = arith.constant 0 : index
    %get3A_18 = arith.constant 0 : index
    %get3A_19 = vector.load %arg6[%get3A_16, %get3A_17, %get3A_18] : memref<1x8x128xf32, #tpu.memory_space<vmem>>, vector<1x1x128xf32>
    %get3A_20 = vector.shape_cast %get3A_19 : vector<1x1x128xf32> to vector<1x128xf32>
    %add3A_21 = vector.broadcast %get3A_20 : vector<1x128xf32> to vector<1000x128xf32>
    %add3A_22 = arith.addf %dot_general3A_15, %add3A_21 : vector<1000x128xf32>
    %get3A_23 = arith.constant 0 : index
    %get3A_24 = arith.constant 0 : index
    %get3A_25 = arith.constant 0 : index
    %get3A_26 = vector.load %arg7[%get3A_23, %get3A_24, %get3A_25] : memref<1x8x128xf32, #tpu.memory_space<vmem>>, vector<1x1x128xf32>
    %get3A_27 = vector.shape_cast %get3A_26 : vector<1x1x128xf32> to vector<1x128xf32>
    %mul3A = vector.broadcast %get3A_27 : vector<1x128xf32> to vector<1000x128xf32>
    %mul3A_28 = arith.mulf %add3A_22, %mul3A : vector<1000x128xf32>
    %get3A_29 = arith.constant 0 : index
    %get3A_30 = arith.constant 0 : index
    %get3A_31 = vector.load %arg4[%get3A_29, %get3A_30] : memref<1000x128xf32, #tpu.memory_space<vmem>>, vector<1000x128xf32>
    %sub3A = arith.constant 1.000000e+00 : f32
    %sub3A_32 = vector.broadcast %sub3A : f32 to vector<1x128xf32>
    %sub3A_33 = arith.subf %sub3A_32, %get3A_27 : vector<1x128xf32>
    %mul3A_34 = vector.broadcast %sub3A_33 : vector<1x128xf32> to vector<1000x128xf32>
    %mul3A_35 = arith.mulf %get3A_31, %mul3A_34 : vector<1000x128xf32>
    %add3A_36 = arith.addf %mul3A_28, %mul3A_35 : vector<1000x128xf32>
    %swap3A = arith.constant 0 : index
    %swap3A_37 = arith.constant 0 : index
    %swap3A_38 = vector.load %arg8[%swap3A, %swap3A_37] : memref<1000x128xf32, #tpu.memory_space<vmem>>, vector<1000x128xf32>
    tpu.vector_store %arg8[%swap3A, %swap3A_37], %add3A_36 {strides = array<i32>} : memref<1000x128xf32, #tpu.memory_space<vmem>>, vector<1000x128xf32>,
    return
  }
  func.func @transform_0(%arg0: i32) -> (i32, i32) {
    %c0_i32 = arith.constant 0 : i32
    %c0_i32_0 = arith.constant 0 : i32
    return %arg0, %c0_i32 : i32, i32
  }
  func.func @transform_1(%arg0: i32) -> (i32, i32) {
    %c0_i32 = arith.constant 0 : i32
    %c0_i32_0 = arith.constant 0 : i32
    return %arg0, %c0_i32 : i32, i32
  }
  func.func @transform_2(%arg0: i32) -> (i32, i32) {
    %c0_i32 = arith.constant 0 : i32
    %c0_i32_0 = arith.constant 0 : i32
    return %arg0, %c0_i32 : i32, i32
  }
  func.func @transform_3(%arg0: i32) -> (i32, i32) {
    %c0_i32 = arith.constant 0 : i32
    %c0_i32_0 = arith.constant 0 : i32
    return %arg0, %c0_i32 : i32, i32
  }
  func.func @transform_4(%arg0: i32) -> (i32, i32, i32) {
    %jit3A = arith.constant 50 : i32
    %div3A = arith.divsi %arg0, %jit3A : i32
    %sign3A = arith.constant 0 : i32
    %sign3A_0 = arith.cmpi sgt, %arg0, %sign3A : i32
    %sign3A_1 = arith.extui %sign3A_0 : i1 to i32
    %sign3A_2 = arith.constant 0 : i32
    %sign3A_3 = arith.cmpi slt, %arg0, %sign3A_2 : i32
    %sign3A_4 = arith.extui %sign3A_3 : i1 to i32
    %sign3A_5 = arith.subi %sign3A_1, %sign3A_4 : i32
    %sign3A_6 = arith.constant 0 : i32
    %sign3A_7 = arith.cmpi sgt, %jit3A, %sign3A_6 : i32
    %sign3A_8 = arith.extui %sign3A_7 : i1 to i32
    %sign3A_9 = arith.constant 0 : i32
    %sign3A_10 = arith.cmpi slt, %jit3A, %sign3A_9 : i32
    %sign3A_11 = arith.extui %sign3A_10 : i1 to i32
    %sign3A_12 = arith.subi %sign3A_8, %sign3A_11 : i32
    %ne3A = arith.cmpi ne, %sign3A_5, %sign3A_12 : i32
    %rem3A = arith.remsi %arg0, %jit3A : i32
    %ne3A_13 = arith.constant 0 : i32
    %ne3A_14 = arith.cmpi ne, %rem3A, %ne3A_13 : i32
    %and3A = arith.andi %ne3A, %ne3A_14 : i1
    %sub3A = arith.constant 1 : i32
    %sub3A_15 = arith.subi %div3A, %sub3A : i32
    %select_n3A = arith.select %and3A, %sub3A_15, %div3A : i32
    %c0_i32 = arith.constant 0 : i32
    %c0_i32_16 = arith.constant 0 : i32
    %c0_i32_17 = arith.constant 0 : i32
    return %select_n3A, %c0_i32, %c0_i32_16 : i32, i32, i32
  }
  func.func @transform_5(%arg0: i32) -> (i32, i32, i32) {
    %jit3A = arith.constant 50 : i32
    %div3A = arith.divsi %arg0, %jit3A : i32
    %sign3A = arith.constant 0 : i32
    %sign3A_0 = arith.cmpi sgt, %arg0, %sign3A : i32
    %sign3A_1 = arith.extui %sign3A_0 : i1 to i32
    %sign3A_2 = arith.constant 0 : i32
    %sign3A_3 = arith.cmpi slt, %arg0, %sign3A_2 : i32
    %sign3A_4 = arith.extui %sign3A_3 : i1 to i32
    %sign3A_5 = arith.subi %sign3A_1, %sign3A_4 : i32
    %sign3A_6 = arith.constant 0 : i32
    %sign3A_7 = arith.cmpi sgt, %jit3A, %sign3A_6 : i32
    %sign3A_8 = arith.extui %sign3A_7 : i1 to i32
    %sign3A_9 = arith.constant 0 : i32
    %sign3A_10 = arith.cmpi slt, %jit3A, %sign3A_9 : i32
    %sign3A_11 = arith.extui %sign3A_10 : i1 to i32
    %sign3A_12 = arith.subi %sign3A_8, %sign3A_11 : i32
    %ne3A = arith.cmpi ne, %sign3A_5, %sign3A_12 : i32
    %rem3A = arith.remsi %arg0, %jit3A : i32
    %ne3A_13 = arith.constant 0 : i32
    %ne3A_14 = arith.cmpi ne, %rem3A, %ne3A_13 : i32
    %and3A = arith.andi %ne3A, %ne3A_14 : i1
    %sub3A = arith.constant 1 : i32
    %sub3A_15 = arith.subi %div3A, %sub3A : i32
    %select_n3A = arith.select %and3A, %sub3A_15, %div3A : i32
    %c0_i32 = arith.constant 0 : i32
    %c0_i32_16 = arith.constant 0 : i32
    %c0_i32_17 = arith.constant 0 : i32
    return %select_n3A, %c0_i32, %c0_i32_16 : i32, i32, i32
  }
  func.func @transform_6(%arg0: i32) -> (i32, i32, i32) {
    %jit3A = arith.constant 50 : i32
    %div3A = arith.divsi %arg0, %jit3A : i32
    %sign3A = arith.constant 0 : i32
    %sign3A_0 = arith.cmpi sgt, %arg0, %sign3A : i32
    %sign3A_1 = arith.extui %sign3A_0 : i1 to i32
    %sign3A_2 = arith.constant 0 : i32
    %sign3A_3 = arith.cmpi slt, %arg0, %sign3A_2 : i32
    %sign3A_4 = arith.extui %sign3A_3 : i1 to i32
    %sign3A_5 = arith.subi %sign3A_1, %sign3A_4 : i32
    %sign3A_6 = arith.constant 0 : i32
    %sign3A_7 = arith.cmpi sgt, %jit3A, %sign3A_6 : i32
    %sign3A_8 = arith.extui %sign3A_7 : i1 to i32
    %sign3A_9 = arith.constant 0 : i32
    %sign3A_10 = arith.cmpi slt, %jit3A, %sign3A_9 : i32
    %sign3A_11 = arith.extui %sign3A_10 : i1 to i32
    %sign3A_12 = arith.subi %sign3A_8, %sign3A_11 : i32
    %ne3A = arith.cmpi ne, %sign3A_5, %sign3A_12 : i32
    %rem3A = arith.remsi %arg0, %jit3A : i32
    %ne3A_13 = arith.constant 0 : i32
    %ne3A_14 = arith.cmpi ne, %rem3A, %ne3A_13 : i32
    %and3A = arith.andi %ne3A, %ne3A_14 : i1
    %sub3A = arith.constant 1 : i32
    %sub3A_15 = arith.subi %div3A, %sub3A : i32
    %select_n3A = arith.select %and3A, %sub3A_15, %div3A : i32
    %c0_i32 = arith.constant 0 : i32
    %c0_i32_16 = arith.constant 0 : i32
    %c0_i32_17 = arith.constant 0 : i32
    return %select_n3A, %c0_i32, %c0_i32_16 : i32, i32, i32
  }
  func.func @transform_7(%arg0: i32) -> (i32, i32) {
    %c0_i32 = arith.constant 0 : i32
    %c0_i32_0 = arith.constant 0 : i32
    return %arg0, %c0_i32 : i32, i32
  }
}

</mosaic_0001>

<sc_bundles>
// kernel: gather_offload_async_start
scs
__scs_entry_jumppad:
0x0: {  	(pc) =	sbr.rel $0x88, $3  }
0x1: {  	(tag) =	ssettag $0x0;
	lr =	simm.s32 $0x1  }
0x2: {  	[smem:$0x3F85] =	sst lr;
	_ =	strace $0xD0000000  }
0x3: {  	_ = 	snop  }
0x4: {  	_ = 	snop  }
0x5: {  	_ = 	snop  }
0x6: {  	_ = 	snop  }
0x7: {  	_ = 	snop  }
__scs_overlays_trampoline_lowered:
0x8: {  	[smem:$0x3F94] =	sst s0  }
0x9: {  	[smem:$0x3F95] =	sst s1  }
0xa: {  	[smem:$0x3F96] =	sst s2  }
0xb: {  	[smem:$0x3F97] =	sst s3  }
0xc: {  	[smem:$0x3F98] =	sst s4  }
0xd: {  	[smem:$0x3F99] =	sst s5  }
0xe: {  	[smem:$0x3F9A] =	sst s6  }
0xf: {  	[smem:$0x3F9B] =	sst s7  }
0x10: {  	[smem:$0x3F9C] =	sst s8  }
0x11: {  	[smem:$0x3F9D] =	sst s9;
	s0 =	simm.s32 @!p0 $0x0  }
0x12: {  	s1 =	sld [smem:$0x3F83];
	s0 =	simm.s32 @p0 $0x1  }
0x13: {  	[smem:$0x3F9E] =	sst s0;
	s0 =	simm.s32 @!p1 $0x0  }
0x14: {  	s2 =	sld [smem:$0x3F82];
	s0 =	simm.s32 @p1 $0x1  }
0x15: {  	[smem:$0x3F9F] =	sst s0;
	s0 =	simm.s32 @!p2 $0x0  }
0x16: {  	s3 =	sld [smem:$0x3FDB];
	s0 =	simm.s32 @p2 $0x1  }
0x17: {  	s4 =	simm.s32 $0x1BF5;
	[smem:$0x3FA1] =	sst s0  }
0x18: {  	s0 =	sld [smem:$0x3F84];
	_ =	swait.ge [sflag:s4], $0x0  }
0x19: {  	s7 =	sld [smem:$0x3F85]  }
0x1a: {  	s8 =	sadd.s32 $0xFFFFE003, lr  }
0x1b: {  	s9 =	sadd.s32 $0xFFFFFEF7, lr;
	s5 =	simm.s32 $0xFFFFFFFF;
	p2 =	slt.u32 s8, $0xFFFFF086  }
0x1c: {  	p1 =	slt.u32 s9, $0xF7A;
	s5 =	simm.s32 @!p2 $0x0  }
0x1d: {  	s5 =	simm.s32 @p1 $0x1;
	p0 =	seq.s32 s7, s2  }
0x1e: {  	s7 =	smul.u32 @!p0 $0xF7A, s2;
	p2 =	seq.s32 @!p0 s5, $0x0  }
0x1f: {  	s9 =	smul.u32 $0xF7A, s1;
	s8 =	simm.s32 @!p0 $0x1BF5;
	p2 =	por !p2, p0  }
0x20: {  	[sflag:s8] =	ssyncset.s32 @!p0 $0xFFFFF086;
	s6 =	sadd.s32 @!p0 s3, s7;
	s7 =	simm.s32 @!p0 $0x108  }
0x21: {  	s3 =	sadd.s32 s3, s9;
	s6 =	sadd.s32 @!p0 $0x88, s6;
	s7 =	simm.s32 @p2 $0x1082  }
0x22: {  	[simem:s7], [sflag:s8] =	dma.local @!p0 [hbm:s6], $0xF7A  }
0x23: {  	s9 =	sor.u32 $0xD0000000, s2;
	s6 =	simm.s32 $0x108;
	_ =	swait.ge @!p0 [sflag:s8], $0x0  }
0x24: {  	s3 =	sadd.s32 $0x88, s3;
	s6 =	simm.s32 @!p1 $0x1082;
	[sflag:s4] =	ssyncset.s32 $0xFFFFF086  }
0x25: {  	[simem:s6], [sflag:s4] =	dma.local [hbm:s3], $0xF7A  }
0x26: {  	[smem:$0x3F85] =	sst s1;
	(tag) =	ssettag s2;
	_ =	strace s9  }
0x27: {  	s1 =	sld [smem:$0x3F95]  }
0x28: {  	s2 =	sld [smem:$0x3F96]  }
0x29: {  	s4 =	sld [smem:$0x3F98]  }
0x2a: {  	p0 =	seq.s32 s5, $0x0;
	s5 =	sld [smem:$0x3F99]  }
0x2b: {  	s6 =	sld [smem:$0x3F9A]  }
0x2c: {  	s7 =	sld [smem:$0x3F9B]  }
0x2d: {  	s3 =	simm.s32 $0x108;
	s8 =	sld [smem:$0x3F9C]  }
0x2e: {  	s3 =	simm.s32 @!p0 $0x1082;
	s9 =	sld [smem:$0x3F9D]  }
0x2f: {  	lr =	sadd.s32 s0, s3;
	s0 =	sld [smem:$0x3F94]  }
0x30: {  	s3 =	sld [smem:$0x3F97]  }
0x31: {  	[smem:$0x3FA0] =	sst s10  }
0x32: {  	s10 =	sld [smem:$0x3F9E];
	_ =	sdelay $0x3  }
0x33: {  	p0 =	seq.s32 s10, $0x1;
	s10 =	sld [smem:$0x3FA0];
	_ =	sdelay $0x3  }
0x34: {  	[smem:$0x3FA0] =	sst s10  }
0x35: {  	s10 =	sld [smem:$0x3F9F];
	_ =	sdelay $0x3  }
0x36: {  	p1 =	seq.s32 s10, $0x1;
	s10 =	sld [smem:$0x3FA0];
	_ =	sdelay $0x3  }
0x37: {  	[smem:$0x3FA0] =	sst s10  }
0x38: {  	s10 =	sld [smem:$0x3FA1]  }
0x39: {  	_ = 	snop;
	(pc) =	sbr.ind lr, $3  }
0x3a: {  	_ = 	snop  }
0x3b: {  	_ = 	snop  }
0x3c: {  	p2 =	seq.s32 s10, $0x1;
	s10 =	sld [smem:$0x3FA0]  }
0x3d: {  	_ =	shalt  }
0x3e: {  	_ =	shalt  }
0x3f: {  	_ =	shalt  }
0x40: {  	_ =	shalt  }
0x41: {  	_ =	shalt  }
0x42: {  	_ =	shalt  }
0x43: {  	_ =	shalt  }
0x44: {  	_ =	shalt  }
0x45: {  	_ =	shalt  }
0x46: {  	_ =	shalt  }
0x47: {  	_ =	shalt  }
0x48: {  	_ =	shalt  }
0x49: {  	_ =	shalt  }
0x4a: {  	_ =	shalt  }
0x4b: {  	_ =	shalt  }
0x4c: {  	_ =	shalt  }
0x4d: {  	_ =	shalt  }
0x4e: {  	_ =	shalt  }
0x4f: {  	_ =	shalt  }
0x50: {  	_ =	shalt  }
0x51: {  	_ =	shalt  }
0x52: {  	_ =	shalt  }
0x53: {  	_ =	shalt  }
0x54: {  	_ =	shalt  }
0x55: {  	_ =	shalt  }
0x56: {  	_ =	shalt  }
0x57: {  	_ =	shalt  }
0x58: {  	_ =	shalt  }
0x59: {  	_ =	shalt  }
0x5a: {  	_ =	shalt  }
0x5b: {  	_ =	shalt  }
0x5c: {  	_ =	shalt  }
0x5d: {  	_ =	shalt  }
0x5e: {  	_ =	shalt  }
0x5f: {  	_ =	shalt  }
0x60: {  	_ =	shalt  }
0x61: {  	_ =	shalt  }
0x62: {  	_ =	shalt  }
0x63: {  	_ =	shalt  }
0x64: {  	_ =	shalt  }
0x65: {  	_ =	shalt  }
0x66: {  	_ =	shalt  }
0x67: {  	_ =	shalt  }
0x68: {  	_ =	shalt  }
0x69: {  	_ =	shalt  }
0x6a: {  	_ =	shalt  }
0x6b: {  	_ =	shalt  }
0x6c: {  	_ =	shalt  }
0x6d: {  	_ =	shalt  }
0x6e: {  	_ =	shalt  }
0x6f: {  	_ =	shalt  }
0x70: {  	_ =	shalt  }
0x71: {  	_ =	shalt  }
0x72: {  	_ =	shalt  }
0x73: {  	_ =	shalt  }
0x74: {  	_ =	shalt  }
0x75: {  	_ =	shalt  }
0x76: {  	_ =	shalt  }
0x77: {  	_ =	shalt  }
0x78: {  	_ =	shalt  }
0x79: {  	_ =	shalt  }
0x7a: {  	_ =	shalt  }
0x7b: {  	_ =	shalt  }
0x7c: {  	_ =	shalt  }
0x7d: {  	_ =	shalt  }
0x7e: {  	_ =	shalt  }
0x7f: {  	_ =	shalt  }
0x80: {  	_ =	shalt  }
0x81: {  	_ =	shalt  }
0x82: {  	_ =	shalt  }
0x83: {  	_ =	shalt  }
0x84: {  	_ =	shalt  }
0x85: {  	_ =	shalt  }
0x86: {  	_ =	shalt  }
0x87: {  	_ =	shalt  }
.Lfunc_end0:
.L_simem_size_0:
called_computation.4_lowered:
.L_overlay_start_0:
0x88: {  	s2 =	sld [smem:$0x3FD9]  }
0x89: {  	s3 =	sld [smem:$0x3FFE];
	_ =	sdelay $0x1  }
0x8a: {  	s1 =	srdreg.scid  }
0x8b: {  	s0 =	sand.u32 $0x1, s1  }
0x8c: {  	s16 =	sshll.u32 s0, $0xA;
	s2 =	sadd.s32 s3, s2  }
0x8d: {  	s2 =	sadd.s32 s2, s16  }
0x8e: {  	[smem:$0x3FAC] =	sst s2  }
0x8f: {  	_ = 	snop  }
0x90: {  	(tm) =	ssettm $0x1  }
0x91: {  	s17 =	sld [smem:$0x3FFB];
	_ =	sdelay $0x3  }
0x92: {  	_ =	strace s17  }
0x93: {  	s2 =	sld [smem:$0x3FFC];
	_ =	sdelay $0x3  }
0x94: {  	_ =	strace s2  }
0x95: {  	s2 =	sld [smem:$0x3FFD];
	_ =	sdelay $0x3  }
0x96: {  	_ =	strace s2  }
0x97: {  	_ =	strace $0x8FFFFFFF  }
0x98: {  	s18 =	sld [smem:$0x3FDB];
	_ =	sdelay $0x1  }
0x99: {  	s19 =	simm.s32 $_scs_section_size  }
0x9a: {  	s4 =	simm.s32 $_size__tile_overlayer_lowered;
	s5 =	simm.s32 $_tile_overlayer_lowered  }
0x9b: {  	s22 =	simm.s32 $0x1BFF;
	s21 =	sshll.u32 s5, $0x1;
	s2 =	sadd.s32 s19, s18  }
0x9c: {  	s6 =	simm.s32 $0x0;
	s20 =	sshll.u32 s4, $0x1;
	s4 =	sadd.s32 s21, s2  }
0x9d: {  	[timem:s6], [sflag:s22] =	dma.local [hbm:s4], s20  }
0x9e: {  	_ =	swait.ge [sflag:s22], s20  }
0x9f: {  	s3 =	ssub.s32 $0x0, s20;
	[sflag:s22] =	ssyncset.done $0x0  }
0xa0: {  	[sflag:s22] =	ssyncadd.s32 s3;
	_ =	sdelay $0x1  }
0xa1: {  	s23 =	simm.s32 $0x1B8B  }
0xa2: {  	_ =	swait.ge [sflag:s23], $0x1  }
0xa3: {  	[sflag:s23] =	ssyncset.done $0x0  }
0xa4: {  	s25 =	simm.s32 $0x1B8E;
	s24 =	sld [smem:$0x3FFE];
	[sflag:s23] =	ssyncadd.s32 $0xFFFFFFFF  }
0xa5: {  	s26 =	simm.s32 $execute0_lowered;
	[smem:$0x3FD2] =	sst s25  }
0xa6: {  	s4 =	sshll.u32 s26, $0x1;
	_ =	strace $0x80000046;
	[dreg:$0x1] =	wrdreg $0xFFFFFFFF  }
0xa7: {  	s28 =	simm.s32 $_size_execute0_lowered;
	s2 =	sadd.s32 s2, s4;
	[dreg:$0x0] =	wrdreg $0x0  }
0xa8: {  	s4 =	sshll.u32 s28, $0x1;
	[dreg:$0x2] =	wrdreg s2  }
0xa9: {  	[dreg:$0x3] =	wrdreg s4  }
0xaa: {  	[dreg:$0x4] =	wrdreg $0xC0  }
0xab: {  	_ =	task [dreg:s6], $0x5FFFF  }
0xac: {  	[dreg:$0x1] =	wrdreg $0xFFFFFFFF  }
0xad: {  	[dreg:$0x0] =	wrdreg $0x60  }
0xae: {  	[dreg:$0x2] =	wrdreg s24  }
0xaf: {  	[dreg:$0x3] =	wrdreg $0xA  }
0xb0: {  	_ =	task.clear_ibuf [dreg:s6], $0x4FFFF;
	_ =	strace $0x90000046  }
0xb1: {  	s29 =	simm.s32 $0xA;
	_ =	strace $0x80000048  }
0xb2: {  	_ =	swait.ge [sflag:s29], $0x1  }
0xb3: {  	[sflag:s29] =	ssyncadd.s32 $0xFFFFFFFF  }
0xb4: {  	_ =	strace $0x90000048  }
0xb5: {  	_ =	sfence  }
0xb6: {  	s30 =	sld [smem:$0x0];
	_ =	sdelay $0x2  }
0xb7: {  	s31 =	sshll.u32 s1, $0xD;
	s1 =	sshrl.u32 s1, $0x2  }
0xb8: {  	s3 =	sand.u32 $0x4000, s31;
	s1 =	sadd.s32 s1, s30  }
0xb9: {  	s0 =	sor.u32 s3, s0;
	s1 =	sshll.u32 s1, $0x11  }
0xba: {  	s0 =	sor.u32 s1, s0  }
0xbb: {  	s0 =	sadd.s32 $0x8F2B, s0  }
0xbc: {  	[sflag:s0] =	ssyncadd.remote.s32 $0x1  }
0xbd: {  	_ =	sfence.sel $0xFFFF  }
0xbe: {  	[dreg:$0x0] =	wrdreg $0xFFFFFFFF;
	(pc) =	sbr.abs _section_cstart, $3  }
0xbf: {  	[dreg:$0x1] =	wrdreg $0xFFFFFFFF  }
0xc0: {  	_ =	task.clear_ibuf [dreg:s6], $0x2FFFF;
	_ =	strace $0x9FFFFFFF  }
0xc1: {  	(tm) =	ssettm $0x7FFFFFFF  }
tec
execute0_lowered:
.L_overlay_start_1:
0x0: {  	(tag) =	ssettag $0x1  }
0x1: {  	s8 =	rddreg [dreg:$0x0]  }
0x2: {  	s0 =	rddreg [dreg:$0x1];
	s1 =	srdreg.scid;
	_ =	strace $0x80000047  }
0x3: {  	s4 =	simm.s32 $0x1;
	s6 =	simm.s32 $0x2;
	s10 =	simm.s32 $0x3  }
0x4: {  	p3 =	por $0x0, $0x0;
	s11 =	simm.s32 $0x80;
	s3 =	sshll.u32 s1, $0x4  }
.Ltmp0:
0x5: {  	s1 =	stileid.u32;
	s5 =	sand.u32 $0x10, s3;
	(pc) =	sbr.rel .LBB2_1-.Ltmp0, $4  }
0x6: {  	s2 =	sadd.s32 $0x4D200, s8;
	[sflag:s4] =	ssyncpa.u1 $0x0;
	s5 =	sor.u32 s1, s5  }
0x7: {  	s7 =	sadd.s32 $0x8B2400, s8;
	[sflag:s6] =	ssyncpa.u1 $0x0;
	s5 =	smul.u32 $0x4B00, s5  }
0x8: {  	s3 =	sadd.s32 $0x27A00, s8;
	s8 =	sadd.s32 $0x3A600, s8;
	[sflag:s10] =	ssyncpa.u1 $0x0  }
0x9: {  	v0 =	vlaneseq.u32;
	s10 =	simm.s32 $0x0;
	s9 =	sadd.s32 $0x4B00, s5;
	s12 =	smov.u32 s5  }
.LBB2_6:
0xa: {  	s15 =	sadd.s32 s17, s15  }
0xb: {  	v2 =	vld.msk [tilespmem:s15+$0x0 ss:$0x1], $0x1  }
0xc: {  	(v2sf) =	vpush v1, $0x1  }
0xd: {  	(v2sf) =	vpush v1, $0x0;
	_ =	sdelay $0x2  }
0xe: {  	(v2sf) =	vpush v2, $0x0;
	_ =	sdelay $0xa  }
0xf: {  	p1 =	seq.s32 s18, $0x77C;
	s15 =	simm.s32 $0x1;
	s18 =	spop (v2sf)  }
0x10: {  	s15 =	simm.s32 @!p1 $0x2;
	s18 =	simm.s32 @p0 $0xFFFFFFFF;
	s19 =	spop (v2sf)  }
0x11: {  	v1 =	vmov s15;
	s15 =	simm.s32 $0x1;
	p0 =	sne.s32 s19, s18  }
0x12: {  	vm0 =	vgt.u32 v1, v0;
	s15 =	simm.s32 @!p0 $0x0  }
0x13: {  	s15 =	sadd.s32 s15, s16;
	s26 =	spop (v2sf)  }
0x14: {  	s15 =	sshll.u32 s15, $0x9;
	s28 =	sshll.u32 s26, $0x4  }
0x15: {  	s15 =	sshra.s32 s15, $0x2;
	s16 =	sand.u32 $0x1FFFFFF0, s28  }
0x16: {  	s13 =	sadd.s32 s17, s13;
	s14 =	sadd.s32 s15, s14;
	s29 =	sadd.s32 s7, s16  }
0x17: {  	[hbm:s29] =	stream.strided.scatter [tilespmem:s14], [sflag:$0x3], $0x80, s11, s11, $0x38;
	[tilespmem:$0x1E780] =	vst v63  }
0x18: {  	v1 =	vld.msk [tilespmem:s13+$0x0 ss:$0x1], vm0;
	_ =	sdelay $0x4  }
0x19: {  	(v2sf) =	vpush v1, $0x1  }
0x1a: {  	(v2sf) =	vpush v1, $0x0;
	_ =	sdelay $0xb  }
0x1b: {  	s13 =	sld [smem:$0x7FB];
	_ =	sdelay $0x1  }
0x1c: {  	s30 =	spop (v2sf)  }
0x1d: {  	p3 =	seq.s32 s13, $0x1;
	s31 =	spop (v2sf)  }
.LBB2_7:
0x1e: {  	p0 =	slt.u32 s10, $0x2;
	s10 =	sadd.s32 $0x1, s10  }
0x1f: {  	p2 =	sne.s32 s10, $0x2A  }
.Ltmp1:
0x20: {  	_ = 	snop;
	(pc) =	sbr.rel @!p2 .LBB2_8-.Ltmp1, $4  }
0x21: {  	s13 =	simm.s32 @!p0 $0x3  }
0x22: {  	s14 =	sadd.s32 $0x1E0, s12;
	_ =	swait.ge @!p0 [sflag:s13], $0xF000  }
0x23: {  	s12 =	smov.u32 s5;
	p1 =	slt.s32 s14, s9;
	[sflag:s13] =	ssyncset.done @!p0 $0x0  }
0x24: {  	p3 =	por !p3, !p3;
	s12 =	smov.u32 @p1 s14;
	[sflag:s13] =	ssyncadd.s32 @!p0 $0xFFFF1000  }
.LBB2_1:
0x25: {  	p0 =	sgt.u32 s10, $0x27  }
0x26: {  	s13 =	sxor.u32 @!p0 $0xFFFFFFFF, s10  }
0x27: {  	s13 =	sand.u32 @!p0 $0x1, s13  }
0x28: {  	s14 =	sshrl.u32 @!p0 s12, $0x3;
	s13 =	smul.u32 @!p0 $0x1E0, s13  }
0x29: {  	s16 =	sand.u32 @!p0 $0x7, s12;
	s15 =	sadd.s32 @!p0 s3, s14  }
0x2a: {  	[tilespmem:s13], [sflag:$0x2] =	stream.linear.gather @!p0 [hbm4b:s15+s16], $0x1E0, $0x38;
	[tilespmem:$0x1E780] =	vst v63  }
0x2b: {  	s31 =	sadd.s32 $0xFFFFFFFF, s10;
	s14 =	sadd.s32 @!p0 s8, s14;
	s13 =	sadd.s32 @!p0 $0x3C0, s13  }
0x2c: {  	[tilespmem:s13], [sflag:$0x2] =	stream.linear.gather @!p0 [hbm4b:s14+s16], $0x1E0, $0x38;
	[tilespmem:$0x1E780] =	vst v63  }
0x2d: {  	p0 =	sgt.u32 s31, $0x27  }
.Ltmp2:
0x2e: {  	_ = 	snop;
	(pc) =	sbr.rel @p0 .LBB2_7-.Ltmp2, $1  }
0x2f: {  	_ =	sdelay $0x3  }
0x30: {  	p0 =	por $0x0, $0x0  }
0x31: {  	s13 =	simm.s32 $0x1;
	p0 =	por p0, p0  }
0x32: {  	s13 =	simm.s32 @!p0 $0x2  }
0x33: {  	v1 =	vmov s13  }
0x34: {  	s14 =	simm.s32 @!p3 $0x0;
	s13 =	simm.s32 $0x1;
	vm0 =	vgt.u32 v1, v0  }
0x35: {  	s14 =	simm.s32 @p3 $0x1;
	s13 =	simm.s32 @!p3 $0x0  }
0x36: {  	[smem:$0x7FB] =	sst s14;
	s13 =	smul.u32 $0x780, s13  }
0x37: {  	_ =	swait.ge [sflag:s6], $0x3C0  }
0x38: {  	[sflag:s6] =	ssyncset.done $0x0;
	s13 =	sshrl.u32 s13, $0x2  }
0x39: {  	[sflag:s6] =	ssyncadd.s32 $0xFFFFFC40;
	s25 =	sadd.s32 $0x0, s13  }
0x3a: {  	p1 =	por $0x0, $0x0;
	v1 =	vld.msk [tilespmem:s25+$0x0 ss:$0x1], vm0  }
0x3b: {  	p1 =	por p1, p1;
	s14 =	simm.s32 $0x1  }
0x3c: {  	s14 =	simm.s32 @!p1 $0x2  }
0x3d: {  	v2 =	vmov s14  }
0x3e: {  	vm0 =	vgt.u32 v2, v0  }
0x3f: {  	(v2sf) =	vpush v1, $0x1  }
0x40: {  	(v2sf) =	vpush v1, $0x0  }
0x41: {  	p2 =	por $0x0, $0x0  }
0x42: {  	p2 =	por p2, p2;
	s14 =	simm.s32 $0x1  }
0x43: {  	s14 =	simm.s32 @!p2 $0x2;
	s26 =	sadd.s32 $0x1, s13  }
0x44: {  	v2 =	vmov s14;
	v3 =	vld.msk [tilespmem:s26+$0x0 ss:$0x1], vm0  }
0x45: {  	vm1 =	vgt.u32 v2, v0;
	_ =	sdelay $0x3  }
0x46: {  	(v2sf) =	vpush v3, $0x1  }
0x47: {  	s28 =	sadd.s32 $0x2, s13;
	(v2sf) =	vpush v3, $0x0  }
0x48: {  	v4 =	vld.msk [tilespmem:s28+$0x0 ss:$0x1], vm1  }
0x49: {  	p0 =	por p0, p0  }
0x4a: {  	p0 =	por p0, p0  }
0x4b: {  	s29 =	sand.u32 $0x1, s10;
	p0 =	por p0, p0;
	s14 =	spop (v2sf)  }
0x4c: {  	p5 =	por $0x0, $0x0;
	s14 =	simm.s32 @p0 $0xFFFFFFFF;
	s15 =	spop (v2sf)  }
0x4d: {  	s16 =	simm.s32 $0x1;
	s17 =	simm.s32 $0x0;
	(v2sf) =	vpush v4, $0x1;
	p0 =	seq.s32 s15, s14  }
0x4e: {  	p6 =	por $0x0, $0x0;
	s24 =	simm.s32 $0x1;
	p1 =	por p1, p1;
	vm0 =	vgt.s32 @!p0 v1, $0x0  }
0x4f: {  	p3 =	por p5, p5;
	p4 =	por p1, p1;
	p2 =	por p2, p2;
	(v2sf) =	vpush v4, $0x0;
	v1 =	vnsel @!p0 vm0, $0x0, v1  }
0x50: {  	p1 =	por p6, p6;
	s16 =	simm.s32 @!p3 $0x2;
	p2 =	por p2, p2;
	v1 =	vmin.u32 @!p0 v1, $0x186FF  }
0x51: {  	p6 =	por p4, p4;
	p5 =	por p3, p3;
	p2 =	por p2, p2;
	(v2sf) =	vpush @!p0 v1, $0x0  }
0x52: {  	s19 =	sadd.s32 $0x3, s13;
	s30 =	sadd.s32 $0x4, s13;
	s14 =	smul.u32 $0x3C000, s29;
	v1 =	vmov s16  }
0x53: {  	s15 =	sadd.s32 $0x3C0, s13;
	s18 =	simm.s32 @!p0 $0x1;
	s16 =	simm.s32 $0x1;
	vm0 =	vgt.u32 v1, v0  }
0x54: {  	p4 =	por p0, p0;
	s14 =	sshrl.u32 s14, $0x2;
	s16 =	simm.s32 @!p1 $0x2  }
0x55: {  	s18 =	smov.u32 @p0 s17;
	s17 =	simm.s32 $0x18;
	s20 =	spop (v2sf);
	v1 =	vmov s16  }
0x56: {  	s14 =	sor.u32 $0x780, s14;
	s20 =	simm.s32 @p6 $0xFFFFFFFF;
	s21 =	spop (v2sf);
	vm1 =	vgt.u32 v1, v0  }
0x57: {  	p6 =	por p5, p5;
	p1 =	por p1, p1;
	p3 =	seq.s32 s21, s20  }
0x58: {  	p5 =	por $0x0, $0x0;
	s16 =	sadd.s32 @!p0 $0x0, s14;
	s23 =	sadd.s32 @!p3 $0x1, s18  }
0x59: {  	s23 =	smov.u32 @p3 s18;
	v2 =	vld.msk [tilespmem:s19+$0x0 ss:$0x1], vm0;
	s19 =	sshll.u32 @!p3 s18, $0x9;
	s18 =	simm.s32 @!p1 $0x0  }
0x5a: {  	p5 =	por p5, p5;
	s21 =	simm.s32 $0x1C;
	s18 =	simm.s32 @p1 $0x1  }
0x5b: {  	s24 =	simm.s32 @!p5 $0x2;
	s19 =	sshra.s32 @!p3 s19, $0x2;
	[smem:$0x7FC] =	sst s18  }
0x5c: {  	p1 =	por $0x0, $0x0;
	s22 =	spop (v2sf);
	s18 =	simm.s32 @!p5 $0x0;
	v1 =	vld.msk [tilespmem:s30+$0x0 ss:$0x1], vm1  }
0x5d: {  	vm0 =	vgt.s32 @!p3 v3, $0x0;
	s22 =	simm.s32 @p2 $0xFFFFFFFF;
	s18 =	simm.s32 @p5 $0x1;
	p5 =	por p4, p4  }
0x5e: {  	v3 =	vnsel @!p3 vm0, $0x0, v3;
	s31 =	spop (v2sf);
	p2 =	por p6, p6;
	[smem:$0x7FD] =	sst s18;
	(v2sf) =	vpush v2, $0x1  }
0x5f: {  	v3 =	vmin.u32 @!p3 v3, $0x186FF;
	s18 =	sadd.s32 @!p3 s19, s14;
	p4 =	seq.s32 s31, s22;
	s22 =	simm.s32 @!p5 $0x80;
	(v2sf) =	vpush v2, $0x0  }
0x60: {  	vm0 =	vgt.s32 @!p4 v4, $0x0;
	s19 =	sshll.u32 @!p4 s23, $0x9;
	s20 =	sadd.s32 @!p4 $0x1, s23;
	(v2sf) =	vpush @!p3 v3, $0x0;
	v3 =	vmov s24;
	s25 =	spop @!p0 (v2sf)  }
0x61: {  	v4 =	vnsel @!p4 vm0, $0x0, v4;
	s19 =	sshra.s32 @!p4 s19, $0x2;
	s20 =	smov.u32 @p4 s23;
	(v2sf) =	vpush v1, $0x1;
	vm0 =	vgt.u32 v3, v0;
	s25 =	sshll.u32 @!p5 s25, $0x4  }
0x62: {  	s24 =	sadd.s32 $0x5, s13;
	v3 =	vmin.u32 @!p4 v4, $0x186FF;
	p0 =	por p3, p3;
	(v2sf) =	vpush v1, $0x0;
	s23 =	sadd.s32 @!p5 s2, s25  }
.LBB2_3:
0x63: {  	_ =	sdelay $0x1  }
0x64: {  	s26 =	sld [smem:$0x7FC]  }
0x65: {  	s25 =	simm.s32 @!p3 $0x0;
	s28 =	sld [smem:$0x7FD]  }
0x66: {  	v4 =	vld.msk [tilespmem:s24+$0x0 ss:$0x1], vm0;
	[tilespmem:s16], [sflag:$0x1] =	stream.strided.gather @!p5 [hbm:s23], $0x80, s22, s22, $0x38;
	[tilespmem:$0x1E780] =	vst v63  }
0x67: {  	s31 =	smov.u32 s17;
	s17 =	smov.u32 s21;
	s25 =	simm.s32 @p3 $0x1  }
0x68: {  	(v2sf) =	vpush @!p4 v3, $0x0;
	p3 =	por p4, p4;
	p5 =	seq.s32 s26, $0x1;
	p4 =	seq.s32 s28, $0x1  }
0x69: {  	s16 =	smov.u32 s18;
	p6 =	por p5, p5;
	p5 =	por p4, p4  }
0x6a: {  	s21 =	sadd.s32 $0x4, s21;
	[smem:$0x7F9] =	sst s25;
	s18 =	simm.s32 @!p5 $0x0  }
0x6b: {  	s25 =	smov.u32 s20;
	p4 =	por p1, p1;
	s18 =	simm.s32 @p5 $0x1  }
0x6c: {  	s20 =	simm.s32 @!p4 $0x0;
	[smem:$0x7FC] =	sst s18;
	s18 =	simm.s32 $0x1  }
0x6d: {  	s20 =	simm.s32 @p4 $0x1;
	s18 =	simm.s32 @!p4 $0x2;
	p4 =	sne.s32 s21, $0x780  }
0x6e: {  	[smem:$0x7FD] =	sst s20;
	s20 =	simm.s32 @!p4 $0x0  }
0x6f: {  	s30 =	sld [smem:$0x7F9];
	s20 =	simm.s32 @p4 $0x1  }
0x70: {  	s23 =	sshra.s32 s31, $0x2;
	[smem:$0x7FA] =	sst s20  }
0x71: {  	v3 =	vmov s18;
	s18 =	sadd.s32 @!p3 s19, s14;
	s19 =	spop (v2sf);
	s31 =	sld [smem:$0x7FA]  }
0x72: {  	s19 =	simm.s32 @p2 $0xFFFFFFFF  }
0x73: {  	s29 =	spop (v2sf);
	p2 =	por p6, p6;
	p6 =	seq.s32 s30, $0x1  }
0x74: {  	s24 =	spop @!p6 (v2sf);
	p6 =	seq.s32 s31, $0x1  }
.Ltmp3:
0x75: {  	_ = 	snop;
	(pc) =	sbr.rel @p6 .LBB2_3-.Ltmp3, $4  }
0x76: {  	p1 =	seq.s32 s17, $0x77C;
	p5 =	por p0, p0;
	p4 =	seq.s32 s29, s19  }
0x77: {  	p0 =	por p3, p3;
	s22 =	simm.s32 @!p5 $0x80;
	vm1 =	vgt.s32 @!p4 v2, $0x0;
	s19 =	sshll.u32 @!p4 s25, $0x9  }
0x78: {  	vm0 =	vgt.u32 v3, v0;
	(v2sf) =	vpush v4, $0x1;
	s20 =	sadd.s32 @!p4 $0x1, s25;
	s26 =	sshll.u32 @!p5 s24, $0x4;
	s24 =	sadd.s32 s23, s13;
	v3 =	vnsel @!p4 vm1, $0x0, v2  }
0x79: {  	(v2sf) =	vpush v4, $0x0;
	s19 =	sshra.s32 @!p4 s19, $0x2;
	v2 =	vmovc v1;
	v1 =	vmov v4;
	s20 =	smov.u32 @p4 s25;
	s23 =	sadd.s32 @!p5 s2, s26;
	v3 =	vmin.u32 @!p4 v3, $0x186FF  }
0x7a: {  	_ = 	snop  }
0x7b: {  	p6 =	por p1, p1;
	s21 =	simm.s32 $0x1  }
0x7c: {  	s21 =	simm.s32 @!p6 $0x2  }
0x7d: {  	v4 =	vmov s21  }
0x7e: {  	vm1 =	vgt.u32 v4, v0  }
0x7f: {  	v4 =	vld.msk [tilespmem:s24+$0x0 ss:$0x1], vm0;
	_ =	sdelay $0x2  }
0x80: {  	s17 =	sshra.s32 s17, $0x2;
	s21 =	spop (v2sf)  }
0x81: {  	s17 =	sadd.s32 s17, s13;
	(v2sf) =	vpush @!p4 v3, $0x0;
	s21 =	simm.s32 @p2 $0xFFFFFFFF;
	s31 =	spop (v2sf)  }
0x82: {  	p2 =	seq.s32 s31, s21;
	(v2sf) =	vpush v4, $0x1;
	v3 =	vld.msk [tilespmem:s17+$0x0 ss:$0x1], vm1  }
0x83: {  	vm0 =	vgt.s32 @!p2 v2, $0x0;
	(v2sf) =	vpush v4, $0x0  }
0x84: {  	v2 =	vnsel @!p2 vm0, $0x0, v2  }
0x85: {  	[tilespmem:s16], [sflag:$0x1] =	stream.strided.gather @!p5 [hbm:s23], $0x80, s22, s22, $0x38;
	v2 =	vmin.u32 @!p2 v2, $0x186FF;
	[tilespmem:$0x1E780] =	vst v63  }
0x86: {  	s22 =	sld [smem:$0x7FC];
	(v2sf) =	vpush @!p2 v2, $0x0  }
0x87: {  	(v2sf) =	vpush v3, $0x1  }
0x88: {  	p0 =	por p0, p0;
	(v2sf) =	vpush v3, $0x0  }
0x89: {  	s17 =	spop @!p3 (v2sf);
	p3 =	seq.s32 s22, $0x1;
	s22 =	sld [smem:$0x7FD]  }
0x8a: {  	p1 =	por p3, p3;
	s17 =	sshll.u32 @!p0 s17, $0x4  }
0x8b: {  	p1 =	por p1, p1;
	s17 =	sadd.s32 @!p0 s2, s17  }
0x8c: {  	p5 =	seq.s32 s22, $0x1;
	s22 =	simm.s32 @!p0 $0x80;
	s16 =	spop (v2sf)  }
0x8d: {  	[tilespmem:s18], [sflag:$0x1] =	stream.strided.gather @!p0 [hbm:s17], $0x80, s22, s22, $0x38;
	[tilespmem:$0x1E780] =	vst v63  }
0x8e: {  	s23 =	spop (v2sf);
	s16 =	simm.s32 @p1 $0xFFFFFFFF  }
0x8f: {  	p3 =	por p5, p5;
	p1 =	seq.s32 s23, s16  }
0x90: {  	p3 =	por p3, p3;
	vm0 =	vgt.s32 @!p1 v1, $0x0;
	s16 =	spop @!p4 (v2sf)  }
0x91: {  	p0 =	por p3, p3;
	v1 =	vnsel @!p1 vm0, $0x0, v1;
	s17 =	spop (v2sf)  }
0x92: {  	v1 =	vmin.u32 @!p1 v1, $0x186FF;
	s17 =	simm.s32 @p0 $0xFFFFFFFF;
	s24 =	spop (v2sf)  }
0x93: {  	(v2sf) =	vpush @!p1 v1, $0x0;
	p0 =	seq.s32 s24, s17  }
0x94: {  	p5 =	por p6, p6;
	vm0 =	vgt.s32 @!p0 v4, $0x0  }
0x95: {  	p3 =	por p5, p5;
	s17 =	spop @!p2 (v2sf);
	v1 =	vnsel @!p0 vm0, $0x0, v4  }
0x96: {  	p3 =	por p3, p3;
	v1 =	vmin.u32 @!p0 v1, $0x186FF;
	s18 =	spop (v2sf)  }
0x97: {  	p6 =	por p4, p4;
	(v2sf) =	vpush @!p0 v1, $0x0;
	s18 =	simm.s32 @p3 $0xFFFFFFFF;
	s25 =	spop (v2sf)  }
0x98: {  	p5 =	por p6, p6;
	p3 =	seq.s32 s25, s18  }
0x99: {  	p6 =	por p2, p2;
	s16 =	sshll.u32 @!p5 s16, $0x4;
	vm0 =	vgt.s32 @!p3 v3, $0x0  }
0x9a: {  	s16 =	sadd.s32 @!p5 s2, s16;
	s18 =	sadd.s32 @!p4 s19, s14;
	s19 =	simm.s32 @!p5 $0x80;
	v1 =	vnsel @!p3 vm0, $0x0, v3  }
0x9b: {  	[tilespmem:s18], [sflag:$0x1] =	stream.strided.gather @!p5 [hbm:s16], $0x80, s19, s19, $0x38;
	v1 =	vmin.u32 @!p3 v1, $0x186FF;
	[tilespmem:$0x1E780] =	vst v63  }
0x9c: {  	p4 =	por p6, p6;
	s16 =	sshll.u32 @!p2 s20, $0x9;
	(v2sf) =	vpush @!p3 v1, $0x0  }
0x9d: {  	s18 =	sadd.s32 @!p2 $0x1, s20;
	s17 =	sshll.u32 @!p4 s17, $0x4;
	s19 =	simm.s32 @!p4 $0x80  }
0x9e: {  	p5 =	por p0, p0;
	p6 =	por p3, p3;
	s16 =	sshra.s32 @!p2 s16, $0x2  }
0x9f: {  	s18 =	smov.u32 @p2 s20;
	s17 =	sadd.s32 @!p4 s2, s17;
	s16 =	sadd.s32 @!p2 s16, s14  }
0xa0: {  	[tilespmem:s16], [sflag:$0x1] =	stream.strided.gather @!p4 [hbm:s17], $0x80, s19, s19, $0x38;
	[tilespmem:$0x1E780] =	vst v63  }
0xa1: {  	s16 =	sshll.u32 @!p1 s18, $0x9;
	p4 =	por p1, p1;
	s17 =	sadd.s32 @!p1 $0x1, s18  }
0xa2: {  	s19 =	spop @!p1 (v2sf);
	p2 =	por p4, p4;
	s16 =	sshra.s32 @!p1 s16, $0x2  }
0xa3: {  	s17 =	smov.u32 @p1 s18;
	s18 =	sshll.u32 @!p2 s19, $0x4;
	s16 =	sadd.s32 @!p1 s16, s14  }
0xa4: {  	s19 =	simm.s32 @!p2 $0x80;
	p1 =	por p5, p5;
	s18 =	sadd.s32 @!p2 s2, s18  }
0xa5: {  	[tilespmem:s16], [sflag:$0x1] =	stream.strided.gather @!p2 [hbm:s18], $0x80, s19, s19, $0x38;
	[tilespmem:$0x1E780] =	vst v63  }
0xa6: {  	s16 =	sshll.u32 @!p0 s17, $0x9;
	s18 =	sadd.s32 @!p0 $0x1, s17;
	s19 =	spop @!p0 (v2sf)  }
0xa7: {  	s16 =	sshra.s32 @!p0 s16, $0x2;
	s18 =	smov.u32 @p0 s17;
	s17 =	sshll.u32 @!p1 s19, $0x4  }
0xa8: {  	s16 =	sadd.s32 @!p0 s16, s14;
	s19 =	simm.s32 @!p1 $0x80;
	s17 =	sadd.s32 @!p1 s2, s17  }
0xa9: {  	[tilespmem:s16], [sflag:$0x1] =	stream.strided.gather @!p1 [hbm:s17], $0x80, s19, s19, $0x38;
	[tilespmem:$0x1E780] =	vst v63  }
0xaa: {  	p0 =	por p6, p6;
	s16 =	sshll.u32 @!p3 s18, $0x9  }
0xab: {  	s17 =	sadd.s32 @!p3 $0x1, s18;
	s16 =	sshra.s32 @!p3 s16, $0x2;
	s19 =	spop @!p3 (v2sf)  }
0xac: {  	s17 =	smov.u32 @p3 s18;
	s16 =	sadd.s32 @!p3 s16, s14;
	s18 =	sshll.u32 @!p0 s19, $0x4  }
0xad: {  	s26 =	sshll.u32 s17, $0x7;
	s19 =	simm.s32 @!p0 $0x80;
	s18 =	sadd.s32 @!p0 s2, s18  }
0xae: {  	[tilespmem:s16], [sflag:$0x1] =	stream.strided.gather @!p0 [hbm:s18], $0x80, s19, s19, $0x38;
	[tilespmem:$0x1E780] =	vst v63  }
0xaf: {  	s16 =	sand.u32 $0x3FFFFF80, s26  }
0xb0: {  	_ =	swait.ge [sflag:s4], s16  }
0xb1: {  	s16 =	ssub.s32 $0x0, s16;
	[sflag:s4] =	ssyncset.done $0x0  }
0xb2: {  	s28 =	sadd.s32 $0x0, s15;
	[sflag:s4] =	ssyncadd.s32 s16  }
0xb3: {  	v1 =	vld.msk [tilespmem:s28+$0x0 ss:$0x1], $0x1;
	_ =	sdelay $0x4  }
0xb4: {  	(v2sf) =	vpush v1, $0x0;
	_ =	sdelay $0xa  }
0xb5: {  	p0 =	por $0x0, $0x0;
	s16 =	simm.s32 $0x1  }
0xb6: {  	s16 =	simm.s32 @!p0 $0x2  }
0xb7: {  	v1 =	vmov s16  }
0xb8: {  	vm15 =	vgt.u32 v1, v0  }
0xb9: {  	s29 =	spop (v2sf)  }
0xba: {  	s16 =	sshll.u32 s29, $0x4  }
0xbb: {  	s16 =	sand.u32 $0x1FFFFFF0, s16  }
0xbc: {  	s30 =	sadd.s32 $0x0, s14;
	s31 =	sadd.s32 $0x0, s13;
	s16 =	sadd.s32 s7, s16  }
0xbd: {  	[hbm:s16] =	stream.strided.scatter [tilespmem:s30], [sflag:$0x3], $0x80, s11, s11, $0x38;
	[tilespmem:$0x1E780] =	vst v63  }
0xbe: {  	s17 =	simm.s32 $0x1;
	s18 =	simm.s32 $0x4;
	v1 =	vld.msk [tilespmem:s31+$0x0 ss:$0x1], vm15  }
0xbf: {  	s19 =	simm.s32 $0x8;
	p0 =	por p0, p0;
	s16 =	simm.s32 $0x0  }
.LBB2_5:
0xc0: {  	p1 =	sne.s32 s19, $0x77C;
	s20 =	sadd.s32 s17, s15  }
0xc1: {  	v2 =	vld.msk [tilespmem:s20+$0x0 ss:$0x1], $0x1;
	_ =	sdelay $0x1  }
0xc2: {  	(v2sf) =	vpush v1, $0x1  }
0xc3: {  	(v2sf) =	vpush v1, $0x0;
	_ =	sdelay $0x2  }
0xc4: {  	(v2sf) =	vpush v2, $0x0;
	_ =	sdelay $0x9  }
0xc5: {  	p2 =	seq.s32 s18, $0x77C;
	s18 =	smov.u32 s19;
	s20 =	simm.s32 $0x1  }
0xc6: {  	s20 =	simm.s32 @!p2 $0x2;
	s21 =	spop (v2sf)  }
0xc7: {  	s21 =	simm.s32 @p0 $0xFFFFFFFF;
	s22 =	spop (v2sf);
	p0 =	por p2, p2  }
0xc8: {  	v1 =	vmov s20;
	s20 =	simm.s32 $0x1;
	p2 =	sne.s32 s22, s21  }
0xc9: {  	vm0 =	vgt.u32 v1, v0;
	s20 =	simm.s32 @!p2 $0x0  }
0xca: {  	s21 =	spop (v2sf);
	s16 =	sadd.s32 s20, s16  }
0xcb: {  	s20 =	sshll.u32 s21, $0x4;
	s21 =	sshll.u32 s16, $0x9  }
0xcc: {  	s17 =	sadd.s32 s17, s13;
	s20 =	sand.u32 $0x1FFFFFF0, s20;
	s21 =	sshra.s32 s21, $0x2  }
.Ltmp4:
0xcd: {  	s21 =	sadd.s32 s21, s14;
	s20 =	sadd.s32 s7, s20;
	(pc) =	sbr.rel @p1 .LBB2_5-.Ltmp4, $3  }
0xce: {  	[hbm:s20] =	stream.strided.scatter [tilespmem:s21], [sflag:$0x3], $0x80, s11, s11, $0x38;
	[tilespmem:$0x1E780] =	vst v63  }
0xcf: {  	v1 =	vld.msk [tilespmem:s17+$0x0 ss:$0x1], vm0;
	_ =	sdelay $0x1  }
0xd0: {  	s19 =	sadd.s32 $0x4, s19;
	s17 =	sshra.s32 s18, $0x2  }
.Ltmp5:
0xd1: {  	_ = 	snop;
	(pc) =	sbr.rel .LBB2_6-.Ltmp5, $1  }
0xd2: {  	_ =	sdelay $0x3  }
.LBB2_8:
0xd3: {  	_ =	sfence.sel $0x180000  }
0xd4: {  	s2 =	simm.s32 $0x2;
	[bflag:$0x0] =	sbarrier.arrive $0xFFFF  }
0xd5: {  	s30 =	simm.s32 $0x3;
	[sflag:s2] =	ssyncpa.u1 $0x1  }
0xd6: {  	s31 =	simm.s32 $0x1;
	[sflag:s30] =	ssyncpa.u1 $0x1  }
0xd7: {  	[sflag:s31] =	ssyncpa.u1 $0x1  }
0xd8: {  	p0 =	sne.s32 s1, $0x0;
	_ =	strace $0x90000047  }
0xd9: {  	s0 =	sadd.s32 @!p0 $0x100000, s0;
	[bflag:$0x2] =	sbarrier.arrive $0xFFFF  }
0xda: {  	[sflag:s0] =	ssyncadd.tile.s32 @!p0 $0x1;
	_ =	shalt  }
.Lfunc_end2:
_tile_overlayer_lowered:
.L_overlay_start_2:
0xdb: {  	(tag) =	ssettag $0x2  }
0xdc: {  	s0 =	rddreg [dreg:$0x0];
	s2 =	stileid.u32  }
0xdd: {  	s1 =	rddreg [dreg:$0x1];
	p0 =	sne.s32 s2, $0x0  }
0xde: {  	s3 =	rddreg [dreg:$0x2];
	[bflag:$0x3] =	sbarrier.arrive $0xFFFF;
	s2 =	simm.s32 @!p0 $0x1C01  }
0xdf: {  	[timem:s3], [sflag:s2] =	dma.local @!p0 [hbm:s0], s1  }
0xe0: {  	s0 =	simm.s32 @!p0 $0x1  }
0xe1: {  	_ =	swait.ge @!p0 [sflag:s0], s1  }
0xe2: {  	s1 =	ssub.s32 @!p0 $0x0, s1;
	[sflag:s0] =	ssyncset.done @!p0 $0x0  }
0xe3: {  	[sflag:s0] =	ssyncadd.s32 @!p0 s1  }
0xe4: {  	[bflag:$0x3] =	sbarrier.arrive $0xFFFF  }
0xe5: {  	_ =	shalt  }

// kernel: kernel.8.cloned.1.call-start
scs
__scs_entry_jumppad:
0x0: {  	(pc) =	sbr.rel $0x88, $3  }
0x1: {  	(tag) =	ssettag $0x0;
	lr =	simm.s32 $0x1  }
0x2: {  	[smem:$0x3F85] =	sst lr;
	_ =	strace $0xD0000000  }
0x3: {  	_ = 	snop  }
0x4: {  	_ = 	snop  }
0x5: {  	_ = 	snop  }
0x6: {  	_ = 	snop  }
0x7: {  	_ = 	snop  }
__scs_overlays_trampoline_lowered:
0x8: {  	[smem:$0x3F94] =	sst s0  }
0x9: {  	[smem:$0x3F95] =	sst s1  }
0xa: {  	[smem:$0x3F96] =	sst s2  }
0xb: {  	[smem:$0x3F97] =	sst s3  }
0xc: {  	[smem:$0x3F98] =	sst s4  }
0xd: {  	[smem:$0x3F99] =	sst s5  }
0xe: {  	[smem:$0x3F9A] =	sst s6  }
0xf: {  	[smem:$0x3F9B] =	sst s7  }
0x10: {  	[smem:$0x3F9C] =	sst s8  }
0x11: {  	[smem:$0x3F9D] =	sst s9;
	s0 =	simm.s32 @!p0 $0x0  }
0x12: {  	s1 =	sld [smem:$0x3F83];
	s0 =	simm.s32 @p0 $0x1  }
0x13: {  	[smem:$0x3F9E] =	sst s0;
	s0 =	simm.s32 @!p1 $0x0  }
0x14: {  	s2 =	sld [smem:$0x3F82];
	s0 =	simm.s32 @p1 $0x1  }
0x15: {  	[smem:$0x3F9F] =	sst s0;
	s0 =	simm.s32 @!p2 $0x0  }
0x16: {  	s3 =	sld [smem:$0x3FDB];
	s0 =	simm.s32 @p2 $0x1  }
0x17: {  	s4 =	simm.s32 $0x1BF5;
	[smem:$0x3FA1] =	sst s0  }
0x18: {  	s0 =	sld [smem:$0x3F84];
	_ =	swait.ge [sflag:s4], $0x0  }
0x19: {  	s7 =	sld [smem:$0x3F85]  }
0x1a: {  	s8 =	sadd.s32 $0xFFFFE003, lr  }
0x1b: {  	s9 =	sadd.s32 $0xFFFFFEF7, lr;
	s5 =	simm.s32 $0xFFFFFFFF;
	p2 =	slt.u32 s8, $0xFFFFF086  }
0x1c: {  	p1 =	slt.u32 s9, $0xF7A;
	s5 =	simm.s32 @!p2 $0x0  }
0x1d: {  	s5 =	simm.s32 @p1 $0x1;
	p0 =	seq.s32 s7, s2  }
0x1e: {  	s7 =	smul.u32 @!p0 $0xF7A, s2;
	p2 =	seq.s32 @!p0 s5, $0x0  }
0x1f: {  	s9 =	smul.u32 $0xF7A, s1;
	s8 =	simm.s32 @!p0 $0x1BF5;
	p2 =	por !p2, p0  }
0x20: {  	[sflag:s8] =	ssyncset.s32 @!p0 $0xFFFFF086;
	s6 =	sadd.s32 @!p0 s3, s7;
	s7 =	simm.s32 @!p0 $0x108  }
0x21: {  	s3 =	sadd.s32 s3, s9;
	s6 =	sadd.s32 @!p0 $0x88, s6;
	s7 =	simm.s32 @p2 $0x1082  }
0x22: {  	[simem:s7], [sflag:s8] =	dma.local @!p0 [hbm:s6], $0xF7A  }
0x23: {  	s9 =	sor.u32 $0xD0000000, s2;
	s6 =	simm.s32 $0x108;
	_ =	swait.ge @!p0 [sflag:s8], $0x0  }
0x24: {  	s3 =	sadd.s32 $0x88, s3;
	s6 =	simm.s32 @!p1 $0x1082;
	[sflag:s4] =	ssyncset.s32 $0xFFFFF086  }
0x25: {  	[simem:s6], [sflag:s4] =	dma.local [hbm:s3], $0xF7A  }
0x26: {  	[smem:$0x3F85] =	sst s1;
	(tag) =	ssettag s2;
	_ =	strace s9  }
0x27: {  	s1 =	sld [smem:$0x3F95]  }
0x28: {  	s2 =	sld [smem:$0x3F96]  }
0x29: {  	s4 =	sld [smem:$0x3F98]  }
0x2a: {  	p0 =	seq.s32 s5, $0x0;
	s5 =	sld [smem:$0x3F99]  }
0x2b: {  	s6 =	sld [smem:$0x3F9A]  }
0x2c: {  	s7 =	sld [smem:$0x3F9B]  }
0x2d: {  	s3 =	simm.s32 $0x108;
	s8 =	sld [smem:$0x3F9C]  }
0x2e: {  	s3 =	simm.s32 @!p0 $0x1082;
	s9 =	sld [smem:$0x3F9D]  }
0x2f: {  	lr =	sadd.s32 s0, s3;
	s0 =	sld [smem:$0x3F94]  }
0x30: {  	s3 =	sld [smem:$0x3F97]  }
0x31: {  	[smem:$0x3FA0] =	sst s10  }
0x32: {  	s10 =	sld [smem:$0x3F9E];
	_ =	sdelay $0x3  }
0x33: {  	p0 =	seq.s32 s10, $0x1;
	s10 =	sld [smem:$0x3FA0];
	_ =	sdelay $0x3  }
0x34: {  	[smem:$0x3FA0] =	sst s10  }
0x35: {  	s10 =	sld [smem:$0x3F9F];
	_ =	sdelay $0x3  }
0x36: {  	p1 =	seq.s32 s10, $0x1;
	s10 =	sld [smem:$0x3FA0];
	_ =	sdelay $0x3  }
0x37: {  	[smem:$0x3FA0] =	sst s10  }
0x38: {  	s10 =	sld [smem:$0x3FA1]  }
0x39: {  	_ = 	snop;
	(pc) =	sbr.ind lr, $3  }
0x3a: {  	_ = 	snop  }
0x3b: {  	_ = 	snop  }
0x3c: {  	p2 =	seq.s32 s10, $0x1;
	s10 =	sld [smem:$0x3FA0]  }
0x3d: {  	_ =	shalt  }
0x3e: {  	_ =	shalt  }
0x3f: {  	_ =	shalt  }
0x40: {  	_ =	shalt  }
0x41: {  	_ =	shalt  }
0x42: {  	_ =	shalt  }
0x43: {  	_ =	shalt  }
0x44: {  	_ =	shalt  }
0x45: {  	_ =	shalt  }
0x46: {  	_ =	shalt  }
0x47: {  	_ =	shalt  }
0x48: {  	_ =	shalt  }
0x49: {  	_ =	shalt  }
0x4a: {  	_ =	shalt  }
0x4b: {  	_ =	shalt  }
0x4c: {  	_ =	shalt  }
0x4d: {  	_ =	shalt  }
0x4e: {  	_ =	shalt  }
0x4f: {  	_ =	shalt  }
0x50: {  	_ =	shalt  }
0x51: {  	_ =	shalt  }
0x52: {  	_ =	shalt  }
0x53: {  	_ =	shalt  }
0x54: {  	_ =	shalt  }
0x55: {  	_ =	shalt  }
0x56: {  	_ =	shalt  }
0x57: {  	_ =	shalt  }
0x58: {  	_ =	shalt  }
0x59: {  	_ =	shalt  }
0x5a: {  	_ =	shalt  }
0x5b: {  	_ =	shalt  }
0x5c: {  	_ =	shalt  }
0x5d: {  	_ =	shalt  }
0x5e: {  	_ =	shalt  }
0x5f: {  	_ =	shalt  }
0x60: {  	_ =	shalt  }
0x61: {  	_ =	shalt  }
0x62: {  	_ =	shalt  }
0x63: {  	_ =	shalt  }
0x64: {  	_ =	shalt  }
0x65: {  	_ =	shalt  }
0x66: {  	_ =	shalt  }
0x67: {  	_ =	shalt  }
0x68: {  	_ =	shalt  }
0x69: {  	_ =	shalt  }
0x6a: {  	_ =	shalt  }
0x6b: {  	_ =	shalt  }
0x6c: {  	_ =	shalt  }
0x6d: {  	_ =	shalt  }
0x6e: {  	_ =	shalt  }
0x6f: {  	_ =	shalt  }
0x70: {  	_ =	shalt  }
0x71: {  	_ =	shalt  }
0x72: {  	_ =	shalt  }
0x73: {  	_ =	shalt  }
0x74: {  	_ =	shalt  }
0x75: {  	_ =	shalt  }
0x76: {  	_ =	shalt  }
0x77: {  	_ =	shalt  }
0x78: {  	_ =	shalt  }
0x79: {  	_ =	shalt  }
0x7a: {  	_ =	shalt  }
0x7b: {  	_ =	shalt  }
0x7c: {  	_ =	shalt  }
0x7d: {  	_ =	shalt  }
0x7e: {  	_ =	shalt  }
0x7f: {  	_ =	shalt  }
0x80: {  	_ =	shalt  }
0x81: {  	_ =	shalt  }
0x82: {  	_ =	shalt  }
0x83: {  	_ =	shalt  }
0x84: {  	_ =	shalt  }
0x85: {  	_ =	shalt  }
0x86: {  	_ =	shalt  }
0x87: {  	_ =	shalt  }
.Lfunc_end0:
.L_simem_size_0:
called_computation.5_lowered:
.L_overlay_start_0:
0x88: {  	s2 =	sld [smem:$0x3FD9]  }
0x89: {  	s3 =	sld [smem:$0x3FFE];
	_ =	sdelay $0x1  }
0x8a: {  	s1 =	srdreg.scid  }
0x8b: {  	s0 =	sand.u32 $0x1, s1  }
0x8c: {  	s15 =	sshll.u32 s0, $0xA;
	s2 =	sadd.s32 s3, s2  }
0x8d: {  	s2 =	sadd.s32 s2, s15  }
0x8e: {  	[smem:$0x3FAC] =	sst s2  }
0x8f: {  	_ = 	snop  }
0x90: {  	s2 =	sld [smem:$0x3FD0];
	_ =	sdelay $0x2  }
0x91: {  	s4 =	simm.s32 $0xB;
	s16 =	simm.s32 $0x10  }
0x92: {  	[smem:s16], [sflag:s4] =	dma.local [hbm:s2], $0x1  }
0x93: {  	_ =	swait.eq [sflag:s4], $0x1  }
0x94: {  	[sflag:s4] =	ssyncset.done $0x0  }
0x95: {  	s17 =	sld [smem:$0x10];
	[sflag:s4] =	ssyncadd.s32 $0xFFFFFFFF  }
0x96: {  	s18 =	sld [smem:$0x11];
	(tm) =	ssettm $0x1  }
0x97: {  	s19 =	sld [smem:$0x3FFB];
	_ =	sdelay $0x3  }
0x98: {  	_ =	strace s19  }
0x99: {  	s2 =	sld [smem:$0x3FFC];
	_ =	sdelay $0x3  }
0x9a: {  	_ =	strace s2  }
0x9b: {  	s2 =	sld [smem:$0x3FFD];
	_ =	sdelay $0x3  }
0x9c: {  	_ =	strace s2  }
0x9d: {  	_ =	strace $0x8FFFFFFF  }
0x9e: {  	s20 =	sld [smem:$0x3FDB];
	_ =	sdelay $0x1  }
0x9f: {  	s5 =	simm.s32 $_scs_section_size  }
0xa0: {  	s6 =	simm.s32 $_size__tile_overlayer_lowered;
	s7 =	simm.s32 $_tile_overlayer_lowered  }
0xa1: {  	s8 =	simm.s32 $0x1BFF;
	s21 =	sshll.u32 s7, $0x1;
	s5 =	sadd.s32 s5, s20  }
0xa2: {  	s22 =	simm.s32 $0x0;
	s6 =	sshll.u32 s6, $0x1;
	s7 =	sadd.s32 s21, s5  }
0xa3: {  	[timem:s22], [sflag:s8] =	dma.local [hbm:s7], s6  }
0xa4: {  	_ =	swait.ge [sflag:s8], s6  }
0xa5: {  	s6 =	ssub.s32 $0x0, s6;
	[sflag:s8] =	ssyncset.done $0x0  }
0xa6: {  	[sflag:s8] =	ssyncadd.s32 s6;
	_ =	sdelay $0x1  }
0xa7: {  	s23 =	simm.s32 $0x1B8B  }
0xa8: {  	_ =	swait.ge [sflag:s23], $0x1  }
0xa9: {  	[sflag:s23] =	ssyncset.done $0x0  }
0xaa: {  	[sflag:s23] =	ssyncadd.s32 $0xFFFFFFFF  }
0xab: {  	s6 =	sld [smem:$0x0]  }
0xac: {  	s7 =	sand.u32 $0xFFFFFFFE, s1  }
0xad: {  	p0 =	sne.s32 s1, s7  }
0xae: {  	s7 =	sshll.u32 @p0 s7, $0xE  }
0xaf: {  	s7 =	sadd.s32 @p0 $0x11B8D, s7;
	s8 =	sshll.u32 @p0 s6, $0x11  }
0xb0: {  	s7 =	sor.u32 @p0 s8, s7  }
0xb1: {  	[sflag:s7] =	ssyncadd.remote.s32 @p0 $0x1;
	_ =	sdelay $0x1  }
0xb2: {  	s7 =	simm.s32 @p0 $0x1B8D  }
0xb3: {  	_ =	swait.eq @p0 [sflag:s7], $0x1  }
0xb4: {  	[sflag:s7] =	ssyncadd.s32 @p0 $0xFFFFFFFF  }
0xb5: {  	s8 =	sshll.u32 @!p0 s1, $0xE  }
0xb6: {  	s8 =	sor.u32 @!p0 $0x4000, s8;
	s7 =	simm.s32 @!p0 $0x1B8D  }
0xb7: {  	s6 =	sshll.u32 @!p0 s6, $0x11;
	s8 =	sadd.s32 @!p0 $0x11B8D, s8;
	_ =	swait.eq @!p0 [sflag:s7], $0x1  }
0xb8: {  	s6 =	sor.u32 @!p0 s6, s8;
	[sflag:s7] =	ssyncadd.s32 @!p0 $0xFFFFFFFF  }
0xb9: {  	s25 =	simm.s32 $0x1B8E;
	s24 =	sld [smem:$0x3FFE];
	[sflag:s6] =	ssyncadd.remote.s32 @!p0 $0x1  }
0xba: {  	s26 =	simm.s32 $execute0_lowered;
	[smem:$0x3FD2] =	sst s25  }
0xbb: {  	s7 =	sshll.u32 s26, $0x1;
	_ =	strace $0x80000049;
	[dreg:$0x1] =	wrdreg $0xFFFFFFFF  }
0xbc: {  	s28 =	simm.s32 $_size_execute0_lowered;
	s5 =	sadd.s32 s5, s7;
	[dreg:$0x0] =	wrdreg $0x0  }
0xbd: {  	s7 =	sshll.u32 s28, $0x1;
	[dreg:$0x2] =	wrdreg s5  }
0xbe: {  	[dreg:$0x3] =	wrdreg s7  }
0xbf: {  	[dreg:$0x4] =	wrdreg $0xC0  }
0xc0: {  	_ =	task [dreg:s22], $0x5FFFF  }
0xc1: {  	[dreg:$0x1] =	wrdreg $0xFFFFFFFF  }
0xc2: {  	[dreg:$0x0] =	wrdreg $0x60  }
0xc3: {  	[dreg:$0x2] =	wrdreg s24  }
0xc4: {  	[dreg:$0x3] =	wrdreg s18  }
0xc5: {  	[dreg:$0x4] =	wrdreg s17  }
0xc6: {  	[dreg:$0x5] =	wrdreg $0x9  }
0xc7: {  	_ =	task.clear_ibuf [dreg:s22], $0x6FFFF;
	_ =	strace $0x90000049  }
0xc8: {  	s29 =	simm.s32 $0x9;
	_ =	strace $0x8000004B  }
0xc9: {  	_ =	swait.ge [sflag:s29], $0x1  }
0xca: {  	[sflag:s29] =	ssyncadd.s32 $0xFFFFFFFF  }
0xcb: {  	_ =	strace $0x9000004B  }
0xcc: {  	_ =	sfence  }
0xcd: {  	s30 =	sld [smem:$0x0];
	_ =	sdelay $0x2  }
0xce: {  	s31 =	sshll.u32 s1, $0xD;
	s1 =	sshrl.u32 s1, $0x2  }
0xcf: {  	s4 =	sand.u32 $0x4000, s31;
	s1 =	sadd.s32 s1, s30  }
0xd0: {  	s0 =	sor.u32 s4, s0;
	s1 =	sshll.u32 s1, $0x11  }
0xd1: {  	s0 =	sor.u32 s1, s0  }
0xd2: {  	s0 =	sadd.s32 $0x8F2B, s0  }
0xd3: {  	[sflag:s0] =	ssyncadd.remote.s32 $0x1  }
0xd4: {  	_ =	sfence.sel $0xFFFF  }
0xd5: {  	[dreg:$0x0] =	wrdreg $0xFFFFFFFF;
	(pc) =	sbr.abs _section_cstart, $3  }
0xd6: {  	[dreg:$0x1] =	wrdreg $0xFFFFFFFF  }
0xd7: {  	_ =	task.clear_ibuf [dreg:s22], $0x2FFFF;
	_ =	strace $0x9FFFFFFF  }
0xd8: {  	(tm) =	ssettm $0x7FFFFFFF  }
0xd9: {  	_ =	shalt  }
tec
execute0_lowered:
.L_overlay_start_1:
0x0: {  	(tag) =	ssettag $0x1  }
0x1: {  	s7 =	rddreg [dreg:$0x0]  }
0x2: {  	s1 =	rddreg [dreg:$0x1]  }
0x3: {  	s2 =	rddreg [dreg:$0x2]  }
0x4: {  	s0 =	rddreg [dreg:$0x3];
	s3 =	simm.s32 $0x0  }
0x5: {  	s4 =	srdreg.scid;
	s12 =	simm.s32 $0x4100;
	s13 =	simm.s32 $0x100  }
0x6: {  	s14 =	simm.s32 $0x8100;
	s15 =	simm.s32 $0x0;
	[smem:$0x7FF] =	sst s3  }
0x7: {  	s8 =	sand.u32 $0x1, s4;
	s4 =	stileid.u32;
	s5 =	sadd.s32 $0x72B400, s7  }
0x8: {  	s6 =	sadd.s32 $0x1D4200, s7;
	s7 =	sadd.s32 $0x35B200, s7;
	s9 =	ssub.s32 $0x2, s8  }
0x9: {  	_ =	strace $0x8000004A;
	s11 =	sshll.u32 s4, $0x1;
	s10 =	sshrl.u32 s9, $0x1  }
0xa: {  	s8 =	sor.u32 s8, s11;
	s11 =	simm.s32 $0x80;
	s9 =	ssub.s32 s9, s10  }
0xb: {  	v0 =	vlaneseq.u32;
	s8 =	smul.u32 $0x4B00, s8;
	s10 =	simm.s32 $0x1;
	s9 =	smax.u32 s9, $0x1  }
.LBB2_1:
0xc: {  	s16 =	simm.s32 $0x0  }
.LBB2_2:
0xd: {  	s17 =	sshll.u32 s16, $0x7  }
0xe: {  	s17 =	sadd.s32 s8, s17  }
0xf: {  	s19 =	sshrl.u32 s17, $0x3  }
0x10: {  	s18 =	simm.s32 $0x0;
	s20 =	sadd.s32 s7, s19  }
0x11: {  	[tilespmem:s18], [sflag:$0x1] =	stream.linear.gather [hbm4b:s20+s18], $0x80, $0x38;
	[tilespmem:$0x8500] =	vst v63  }
0x12: {  	_ =	swait.ge [sflag:s10], $0x80  }
0x13: {  	[sflag:s10] =	ssyncset.done $0x0  }
0x14: {  	s19 =	sadd.s32 s1, s19;
	[sflag:s10] =	ssyncadd.s32 $0xFFFFFF80  }
0x15: {  	[tilespmem:s11], [sflag:$0x1] =	stream.linear.gather [hbm4b:s19+s18], $0x80, $0x38;
	[tilespmem:$0x8500] =	vst v63  }
0x16: {  	_ =	swait.ge [sflag:s10], $0x80  }
0x17: {  	[sflag:s10] =	ssyncset.done $0x0  }
0x18: {  	[sflag:s10] =	ssyncadd.s32 $0xFFFFFF80  }
0x19: {  	[tilespmem:s12], [sflag:$0x1] =	stream.indirect.gather [hbm4b:s6+s11], $0x80, s18, s11, $0xb8;
	[tilespmem:$0x8500] =	vst v63  }
0x1a: {  	_ =	swait.ge [sflag:s10], $0x4000  }
0x1b: {  	[sflag:s10] =	ssyncset.done $0x0  }
0x1c: {  	[sflag:s10] =	ssyncadd.s32 $0xFFFFC000  }
0x1d: {  	[tilespmem:s13], [sflag:$0x1] =	stream.indirect.gather [hbm4b:s5+s11], $0x80, s11, s11, $0xb8;
	[tilespmem:$0x8500] =	vst v63  }
0x1e: {  	_ =	swait.ge [sflag:s10], $0x4000  }
0x1f: {  	[sflag:s10] =	ssyncset.done $0x0  }
0x20: {  	[sflag:s10] =	ssyncadd.s32 $0xFFFFC000  }
.LBB2_3:
0x21: {  	v2 =	vor.u32 s18, v0  }
0x22: {  	v1 =	vshll.u32 v2, $0x7;
	_ =	sdelay $0x1  }
0x23: {  	v3 =	vor.u32 $0x1, v1;
	_ =	sdelay $0x1  }
0x24: {  	v4 =	vor.u32 $0x2, v1  }
0x25: {  	v5 =	vld.idx.msk [tilespmem:v1+s13+$0x0], $0xffff  }
0x26: {  	v7 =	vor.u32 $0x3, v1;
	v6 =	vld.idx.msk [tilespmem:v1+s12+$0x0], $0xffff  }
0x27: {  	v8 =	vld.idx.msk [tilespmem:v3+s13+$0x0], $0xffff  }
0x28: {  	v9 =	vor.u32 $0x4, v1;
	v3 =	vld.idx.msk [tilespmem:v3+s12+$0x0], $0xffff  }
0x29: {  	v10 =	vld.idx.msk [tilespmem:v4+s13+$0x0], $0xffff  }
0x2a: {  	v11 =	vor.u32 $0x5, v1;
	v4 =	vld.idx.msk [tilespmem:v4+s12+$0x0], $0xffff  }
0x2b: {  	v22 =	vld.idx.msk [tilespmem:v7+s13+$0x0], $0xffff;
	v5 =	vmul.f32 v6, v5  }
0x2c: {  	v12 =	vor.u32 $0x6, v1;
	v7 =	vld.idx.msk [tilespmem:v7+s12+$0x0], $0xffff  }
0x2d: {  	v23 =	vld.idx.msk [tilespmem:v9+s13+$0x0], $0xffff;
	v3 =	vmul.f32 v3, v8;
	v5 =	vadd.f32 $0.0e+00, v5  }
0x2e: {  	v13 =	vor.u32 $0x7, v1;
	v9 =	vld.idx.msk [tilespmem:v9+s12+$0x0], $0xffff  }
0x2f: {  	v24 =	vld.idx.msk [tilespmem:v11+s13+$0x0], $0xffff;
	v4 =	vmul.f32 v4, v10;
	v3 =	vadd.f32 v3, v5  }
0x30: {  	v26 =	vor.u32 $0x8, v1;
	v25 =	vld.idx.msk [tilespmem:v11+s12+$0x0], $0xffff  }
0x31: {  	v28 =	vld.idx.msk [tilespmem:v12+s13+$0x0], $0xffff;
	v27 =	vmul.f32 v7, v22;
	v3 =	vadd.f32 v4, v3  }
0x32: {  	v30 =	vor.u32 $0x9, v1;
	v29 =	vld.idx.msk [tilespmem:v12+s12+$0x0], $0xffff  }
0x33: {  	v32 =	vld.idx.msk [tilespmem:v13+s13+$0x0], $0xffff;
	v31 =	vmul.f32 v9, v23;
	v3 =	vadd.f32 v27, v3  }
0x34: {  	v34 =	vor.u32 $0xA, v1;
	v33 =	vld.idx.msk [tilespmem:v13+s12+$0x0], $0xffff  }
0x35: {  	v36 =	vld.idx.msk [tilespmem:v26+s13+$0x0], $0xffff;
	v35 =	vmul.f32 v25, v24;
	v3 =	vadd.f32 v31, v3  }
0x36: {  	v38 =	vor.u32 $0xB, v1;
	v37 =	vld.idx.msk [tilespmem:v26+s12+$0x0], $0xffff  }
0x37: {  	v40 =	vld.idx.msk [tilespmem:v30+s13+$0x0], $0xffff;
	v39 =	vmul.f32 v29, v28;
	v3 =	vadd.f32 v35, v3  }
0x38: {  	v42 =	vor.u32 $0xC, v1;
	v41 =	vld.idx.msk [tilespmem:v30+s12+$0x0], $0xffff  }
0x39: {  	v44 =	vld.idx.msk [tilespmem:v34+s13+$0x0], $0xffff;
	v43 =	vmul.f32 v33, v32;
	v3 =	vadd.f32 v39, v3  }
0x3a: {  	v46 =	vor.u32 $0xD, v1;
	v45 =	vld.idx.msk [tilespmem:v34+s12+$0x0], $0xffff  }
0x3b: {  	v48 =	vld.idx.msk [tilespmem:v38+s13+$0x0], $0xffff;
	v47 =	vmul.f32 v37, v36;
	v3 =	vadd.f32 v43, v3  }
0x3c: {  	v50 =	vor.u32 $0xE, v1;
	v49 =	vld.idx.msk [tilespmem:v38+s12+$0x0], $0xffff  }
0x3d: {  	v52 =	vld.idx.msk [tilespmem:v42+s13+$0x0], $0xffff;
	v51 =	vmul.f32 v41, v40;
	v3 =	vadd.f32 v47, v3  }
0x3e: {  	v54 =	vor.u32 $0xF, v1;
	v53 =	vld.idx.msk [tilespmem:v42+s12+$0x0], $0xffff  }
0x3f: {  	v56 =	vld.idx.msk [tilespmem:v46+s13+$0x0], $0xffff;
	v55 =	vmul.f32 v45, v44;
	v3 =	vadd.f32 v51, v3  }
0x40: {  	v57 =	vld.idx.msk [tilespmem:v46+s12+$0x0], $0xffff  }
0x41: {  	v59 =	vld.idx.msk [tilespmem:v50+s13+$0x0], $0xffff;
	v58 =	vmul.f32 v49, v48;
	v3 =	vadd.f32 v55, v3  }
0x42: {  	v60 =	vld.idx.msk [tilespmem:v50+s12+$0x0], $0xffff  }
0x43: {  	v62 =	vld.idx.msk [tilespmem:v54+s13+$0x0], $0xffff;
	v61 =	vmul.f32 v53, v52;
	v3 =	vadd.f32 v58, v3  }
0x44: {  	v63 =	vld.idx.msk [tilespmem:v54+s12+$0x0], $0xffff  }
0x45: {  	v9 =	vmul.f32 v57, v56;
	v3 =	vadd.f32 v61, v3;
	_ =	sdelay $0x1  }
0x46: {  	v10 =	vmul.f32 v60, v59;
	v3 =	vadd.f32 v9, v3  }
0x47: {  	v2 =	vshll.u32 v2, $0x3  }
0x48: {  	v12 =	vor.u32 $0x10, v1;
	v11 =	vmul.f32 v63, v62;
	v3 =	vadd.f32 v10, v3;
	_ =	sdelay $0x1  }
0x49: {  	v13 =	vor.u32 $0x11, v1;
	v3 =	vadd.f32 v11, v3;
	_ =	sdelay $0x1  }
0x4a: {  	[tilespmem:v2+s14+$0x0] =	vst.idx.msk $0xffff, v3;
	v3 =	vor.u32 $0x12, v1  }
0x4b: {  	v14 =	vld.idx.msk [tilespmem:v12+s13+$0x0], $0xffff  }
0x4c: {  	v15 =	vor.u32 $0x13, v1;
	v5 =	vld.idx.msk [tilespmem:v12+s12+$0x0], $0xffff  }
0x4d: {  	v16 =	vld.idx.msk [tilespmem:v13+s13+$0x0], $0xffff  }
0x4e: {  	v17 =	vor.u32 $0x14, v1;
	v4 =	vld.idx.msk [tilespmem:v13+s12+$0x0], $0xffff  }
0x4f: {  	v18 =	vld.idx.msk [tilespmem:v3+s13+$0x0], $0xffff  }
0x50: {  	v19 =	vor.u32 $0x15, v1;
	v3 =	vld.idx.msk [tilespmem:v3+s12+$0x0], $0xffff  }
0x51: {  	v20 =	vld.idx.msk [tilespmem:v15+s13+$0x0], $0xffff;
	v5 =	vmul.f32 v5, v14  }
0x52: {  	v21 =	vor.u32 $0x16, v1;
	v7 =	vld.idx.msk [tilespmem:v15+s12+$0x0], $0xffff  }
0x53: {  	v22 =	vld.idx.msk [tilespmem:v17+s13+$0x0], $0xffff;
	v4 =	vmul.f32 v4, v16;
	v5 =	vadd.f32 $0.0e+00, v5  }
0x54: {  	v23 =	vor.u32 $0x17, v1;
	v9 =	vld.idx.msk [tilespmem:v17+s12+$0x0], $0xffff  }
0x55: {  	v24 =	vld.idx.msk [tilespmem:v19+s13+$0x0], $0xffff;
	v4 =	vadd.f32 v4, v5;
	v3 =	vmul.f32 v3, v18  }
0x56: {  	v26 =	vor.u32 $0x18, v1;
	v25 =	vld.idx.msk [tilespmem:v19+s12+$0x0], $0xffff  }
0x57: {  	v28 =	vld.idx.msk [tilespmem:v21+s13+$0x0], $0xffff;
	v27 =	vmul.f32 v7, v20;
	v3 =	vadd.f32 v3, v4  }
0x58: {  	v30 =	vor.u32 $0x19, v1;
	v29 =	vld.idx.msk [tilespmem:v21+s12+$0x0], $0xffff  }
0x59: {  	v32 =	vld.idx.msk [tilespmem:v23+s13+$0x0], $0xffff;
	v31 =	vmul.f32 v9, v22;
	v3 =	vadd.f32 v27, v3  }
0x5a: {  	v34 =	vor.u32 $0x1A, v1;
	v33 =	vld.idx.msk [tilespmem:v23+s12+$0x0], $0xffff  }
0x5b: {  	v36 =	vld.idx.msk [tilespmem:v26+s13+$0x0], $0xffff;
	v35 =	vmul.f32 v25, v24;
	v3 =	vadd.f32 v31, v3  }
0x5c: {  	v38 =	vor.u32 $0x1B, v1;
	v37 =	vld.idx.msk [tilespmem:v26+s12+$0x0], $0xffff  }
0x5d: {  	v40 =	vld.idx.msk [tilespmem:v30+s13+$0x0], $0xffff;
	v39 =	vmul.f32 v29, v28;
	v3 =	vadd.f32 v35, v3  }
0x5e: {  	v42 =	vor.u32 $0x1C, v1;
	v41 =	vld.idx.msk [tilespmem:v30+s12+$0x0], $0xffff  }
0x5f: {  	v44 =	vld.idx.msk [tilespmem:v34+s13+$0x0], $0xffff;
	v43 =	vmul.f32 v33, v32;
	v3 =	vadd.f32 v39, v3  }
0x60: {  	v46 =	vor.u32 $0x1D, v1;
	v45 =	vld.idx.msk [tilespmem:v34+s12+$0x0], $0xffff  }
0x61: {  	v48 =	vld.idx.msk [tilespmem:v38+s13+$0x0], $0xffff;
	v47 =	vmul.f32 v37, v36;
	v3 =	vadd.f32 v43, v3  }
0x62: {  	v50 =	vor.u32 $0x1E, v1;
	v49 =	vld.idx.msk [tilespmem:v38+s12+$0x0], $0xffff  }
0x63: {  	v52 =	vld.idx.msk [tilespmem:v42+s13+$0x0], $0xffff;
	v51 =	vmul.f32 v41, v40;
	v3 =	vadd.f32 v47, v3  }
0x64: {  	v54 =	vor.u32 $0x1F, v1;
	v53 =	vld.idx.msk [tilespmem:v42+s12+$0x0], $0xffff  }
0x65: {  	v56 =	vld.idx.msk [tilespmem:v46+s13+$0x0], $0xffff;
	v55 =	vmul.f32 v45, v44;
	v3 =	vadd.f32 v51, v3  }
0x66: {  	v57 =	vld.idx.msk [tilespmem:v46+s12+$0x0], $0xffff  }
0x67: {  	v59 =	vld.idx.msk [tilespmem:v50+s13+$0x0], $0xffff;
	v58 =	vmul.f32 v49, v48;
	v3 =	vadd.f32 v55, v3  }
0x68: {  	v60 =	vld.idx.msk [tilespmem:v50+s12+$0x0], $0xffff  }
0x69: {  	v62 =	vld.idx.msk [tilespmem:v54+s13+$0x0], $0xffff;
	v61 =	vmul.f32 v53, v52;
	v3 =	vadd.f32 v58, v3  }
0x6a: {  	v63 =	vld.idx.msk [tilespmem:v54+s12+$0x0], $0xffff  }
0x6b: {  	v9 =	vmul.f32 v57, v56;
	v3 =	vadd.f32 v61, v3;
	_ =	sdelay $0x1  }
0x6c: {  	v10 =	vmul.f32 v60, v59;
	v3 =	vadd.f32 v9, v3  }
0x6d: {  	v11 =	vor.u32 $0x1, v2  }
0x6e: {  	v13 =	vor.u32 $0x20, v1;
	v12 =	vmul.f32 v63, v62;
	v3 =	vadd.f32 v10, v3;
	_ =	sdelay $0x1  }
0x6f: {  	v14 =	vor.u32 $0x21, v1;
	v3 =	vadd.f32 v12, v3;
	_ =	sdelay $0x1  }
0x70: {  	[tilespmem:v11+s14+$0x0] =	vst.idx.msk $0xffff, v3;
	v3 =	vor.u32 $0x22, v1  }
0x71: {  	v5 =	vld.idx.msk [tilespmem:v13+s13+$0x0], $0xffff  }
0x72: {  	v15 =	vor.u32 $0x23, v1;
	v6 =	vld.idx.msk [tilespmem:v13+s12+$0x0], $0xffff  }
0x73: {  	v16 =	vld.idx.msk [tilespmem:v14+s13+$0x0], $0xffff  }
0x74: {  	v17 =	vor.u32 $0x24, v1;
	v4 =	vld.idx.msk [tilespmem:v14+s12+$0x0], $0xffff  }
0x75: {  	v18 =	vld.idx.msk [tilespmem:v3+s13+$0x0], $0xffff  }
0x76: {  	v19 =	vor.u32 $0x25, v1;
	v3 =	vld.idx.msk [tilespmem:v3+s12+$0x0], $0xffff  }
0x77: {  	v20 =	vld.idx.msk [tilespmem:v15+s13+$0x0], $0xffff;
	v5 =	vmul.f32 v6, v5  }
0x78: {  	v21 =	vor.u32 $0x26, v1;
	v7 =	vld.idx.msk [tilespmem:v15+s12+$0x0], $0xffff  }
0x79: {  	v22 =	vld.idx.msk [tilespmem:v17+s13+$0x0], $0xffff;
	v4 =	vmul.f32 v4, v16;
	v5 =	vadd.f32 $0.0e+00, v5  }
0x7a: {  	v23 =	vor.u32 $0x27, v1;
	v9 =	vld.idx.msk [tilespmem:v17+s12+$0x0], $0xffff  }
0x7b: {  	v24 =	vld.idx.msk [tilespmem:v19+s13+$0x0], $0xffff;
	v4 =	vadd.f32 v4, v5;
	v3 =	vmul.f32 v3, v18  }
0x7c: {  	v26 =	vor.u32 $0x28, v1;
	v25 =	vld.idx.msk [tilespmem:v19+s12+$0x0], $0xffff  }
0x7d: {  	v28 =	vld.idx.msk [tilespmem:v21+s13+$0x0], $0xffff;
	v27 =	vmul.f32 v7, v20;
	v3 =	vadd.f32 v3, v4  }
0x7e: {  	v30 =	vor.u32 $0x29, v1;
	v29 =	vld.idx.msk [tilespmem:v21+s12+$0x0], $0xffff  }
0x7f: {  	v32 =	vld.idx.msk [tilespmem:v23+s13+$0x0], $0xffff;
	v31 =	vmul.f32 v9, v22;
	v3 =	vadd.f32 v27, v3  }
0x80: {  	v34 =	vor.u32 $0x2A, v1;
	v33 =	vld.idx.msk [tilespmem:v23+s12+$0x0], $0xffff  }
0x81: {  	v36 =	vld.idx.msk [tilespmem:v26+s13+$0x0], $0xffff;
	v35 =	vmul.f32 v25, v24;
	v3 =	vadd.f32 v31, v3  }
0x82: {  	v38 =	vor.u32 $0x2B, v1;
	v37 =	vld.idx.msk [tilespmem:v26+s12+$0x0], $0xffff  }
0x83: {  	v40 =	vld.idx.msk [tilespmem:v30+s13+$0x0], $0xffff;
	v39 =	vmul.f32 v29, v28;
	v3 =	vadd.f32 v35, v3  }
0x84: {  	v42 =	vor.u32 $0x2C, v1;
	v41 =	vld.idx.msk [tilespmem:v30+s12+$0x0], $0xffff  }
0x85: {  	v44 =	vld.idx.msk [tilespmem:v34+s13+$0x0], $0xffff;
	v43 =	vmul.f32 v33, v32;
	v3 =	vadd.f32 v39, v3  }
0x86: {  	v46 =	vor.u32 $0x2D, v1;
	v45 =	vld.idx.msk [tilespmem:v34+s12+$0x0], $0xffff  }
0x87: {  	v48 =	vld.idx.msk [tilespmem:v38+s13+$0x0], $0xffff;
	v47 =	vmul.f32 v37, v36;
	v3 =	vadd.f32 v43, v3  }
0x88: {  	v50 =	vor.u32 $0x2E, v1;
	v49 =	vld.idx.msk [tilespmem:v38+s12+$0x0], $0xffff  }
0x89: {  	v52 =	vld.idx.msk [tilespmem:v42+s13+$0x0], $0xffff;
	v51 =	vmul.f32 v41, v40;
	v3 =	vadd.f32 v47, v3  }
0x8a: {  	v54 =	vor.u32 $0x2F, v1;
	v53 =	vld.idx.msk [tilespmem:v42+s12+$0x0], $0xffff  }
0x8b: {  	v56 =	vld.idx.msk [tilespmem:v46+s13+$0x0], $0xffff;
	v55 =	vmul.f32 v45, v44;
	v3 =	vadd.f32 v51, v3  }
0x8c: {  	v57 =	vld.idx.msk [tilespmem:v46+s12+$0x0], $0xffff  }
0x8d: {  	v59 =	vld.idx.msk [tilespmem:v50+s13+$0x0], $0xffff;
	v58 =	vmul.f32 v49, v48;
	v3 =	vadd.f32 v55, v3  }
0x8e: {  	v60 =	vld.idx.msk [tilespmem:v50+s12+$0x0], $0xffff  }
0x8f: {  	v62 =	vld.idx.msk [tilespmem:v54+s13+$0x0], $0xffff;
	v61 =	vmul.f32 v53, v52;
	v3 =	vadd.f32 v58, v3  }
0x90: {  	v63 =	vld.idx.msk [tilespmem:v54+s12+$0x0], $0xffff  }
0x91: {  	v9 =	vmul.f32 v57, v56;
	v3 =	vadd.f32 v61, v3;
	_ =	sdelay $0x1  }
0x92: {  	v10 =	vmul.f32 v60, v59;
	v3 =	vadd.f32 v9, v3  }
0x93: {  	v11 =	vor.u32 $0x2, v2  }
0x94: {  	v13 =	vor.u32 $0x30, v1;
	v12 =	vmul.f32 v63, v62;
	v3 =	vadd.f32 v10, v3;
	_ =	sdelay $0x1  }
0x95: {  	v14 =	vor.u32 $0x31, v1;
	v3 =	vadd.f32 v12, v3;
	_ =	sdelay $0x1  }
0x96: {  	[tilespmem:v11+s14+$0x0] =	vst.idx.msk $0xffff, v3;
	v3 =	vor.u32 $0x32, v1  }
0x97: {  	v5 =	vld.idx.msk [tilespmem:v13+s13+$0x0], $0xffff  }
0x98: {  	v15 =	vor.u32 $0x33, v1;
	v6 =	vld.idx.msk [tilespmem:v13+s12+$0x0], $0xffff  }
0x99: {  	v16 =	vld.idx.msk [tilespmem:v14+s13+$0x0], $0xffff  }
0x9a: {  	v17 =	vor.u32 $0x34, v1;
	v4 =	vld.idx.msk [tilespmem:v14+s12+$0x0], $0xffff  }
0x9b: {  	v18 =	vld.idx.msk [tilespmem:v3+s13+$0x0], $0xffff  }
0x9c: {  	v19 =	vor.u32 $0x35, v1;
	v3 =	vld.idx.msk [tilespmem:v3+s12+$0x0], $0xffff  }
0x9d: {  	v20 =	vld.idx.msk [tilespmem:v15+s13+$0x0], $0xffff;
	v5 =	vmul.f32 v6, v5  }
0x9e: {  	v21 =	vor.u32 $0x36, v1;
	v7 =	vld.idx.msk [tilespmem:v15+s12+$0x0], $0xffff  }
0x9f: {  	v22 =	vld.idx.msk [tilespmem:v17+s13+$0x0], $0xffff;
	v4 =	vmul.f32 v4, v16;
	v5 =	vadd.f32 $0.0e+00, v5  }
0xa0: {  	v23 =	vor.u32 $0x37, v1;
	v9 =	vld.idx.msk [tilespmem:v17+s12+$0x0], $0xffff  }
0xa1: {  	v24 =	vld.idx.msk [tilespmem:v19+s13+$0x0], $0xffff;
	v4 =	vadd.f32 v4, v5;
	v3 =	vmul.f32 v3, v18  }
0xa2: {  	v26 =	vor.u32 $0x38, v1;
	v25 =	vld.idx.msk [tilespmem:v19+s12+$0x0], $0xffff  }
0xa3: {  	v28 =	vld.idx.msk [tilespmem:v21+s13+$0x0], $0xffff;
	v27 =	vmul.f32 v7, v20;
	v3 =	vadd.f32 v3, v4  }
0xa4: {  	v30 =	vor.u32 $0x39, v1;
	v29 =	vld.idx.msk [tilespmem:v21+s12+$0x0], $0xffff  }
0xa5: {  	v32 =	vld.idx.msk [tilespmem:v23+s13+$0x0], $0xffff;
	v31 =	vmul.f32 v9, v22;
	v3 =	vadd.f32 v27, v3  }
0xa6: {  	v34 =	vor.u32 $0x3A, v1;
	v33 =	vld.idx.msk [tilespmem:v23+s12+$0x0], $0xffff  }
0xa7: {  	v36 =	vld.idx.msk [tilespmem:v26+s13+$0x0], $0xffff;
	v35 =	vmul.f32 v25, v24;
	v3 =	vadd.f32 v31, v3  }
0xa8: {  	v38 =	vor.u32 $0x3B, v1;
	v37 =	vld.idx.msk [tilespmem:v26+s12+$0x0], $0xffff  }
0xa9: {  	v40 =	vld.idx.msk [tilespmem:v30+s13+$0x0], $0xffff;
	v39 =	vmul.f32 v29, v28;
	v3 =	vadd.f32 v35, v3  }
0xaa: {  	v42 =	vor.u32 $0x3C, v1;
	v41 =	vld.idx.msk [tilespmem:v30+s12+$0x0], $0xffff  }
0xab: {  	v44 =	vld.idx.msk [tilespmem:v34+s13+$0x0], $0xffff;
	v43 =	vmul.f32 v33, v32;
	v3 =	vadd.f32 v39, v3  }
0xac: {  	v46 =	vor.u32 $0x3D, v1;
	v45 =	vld.idx.msk [tilespmem:v34+s12+$0x0], $0xffff  }
0xad: {  	v48 =	vld.idx.msk [tilespmem:v38+s13+$0x0], $0xffff;
	v47 =	vmul.f32 v37, v36;
	v3 =	vadd.f32 v43, v3  }
0xae: {  	v50 =	vor.u32 $0x3E, v1;
	v49 =	vld.idx.msk [tilespmem:v38+s12+$0x0], $0xffff  }
0xaf: {  	v52 =	vld.idx.msk [tilespmem:v42+s13+$0x0], $0xffff;
	v51 =	vmul.f32 v41, v40;
	v3 =	vadd.f32 v47, v3  }
0xb0: {  	v54 =	vor.u32 $0x3F, v1;
	v53 =	vld.idx.msk [tilespmem:v42+s12+$0x0], $0xffff  }
0xb1: {  	v56 =	vld.idx.msk [tilespmem:v46+s13+$0x0], $0xffff;
	v55 =	vmul.f32 v45, v44;
	v3 =	vadd.f32 v51, v3  }
0xb2: {  	v57 =	vld.idx.msk [tilespmem:v46+s12+$0x0], $0xffff  }
0xb3: {  	v59 =	vld.idx.msk [tilespmem:v50+s13+$0x0], $0xffff;
	v58 =	vmul.f32 v49, v48;
	v3 =	vadd.f32 v55, v3  }
0xb4: {  	v60 =	vld.idx.msk [tilespmem:v50+s12+$0x0], $0xffff  }
0xb5: {  	v62 =	vld.idx.msk [tilespmem:v54+s13+$0x0], $0xffff;
	v61 =	vmul.f32 v53, v52;
	v3 =	vadd.f32 v58, v3  }
0xb6: {  	v63 =	vld.idx.msk [tilespmem:v54+s12+$0x0], $0xffff  }
0xb7: {  	v9 =	vmul.f32 v57, v56;
	v3 =	vadd.f32 v61, v3;
	_ =	sdelay $0x1  }
0xb8: {  	v10 =	vmul.f32 v60, v59;
	v3 =	vadd.f32 v9, v3  }
0xb9: {  	v11 =	vor.u32 $0x3, v2  }
0xba: {  	v13 =	vor.u32 $0x40, v1;
	v12 =	vmul.f32 v63, v62;
	v3 =	vadd.f32 v10, v3;
	_ =	sdelay $0x1  }
0xbb: {  	v14 =	vor.u32 $0x41, v1;
	v3 =	vadd.f32 v12, v3;
	_ =	sdelay $0x1  }
0xbc: {  	[tilespmem:v11+s14+$0x0] =	vst.idx.msk $0xffff, v3;
	v3 =	vor.u32 $0x42, v1  }
0xbd: {  	v5 =	vld.idx.msk [tilespmem:v13+s13+$0x0], $0xffff  }
0xbe: {  	v15 =	vor.u32 $0x43, v1;
	v6 =	vld.idx.msk [tilespmem:v13+s12+$0x0], $0xffff  }
0xbf: {  	v16 =	vld.idx.msk [tilespmem:v14+s13+$0x0], $0xffff  }
0xc0: {  	v17 =	vor.u32 $0x44, v1;
	v4 =	vld.idx.msk [tilespmem:v14+s12+$0x0], $0xffff  }
0xc1: {  	v18 =	vld.idx.msk [tilespmem:v3+s13+$0x0], $0xffff  }
0xc2: {  	v19 =	vor.u32 $0x45, v1;
	v3 =	vld.idx.msk [tilespmem:v3+s12+$0x0], $0xffff  }
0xc3: {  	v20 =	vld.idx.msk [tilespmem:v15+s13+$0x0], $0xffff;
	v5 =	vmul.f32 v6, v5  }
0xc4: {  	v21 =	vor.u32 $0x46, v1;
	v7 =	vld.idx.msk [tilespmem:v15+s12+$0x0], $0xffff  }
0xc5: {  	v22 =	vld.idx.msk [tilespmem:v17+s13+$0x0], $0xffff;
	v4 =	vmul.f32 v4, v16;
	v5 =	vadd.f32 $0.0e+00, v5  }
0xc6: {  	v23 =	vor.u32 $0x47, v1;
	v9 =	vld.idx.msk [tilespmem:v17+s12+$0x0], $0xffff  }
0xc7: {  	v24 =	vld.idx.msk [tilespmem:v19+s13+$0x0], $0xffff;
	v4 =	vadd.f32 v4, v5;
	v3 =	vmul.f32 v3, v18  }
0xc8: {  	v26 =	vor.u32 $0x48, v1;
	v25 =	vld.idx.msk [tilespmem:v19+s12+$0x0], $0xffff  }
0xc9: {  	v28 =	vld.idx.msk [tilespmem:v21+s13+$0x0], $0xffff;
	v27 =	vmul.f32 v7, v20;
	v3 =	vadd.f32 v3, v4  }
0xca: {  	v30 =	vor.u32 $0x49, v1;
	v29 =	vld.idx.msk [tilespmem:v21+s12+$0x0], $0xffff  }
0xcb: {  	v32 =	vld.idx.msk [tilespmem:v23+s13+$0x0], $0xffff;
	v31 =	vmul.f32 v9, v22;
	v3 =	vadd.f32 v27, v3  }
0xcc: {  	v34 =	vor.u32 $0x4A, v1;
	v33 =	vld.idx.msk [tilespmem:v23+s12+$0x0], $0xffff  }
0xcd: {  	v36 =	vld.idx.msk [tilespmem:v26+s13+$0x0], $0xffff;
	v35 =	vmul.f32 v25, v24;
	v3 =	vadd.f32 v31, v3  }
0xce: {  	v38 =	vor.u32 $0x4B, v1;
	v37 =	vld.idx.msk [tilespmem:v26+s12+$0x0], $0xffff  }
0xcf: {  	v40 =	vld.idx.msk [tilespmem:v30+s13+$0x0], $0xffff;
	v39 =	vmul.f32 v29, v28;
	v3 =	vadd.f32 v35, v3  }
0xd0: {  	v42 =	vor.u32 $0x4C, v1;
	v41 =	vld.idx.msk [tilespmem:v30+s12+$0x0], $0xffff  }
0xd1: {  	v44 =	vld.idx.msk [tilespmem:v34+s13+$0x0], $0xffff;
	v43 =	vmul.f32 v33, v32;
	v3 =	vadd.f32 v39, v3  }
0xd2: {  	v46 =	vor.u32 $0x4D, v1;
	v45 =	vld.idx.msk [tilespmem:v34+s12+$0x0], $0xffff  }
0xd3: {  	v48 =	vld.idx.msk [tilespmem:v38+s13+$0x0], $0xffff;
	v47 =	vmul.f32 v37, v36;
	v3 =	vadd.f32 v43, v3  }
0xd4: {  	v50 =	vor.u32 $0x4E, v1;
	v49 =	vld.idx.msk [tilespmem:v38+s12+$0x0], $0xffff  }
0xd5: {  	v52 =	vld.idx.msk [tilespmem:v42+s13+$0x0], $0xffff;
	v51 =	vmul.f32 v41, v40;
	v3 =	vadd.f32 v47, v3  }
0xd6: {  	v54 =	vor.u32 $0x4F, v1;
	v53 =	vld.idx.msk [tilespmem:v42+s12+$0x0], $0xffff  }
0xd7: {  	v56 =	vld.idx.msk [tilespmem:v46+s13+$0x0], $0xffff;
	v55 =	vmul.f32 v45, v44;
	v3 =	vadd.f32 v51, v3  }
0xd8: {  	v57 =	vld.idx.msk [tilespmem:v46+s12+$0x0], $0xffff  }
0xd9: {  	v59 =	vld.idx.msk [tilespmem:v50+s13+$0x0], $0xffff;
	v58 =	vmul.f32 v49, v48;
	v3 =	vadd.f32 v55, v3  }
0xda: {  	v60 =	vld.idx.msk [tilespmem:v50+s12+$0x0], $0xffff  }
0xdb: {  	v62 =	vld.idx.msk [tilespmem:v54+s13+$0x0], $0xffff;
	v61 =	vmul.f32 v53, v52;
	v3 =	vadd.f32 v58, v3  }
0xdc: {  	v63 =	vld.idx.msk [tilespmem:v54+s12+$0x0], $0xffff  }
0xdd: {  	v9 =	vmul.f32 v57, v56;
	v3 =	vadd.f32 v61, v3;
	_ =	sdelay $0x1  }
0xde: {  	v10 =	vmul.f32 v60, v59;
	v3 =	vadd.f32 v9, v3  }
0xdf: {  	v11 =	vor.u32 $0x4, v2  }
0xe0: {  	v13 =	vor.u32 $0x50, v1;
	v12 =	vmul.f32 v63, v62;
	v3 =	vadd.f32 v10, v3;
	_ =	sdelay $0x1  }
0xe1: {  	v14 =	vor.u32 $0x51, v1;
	v3 =	vadd.f32 v12, v3;
	_ =	sdelay $0x1  }
0xe2: {  	[tilespmem:v11+s14+$0x0] =	vst.idx.msk $0xffff, v3;
	v3 =	vor.u32 $0x52, v1  }
0xe3: {  	v5 =	vld.idx.msk [tilespmem:v13+s13+$0x0], $0xffff  }
0xe4: {  	v15 =	vor.u32 $0x53, v1;
	v6 =	vld.idx.msk [tilespmem:v13+s12+$0x0], $0xffff  }
0xe5: {  	v16 =	vld.idx.msk [tilespmem:v14+s13+$0x0], $0xffff  }
0xe6: {  	v17 =	vor.u32 $0x54, v1;
	v4 =	vld.idx.msk [tilespmem:v14+s12+$0x0], $0xffff  }
0xe7: {  	v18 =	vld.idx.msk [tilespmem:v3+s13+$0x0], $0xffff  }
0xe8: {  	v19 =	vor.u32 $0x55, v1;
	v3 =	vld.idx.msk [tilespmem:v3+s12+$0x0], $0xffff  }
0xe9: {  	v20 =	vld.idx.msk [tilespmem:v15+s13+$0x0], $0xffff;
	v5 =	vmul.f32 v6, v5  }
0xea: {  	v21 =	vor.u32 $0x56, v1;
	v7 =	vld.idx.msk [tilespmem:v15+s12+$0x0], $0xffff  }
0xeb: {  	v22 =	vld.idx.msk [tilespmem:v17+s13+$0x0], $0xffff;
	v4 =	vmul.f32 v4, v16;
	v5 =	vadd.f32 $0.0e+00, v5  }
0xec: {  	v23 =	vor.u32 $0x57, v1;
	v9 =	vld.idx.msk [tilespmem:v17+s12+$0x0], $0xffff  }
0xed: {  	v24 =	vld.idx.msk [tilespmem:v19+s13+$0x0], $0xffff;
	v4 =	vadd.f32 v4, v5;
	v3 =	vmul.f32 v3, v18  }
0xee: {  	v26 =	vor.u32 $0x58, v1;
	v25 =	vld.idx.msk [tilespmem:v19+s12+$0x0], $0xffff  }
0xef: {  	v28 =	vld.idx.msk [tilespmem:v21+s13+$0x0], $0xffff;
	v27 =	vmul.f32 v7, v20;
	v3 =	vadd.f32 v3, v4  }
0xf0: {  	v30 =	vor.u32 $0x59, v1;
	v29 =	vld.idx.msk [tilespmem:v21+s12+$0x0], $0xffff  }
0xf1: {  	v32 =	vld.idx.msk [tilespmem:v23+s13+$0x0], $0xffff;
	v31 =	vmul.f32 v9, v22;
	v3 =	vadd.f32 v27, v3  }
0xf2: {  	v34 =	vor.u32 $0x5A, v1;
	v33 =	vld.idx.msk [tilespmem:v23+s12+$0x0], $0xffff  }
0xf3: {  	v36 =	vld.idx.msk [tilespmem:v26+s13+$0x0], $0xffff;
	v35 =	vmul.f32 v25, v24;
	v3 =	vadd.f32 v31, v3  }
0xf4: {  	v38 =	vor.u32 $0x5B, v1;
	v37 =	vld.idx.msk [tilespmem:v26+s12+$0x0], $0xffff  }
0xf5: {  	v40 =	vld.idx.msk [tilespmem:v30+s13+$0x0], $0xffff;
	v39 =	vmul.f32 v29, v28;
	v3 =	vadd.f32 v35, v3  }
0xf6: {  	v42 =	vor.u32 $0x5C, v1;
	v41 =	vld.idx.msk [tilespmem:v30+s12+$0x0], $0xffff  }
0xf7: {  	v44 =	vld.idx.msk [tilespmem:v34+s13+$0x0], $0xffff;
	v43 =	vmul.f32 v33, v32;
	v3 =	vadd.f32 v39, v3  }
0xf8: {  	v46 =	vor.u32 $0x5D, v1;
	v45 =	vld.idx.msk [tilespmem:v34+s12+$0x0], $0xffff  }
0xf9: {  	v48 =	vld.idx.msk [tilespmem:v38+s13+$0x0], $0xffff;
	v47 =	vmul.f32 v37, v36;
	v3 =	vadd.f32 v43, v3  }
0xfa: {  	v50 =	vor.u32 $0x5E, v1;
	v49 =	vld.idx.msk [tilespmem:v38+s12+$0x0], $0xffff  }
0xfb: {  	v52 =	vld.idx.msk [tilespmem:v42+s13+$0x0], $0xffff;
	v51 =	vmul.f32 v41, v40;
	v3 =	vadd.f32 v47, v3  }
0xfc: {  	v54 =	vor.u32 $0x5F, v1;
	v53 =	vld.idx.msk [tilespmem:v42+s12+$0x0], $0xffff  }
0xfd: {  	v56 =	vld.idx.msk [tilespmem:v46+s13+$0x0], $0xffff;
	v55 =	vmul.f32 v45, v44;
	v3 =	vadd.f32 v51, v3  }
0xfe: {  	v57 =	vld.idx.msk [tilespmem:v46+s12+$0x0], $0xffff  }
0xff: {  	v59 =	vld.idx.msk [tilespmem:v50+s13+$0x0], $0xffff;
	v58 =	vmul.f32 v49, v48;
	v3 =	vadd.f32 v55, v3  }
0x100: {  	v60 =	vld.idx.msk [tilespmem:v50+s12+$0x0], $0xffff  }
0x101: {  	v62 =	vld.idx.msk [tilespmem:v54+s13+$0x0], $0xffff;
	v61 =	vmul.f32 v53, v52;
	v3 =	vadd.f32 v58, v3  }
0x102: {  	v63 =	vld.idx.msk [tilespmem:v54+s12+$0x0], $0xffff  }
0x103: {  	v9 =	vmul.f32 v57, v56;
	v3 =	vadd.f32 v61, v3;
	_ =	sdelay $0x1  }
0x104: {  	v10 =	vmul.f32 v60, v59;
	v3 =	vadd.f32 v9, v3  }
0x105: {  	v11 =	vor.u32 $0x5, v2  }
0x106: {  	v13 =	vor.u32 $0x60, v1;
	v12 =	vmul.f32 v63, v62;
	v3 =	vadd.f32 v10, v3;
	_ =	sdelay $0x1  }
0x107: {  	v14 =	vor.u32 $0x61, v1;
	v3 =	vadd.f32 v12, v3;
	_ =	sdelay $0x1  }
0x108: {  	[tilespmem:v11+s14+$0x0] =	vst.idx.msk $0xffff, v3;
	v3 =	vor.u32 $0x62, v1  }
0x109: {  	v5 =	vld.idx.msk [tilespmem:v13+s13+$0x0], $0xffff  }
0x10a: {  	v15 =	vor.u32 $0x63, v1;
	v6 =	vld.idx.msk [tilespmem:v13+s12+$0x0], $0xffff  }
0x10b: {  	v16 =	vld.idx.msk [tilespmem:v14+s13+$0x0], $0xffff  }
0x10c: {  	v17 =	vor.u32 $0x64, v1;
	v4 =	vld.idx.msk [tilespmem:v14+s12+$0x0], $0xffff  }
0x10d: {  	v18 =	vld.idx.msk [tilespmem:v3+s13+$0x0], $0xffff  }
0x10e: {  	v19 =	vor.u32 $0x65, v1;
	v3 =	vld.idx.msk [tilespmem:v3+s12+$0x0], $0xffff  }
0x10f: {  	v20 =	vld.idx.msk [tilespmem:v15+s13+$0x0], $0xffff;
	v5 =	vmul.f32 v6, v5  }
0x110: {  	v21 =	vor.u32 $0x66, v1;
	v7 =	vld.idx.msk [tilespmem:v15+s12+$0x0], $0xffff  }
0x111: {  	v22 =	vld.idx.msk [tilespmem:v17+s13+$0x0], $0xffff;
	v4 =	vmul.f32 v4, v16;
	v5 =	vadd.f32 $0.0e+00, v5  }
0x112: {  	v23 =	vor.u32 $0x67, v1;
	v9 =	vld.idx.msk [tilespmem:v17+s12+$0x0], $0xffff  }
0x113: {  	v24 =	vld.idx.msk [tilespmem:v19+s13+$0x0], $0xffff;
	v4 =	vadd.f32 v4, v5;
	v3 =	vmul.f32 v3, v18  }
0x114: {  	v26 =	vor.u32 $0x68, v1;
	v25 =	vld.idx.msk [tilespmem:v19+s12+$0x0], $0xffff  }
0x115: {  	v28 =	vld.idx.msk [tilespmem:v21+s13+$0x0], $0xffff;
	v27 =	vmul.f32 v7, v20;
	v3 =	vadd.f32 v3, v4  }
0x116: {  	v30 =	vor.u32 $0x69, v1;
	v29 =	vld.idx.msk [tilespmem:v21+s12+$0x0], $0xffff  }
0x117: {  	v32 =	vld.idx.msk [tilespmem:v23+s13+$0x0], $0xffff;
	v31 =	vmul.f32 v9, v22;
	v3 =	vadd.f32 v27, v3  }
0x118: {  	v34 =	vor.u32 $0x6A, v1;
	v33 =	vld.idx.msk [tilespmem:v23+s12+$0x0], $0xffff  }
0x119: {  	v36 =	vld.idx.msk [tilespmem:v26+s13+$0x0], $0xffff;
	v35 =	vmul.f32 v25, v24;
	v3 =	vadd.f32 v31, v3  }
0x11a: {  	v38 =	vor.u32 $0x6B, v1;
	v37 =	vld.idx.msk [tilespmem:v26+s12+$0x0], $0xffff  }
0x11b: {  	v40 =	vld.idx.msk [tilespmem:v30+s13+$0x0], $0xffff;
	v39 =	vmul.f32 v29, v28;
	v3 =	vadd.f32 v35, v3  }
0x11c: {  	v42 =	vor.u32 $0x6C, v1;
	v41 =	vld.idx.msk [tilespmem:v30+s12+$0x0], $0xffff  }
0x11d: {  	v44 =	vld.idx.msk [tilespmem:v34+s13+$0x0], $0xffff;
	v43 =	vmul.f32 v33, v32;
	v3 =	vadd.f32 v39, v3  }
0x11e: {  	v46 =	vor.u32 $0x6D, v1;
	v45 =	vld.idx.msk [tilespmem:v34+s12+$0x0], $0xffff  }
0x11f: {  	v48 =	vld.idx.msk [tilespmem:v38+s13+$0x0], $0xffff;
	v47 =	vmul.f32 v37, v36;
	v3 =	vadd.f32 v43, v3  }
0x120: {  	v50 =	vor.u32 $0x6E, v1;
	v49 =	vld.idx.msk [tilespmem:v38+s12+$0x0], $0xffff  }
0x121: {  	v52 =	vld.idx.msk [tilespmem:v42+s13+$0x0], $0xffff;
	v51 =	vmul.f32 v41, v40;
	v3 =	vadd.f32 v47, v3  }
0x122: {  	v54 =	vor.u32 $0x6F, v1;
	v53 =	vld.idx.msk [tilespmem:v42+s12+$0x0], $0xffff  }
0x123: {  	v56 =	vld.idx.msk [tilespmem:v46+s13+$0x0], $0xffff;
	v55 =	vmul.f32 v45, v44;
	v3 =	vadd.f32 v51, v3  }
0x124: {  	v57 =	vld.idx.msk [tilespmem:v46+s12+$0x0], $0xffff  }
0x125: {  	v59 =	vld.idx.msk [tilespmem:v50+s13+$0x0], $0xffff;
	v58 =	vmul.f32 v49, v48;
	v3 =	vadd.f32 v55, v3  }
0x126: {  	v60 =	vld.idx.msk [tilespmem:v50+s12+$0x0], $0xffff  }
0x127: {  	v62 =	vld.idx.msk [tilespmem:v54+s13+$0x0], $0xffff;
	v61 =	vmul.f32 v53, v52;
	v3 =	vadd.f32 v58, v3  }
0x128: {  	v63 =	vld.idx.msk [tilespmem:v54+s12+$0x0], $0xffff  }
0x129: {  	v9 =	vmul.f32 v57, v56;
	v3 =	vadd.f32 v61, v3;
	_ =	sdelay $0x1  }
0x12a: {  	v10 =	vmul.f32 v60, v59;
	v3 =	vadd.f32 v9, v3  }
0x12b: {  	v11 =	vor.u32 $0x6, v2  }
0x12c: {  	v13 =	vor.u32 $0x70, v1;
	v12 =	vmul.f32 v63, v62;
	v3 =	vadd.f32 v10, v3;
	_ =	sdelay $0x1  }
0x12d: {  	v14 =	vor.u32 $0x71, v1;
	v3 =	vadd.f32 v12, v3;
	_ =	sdelay $0x1  }
0x12e: {  	[tilespmem:v11+s14+$0x0] =	vst.idx.msk $0xffff, v3;
	v3 =	vor.u32 $0x72, v1  }
0x12f: {  	v5 =	vld.idx.msk [tilespmem:v13+s13+$0x0], $0xffff  }
0x130: {  	v15 =	vor.u32 $0x73, v1;
	v6 =	vld.idx.msk [tilespmem:v13+s12+$0x0], $0xffff  }
0x131: {  	v16 =	vld.idx.msk [tilespmem:v14+s13+$0x0], $0xffff  }
0x132: {  	v17 =	vor.u32 $0x74, v1;
	v4 =	vld.idx.msk [tilespmem:v14+s12+$0x0], $0xffff  }
0x133: {  	v18 =	vld.idx.msk [tilespmem:v3+s13+$0x0], $0xffff  }
0x134: {  	v19 =	vor.u32 $0x75, v1;
	v3 =	vld.idx.msk [tilespmem:v3+s12+$0x0], $0xffff  }
0x135: {  	v20 =	vld.idx.msk [tilespmem:v15+s13+$0x0], $0xffff;
	v5 =	vmul.f32 v6, v5  }
0x136: {  	v21 =	vor.u32 $0x76, v1;
	v7 =	vld.idx.msk [tilespmem:v15+s12+$0x0], $0xffff  }
0x137: {  	v22 =	vld.idx.msk [tilespmem:v17+s13+$0x0], $0xffff;
	v4 =	vmul.f32 v4, v16;
	v5 =	vadd.f32 $0.0e+00, v5  }
0x138: {  	v23 =	vor.u32 $0x77, v1;
	v9 =	vld.idx.msk [tilespmem:v17+s12+$0x0], $0xffff  }
0x139: {  	v24 =	vld.idx.msk [tilespmem:v19+s13+$0x0], $0xffff;
	v4 =	vadd.f32 v4, v5;
	v3 =	vmul.f32 v3, v18  }
0x13a: {  	v26 =	vor.u32 $0x78, v1;
	v25 =	vld.idx.msk [tilespmem:v19+s12+$0x0], $0xffff  }
0x13b: {  	v28 =	vld.idx.msk [tilespmem:v21+s13+$0x0], $0xffff;
	v27 =	vmul.f32 v7, v20;
	v3 =	vadd.f32 v3, v4  }
0x13c: {  	v30 =	vor.u32 $0x79, v1;
	v29 =	vld.idx.msk [tilespmem:v21+s12+$0x0], $0xffff  }
0x13d: {  	v32 =	vld.idx.msk [tilespmem:v23+s13+$0x0], $0xffff;
	v31 =	vmul.f32 v9, v22;
	v3 =	vadd.f32 v27, v3  }
0x13e: {  	v34 =	vor.u32 $0x7A, v1;
	v33 =	vld.idx.msk [tilespmem:v23+s12+$0x0], $0xffff  }
0x13f: {  	v36 =	vld.idx.msk [tilespmem:v26+s13+$0x0], $0xffff;
	v35 =	vmul.f32 v25, v24;
	v3 =	vadd.f32 v31, v3  }
0x140: {  	v38 =	vor.u32 $0x7B, v1;
	v37 =	vld.idx.msk [tilespmem:v26+s12+$0x0], $0xffff  }
0x141: {  	v40 =	vld.idx.msk [tilespmem:v30+s13+$0x0], $0xffff;
	v39 =	vmul.f32 v29, v28;
	v3 =	vadd.f32 v35, v3  }
0x142: {  	v42 =	vor.u32 $0x7C, v1;
	v41 =	vld.idx.msk [tilespmem:v30+s12+$0x0], $0xffff  }
0x143: {  	v44 =	vld.idx.msk [tilespmem:v34+s13+$0x0], $0xffff;
	v43 =	vmul.f32 v33, v32;
	v3 =	vadd.f32 v39, v3  }
0x144: {  	v46 =	vor.u32 $0x7D, v1;
	v45 =	vld.idx.msk [tilespmem:v34+s12+$0x0], $0xffff  }
0x145: {  	v48 =	vld.idx.msk [tilespmem:v38+s13+$0x0], $0xffff;
	v47 =	vmul.f32 v37, v36;
	v3 =	vadd.f32 v43, v3  }
0x146: {  	v50 =	vor.u32 $0x7E, v1;
	v49 =	vld.idx.msk [tilespmem:v38+s12+$0x0], $0xffff  }
0x147: {  	v52 =	vld.idx.msk [tilespmem:v42+s13+$0x0], $0xffff;
	v51 =	vmul.f32 v41, v40;
	v3 =	vadd.f32 v47, v3  }
0x148: {  	v1 =	vor.u32 $0x7F, v1;
	v53 =	vld.idx.msk [tilespmem:v42+s12+$0x0], $0xffff  }
0x149: {  	v55 =	vld.idx.msk [tilespmem:v46+s13+$0x0], $0xffff;
	v54 =	vmul.f32 v45, v44;
	v3 =	vadd.f32 v51, v3  }
0x14a: {  	v56 =	vld.idx.msk [tilespmem:v46+s12+$0x0], $0xffff  }
0x14b: {  	v58 =	vld.idx.msk [tilespmem:v50+s13+$0x0], $0xffff;
	v57 =	vmul.f32 v49, v48;
	v3 =	vadd.f32 v54, v3  }
0x14c: {  	v59 =	vld.idx.msk [tilespmem:v50+s12+$0x0], $0xffff  }
0x14d: {  	v61 =	vld.idx.msk [tilespmem:v1+s13+$0x0], $0xffff;
	v60 =	vmul.f32 v53, v52;
	v3 =	vadd.f32 v57, v3  }
0x14e: {  	v1 =	vld.idx.msk [tilespmem:v1+s12+$0x0], $0xffff  }
0x14f: {  	v62 =	vmul.f32 v56, v55;
	v3 =	vadd.f32 v60, v3;
	_ =	sdelay $0x1  }
0x150: {  	v63 =	vmul.f32 v59, v58;
	v3 =	vadd.f32 v62, v3  }
0x151: {  	p0 =	sne.s32 s18, $0x70;
	v2 =	vor.u32 $0x7, v2  }
.Ltmp0:
0x152: {  	v1 =	vmul.f32 v1, v61;
	v3 =	vadd.f32 v63, v3;
	(pc) =	sbr.rel @p0 .LBB2_3-.Ltmp0, $3  }
0x153: {  	_ = 	snop  }
0x154: {  	v1 =	vadd.f32 v1, v3;
	_ =	sdelay $0x1  }
0x155: {  	s18 =	sadd.s32 $0x10, s18;
	[tilespmem:v2+s14+$0x0] =	vst.idx.msk $0xffff, v1  }
0x156: {  	s16 =	sadd.s32 $0x1, s16  }
0x157: {  	p0 =	sne.s32 s16, $0x96  }
.Ltmp1:
0x158: {  	s17 =	sadd.s32 s2, s17;
	(pc) =	sbr.rel @p0 .LBB2_2-.Ltmp1, $4  }
0x159: {  	[hbm4b:s17+s3] =	stream.linear.scatter [tilespmem:s14], [sflag:$0x1], $0x400, $0x38;
	[tilespmem:$0x8500] =	vst v63  }
0x15a: {  	_ =	swait.ge [sflag:s10], $0x400  }
0x15b: {  	[sflag:s10] =	ssyncset.done $0x0  }
0x15c: {  	[sflag:s10] =	ssyncadd.s32 $0xFFFFFC00  }
0x15d: {  	s15 =	sadd.s32 $0x1, s15  }
0x15e: {  	p0 =	sne.s32 s15, s9  }
.Ltmp2:
0x15f: {  	_ = 	snop;
	(pc) =	sbr.rel @p0 .LBB2_1-.Ltmp2, $1  }
0x160: {  	_ =	sdelay $0x3  }
0x161: {  	_ =	sfence.sel $0x180000  }
0x162: {  	[bflag:$0x0] =	sbarrier.arrive $0xFFFF  }
0x163: {  	p0 =	sne.s32 s4, $0x0;
	_ =	strace $0x9000004A  }
0x164: {  	s0 =	sadd.s32 @!p0 $0x100000, s0;
	[bflag:$0x2] =	sbarrier.arrive $0xFFFF  }
0x165: {  	[sflag:s0] =	ssyncadd.tile.s32 @!p0 $0x1;
	_ =	shalt  }
.Lfunc_end2:
_tile_overlayer_lowered:
.L_overlay_start_2:
0x166: {  	(tag) =	ssettag $0x2  }
0x167: {  	s0 =	rddreg [dreg:$0x0];
	s2 =	stileid.u32  }
0x168: {  	s1 =	rddreg [dreg:$0x1];
	p0 =	sne.s32 s2, $0x0  }
0x169: {  	s3 =	rddreg [dreg:$0x2];
	[bflag:$0x3] =	sbarrier.arrive $0xFFFF;
	s2 =	simm.s32 @!p0 $0x1C01  }
0x16a: {  	[timem:s3], [sflag:s2] =	dma.local @!p0 [hbm:s0], s1  }
0x16b: {  	s0 =	simm.s32 @!p0 $0x1  }
0x16c: {  	_ =	swait.ge @!p0 [sflag:s0], s1  }
0x16d: {  	s1 =	ssub.s32 @!p0 $0x0, s1;
	[sflag:s0] =	ssyncset.done @!p0 $0x0  }
0x16e: {  	[sflag:s0] =	ssyncadd.s32 @!p0 s1  }
0x16f: {  	[bflag:$0x3] =	sbarrier.arrive $0xFFFF  }
0x170: {  	_ =	shalt  }

// kernel: scatter_offload_async_start
scs
__scs_entry_jumppad:
0x0: {  	(pc) =	sbr.rel $0x88, $3  }
0x1: {  	(tag) =	ssettag $0x0;
	lr =	simm.s32 $0x1  }
0x2: {  	[smem:$0x3F85] =	sst lr;
	_ =	strace $0xD0000000  }
0x3: {  	_ = 	snop  }
0x4: {  	_ = 	snop  }
0x5: {  	_ = 	snop  }
0x6: {  	_ = 	snop  }
0x7: {  	_ = 	snop  }
__scs_overlays_trampoline_lowered:
0x8: {  	[smem:$0x3F94] =	sst s0  }
0x9: {  	[smem:$0x3F95] =	sst s1  }
0xa: {  	[smem:$0x3F96] =	sst s2  }
0xb: {  	[smem:$0x3F97] =	sst s3  }
0xc: {  	[smem:$0x3F98] =	sst s4  }
0xd: {  	[smem:$0x3F99] =	sst s5  }
0xe: {  	[smem:$0x3F9A] =	sst s6  }
0xf: {  	[smem:$0x3F9B] =	sst s7  }
0x10: {  	[smem:$0x3F9C] =	sst s8  }
0x11: {  	[smem:$0x3F9D] =	sst s9;
	s0 =	simm.s32 @!p0 $0x0  }
0x12: {  	s1 =	sld [smem:$0x3F83];
	s0 =	simm.s32 @p0 $0x1  }
0x13: {  	[smem:$0x3F9E] =	sst s0;
	s0 =	simm.s32 @!p1 $0x0  }
0x14: {  	s2 =	sld [smem:$0x3F82];
	s0 =	simm.s32 @p1 $0x1  }
0x15: {  	[smem:$0x3F9F] =	sst s0;
	s0 =	simm.s32 @!p2 $0x0  }
0x16: {  	s3 =	sld [smem:$0x3FDB];
	s0 =	simm.s32 @p2 $0x1  }
0x17: {  	s4 =	simm.s32 $0x1BF5;
	[smem:$0x3FA1] =	sst s0  }
0x18: {  	s0 =	sld [smem:$0x3F84];
	_ =	swait.ge [sflag:s4], $0x0  }
0x19: {  	s7 =	sld [smem:$0x3F85]  }
0x1a: {  	s8 =	sadd.s32 $0xFFFFE003, lr  }
0x1b: {  	s9 =	sadd.s32 $0xFFFFFEF7, lr;
	s5 =	simm.s32 $0xFFFFFFFF;
	p2 =	slt.u32 s8, $0xFFFFF086  }
0x1c: {  	p1 =	slt.u32 s9, $0xF7A;
	s5 =	simm.s32 @!p2 $0x0  }
0x1d: {  	s5 =	simm.s32 @p1 $0x1;
	p0 =	seq.s32 s7, s2  }
0x1e: {  	s7 =	smul.u32 @!p0 $0xF7A, s2;
	p2 =	seq.s32 @!p0 s5, $0x0  }
0x1f: {  	s9 =	smul.u32 $0xF7A, s1;
	s8 =	simm.s32 @!p0 $0x1BF5;
	p2 =	por !p2, p0  }
0x20: {  	[sflag:s8] =	ssyncset.s32 @!p0 $0xFFFFF086;
	s6 =	sadd.s32 @!p0 s3, s7;
	s7 =	simm.s32 @!p0 $0x108  }
0x21: {  	s3 =	sadd.s32 s3, s9;
	s6 =	sadd.s32 @!p0 $0x88, s6;
	s7 =	simm.s32 @p2 $0x1082  }
0x22: {  	[simem:s7], [sflag:s8] =	dma.local @!p0 [hbm:s6], $0xF7A  }
0x23: {  	s9 =	sor.u32 $0xD0000000, s2;
	s6 =	simm.s32 $0x108;
	_ =	swait.ge @!p0 [sflag:s8], $0x0  }
0x24: {  	s3 =	sadd.s32 $0x88, s3;
	s6 =	simm.s32 @!p1 $0x1082;
	[sflag:s4] =	ssyncset.s32 $0xFFFFF086  }
0x25: {  	[simem:s6], [sflag:s4] =	dma.local [hbm:s3], $0xF7A  }
0x26: {  	[smem:$0x3F85] =	sst s1;
	(tag) =	ssettag s2;
	_ =	strace s9  }
0x27: {  	s1 =	sld [smem:$0x3F95]  }
0x28: {  	s2 =	sld [smem:$0x3F96]  }
0x29: {  	s4 =	sld [smem:$0x3F98]  }
0x2a: {  	p0 =	seq.s32 s5, $0x0;
	s5 =	sld [smem:$0x3F99]  }
0x2b: {  	s6 =	sld [smem:$0x3F9A]  }
0x2c: {  	s7 =	sld [smem:$0x3F9B]  }
0x2d: {  	s3 =	simm.s32 $0x108;
	s8 =	sld [smem:$0x3F9C]  }
0x2e: {  	s3 =	simm.s32 @!p0 $0x1082;
	s9 =	sld [smem:$0x3F9D]  }
0x2f: {  	lr =	sadd.s32 s0, s3;
	s0 =	sld [smem:$0x3F94]  }
0x30: {  	s3 =	sld [smem:$0x3F97]  }
0x31: {  	[smem:$0x3FA0] =	sst s10  }
0x32: {  	s10 =	sld [smem:$0x3F9E];
	_ =	sdelay $0x3  }
0x33: {  	p0 =	seq.s32 s10, $0x1;
	s10 =	sld [smem:$0x3FA0];
	_ =	sdelay $0x3  }
0x34: {  	[smem:$0x3FA0] =	sst s10  }
0x35: {  	s10 =	sld [smem:$0x3F9F];
	_ =	sdelay $0x3  }
0x36: {  	p1 =	seq.s32 s10, $0x1;
	s10 =	sld [smem:$0x3FA0];
	_ =	sdelay $0x3  }
0x37: {  	[smem:$0x3FA0] =	sst s10  }
0x38: {  	s10 =	sld [smem:$0x3FA1]  }
0x39: {  	_ = 	snop;
	(pc) =	sbr.ind lr, $3  }
0x3a: {  	_ = 	snop  }
0x3b: {  	_ = 	snop  }
0x3c: {  	p2 =	seq.s32 s10, $0x1;
	s10 =	sld [smem:$0x3FA0]  }
0x3d: {  	_ =	shalt  }
0x3e: {  	_ =	shalt  }
0x3f: {  	_ =	shalt  }
0x40: {  	_ =	shalt  }
0x41: {  	_ =	shalt  }
0x42: {  	_ =	shalt  }
0x43: {  	_ =	shalt  }
0x44: {  	_ =	shalt  }
0x45: {  	_ =	shalt  }
0x46: {  	_ =	shalt  }
0x47: {  	_ =	shalt  }
0x48: {  	_ =	shalt  }
0x49: {  	_ =	shalt  }
0x4a: {  	_ =	shalt  }
0x4b: {  	_ =	shalt  }
0x4c: {  	_ =	shalt  }
0x4d: {  	_ =	shalt  }
0x4e: {  	_ =	shalt  }
0x4f: {  	_ =	shalt  }
0x50: {  	_ =	shalt  }
0x51: {  	_ =	shalt  }
0x52: {  	_ =	shalt  }
0x53: {  	_ =	shalt  }
0x54: {  	_ =	shalt  }
0x55: {  	_ =	shalt  }
0x56: {  	_ =	shalt  }
0x57: {  	_ =	shalt  }
0x58: {  	_ =	shalt  }
0x59: {  	_ =	shalt  }
0x5a: {  	_ =	shalt  }
0x5b: {  	_ =	shalt  }
0x5c: {  	_ =	shalt  }
0x5d: {  	_ =	shalt  }
0x5e: {  	_ =	shalt  }
0x5f: {  	_ =	shalt  }
0x60: {  	_ =	shalt  }
0x61: {  	_ =	shalt  }
0x62: {  	_ =	shalt  }
0x63: {  	_ =	shalt  }
0x64: {  	_ =	shalt  }
0x65: {  	_ =	shalt  }
0x66: {  	_ =	shalt  }
0x67: {  	_ =	shalt  }
0x68: {  	_ =	shalt  }
0x69: {  	_ =	shalt  }
0x6a: {  	_ =	shalt  }
0x6b: {  	_ =	shalt  }
0x6c: {  	_ =	shalt  }
0x6d: {  	_ =	shalt  }
0x6e: {  	_ =	shalt  }
0x6f: {  	_ =	shalt  }
0x70: {  	_ =	shalt  }
0x71: {  	_ =	shalt  }
0x72: {  	_ =	shalt  }
0x73: {  	_ =	shalt  }
0x74: {  	_ =	shalt  }
0x75: {  	_ =	shalt  }
0x76: {  	_ =	shalt  }
0x77: {  	_ =	shalt  }
0x78: {  	_ =	shalt  }
0x79: {  	_ =	shalt  }
0x7a: {  	_ =	shalt  }
0x7b: {  	_ =	shalt  }
0x7c: {  	_ =	shalt  }
0x7d: {  	_ =	shalt  }
0x7e: {  	_ =	shalt  }
0x7f: {  	_ =	shalt  }
0x80: {  	_ =	shalt  }
0x81: {  	_ =	shalt  }
0x82: {  	_ =	shalt  }
0x83: {  	_ =	shalt  }
0x84: {  	_ =	shalt  }
0x85: {  	_ =	shalt  }
0x86: {  	_ =	shalt  }
0x87: {  	_ =	shalt  }
.Lfunc_end0:
.L_simem_size_0:
called_computation_lowered:
.L_overlay_start_0:
0x88: {  	s2 =	sld [smem:$0x3FD9]  }
0x89: {  	s3 =	sld [smem:$0x3FFE];
	_ =	sdelay $0x1  }
0x8a: {  	s1 =	srdreg.scid  }
0x8b: {  	s0 =	sand.u32 $0x1, s1  }
0x8c: {  	s15 =	sshll.u32 s0, $0xA;
	s2 =	sadd.s32 s3, s2  }
0x8d: {  	s2 =	sadd.s32 s2, s15  }
0x8e: {  	[smem:$0x3FAC] =	sst s2  }
0x8f: {  	_ = 	snop  }
0x90: {  	s2 =	sld [smem:$0x3FD0];
	_ =	sdelay $0x2  }
0x91: {  	s4 =	simm.s32 $0xB;
	s16 =	simm.s32 $0x10  }
0x92: {  	[smem:s16], [sflag:s4] =	dma.local [hbm:s2], $0x1  }
0x93: {  	_ =	swait.eq [sflag:s4], $0x1  }
0x94: {  	[sflag:s4] =	ssyncset.done $0x0  }
0x95: {  	s17 =	sld [smem:$0x10];
	[sflag:s4] =	ssyncadd.s32 $0xFFFFFFFF  }
0x96: {  	s18 =	sld [smem:$0x11];
	(tm) =	ssettm $0x1  }
0x97: {  	s19 =	sld [smem:$0x3FFB];
	_ =	sdelay $0x3  }
0x98: {  	_ =	strace s19  }
0x99: {  	s2 =	sld [smem:$0x3FFC];
	_ =	sdelay $0x3  }
0x9a: {  	_ =	strace s2  }
0x9b: {  	s2 =	sld [smem:$0x3FFD];
	_ =	sdelay $0x3  }
0x9c: {  	_ =	strace s2  }
0x9d: {  	_ =	strace $0x8FFFFFFF  }
0x9e: {  	s20 =	sld [smem:$0x3FDB];
	_ =	sdelay $0x1  }
0x9f: {  	s5 =	simm.s32 $_scs_section_size  }
0xa0: {  	s6 =	simm.s32 $_size__tile_overlayer_lowered;
	s7 =	simm.s32 $_tile_overlayer_lowered  }
0xa1: {  	s8 =	simm.s32 $0x1BFF;
	s21 =	sshll.u32 s7, $0x1;
	s5 =	sadd.s32 s5, s20  }
0xa2: {  	s22 =	simm.s32 $0x0;
	s6 =	sshll.u32 s6, $0x1;
	s7 =	sadd.s32 s21, s5  }
0xa3: {  	[timem:s22], [sflag:s8] =	dma.local [hbm:s7], s6  }
0xa4: {  	_ =	swait.ge [sflag:s8], s6  }
0xa5: {  	s6 =	ssub.s32 $0x0, s6;
	[sflag:s8] =	ssyncset.done $0x0  }
0xa6: {  	[sflag:s8] =	ssyncadd.s32 s6;
	_ =	sdelay $0x1  }
0xa7: {  	s23 =	simm.s32 $0x1B8B  }
0xa8: {  	_ =	swait.ge [sflag:s23], $0x1  }
0xa9: {  	[sflag:s23] =	ssyncset.done $0x0  }
0xaa: {  	[sflag:s23] =	ssyncadd.s32 $0xFFFFFFFF  }
0xab: {  	s6 =	sld [smem:$0x0]  }
0xac: {  	s7 =	sand.u32 $0xFFFFFFFE, s1  }
0xad: {  	p0 =	sne.s32 s1, s7  }
0xae: {  	s7 =	sshll.u32 @p0 s7, $0xE  }
0xaf: {  	s7 =	sadd.s32 @p0 $0x11B8D, s7;
	s8 =	sshll.u32 @p0 s6, $0x11  }
0xb0: {  	s7 =	sor.u32 @p0 s8, s7  }
0xb1: {  	[sflag:s7] =	ssyncadd.remote.s32 @p0 $0x1;
	_ =	sdelay $0x1  }
0xb2: {  	s7 =	simm.s32 @p0 $0x1B8D  }
0xb3: {  	_ =	swait.eq @p0 [sflag:s7], $0x1  }
0xb4: {  	[sflag:s7] =	ssyncadd.s32 @p0 $0xFFFFFFFF  }
0xb5: {  	s8 =	sshll.u32 @!p0 s1, $0xE  }
0xb6: {  	s8 =	sor.u32 @!p0 $0x4000, s8;
	s7 =	simm.s32 @!p0 $0x1B8D  }
0xb7: {  	s9 =	sshll.u32 @!p0 s6, $0x11;
	s8 =	sadd.s32 @!p0 $0x11B8D, s8;
	_ =	swait.eq @!p0 [sflag:s7], $0x1  }
0xb8: {  	[sflag:s7] =	ssyncadd.s32 @!p0 $0xFFFFFFFF;
	s7 =	sor.u32 @!p0 s9, s8  }
0xb9: {  	s25 =	simm.s32 $0x1B8E;
	s24 =	sld [smem:$0x3FFE];
	[sflag:s7] =	ssyncadd.remote.s32 @!p0 $0x1  }
0xba: {  	s26 =	simm.s32 $execute0_lowered;
	[smem:$0x3FD2] =	sst s25  }
0xbb: {  	s8 =	sshll.u32 s26, $0x1;
	_ =	strace $0x80000055;
	[dreg:$0x1] =	wrdreg $0xFFFFFFFF  }
0xbc: {  	s28 =	simm.s32 $_size_execute0_lowered;
	s5 =	sadd.s32 s5, s8;
	[dreg:$0x0] =	wrdreg $0x0  }
0xbd: {  	s8 =	sshll.u32 s28, $0x1;
	[dreg:$0x2] =	wrdreg s5  }
0xbe: {  	[dreg:$0x3] =	wrdreg s8  }
0xbf: {  	[dreg:$0x4] =	wrdreg $0xC0  }
0xc0: {  	_ =	task [dreg:s22], $0x5FFFF  }
0xc1: {  	[dreg:$0x1] =	wrdreg $0xFFFFFFFF  }
0xc2: {  	[dreg:$0x0] =	wrdreg $0x60  }
0xc3: {  	[dreg:$0x2] =	wrdreg s24  }
0xc4: {  	[dreg:$0x3] =	wrdreg s17  }
0xc5: {  	[dreg:$0x4] =	wrdreg s18  }
0xc6: {  	[dreg:$0x5] =	wrdreg s1  }
0xc7: {  	[dreg:$0x6] =	wrdreg s6  }
0xc8: {  	[dreg:$0x7] =	wrdreg $0x9  }
0xc9: {  	_ =	task.clear_ibuf [dreg:s22], $0x8FFFF;
	_ =	strace $0x90000055  }
0xca: {  	s29 =	simm.s32 $0x9;
	_ =	strace $0x80000057  }
0xcb: {  	_ =	swait.ge [sflag:s29], $0x1  }
0xcc: {  	[sflag:s29] =	ssyncadd.s32 $0xFFFFFFFF  }
0xcd: {  	_ =	strace $0x90000057  }
0xce: {  	_ =	sfence  }
0xcf: {  	s30 =	sld [smem:$0x0];
	_ =	sdelay $0x2  }
0xd0: {  	s31 =	sshll.u32 s1, $0xD;
	s1 =	sshrl.u32 s1, $0x2  }
0xd1: {  	s4 =	sand.u32 $0x4000, s31;
	s1 =	sadd.s32 s1, s30  }
0xd2: {  	s0 =	sor.u32 s4, s0;
	s1 =	sshll.u32 s1, $0x11  }
0xd3: {  	s0 =	sor.u32 s1, s0  }
0xd4: {  	s0 =	sadd.s32 $0x8F2B, s0  }
0xd5: {  	[sflag:s0] =	ssyncadd.remote.s32 $0x1  }
0xd6: {  	_ =	sfence.sel $0xFFFF  }
0xd7: {  	[dreg:$0x0] =	wrdreg $0xFFFFFFFF;
	(pc) =	sbr.abs _section_cstart, $3  }
0xd8: {  	[dreg:$0x1] =	wrdreg $0xFFFFFFFF  }
0xd9: {  	_ =	task.clear_ibuf [dreg:s22], $0x2FFFF;
	_ =	strace $0x9FFFFFFF  }
0xda: {  	(tm) =	ssettm $0x7FFFFFFF  }
0xdb: {  	_ =	shalt  }
tec
execute0_lowered:
.L_overlay_start_1:
0x0: {  	(tag) =	ssettag $0x1  }
0x1: {  	s11 =	rddreg [dreg:$0x0]  }
0x2: {  	s14 =	rddreg [dreg:$0x1]  }
0x3: {  	s13 =	rddreg [dreg:$0x2]  }
0x4: {  	s4 =	rddreg [dreg:$0x3];
	_ =	strace $0x80000056;
	s12 =	simm.s32 $0x1  }
0x5: {  	v0 =	vimm.s32 $0x0;
	[sflag:s12] =	ssyncpa.u1 $0x0  }
0x6: {  	[tilespmem:$0x28] =	vst v0  }
0x7: {  	[tilespmem:$0x38] =	vst v0  }
0x8: {  	[tilespmem:$0x48] =	vst v0  }
0x9: {  	[tilespmem:$0x58] =	vst v0  }
0xa: {  	[tilespmem:$0x68] =	vst v0  }
0xb: {  	[tilespmem:$0x78] =	vst v0  }
0xc: {  	[tilespmem:$0x88] =	vst v0  }
0xd: {  	[tilespmem:$0x98] =	vst v0  }
0xe: {  	[tilespmem:$0xA8] =	vst v0  }
0xf: {  	[tilespmem:$0xB8] =	vst v0  }
0x10: {  	[tilespmem:$0xC8] =	vst v0  }
0x11: {  	[tilespmem:$0xD8] =	vst v0  }
0x12: {  	[tilespmem:$0xE8] =	vst v0  }
0x13: {  	[tilespmem:$0xF8] =	vst v0  }
0x14: {  	[tilespmem:$0x108] =	vst v0  }
0x15: {  	[tilespmem:$0x118] =	vst v0  }
0x16: {  	[tilespmem:$0x128] =	vst v0  }
0x17: {  	[tilespmem:$0x138] =	vst v0  }
0x18: {  	[tilespmem:$0x148] =	vst v0  }
0x19: {  	[tilespmem:$0x158] =	vst v0  }
0x1a: {  	[tilespmem:$0x168] =	vst v0  }
0x1b: {  	[tilespmem:$0x178] =	vst v0  }
0x1c: {  	[tilespmem:$0x188] =	vst v0  }
0x1d: {  	[tilespmem:$0x198] =	vst v0  }
0x1e: {  	[tilespmem:$0x1A8] =	vst v0  }
0x1f: {  	[tilespmem:$0x1B8] =	vst v0  }
0x20: {  	[tilespmem:$0x1C8] =	vst v0  }
0x21: {  	[tilespmem:$0x1D8] =	vst v0  }
0x22: {  	[tilespmem:$0x1E8] =	vst v0  }
0x23: {  	[tilespmem:$0x1F8] =	vst v0  }
0x24: {  	[tilespmem:$0x208] =	vst v0  }
0x25: {  	[tilespmem:$0x218] =	vst v0  }
0x26: {  	[tilespmem:$0x228] =	vst v0  }
0x27: {  	[tilespmem:$0x238] =	vst v0  }
0x28: {  	[tilespmem:$0x248] =	vst v0  }
0x29: {  	[tilespmem:$0x258] =	vst v0  }
0x2a: {  	[tilespmem:$0x268] =	vst v0  }
0x2b: {  	[tilespmem:$0x278] =	vst v0  }
0x2c: {  	[tilespmem:$0x288] =	vst v0  }
0x2d: {  	[tilespmem:$0x298] =	vst v0  }
0x2e: {  	[tilespmem:$0x2A8] =	vst v0  }
0x2f: {  	[tilespmem:$0x2B8] =	vst v0  }
0x30: {  	[tilespmem:$0x2C8] =	vst v0  }
0x31: {  	[tilespmem:$0x2D8] =	vst v0  }
0x32: {  	[tilespmem:$0x2E8] =	vst v0  }
0x33: {  	[tilespmem:$0x2F8] =	vst v0  }
0x34: {  	[tilespmem:$0x308] =	vst v0  }
0x35: {  	[tilespmem:$0x318] =	vst v0  }
0x36: {  	[tilespmem:$0x328] =	vst v0  }
0x37: {  	[tilespmem:$0x338] =	vst v0  }
0x38: {  	[tilespmem:$0x348] =	vst v0  }
0x39: {  	[tilespmem:$0x358] =	vst v0  }
0x3a: {  	[tilespmem:$0x368] =	vst v0  }
0x3b: {  	[tilespmem:$0x378] =	vst v0  }
0x3c: {  	[tilespmem:$0x388] =	vst v0  }
0x3d: {  	[tilespmem:$0x398] =	vst v0  }
0x3e: {  	[tilespmem:$0x3A8] =	vst v0  }
0x3f: {  	[tilespmem:$0x3B8] =	vst v0  }
0x40: {  	[tilespmem:$0x3C8] =	vst v0  }
0x41: {  	[tilespmem:$0x3D8] =	vst v0  }
0x42: {  	[tilespmem:$0x3E8] =	vst v0  }
0x43: {  	[tilespmem:$0x3F8] =	vst v0  }
0x44: {  	[tilespmem:$0x408] =	vst v0  }
0x45: {  	[tilespmem:$0x418] =	vst v0  }
0x46: {  	[tilespmem:$0x428] =	vst v0  }
0x47: {  	[tilespmem:$0x438] =	vst v0  }
0x48: {  	[tilespmem:$0x448] =	vst v0  }
0x49: {  	[tilespmem:$0x458] =	vst v0  }
0x4a: {  	[tilespmem:$0x468] =	vst v0  }
0x4b: {  	[tilespmem:$0x478] =	vst v0  }
0x4c: {  	[tilespmem:$0x488] =	vst v0  }
0x4d: {  	[tilespmem:$0x498] =	vst v0  }
0x4e: {  	[tilespmem:$0x4A8] =	vst v0  }
0x4f: {  	[tilespmem:$0x4B8] =	vst v0  }
0x50: {  	[tilespmem:$0x4C8] =	vst v0  }
0x51: {  	[tilespmem:$0x4D8] =	vst v0  }
0x52: {  	[tilespmem:$0x4E8] =	vst v0  }
0x53: {  	[tilespmem:$0x4F8] =	vst v0  }
0x54: {  	[tilespmem:$0x508] =	vst v0  }
0x55: {  	[tilespmem:$0x518] =	vst v0  }
0x56: {  	[tilespmem:$0x528] =	vst v0  }
0x57: {  	[tilespmem:$0x538] =	vst v0  }
0x58: {  	[tilespmem:$0x548] =	vst v0  }
0x59: {  	[tilespmem:$0x558] =	vst v0  }
0x5a: {  	[tilespmem:$0x568] =	vst v0  }
0x5b: {  	[tilespmem:$0x578] =	vst v0  }
0x5c: {  	[tilespmem:$0x588] =	vst v0  }
0x5d: {  	[tilespmem:$0x598] =	vst v0  }
0x5e: {  	[tilespmem:$0x5A8] =	vst v0  }
0x5f: {  	[tilespmem:$0x5B8] =	vst v0  }
0x60: {  	[tilespmem:$0x5C8] =	vst v0  }
0x61: {  	[tilespmem:$0x5D8] =	vst v0  }
0x62: {  	[tilespmem:$0x5E8] =	vst v0  }
0x63: {  	[tilespmem:$0x5F8] =	vst v0  }
0x64: {  	[tilespmem:$0x608] =	vst v0  }
0x65: {  	[tilespmem:$0x618] =	vst v0  }
0x66: {  	[tilespmem:$0x628] =	vst v0  }
0x67: {  	[tilespmem:$0x638] =	vst v0  }
0x68: {  	[tilespmem:$0x648] =	vst v0  }
0x69: {  	[tilespmem:$0x658] =	vst v0  }
0x6a: {  	[tilespmem:$0x668] =	vst v0  }
0x6b: {  	[tilespmem:$0x678] =	vst v0  }
0x6c: {  	[tilespmem:$0x688] =	vst v0  }
0x6d: {  	[tilespmem:$0x698] =	vst v0  }
0x6e: {  	[tilespmem:$0x6A8] =	vst v0  }
0x6f: {  	[tilespmem:$0x6B8] =	vst v0  }
0x70: {  	[tilespmem:$0x6C8] =	vst v0  }
0x71: {  	[tilespmem:$0x6D8] =	vst v0  }
0x72: {  	[tilespmem:$0x6E8] =	vst v0  }
0x73: {  	[tilespmem:$0x6F8] =	vst v0  }
0x74: {  	[tilespmem:$0x708] =	vst v0  }
0x75: {  	[tilespmem:$0x718] =	vst v0  }
0x76: {  	[tilespmem:$0x728] =	vst v0  }
0x77: {  	[tilespmem:$0x738] =	vst v0  }
0x78: {  	[tilespmem:$0x748] =	vst v0  }
0x79: {  	[tilespmem:$0x758] =	vst v0  }
0x7a: {  	[tilespmem:$0x768] =	vst v0  }
0x7b: {  	[tilespmem:$0x778] =	vst v0  }
0x7c: {  	[tilespmem:$0x788] =	vst v0  }
0x7d: {  	[tilespmem:$0x798] =	vst v0  }
0x7e: {  	[tilespmem:$0x7A8] =	vst v0  }
0x7f: {  	[tilespmem:$0x7B8] =	vst v0  }
0x80: {  	[tilespmem:$0x7C8] =	vst v0  }
0x81: {  	[tilespmem:$0x7D8] =	vst v0  }
0x82: {  	[tilespmem:$0x7E8] =	vst v0  }
0x83: {  	[tilespmem:$0x7F8] =	vst v0  }
0x84: {  	[tilespmem:$0x808] =	vst v0  }
0x85: {  	[tilespmem:$0x818] =	vst v0  }
0x86: {  	[tilespmem:$0x828] =	vst v0  }
0x87: {  	[tilespmem:$0x838] =	vst v0  }
0x88: {  	[tilespmem:$0x848] =	vst v0  }
0x89: {  	[tilespmem:$0x858] =	vst v0  }
0x8a: {  	[tilespmem:$0x868] =	vst v0  }
0x8b: {  	[tilespmem:$0x878] =	vst v0  }
0x8c: {  	[tilespmem:$0x888] =	vst v0  }
0x8d: {  	[tilespmem:$0x898] =	vst v0  }
0x8e: {  	[tilespmem:$0x8A8] =	vst v0  }
0x8f: {  	[tilespmem:$0x8B8] =	vst v0  }
0x90: {  	[tilespmem:$0x8C8] =	vst v0  }
0x91: {  	[tilespmem:$0x8D8] =	vst v0  }
0x92: {  	[tilespmem:$0x8E8] =	vst v0  }
0x93: {  	[tilespmem:$0x8F8] =	vst v0  }
0x94: {  	[tilespmem:$0x908] =	vst v0  }
0x95: {  	[tilespmem:$0x918] =	vst v0  }
0x96: {  	[tilespmem:$0x928] =	vst v0  }
0x97: {  	[tilespmem:$0x938] =	vst v0  }
0x98: {  	[tilespmem:$0x948] =	vst v0  }
0x99: {  	[tilespmem:$0x958] =	vst v0  }
0x9a: {  	[tilespmem:$0x968] =	vst v0  }
0x9b: {  	[tilespmem:$0x978] =	vst v0  }
0x9c: {  	[tilespmem:$0x988] =	vst v0  }
0x9d: {  	[tilespmem:$0x998] =	vst v0  }
0x9e: {  	[tilespmem:$0x9A8] =	vst v0  }
0x9f: {  	[tilespmem:$0x9B8] =	vst v0  }
0xa0: {  	[tilespmem:$0x9C8] =	vst v0  }
0xa1: {  	[tilespmem:$0x9D8] =	vst v0  }
0xa2: {  	[tilespmem:$0x9E8] =	vst v0  }
0xa3: {  	[tilespmem:$0x9F8] =	vst v0  }
0xa4: {  	[tilespmem:$0xA08] =	vst v0  }
0xa5: {  	[tilespmem:$0xA18] =	vst v0  }
0xa6: {  	[tilespmem:$0xA28] =	vst v0  }
0xa7: {  	[tilespmem:$0xA38] =	vst v0  }
0xa8: {  	[tilespmem:$0xA48] =	vst v0  }
0xa9: {  	[tilespmem:$0xA58] =	vst v0  }
0xaa: {  	[tilespmem:$0xA68] =	vst v0  }
0xab: {  	[tilespmem:$0xA78] =	vst v0  }
0xac: {  	[tilespmem:$0xA88] =	vst v0  }
0xad: {  	[tilespmem:$0xA98] =	vst v0  }
0xae: {  	[tilespmem:$0xAA8] =	vst v0  }
0xaf: {  	[tilespmem:$0xAB8] =	vst v0  }
0xb0: {  	[tilespmem:$0xAC8] =	vst v0  }
0xb1: {  	[tilespmem:$0xAD8] =	vst v0  }
0xb2: {  	[tilespmem:$0xAE8] =	vst v0  }
0xb3: {  	[tilespmem:$0xAF8] =	vst v0  }
0xb4: {  	[tilespmem:$0xB08] =	vst v0  }
0xb5: {  	[tilespmem:$0xB18] =	vst v0  }
0xb6: {  	[tilespmem:$0xB28] =	vst v0  }
0xb7: {  	[tilespmem:$0xB38] =	vst v0  }
0xb8: {  	[tilespmem:$0xB48] =	vst v0  }
0xb9: {  	[tilespmem:$0xB58] =	vst v0  }
0xba: {  	[tilespmem:$0xB68] =	vst v0  }
0xbb: {  	[tilespmem:$0xB78] =	vst v0  }
0xbc: {  	[tilespmem:$0xB88] =	vst v0  }
0xbd: {  	[tilespmem:$0xB98] =	vst v0  }
0xbe: {  	[tilespmem:$0xBA8] =	vst v0  }
0xbf: {  	[tilespmem:$0xBB8] =	vst v0  }
0xc0: {  	[tilespmem:$0xBC8] =	vst v0  }
0xc1: {  	[tilespmem:$0xBD8] =	vst v0  }
0xc2: {  	[tilespmem:$0xBE8] =	vst v0  }
0xc3: {  	[tilespmem:$0xBF8] =	vst v0  }
0xc4: {  	[tilespmem:$0xC08] =	vst v0  }
0xc5: {  	[tilespmem:$0xC18] =	vst v0  }
0xc6: {  	[tilespmem:$0xC28] =	vst v0  }
0xc7: {  	[tilespmem:$0xC38] =	vst v0  }
0xc8: {  	[tilespmem:$0xC48] =	vst v0  }
0xc9: {  	[tilespmem:$0xC58] =	vst v0  }
0xca: {  	[tilespmem:$0xC68] =	vst v0  }
0xcb: {  	[tilespmem:$0xC78] =	vst v0  }
0xcc: {  	[tilespmem:$0xC88] =	vst v0  }
0xcd: {  	[tilespmem:$0xC98] =	vst v0  }
0xce: {  	[tilespmem:$0xCA8] =	vst v0  }
0xcf: {  	[tilespmem:$0xCB8] =	vst v0  }
0xd0: {  	[tilespmem:$0xCC8] =	vst v0  }
0xd1: {  	[tilespmem:$0xCD8] =	vst v0  }
0xd2: {  	[tilespmem:$0xCE8] =	vst v0  }
0xd3: {  	[tilespmem:$0xCF8] =	vst v0  }
0xd4: {  	[tilespmem:$0xD08] =	vst v0  }
0xd5: {  	[tilespmem:$0xD18] =	vst v0  }
0xd6: {  	[tilespmem:$0xD28] =	vst v0  }
0xd7: {  	[tilespmem:$0xD38] =	vst v0  }
0xd8: {  	[tilespmem:$0xD48] =	vst v0  }
0xd9: {  	[tilespmem:$0xD58] =	vst v0  }
0xda: {  	[tilespmem:$0xD68] =	vst v0  }
0xdb: {  	[tilespmem:$0xD78] =	vst v0  }
0xdc: {  	[tilespmem:$0xD88] =	vst v0  }
0xdd: {  	[tilespmem:$0xD98] =	vst v0  }
0xde: {  	[tilespmem:$0xDA8] =	vst v0  }
0xdf: {  	[tilespmem:$0xDB8] =	vst v0  }
0xe0: {  	[tilespmem:$0xDC8] =	vst v0  }
0xe1: {  	[tilespmem:$0xDD8] =	vst v0  }
0xe2: {  	[tilespmem:$0xDE8] =	vst v0  }
0xe3: {  	[tilespmem:$0xDF8] =	vst v0  }
0xe4: {  	[tilespmem:$0xE08] =	vst v0  }
0xe5: {  	[tilespmem:$0xE18] =	vst v0  }
0xe6: {  	[tilespmem:$0xE28] =	vst v0  }
0xe7: {  	[tilespmem:$0xE38] =	vst v0  }
0xe8: {  	[tilespmem:$0xE48] =	vst v0  }
0xe9: {  	[tilespmem:$0xE58] =	vst v0  }
0xea: {  	[tilespmem:$0xE68] =	vst v0  }
0xeb: {  	[tilespmem:$0xE78] =	vst v0  }
0xec: {  	[tilespmem:$0xE88] =	vst v0  }
0xed: {  	[tilespmem:$0xE98] =	vst v0  }
0xee: {  	[tilespmem:$0xEA8] =	vst v0  }
0xef: {  	[tilespmem:$0xEB8] =	vst v0  }
0xf0: {  	[tilespmem:$0xEC8] =	vst v0  }
0xf1: {  	[tilespmem:$0xED8] =	vst v0  }
0xf2: {  	[tilespmem:$0xEE8] =	vst v0  }
0xf3: {  	[tilespmem:$0xEF8] =	vst v0  }
0xf4: {  	[tilespmem:$0xF08] =	vst v0  }
0xf5: {  	[tilespmem:$0xF18] =	vst v0  }
0xf6: {  	[tilespmem:$0xF28] =	vst v0  }
0xf7: {  	[tilespmem:$0xF38] =	vst v0  }
0xf8: {  	[tilespmem:$0xF48] =	vst v0  }
0xf9: {  	[tilespmem:$0xF58] =	vst v0  }
0xfa: {  	[tilespmem:$0xF68] =	vst v0  }
0xfb: {  	[tilespmem:$0xF78] =	vst v0  }
0xfc: {  	[tilespmem:$0xF88] =	vst v0  }
0xfd: {  	[tilespmem:$0xF98] =	vst v0  }
0xfe: {  	[tilespmem:$0xFA8] =	vst v0  }
0xff: {  	[tilespmem:$0xFB8] =	vst v0  }
0x100: {  	[tilespmem:$0xFC8] =	vst v0  }
0x101: {  	[tilespmem:$0xFD8] =	vst v0  }
0x102: {  	[tilespmem:$0xFE8] =	vst v0  }
0x103: {  	[tilespmem:$0xFF8] =	vst v0  }
0x104: {  	[tilespmem:$0x1008] =	vst v0  }
0x105: {  	[tilespmem:$0x10C8] =	vst v0  }
0x106: {  	[tilespmem:$0x1B28] =	vst v0  }
0x107: {  	[tilespmem:$0x1B18] =	vst v0  }
0x108: {  	[tilespmem:$0x1B08] =	vst v0  }
0x109: {  	[tilespmem:$0x1AF8] =	vst v0  }
0x10a: {  	[tilespmem:$0x1AE8] =	vst v0  }
0x10b: {  	[tilespmem:$0x1AD8] =	vst v0  }
0x10c: {  	[tilespmem:$0x1AC8] =	vst v0  }
0x10d: {  	[tilespmem:$0x1AB8] =	vst v0  }
0x10e: {  	[tilespmem:$0x1AA8] =	vst v0  }
0x10f: {  	[tilespmem:$0x1A98] =	vst v0  }
0x110: {  	[tilespmem:$0x1A88] =	vst v0  }
0x111: {  	[tilespmem:$0x1A78] =	vst v0  }
0x112: {  	[tilespmem:$0x1A68] =	vst v0  }
0x113: {  	[tilespmem:$0x1A58] =	vst v0  }
0x114: {  	[tilespmem:$0x1A48] =	vst v0  }
0x115: {  	[tilespmem:$0x1A38] =	vst v0  }
0x116: {  	[tilespmem:$0x1A28] =	vst v0  }
0x117: {  	[tilespmem:$0x1A18] =	vst v0  }
0x118: {  	[tilespmem:$0x1A08] =	vst v0  }
0x119: {  	[tilespmem:$0x19F8] =	vst v0  }
0x11a: {  	[tilespmem:$0x19E8] =	vst v0  }
0x11b: {  	[tilespmem:$0x19D8] =	vst v0  }
0x11c: {  	[tilespmem:$0x19C8] =	vst v0  }
0x11d: {  	[tilespmem:$0x19B8] =	vst v0  }
0x11e: {  	[tilespmem:$0x19A8] =	vst v0  }
0x11f: {  	[tilespmem:$0x1998] =	vst v0  }
0x120: {  	[tilespmem:$0x1988] =	vst v0  }
0x121: {  	[tilespmem:$0x1978] =	vst v0  }
0x122: {  	[tilespmem:$0x1968] =	vst v0  }
0x123: {  	[tilespmem:$0x1958] =	vst v0  }
0x124: {  	[tilespmem:$0x1948] =	vst v0  }
0x125: {  	[tilespmem:$0x1938] =	vst v0  }
0x126: {  	[tilespmem:$0x1928] =	vst v0  }
0x127: {  	[tilespmem:$0x1918] =	vst v0  }
0x128: {  	[tilespmem:$0x1908] =	vst v0  }
0x129: {  	[tilespmem:$0x18F8] =	vst v0  }
0x12a: {  	[tilespmem:$0x18E8] =	vst v0  }
0x12b: {  	[tilespmem:$0x18D8] =	vst v0  }
0x12c: {  	[tilespmem:$0x18C8] =	vst v0  }
0x12d: {  	[tilespmem:$0x18B8] =	vst v0  }
0x12e: {  	[tilespmem:$0x18A8] =	vst v0  }
0x12f: {  	[tilespmem:$0x1898] =	vst v0  }
0x130: {  	[tilespmem:$0x1888] =	vst v0  }
0x131: {  	[tilespmem:$0x1878] =	vst v0  }
0x132: {  	[tilespmem:$0x1868] =	vst v0  }
0x133: {  	[tilespmem:$0x1858] =	vst v0  }
0x134: {  	[tilespmem:$0x1848] =	vst v0  }
0x135: {  	[tilespmem:$0x1838] =	vst v0  }
0x136: {  	[tilespmem:$0x1828] =	vst v0  }
0x137: {  	[tilespmem:$0x1818] =	vst v0  }
0x138: {  	[tilespmem:$0x1808] =	vst v0  }
0x139: {  	[tilespmem:$0x17F8] =	vst v0  }
0x13a: {  	[tilespmem:$0x17E8] =	vst v0  }
0x13b: {  	[tilespmem:$0x17D8] =	vst v0  }
0x13c: {  	[tilespmem:$0x17C8] =	vst v0  }
0x13d: {  	[tilespmem:$0x17B8] =	vst v0  }
0x13e: {  	[tilespmem:$0x17A8] =	vst v0  }
0x13f: {  	[tilespmem:$0x1798] =	vst v0  }
0x140: {  	[tilespmem:$0x1788] =	vst v0  }
0x141: {  	[tilespmem:$0x1778] =	vst v0  }
0x142: {  	[tilespmem:$0x1768] =	vst v0  }
0x143: {  	[tilespmem:$0x1758] =	vst v0  }
0x144: {  	[tilespmem:$0x1748] =	vst v0  }
0x145: {  	[tilespmem:$0x1738] =	vst v0  }
0x146: {  	[tilespmem:$0x1728] =	vst v0  }
0x147: {  	[tilespmem:$0x1718] =	vst v0  }
0x148: {  	[tilespmem:$0x1708] =	vst v0  }
0x149: {  	[tilespmem:$0x16F8] =	vst v0  }
0x14a: {  	[tilespmem:$0x16E8] =	vst v0  }
0x14b: {  	[tilespmem:$0x16D8] =	vst v0  }
0x14c: {  	[tilespmem:$0x16C8] =	vst v0  }
0x14d: {  	[tilespmem:$0x16B8] =	vst v0  }
0x14e: {  	[tilespmem:$0x16A8] =	vst v0  }
0x14f: {  	[tilespmem:$0x1698] =	vst v0  }
0x150: {  	[tilespmem:$0x1688] =	vst v0  }
0x151: {  	[tilespmem:$0x1678] =	vst v0  }
0x152: {  	[tilespmem:$0x1668] =	vst v0  }
0x153: {  	[tilespmem:$0x1658] =	vst v0  }
0x154: {  	[tilespmem:$0x1648] =	vst v0  }
0x155: {  	[tilespmem:$0x1638] =	vst v0  }
0x156: {  	[tilespmem:$0x1628] =	vst v0  }
0x157: {  	[tilespmem:$0x1618] =	vst v0  }
0x158: {  	[tilespmem:$0x1608] =	vst v0  }
0x159: {  	[tilespmem:$0x15F8] =	vst v0  }
0x15a: {  	[tilespmem:$0x15E8] =	vst v0  }
0x15b: {  	[tilespmem:$0x15D8] =	vst v0  }
0x15c: {  	[tilespmem:$0x15C8] =	vst v0  }
0x15d: {  	[tilespmem:$0x15B8] =	vst v0  }
0x15e: {  	[tilespmem:$0x15A8] =	vst v0  }
0x15f: {  	[tilespmem:$0x1598] =	vst v0  }
0x160: {  	[tilespmem:$0x1588] =	vst v0  }
0x161: {  	[tilespmem:$0x1578] =	vst v0  }
0x162: {  	[tilespmem:$0x1568] =	vst v0  }
0x163: {  	[tilespmem:$0x1558] =	vst v0  }
0x164: {  	[tilespmem:$0x1548] =	vst v0  }
0x165: {  	[tilespmem:$0x1538] =	vst v0  }
0x166: {  	[tilespmem:$0x1528] =	vst v0  }
0x167: {  	[tilespmem:$0x1518] =	vst v0  }
0x168: {  	[tilespmem:$0x1508] =	vst v0  }
0x169: {  	[tilespmem:$0x14F8] =	vst v0  }
0x16a: {  	[tilespmem:$0x14E8] =	vst v0  }
0x16b: {  	[tilespmem:$0x14D8] =	vst v0  }
0x16c: {  	[tilespmem:$0x14C8] =	vst v0  }
0x16d: {  	[tilespmem:$0x14B8] =	vst v0  }
0x16e: {  	[tilespmem:$0x14A8] =	vst v0  }
0x16f: {  	[tilespmem:$0x1498] =	vst v0  }
0x170: {  	[tilespmem:$0x1488] =	vst v0  }
0x171: {  	[tilespmem:$0x1478] =	vst v0  }
0x172: {  	[tilespmem:$0x1468] =	vst v0  }
0x173: {  	[tilespmem:$0x1458] =	vst v0  }
0x174: {  	[tilespmem:$0x1448] =	vst v0  }
0x175: {  	[tilespmem:$0x1438] =	vst v0  }
0x176: {  	[tilespmem:$0x1428] =	vst v0  }
0x177: {  	[tilespmem:$0x1418] =	vst v0  }
0x178: {  	[tilespmem:$0x1408] =	vst v0  }
0x179: {  	[tilespmem:$0x13F8] =	vst v0  }
0x17a: {  	[tilespmem:$0x13E8] =	vst v0  }
0x17b: {  	[tilespmem:$0x13D8] =	vst v0  }
0x17c: {  	[tilespmem:$0x13C8] =	vst v0  }
0x17d: {  	[tilespmem:$0x13B8] =	vst v0  }
0x17e: {  	[tilespmem:$0x13A8] =	vst v0  }
0x17f: {  	[tilespmem:$0x1398] =	vst v0  }
0x180: {  	[tilespmem:$0x1388] =	vst v0  }
0x181: {  	[tilespmem:$0x1378] =	vst v0  }
0x182: {  	[tilespmem:$0x1368] =	vst v0  }
0x183: {  	[tilespmem:$0x1358] =	vst v0  }
0x184: {  	[tilespmem:$0x1348] =	vst v0  }
0x185: {  	[tilespmem:$0x1338] =	vst v0  }
0x186: {  	[tilespmem:$0x1328] =	vst v0  }
0x187: {  	[tilespmem:$0x1318] =	vst v0  }
0x188: {  	[tilespmem:$0x1308] =	vst v0  }
0x189: {  	[tilespmem:$0x12F8] =	vst v0  }
0x18a: {  	[tilespmem:$0x12E8] =	vst v0  }
0x18b: {  	[tilespmem:$0x12D8] =	vst v0  }
0x18c: {  	[tilespmem:$0x12C8] =	vst v0  }
0x18d: {  	[tilespmem:$0x12B8] =	vst v0  }
0x18e: {  	[tilespmem:$0x12A8] =	vst v0  }
0x18f: {  	[tilespmem:$0x1298] =	vst v0  }
0x190: {  	[tilespmem:$0x1288] =	vst v0  }
0x191: {  	[tilespmem:$0x1278] =	vst v0  }
0x192: {  	[tilespmem:$0x1268] =	vst v0  }
0x193: {  	[tilespmem:$0x1258] =	vst v0  }
0x194: {  	[tilespmem:$0x1248] =	vst v0  }
0x195: {  	[tilespmem:$0x1238] =	vst v0  }
0x196: {  	[tilespmem:$0x1228] =	vst v0  }
0x197: {  	[tilespmem:$0x1218] =	vst v0  }
0x198: {  	[tilespmem:$0x1208] =	vst v0  }
0x199: {  	[tilespmem:$0x11F8] =	vst v0  }
0x19a: {  	[tilespmem:$0x11E8] =	vst v0  }
0x19b: {  	[tilespmem:$0x11D8] =	vst v0  }
0x19c: {  	[tilespmem:$0x11C8] =	vst v0  }
0x19d: {  	[tilespmem:$0x11B8] =	vst v0  }
0x19e: {  	[tilespmem:$0x11A8] =	vst v0  }
0x19f: {  	[tilespmem:$0x1198] =	vst v0  }
0x1a0: {  	[tilespmem:$0x1188] =	vst v0  }
0x1a1: {  	[tilespmem:$0x1178] =	vst v0  }
0x1a2: {  	[tilespmem:$0x1168] =	vst v0  }
0x1a3: {  	[tilespmem:$0x1158] =	vst v0  }
0x1a4: {  	[tilespmem:$0x1148] =	vst v0  }
0x1a5: {  	[tilespmem:$0x1138] =	vst v0  }
0x1a6: {  	[tilespmem:$0x1128] =	vst v0  }
0x1a7: {  	[tilespmem:$0x1118] =	vst v0  }
0x1a8: {  	s8 =	stileid.u32;
	[tilespmem:$0x1108] =	vst v0  }
0x1a9: {  	s0 =	smul.u32 $0x2C, s8;
	[tilespmem:$0x10F8] =	vst v0  }
0x1aa: {  	s1 =	smin.u32 s8, $0x8;
	[tilespmem:$0x10E8] =	vst v0  }
0x1ab: {  	[tilespmem:$0x10D8] =	vst v0;
	s0 =	sadd.s32 s1, s0  }
0x1ac: {  	p0 =	slt.u32 s8, $0x8;
	[tilespmem:$0x10A8] =	vst v0;
	s1 =	simm.s32 $0x4BF0;
	s6 =	smul.u32 $0x1B0, s0  }
0x1ad: {  	s1 =	simm.s32 @!p0 $0x4A40;
	[tilespmem:$0x10B8] =	vst v0  }
0x1ae: {  	[tilespmem:$0x1098] =	vst v0;
	s0 =	sadd.s32 s1, s6  }
0x1af: {  	s2 =	simm.s32 $0x2;
	[tilespmem:$0x1028] =	vst v0;
	s7 =	smin.u32 s0, $0x4B000  }
0x1b0: {  	s5 =	simm.s32 $0x9;
	s28 =	simm.s32 $0xA;
	[tilespmem:$0x1088] =	vst v0;
	s0 =	ssub.s32 s7, s6  }
0x1b1: {  	s29 =	simm.s32 $0xB;
	s16 =	simm.s32 $0x0;
	[tilespmem:$0x1078] =	vst v0;
	p0 =	sgt.s32 s0, $0x0  }
0x1b2: {  	p4 =	por $0x0, $0x0;
	s17 =	simm.s32 $0xC;
	[tilespmem:$0x1068] =	vst v0;
	s0 =	simm.s32 @!p0 $0x0  }
0x1b3: {  	s21 =	simm.s32 $0x0;
	s18 =	simm.s32 $0x0;
	[tilespmem:$0x1058] =	vst v0;
	s25 =	smulhi.u32 $0x4BDA12F7, s0  }
0x1b4: {  	s20 =	simm.s32 $0x0;
	s3 =	sadd.s32 $0x189A00, s11;
	s4 =	sand.u32 $0x1, s4;
	[tilespmem:$0x1048] =	vst v0  }
0x1b5: {  	s11 =	sadd.s32 $0x24D2400, s11;
	s30 =	smul.u32 $0x9600, s4;
	[tilespmem:$0x1038] =	vst v0;
	s1 =	sshrl.u32 s25, $0x7  }
0x1b6: {  	s31 =	sshll.u32 s8, $0x5;
	[tilespmem:$0x1018] =	vst v0;
	[sflag:s2] =	ssyncpa.u1 $0x0;
	v0 =	vimm.s32 $0xFFFFFFFF;
	s26 =	smul.u32 $0x1B0, s1  }
.Ltmp0:
0x1b7: {  	[dreg:$0x7] =	wrdreg s4;
	[tilespmem:$0x3648] =	vst v0;
	[sflag:s5] =	ssyncpa.u1 $0x0;
	(pc) =	sbr.rel .LBB2_1-.Ltmp0, $4  }
0x1b8: {  	[dreg:$0x6] =	wrdreg s31;
	[sflag:s28] =	ssyncpa.u1 $0x0;
	p0 =	sne.s32 s0, s26  }
0x1b9: {  	s4 =	sadd.s32 s30, s13;
	s15 =	sadd.s32 s30, s14;
	s12 =	simm.s32 @!p0 $0x0  }
0x1ba: {  	[sflag:s29] =	ssyncpa.u1 $0x0;
	s19 =	smov.u32 s6;
	s12 =	sadd.s32 s12, s1  }
0x1bb: {  	v0 =	vlaneseq.u32;
	[dreg:$0x8] =	wrdreg s6;
	p0 =	por $0x1, $0x1;
	s8 =	sadd.s32 $0x1, s12  }
.LBB2_18:
0x1bc: {  	s0 =	simm.s32 $0x2  }
0x1bd: {  	_ =	swait.ge [sflag:s0], $0x0  }
0x1be: {  	[sflag:s0] =	ssyncset.done $0x0;
	s0 =	simm.s32 $0x0  }
.LBB2_19:
0x1bf: {  	_ =	swait.ge [sflag:s17], s0  }
0x1c0: {  	s31 =	ssub.s32 $0x0, s0;
	v1 =	vmov s23;
	vm0 =	veq.s32 v0, $0x0;
	[sflag:s17] =	ssyncset.done $0x0  }
0x1c1: {  	vm15 =	veq.s32 v0, $0x2;
	v1 =	vsel vm0, s28, v1;
	[sflag:s17] =	ssyncadd.s32 s31  }
0x1c2: {  	v1 =	vsel vm15, s21, v1;
	[sflag:s17] =	ssyncpa.u1 $0x1  }
0x1c3: {  	[tilespmem:$0x3648] =	vst v1  }
.LBB2_20:
0x1c4: {  	s0 =	sadd.s32 $0x1B0, s19  }
0x1c5: {  	s1 =	smov.u32 s6;
	p1 =	slt.s32 s0, s7  }
0x1c6: {  	s1 =	smov.u32 @p1 s0;
	p1 =	sne.s32 s20, s8  }
.Ltmp1:
0x1c7: {  	_ = 	snop;
	(pc) =	sbr.rel @!p1 .LBB2_21-.Ltmp1, $4  }
0x1c8: {  	_ = 	snop  }
0x1c9: {  	s21 =	smov.u32 s18  }
0x1ca: {  	s31 =	sadd.s32 $0x1, s20;
	s18 =	smov.u32 s19;
	p0 =	por !p0, !p0  }
0x1cb: {  	p4 =	por !p4, !p4;
	s20 =	smov.u32 s31;
	s19 =	smov.u32 s1  }
.LBB2_1:
0x1cc: {  	p2 =	sge.u32 s20, s12  }
0x1cd: {  	s0 =	smulhi.u32 @!p2 $0xAAAAAAAB, s20  }
0x1ce: {  	s1 =	smov.u32 s19;
	p3 =	sgt.s32 @!p2 s19, $0x4AE50  }
0x1cf: {  	s2 =	sshra.s32 @!p2 s19, $0x1F;
	p3 =	por !p3, p2;
	s0 =	sshrl.u32 @!p2 s0, $0x1  }
0x1d0: {  	s2 =	sand.u32 @!p2 s2, s19;
	s1 =	simm.s32 @p3 $0x4AE50;
	s0 =	smul.u32 @!p2 $0x3, s0  }
0x1d1: {  	s1 =	ssub.s32 @!p2 s1, s2  }
0x1d2: {  	s23 =	sadd.s32 $0xFFFFFFFF, s20;
	s1 =	sadd.s32 @!p2 $0xFFFB51B0, s1;
	s0 =	ssub.s32 @!p2 s20, s0  }
0x1d3: {  	s2 =	sshll.u32 @!p2 s1, $0x2;
	p3 =	sgt.s32 @!p2 s1, $0x1AF;
	s0 =	smul.u32 @!p2 $0x6C0, s0  }
0x1d4: {  	s5 =	sand.u32 @!p2 $0x7, s19;
	s1 =	ssub.s32 @!p2 $0x6C0, s2;
	p3 =	por !p3, p2  }
0x1d5: {  	s2 =	sshrl.u32 @!p2 s19, $0x3;
	s1 =	sshrl.u32 @!p2 s1, $0x2;
	s0 =	sshrl.u32 @!p2 s0, $0x2  }
0x1d6: {  	s2 =	sadd.s32 @!p2 s2, s4;
	s1 =	simm.s32 @!p3 $0x0;
	s0 =	sadd.s32 @!p2 $0x3888, s0  }
0x1d7: {  	[tilespmem:s0], [sflag:$0xA] =	stream.linear.gather @!p2 [hbm4b:s2+s5], s1, $0x38;
	[tilespmem:$0x1F0F8] =	vst v63  }
0x1d8: {  	p2 =	sge.u32 s23, s12  }
0x1d9: {  	p3 =	sgt.s32 @!p2 s18, $0x4AE50  }
0x1da: {  	s0 =	smov.u32 s18;
	s1 =	sshra.s32 @!p2 s18, $0x1F;
	p3 =	por !p3, p2  }
0x1db: {  	s1 =	sand.u32 @!p2 s1, s18;
	s0 =	simm.s32 @p3 $0x4AE50  }
0x1dc: {  	s0 =	ssub.s32 @!p2 s0, s1  }
0x1dd: {  	s0 =	sadd.s32 @!p2 $0xFFFB51B0, s0  }
0x1de: {  	s1 =	sshll.u32 @!p2 s0, $0x2  }
0x1df: {  	p3 =	sgt.s32 @!p2 s0, $0x1AF;
	s0 =	ssub.s32 @!p2 $0x6C0, s1  }
0x1e0: {  	s22 =	ssub.s32 @!p2 $0x4B000, s18;
	p3 =	por !p3, p2;
	s0 =	sshrl.u32 @!p2 s0, $0x2  }
0x1e1: {  	s1 =	sand.u32 @!p2 $0x1, s23;
	s0 =	simm.s32 @!p3 $0x0;
	p3 =	slt.s32 @!p2 s22, $0x1  }
0x1e2: {  	s2 =	simm.s32 @!p2 $0xA;
	s1 =	smul.u32 @!p2 $0x6C0, s1;
	p3 =	por p2, p3  }
.Ltmp2:
0x1e3: {  	_ =	swait.ge @!p2 [sflag:s2], s0;
	(pc) =	sbr.rel @p3 .LBB2_7-.Ltmp2, $4  }
0x1e4: {  	s5 =	ssub.s32 @!p2 $0x0, s0;
	[sflag:s2] =	ssyncset.done @!p2 $0x0  }
0x1e5: {  	s1 =	sshrl.u32 @!p2 s1, $0x2;
	[sflag:s2] =	ssyncadd.s32 @!p2 s5;
	s2 =	sshrl.u32 @!p2 s18, $0x3  }
0x1e6: {  	s1 =	sadd.s32 @!p2 $0x3D98, s1;
	s5 =	sand.u32 @!p2 $0x7, s18;
	s2 =	sadd.s32 @!p2 s2, s15  }
0x1e7: {  	[tilespmem:s1], [sflag:$0xB] =	stream.linear.gather @!p2 [hbm4b:s2+s5], s0, $0x38;
	[tilespmem:$0x1F0F8] =	vst v63  }
0x1e8: {  	s0 =	smulhi.u32 $0xAAAAAAAB, s23;
	_ =	sdelay $0x1  }
0x1e9: {  	s0 =	sshrl.u32 s0, $0x1  }
0x1ea: {  	s0 =	smul.u32 $0x3, s0;
	_ =	sdelay $0x1  }
0x1eb: {  	s0 =	ssub.s32 s23, s0  }
0x1ec: {  	s1 =	simm.s32 $0x1;
	s0 =	smul.u32 $0x6C0, s0  }
.Ltmp3:
0x1ed: {  	s1 =	simm.s32 @!p0 $0x0;
	(pc) =	sbr.rel .LBB2_4-.Ltmp3, $4  }
0x1ee: {  	s1 =	smul.u32 $0x36000, s1  }
0x1ef: {  	p3 =	slt.s32 @!p2 s22, $0x1B0;
	s0 =	sshrl.u32 s0, $0x2  }
0x1f0: {  	p2 =	por !p3, p2;
	s1 =	sshrl.u32 s1, $0x2;
	s0 =	sadd.s32 $0x3888, s0  }
0x1f1: {  	s24 =	simm.s32 $0x0;
	s22 =	simm.s32 @p2 $0x1B0;
	s23 =	sadd.s32 $0x40F8, s1;
	v1 =	vmov s0  }
.LBB2_3:
0x1f2: {  	p2 =	sge.s32 s24, s22  }
.Ltmp4:
0x1f3: {  	_ = 	snop;
	(pc) =	sbr.rel @p2 .LBB2_7-.Ltmp4, $2  }
0x1f4: {  	_ =	sdelay $0x2  }
0x1f5: {  	s23 =	sadd.s32 $0x800, s23  }
.LBB2_4:
0x1f6: {  	p2 =	sle.s32 s22, s24  }
.Ltmp5:
0x1f7: {  	_ = 	snop;
	(pc) =	sbr.rel @p2 .LBB2_3-.Ltmp5, $2  }
0x1f8: {  	_ =	sdelay $0x2  }
0x1f9: {  	s0 =	smov.u32 s24;
	s24 =	sadd.s32 $0x10, s24  }
0x1fa: {  	s1 =	ssub.s32 s22, s0  }
0x1fb: {  	p2 =	slt.s32 s1, $0x10  }
0x1fc: {  	s1 =	simm.s32 @!p2 $0x10  }
0x1fd: {  	v2 =	vmov s1  }
0x1fe: {  	vm0 =	vgt.s32 v2, v0;
	_ =	sdelay $0x5  }
0x1ff: {  	v2 =	vld.idx.msk [tilespmem:v1+s0+$0x0 ss:$0x1], vm0;
	_ =	sdelay $0x2  }
0x200: {  	p2 =	slt.s32 s24, s22;
	s1 =	smov.u32 s22  }
0x201: {  	s2 =	smov.u32 s23;
	s25 =	simm.s32 $0x0;
	s1 =	smov.u32 @p2 s24  }
.LBB2_6:
0x202: {  	(v2sf) =	vpush v2, s25;
	_ =	sdelay $0xc  }
0x203: {  	s25 =	sadd.s32 $0x1, s25  }
0x204: {  	s31 =	sadd.s32 s25, s0  }
0x205: {  	p2 =	slt.s32 s31, s1;
	s5 =	spop (v2sf)  }
.Ltmp6:
0x206: {  	s5 =	sshll.u32 s5, $0x4;
	(pc) =	sbr.rel @p2 .LBB2_6-.Ltmp6, $4  }
0x207: {  	s5 =	sand.u32 $0x1FFFFFF0, s5  }
0x208: {  	s5 =	sadd.s32 s11, s5  }
0x209: {  	[tilespmem:s2], [sflag:$0x9] =	stream.linear.gather [hbm4b:s5+s16], $0x8, $0x38;
	[tilespmem:$0x1F0F8] =	vst v63  }
0x20a: {  	s2 =	sadd.s32 $0x80, s2  }
.Ltmp7:
0x20b: {  	_ = 	snop;
	(pc) =	sbr.rel .LBB2_3-.Ltmp7, $1  }
0x20c: {  	_ =	sdelay $0x3  }
.LBB2_7:
0x20d: {  	p2 =	slt.u32 s20, $0x2  }
.Ltmp8:
0x20e: {  	_ = 	snop;
	(pc) =	sbr.rel @p2 .LBB2_20-.Ltmp8, $1  }
0x20f: {  	_ =	sdelay $0x3  }
0x210: {  	p2 =	sgt.s32 s21, $0x4AE50  }
0x211: {  	s0 =	smov.u32 s21;
	s1 =	sshra.s32 s21, $0x1F;
	s2 =	ssub.s32 $0x4B000, s21  }
0x212: {  	s0 =	simm.s32 @!p2 $0x4AE50;
	s1 =	sand.u32 s1, s21;
	p2 =	slt.s32 s2, $0x1B0  }
0x213: {  	s0 =	ssub.s32 s0, s1;
	s2 =	simm.s32 @!p2 $0x1B0  }
0x214: {  	s0 =	sadd.s32 $0xFFFB51B0, s0;
	s24 =	sshll.u32 s2, $0x3  }
0x215: {  	s28 =	simm.s32 $0x9;
	s25 =	sshll.u32 s0, $0x2;
	s1 =	sand.u32 $0x3FFFFFF8, s24  }
0x216: {  	p2 =	sgt.s32 s0, $0x1AF;
	s26 =	ssub.s32 $0x6C0, s25;
	_ =	swait.ge [sflag:s28], s1  }
0x217: {  	s1 =	ssub.s32 $0x0, s1;
	[sflag:s28] =	ssyncset.done $0x0;
	s0 =	sshrl.u32 s26, $0x2  }
0x218: {  	s30 =	simm.s32 $0xB;
	[sflag:s28] =	ssyncadd.s32 s1;
	s0 =	simm.s32 @p2 $0x0  }
0x219: {  	_ =	swait.ge [sflag:s30], s0  }
0x21a: {  	s0 =	ssub.s32 $0x0, s0;
	[sflag:s30] =	ssyncset.done $0x0  }
0x21b: {  	[sflag:s30] =	ssyncadd.s32 s0  }
0x21c: {  	v1 =	vld [tilespmem:$0x3648];
	_ =	sdelay $0x4  }
0x21d: {  	(v2sf) =	vpush v1, $0x0  }
0x21e: {  	(v2sf) =	vpush v1, $0x1  }
0x21f: {  	(v2sf) =	vpush v1, $0x2;
	_ =	sdelay $0x3  }
0x220: {  	s0 =	sadd.s32 $0x1B0, s21  }
0x221: {  	s1 =	ssub.s32 $0x96000, s21;
	p2 =	slt.s32 s7, s0  }
0x222: {  	s0 =	smov.u32 @p2 s7;
	p2 =	sgt.s32 s1, $0x0  }
0x223: {  	s25 =	ssub.s32 s0, s21;
	s1 =	simm.s32 @!p2 $0x0  }
0x224: {  	p2 =	slt.s32 s1, s25  }
0x225: {  	s25 =	smov.u32 @p2 s1  }
0x226: {  	s24 =	simm.s32 $0x1;
	p2 =	slt.s32 s25, $0x1  }
.Ltmp9:
0x227: {  	s24 =	simm.s32 @!p4 $0x0;
	(pc) =	sbr.rel @p2 .LBB2_12-.Ltmp9, $4  }
0x228: {  	s31 =	smul.u32 $0x6C0, s24  }
0x229: {  	s26 =	spop (v2sf)  }
0x22a: {  	s0 =	sshrl.u32 s31, $0x2;
	s29 =	spop (v2sf)  }
0x22b: {  	s22 =	sadd.s32 $0x3D98, s0;
	s21 =	spop (v2sf)  }
0x22c: {  	s0 =	smin.u32 s25, $0x10  }
0x22d: {  	v1 =	vmov s0  }
0x22e: {  	p3 =	sgt.s32 s25, $0x10;
	vm1 =	vgt.u32 v1, v0  }
.Ltmp10:
0x22f: {  	_ = 	snop;
	(pc) =	sbr.rel @!p3 .LBB2_11-.Ltmp10, $2  }
0x230: {  	_ =	sdelay $0x2  }
0x231: {  	s23 =	simm.s32 $0x10;
	s28 =	sadd.s32 $0xFFFFFFF0, s25;
	s0 =	smov.u32 s22;
	vm0 =	vmmov vm1  }
.LBB2_10:
0x232: {  	s1 =	smin.u32 s28, $0x10;
	s23 =	sadd.s32 $0x10, s23;
	v1 =	vld.msk [tilespmem:s0+$0x0 ss:$0x1], vm1  }
0x233: {  	v2 =	vmov s1;
	p3 =	slt.s32 s23, s25  }
0x234: {  	vm1 =	vgt.u32 v2, v0  }
.Ltmp11:
0x235: {  	(pc) =	sbr.rel @p3 .LBB2_10-.Ltmp11, $3  }
0x236: {  	_ =	sdelay $0x1  }
0x237: {  	v1 =	vshll.u32 v1, $0x4  }
0x238: {  	s28 =	sadd.s32 $0xFFFFFFF0, s28;
	[tilespmem:s0+$0x0] =	vst.msk vm0, v1;
	s0 =	sadd.s32 $0x10, s0;
	vm0 =	vmmov vm1  }
.LBB2_11:
0x239: {  	_ =	sdelay $0x4  }
0x23a: {  	v1 =	vld.msk [tilespmem:s0+$0x0 ss:$0x1], vm1;
	_ =	sdelay $0x4  }
0x23b: {  	v1 =	vshll.u32 v1, $0x4  }
0x23c: {  	[tilespmem:s0+$0x0] =	vst.msk vm0, v1  }
.LBB2_12:
0x23d: {  	s0 =	sand.u32 $0x1, s20  }
0x23e: {  	s0 =	smul.u32 $0x1B0, s0  }
0x23f: {  	p3 =	sne.s32 s29, $0xFFFFFFFF  }
0x240: {  	v1 =	vld.msk @!p3 [tilespmem:s0+$0x3D98], $0x1;
	_ =	sdelay $0x4  }
0x241: {  	(v2sf) =	vpush @!p3 v1, $0x0;
	_ =	sdelay $0xc  }
.Ltmp12:
0x242: {  	_ = 	snop;
	(pc) =	sbr.rel @p2 .LBB2_18-.Ltmp12, $4  }
0x243: {  	_ = 	snop  }
0x244: {  	s28 =	spop @!p3 (v2sf)  }
0x245: {  	s21 =	simm.s32 @!p3 $0x0;
	s23 =	smov.u32 s28  }
0x246: {  	[sflag:s17] =	ssyncpa.u1 $0x0;
	s28 =	smov.u32 @p3 s26;
	s23 =	smov.u32 @p3 s29  }
0x247: {  	v1 =	vld.msk [tilespmem:s22+$0x0], $0x1;
	_ =	sdelay $0x4  }
0x248: {  	(v2sf) =	vpush v1, $0x0;
	_ =	sdelay $0xe  }
0x249: {  	s0 =	simm.s32 @!p4 $0x0;
	s26 =	smul.u32 $0x36000, s24;
	s31 =	spop (v2sf)  }
0x24a: {  	s29 =	ssub.s32 $0x0, s25;
	s0 =	simm.s32 @p4 $0x1;
	p2 =	seq.s32 s28, s31  }
0x24b: {  	s1 =	smov.u32 s28;
	[smem:$0x7FD] =	sst s0;
	p3 =	sgt.s32 @!p2 s28, $0x0  }
0x24c: {  	s0 =	sshrl.u32 s26, $0x2;
	s26 =	sadd.s32 $0x1, s29;
	p3 =	por !p3, p2  }
0x24d: {  	s1 =	simm.s32 @p3 $0x0;
	p3 =	seq.s32 s26, $0x0  }
.Ltmp13:
0x24e: {  	_ = 	snop;
	(pc) =	sbr.rel @p3 .LBB2_15-.Ltmp13, $4  }
0x24f: {  	s6 =	smov.u32 s8;
	s14 =	smov.u32 s4;
	s25 =	simm.s32 $0x0  }
0x250: {  	s24 =	sadd.s32 $0x40F8, s0;
	s0 =	simm.s32 @!p2 $0x1;
	s2 =	smin.u32 @!p2 s1, $0x186FFF  }
0x251: {  	s30 =	sadd.s32 $0x1, s22;
	s0 =	smov.u32 @p2 s25;
	s5 =	sand.u32 @!p2 $0x1FFFF8, s2  }
0x252: {  	s1 =	simm.s32 @!p2 $0x1B38;
	s2 =	sand.u32 @!p2 $0x7, s2;
	s5 =	sadd.s32 @!p2 s3, s5  }
.LBB2_14:
0x253: {  	s4 =	smov.u32 s0  }
0x254: {  	[tilespmem:s1], [sflag:$0x2] =	stream.linear.gather @!p2 [hbm4b:s5+s2], $0x8, $0x38;
	[tilespmem:$0x1F0F8] =	vst v63  }
0x255: {  	s26 =	sadd.s32 $0x1, s26;
	s2 =	smov.u32 s31;
	v1 =	vld.msk [tilespmem:s30+$0x0], $0x1  }
0x256: {  	p3 =	seq.s32 s26, $0x0;
	_ =	sdelay $0x3  }
0x257: {  	(v2sf) =	vpush v1, $0x0;
	_ =	sdelay $0xe  }
0x258: {  	s31 =	spop (v2sf)  }
0x259: {  	p2 =	seq.s32 s2, s31  }
0x25a: {  	p4 =	sgt.s32 @!p2 s2, $0x0;
	s1 =	sshll.u32 @!p2 s0, $0x6;
	s0 =	sadd.s32 @!p2 $0x1, s0  }
.Ltmp14:
0x25b: {  	p4 =	por !p4, p2;
	s1 =	sshra.s32 @!p2 s1, $0x2;
	(pc) =	sbr.rel @!p3 .LBB2_14-.Ltmp14, $4  }
0x25c: {  	s0 =	smov.u32 @p2 s4;
	s2 =	simm.s32 @p4 $0x0;
	s1 =	sadd.s32 @!p2 $0x1B38, s1  }
0x25d: {  	s2 =	smin.u32 @!p2 s2, $0x186FFF  }
0x25e: {  	s4 =	sand.u32 @!p2 $0x1FFFF8, s2;
	s2 =	sand.u32 @!p2 $0x7, s2  }
0x25f: {  	s30 =	sadd.s32 $0x1, s30;
	s5 =	sadd.s32 @!p2 s3, s4  }
.LBB2_15:
0x260: {  	[tilespmem:s1], [sflag:$0x2] =	stream.linear.gather @!p2 [hbm4b:s5+s2], $0x8, $0x38;
	[tilespmem:$0x1F0F8] =	vst v63  }
0x261: {  	s0 =	sshll.u32 s0, $0x3  }
0x262: {  	s31 =	simm.s32 $0x2;
	s0 =	sand.u32 $0x3FFFFFF8, s0  }
0x263: {  	_ =	swait.ge [sflag:s31], s0  }
0x264: {  	s0 =	ssub.s32 $0x0, s0;
	[sflag:s31] =	ssyncset.done $0x0  }
0x265: {  	[sflag:s31] =	ssyncadd.s32 s0  }
0x266: {  	v1 =	vld.msk [tilespmem:s22+$0x0], $0x1;
	_ =	sdelay $0x4  }
0x267: {  	(v2sf) =	vpush v1, $0x0;
	_ =	sdelay $0xe  }
0x268: {  	s26 =	spop (v2sf)  }
0x269: {  	p2 =	sne.s32 s28, s26  }
0x26a: {  	p4 =	sne.s32 @p2 s28, s23  }
0x26b: {  	p3 =	por !p4, !p2  }
0x26c: {  	s0 =	simm.s32 @!p3 $0x0  }
0x26d: {  	v1 =	vld.msk @!p3 [tilespmem:s0+$0x1B38], $0xff  }
0x26e: {  	p5 =	sgt.u32 @!p3 s28, $0x186FFF  }
0x26f: {  	s1 =	sshll.u32 @!p3 s21, $0x6;
	p6 =	por @p2 p5, !p4  }
0x270: {  	s1 =	sshra.s32 @!p3 s1, $0x2;
	p1 =	por p6, !p2;
	p6 =	por p4, !p2  }
0x271: {  	s2 =	sadd.s32 @!p3 $0x28, s1;
	s4 =	sand.u32 @!p1 $0x1FFFF8, s28;
	s5 =	sshll.u32 @!p6 s21, $0x6  }
0x272: {  	s28 =	sand.u32 @!p1 $0x7, s28;
	[tilespmem:s1+$0x28] =	vst.add.f32.msk @!p3 $0xff, v1;
	s1 =	sadd.s32 @!p1 s3, s4;
	s4 =	sshra.s32 @!p6 s5, $0x2  }
0x273: {  	[hbm4b:s1+s28] =	stream.linear.scatter @!p1 [tilespmem:s2], [sflag:$0xC], $0x8, $0x38;
	[tilespmem:$0x1F0F8] =	vst v63  }
0x274: {  	s0 =	rddreg [dreg:$0x6];
	s1 =	sadd.s32 @!p6 $0x28, s4;
	s2 =	simm.s32 @!p6 $0x1  }
0x275: {  	[spmem:s0] =	stream.linear.scatter @!p6 [tilespmem:s1], [sflag:$0x1], $0x8, $0x38;
	[tilespmem:$0x1F0F8] =	vst v63  }
0x276: {  	s0 =	sadd.s32 @p2 $0x1, s21;
	_ =	swait.ge @!p6 [sflag:s2], $0x8  }
0x277: {  	s1 =	sshrl.u32 @p2 s0, $0x4;
	[sflag:s2] =	ssyncset.done @!p6 $0x0  }
0x278: {  	s1 =	smulhi.u32 @p2 $0x97B425F, s1;
	[sflag:s2] =	ssyncadd.s32 @!p6 $0xFFFFFFF8  }
0x279: {  	s28 =	sadd.s32 $0x1, s29;
	v1 =	vld.msk @p2 [tilespmem:s24+$0x0], $0xff  }
0x27a: {  	p1 =	por @p2 !p5, !p4;
	p4 =	seq.s32 s28, $0x0;
	s1 =	smul.u32 @p2 $0x1B0, s1  }
.Ltmp15:
0x27b: {  	p1 =	por !p1, !p2;
	s2 =	simm.s32 @!p3 $0x0;
	(pc) =	sbr.rel @p4 .LBB2_17-.Ltmp15, $4  }
0x27c: {  	s4 =	sshll.u32 @!p2 s21, $0x6;
	s2 =	simm.s32 @!p1 $0x20;
	s0 =	ssub.s32 @p2 s0, s1  }
0x27d: {  	s29 =	simm.s32 $0x0;
	s2 =	sadd.s32 @!p3 $0x0, s2;
	s5 =	sshll.u32 @p2 s0, $0x4  }
0x27e: {  	s30 =	sshra.s32 @!p2 s4, $0x2;
	s1 =	simm.s32 @p2 $0x1;
	s2 =	smov.u32 @p3 s25;
	[tilespmem:s5+$0x28] =	vst.msk @p2 $0xff, v1  }
0x27f: {  	s21 =	smov.u32 @p2 s0;
	s29 =	smov.u32 @p2 s2;
	s25 =	smov.u32 @p2 s1;
	v1 =	vld.msk @!p2 [tilespmem:s24+$0x0], $0xff  }
.LBB2_16:
0x280: {  	_ =	sdelay $0x3  }
0x281: {  	s22 =	sadd.s32 $0x1, s22;
	[tilespmem:s30+$0x28] =	vst.add.f32.msk @!p2 $0xff, v1  }
0x282: {  	v1 =	vld.msk [tilespmem:s22+$0x0], $0x1;
	_ =	sdelay $0x4  }
0x283: {  	(v2sf) =	vpush v1, $0x0;
	_ =	sdelay $0xe  }
0x284: {  	s0 =	smov.u32 s26;
	s26 =	spop (v2sf)  }
0x285: {  	p2 =	sne.s32 s0, s26  }
0x286: {  	p5 =	sne.s32 @p2 s0, s23  }
0x287: {  	s4 =	sshll.u32 @!p2 s21, $0x6;
	p4 =	por !p5, !p2  }
0x288: {  	s30 =	sshra.s32 @!p2 s4, $0x2;
	s4 =	sshll.u32 @!p4 s25, $0x6  }
0x289: {  	s4 =	sshra.s32 @!p4 s4, $0x2  }
0x28a: {  	p1 =	sgt.u32 @!p4 s0, $0x186FFF;
	v1 =	vld.msk @!p4 [tilespmem:s4+$0x1B38], $0xff  }
0x28b: {  	s31 =	sshll.u32 @!p4 s21, $0x6;
	p6 =	por @p2 p1, !p5;
	p1 =	por @p2 !p1, !p5  }
0x28c: {  	s8 =	simm.s32 @!p4 $0x0;
	s31 =	sshra.s32 @!p4 s31, $0x2;
	p1 =	por !p1, !p2  }
0x28d: {  	p5 =	por p5, !p2;
	s8 =	simm.s32 @!p1 $0x20;
	p1 =	por p6, !p2  }
0x28e: {  	s4 =	sadd.s32 @!p4 $0x28, s31;
	s13 =	sshll.u32 @!p5 s21, $0x6;
	s10 =	sand.u32 @!p1 $0x1FFFF8, s0  }
0x28f: {  	s13 =	sshra.s32 @!p5 s13, $0x2;
	s0 =	sand.u32 @!p1 $0x7, s0;
	s10 =	sadd.s32 @!p1 s3, s10;
	[tilespmem:s31+$0x28] =	vst.add.f32.msk @!p4 $0xff, v1  }
0x290: {  	[hbm4b:s10+s0] =	stream.linear.scatter @!p1 [tilespmem:s4], [sflag:$0xC], $0x8, $0x38;
	[tilespmem:$0x1F0F8] =	vst v63  }
0x291: {  	s1 =	rddreg [dreg:$0x6];
	s0 =	sadd.s32 @!p5 $0x28, s13;
	s4 =	simm.s32 @!p5 $0x1  }
0x292: {  	[spmem:s1] =	stream.linear.scatter @!p5 [tilespmem:s0], [sflag:$0x1], $0x8, $0x38;
	[tilespmem:$0x1F0F8] =	vst v63  }
0x293: {  	s2 =	sadd.s32 @p2 $0x1, s21;
	_ =	swait.ge @!p5 [sflag:s4], $0x8  }
0x294: {  	s5 =	sshrl.u32 @p2 s2, $0x4;
	[sflag:s4] =	ssyncset.done @!p5 $0x0  }
0x295: {  	s24 =	sadd.s32 $0x80, s24;
	s5 =	smulhi.u32 @p2 $0x97B425F, s5;
	[sflag:s4] =	ssyncadd.s32 @!p5 $0xFFFFFFF8  }
0x296: {  	s28 =	sadd.s32 $0x1, s28;
	v1 =	vld.msk @p2 [tilespmem:s24+$0x0], $0xff  }
0x297: {  	p3 =	seq.s32 s28, $0x0;
	s5 =	smul.u32 @p2 $0x1B0, s5  }
.Ltmp16:
0x298: {  	_ = 	snop;
	(pc) =	sbr.rel @!p3 .LBB2_16-.Ltmp16, $4  }
0x299: {  	s2 =	ssub.s32 @p2 s2, s5  }
0x29a: {  	s8 =	sadd.s32 @!p4 s8, s29;
	s5 =	sshll.u32 @p2 s2, $0x4  }
0x29b: {  	s9 =	sadd.s32 @p2 $0x1, s25;
	s8 =	smov.u32 @p4 s29;
	[tilespmem:s5+$0x28] =	vst.msk @p2 $0xff, v1  }
0x29c: {  	s25 =	smov.u32 @p2 s9;
	s21 =	smov.u32 @p2 s2;
	s29 =	smov.u32 @p2 s8;
	v1 =	vld.msk @!p2 [tilespmem:s24+$0x0], $0xff  }
.LBB2_17:
.Ltmp17:
0x29d: {  	_ = 	snop;
	(pc) =	sbr.rel .LBB2_19-.Ltmp17, $3  }
0x29e: {  	s1 =	sld [smem:$0x7FD];
	_ =	sdelay $0x1  }
0x29f: {  	s0 =	sshrl.u32 s29, $0x2;
	s28 =	smov.u32 s26;
	s4 =	smov.u32 s14  }
0x2a0: {  	s8 =	smov.u32 s6;
	s6 =	rddreg [dreg:$0x8];
	p4 =	seq.s32 s1, $0x1;
	[tilespmem:s30+$0x28] =	vst.add.f32.msk @!p2 $0xff, v1  }
.LBB2_21:
0x2a1: {  	_ =	sfence.sel $0x180000  }
0x2a2: {  	s0 =	simm.s32 $0x9;
	[bflag:$0x0] =	sbarrier.arrive $0xFFFF  }
0x2a3: {  	s24 =	simm.s32 $0xA;
	[sflag:s0] =	ssyncpa.u1 $0x1  }
0x2a4: {  	s25 =	simm.s32 $0xB;
	[sflag:s24] =	ssyncpa.u1 $0x1  }
0x2a5: {  	s26 =	simm.s32 $0x2;
	[sflag:s25] =	ssyncpa.u1 $0x1  }
0x2a6: {  	[sflag:s26] =	ssyncpa.u1 $0x1  }
0x2a7: {  	v0 =	vld [tilespmem:$0x3648];
	_ =	sdelay $0x4  }
0x2a8: {  	(v2sf) =	vpush v0, $0x0  }
0x2a9: {  	(v2sf) =	vpush v0, $0x1;
	_ =	sdelay $0x1  }
0x2aa: {  	(v2sf) =	vpush v0, $0x2;
	_ =	sdelay $0xb  }
0x2ab: {  	s0 =	spop (v2sf)  }
0x2ac: {  	s1 =	spop (v2sf)  }
0x2ad: {  	s2 =	smov.u32 s0;
	p0 =	sne.s32 s0, s1  }
0x2ae: {  	s4 =	spop (v2sf);
	s2 =	simm.s32 @!p0 $0xFFFFFFFF  }
0x2af: {  	v2 =	vimm.s32 $0x1;
	v3 =	vlaneseq.u32;
	p0 =	seq.s32 s4, $0xFFFFFFFF;
	v1 =	vmov s2  }
0x2b0: {  	s16 =	stileid.u32;
	v0 =	vperm.xlane v0, v2;
	p1 =	sne.s32 @!p0 s0, s1;
	v1 =	vperm.xlane v1, v3  }
0x2b1: {  	vm0 =	vcmask $0x3F04;
	s6 =	simm.s32 $0x3648;
	s0 =	simm.s32 @!p0 $0x1;
	p1 =	por !p1, p0  }
0x2b2: {  	s2 =	sshll.u32 s16, $0x1;
	s1 =	sshll.u32 @!p0 s4, $0x6;
	s0 =	simm.s32 @p1 $0x0;
	v0 =	vsel vm0, v1, v0  }
0x2b3: {  	s5 =	sor.u32 $0x200, s2;
	s1 =	sshra.s32 @!p0 s1, $0x2;
	s0 =	sor.u32 @!p0 s0, s2;
	[tilespmem:$0x3648] =	vst v0  }
0x2b4: {  	[spmem:s5] =	stream.linear.scatter [tilespmem:s6], [sflag:$0x1], $0x2, $0x38;
	[tilespmem:$0x1F0F8] =	vst v63  }
0x2b5: {  	s1 =	sadd.s32 @!p0 $0x28, s1;
	s0 =	sshll.u32 @!p0 s0, $0x4  }
0x2b6: {  	[spmem:s0] =	stream.linear.scatter @!p0 [tilespmem:s1], [sflag:$0x1], $0x10, $0x38;
	[tilespmem:$0x1F0F8] =	vst v63  }
0x2b7: {  	s0 =	simm.s32 @!p0 $0x12  }
0x2b8: {  	s28 =	simm.s32 $0x1;
	s0 =	simm.s32 @p0 $0x2  }
0x2b9: {  	_ =	swait.ge [sflag:s28], s0  }
0x2ba: {  	s0 =	ssub.s32 $0x0, s0;
	[sflag:s28] =	ssyncset.done $0x0  }
0x2bb: {  	p0 =	sne.s32 s16, $0x0;
	[sflag:s28] =	ssyncadd.s32 s0  }
.Ltmp18:
0x2bc: {  	_ =	sfence.stream.spmem;
	(pc) =	sbr.rel @p0 .LBB2_38-.Ltmp18, $4  }
0x2bd: {  	s29 =	simm.s32 $0x3;
	[bflag:$0x0] =	sbarrier.arrive $0xFFFF  }
0x2be: {  	s30 =	simm.s32 $0x4;
	[sflag:s29] =	ssyncpa.u1 $0x1  }
0x2bf: {  	s31 =	simm.s32 $0x3C;
	[sflag:s30] =	ssyncpa.u1 $0x1  }
0x2c0: {  	s17 =	rddreg [dreg:$0x7];
	[sflag:s31] =	ssyncpa.u1 $0x1  }
0x2c1: {  	_ =	sfence.stream.spmem;
	s0 =	simm.s32 $0x5  }
0x2c2: {  	s1 =	simm.s32 $0x200;
	s2 =	simm.s32 $0x3658;
	[sflag:s0] =	ssyncpa.u1 $0x0  }
0x2c3: {  	[tilespmem:s2], [sflag:$0x5] =	stream.linear.gather [spmem:s1], $0x20, $0x38;
	[tilespmem:$0x1F0F8] =	vst v63  }
0x2c4: {  	s26 =	simm.s32 $0x0;
	s28 =	simm.s32 $0x3678  }
0x2c5: {  	[tilespmem:s28], [sflag:$0x5] =	stream.linear.gather [spmem:s26], $0x200, $0x38;
	[tilespmem:$0x1F0F8] =	vst v63  }
0x2c6: {  	_ =	swait.ge [sflag:s0], $0x220  }
0x2c7: {  	[sflag:s0] =	ssyncset.done $0x0  }
0x2c8: {  	s29 =	simm.s32 $0x0;
	[sflag:s0] =	ssyncadd.s32 $0xFFFFFDE0  }
0x2c9: {  	v0 =	vld.msk [tilespmem:s29+$0x3658], $0x1;
	_ =	sdelay $0x1  }
0x2ca: {  	s30 =	simm.s32 $0x1  }
0x2cb: {  	v1 =	vld.msk [tilespmem:s30+$0x3658], $0x1;
	_ =	sdelay $0x1  }
0x2cc: {  	(v2sf) =	vpush v0, $0x0;
	_ =	sdelay $0x2  }
0x2cd: {  	(v2sf) =	vpush v1, $0x0;
	_ =	sdelay $0x2  }
0x2ce: {  	s31 =	simm.s32 $0x2  }
0x2cf: {  	v0 =	vld.msk [tilespmem:s31+$0x3658], $0x1;
	_ =	sdelay $0x2  }
0x2d0: {  	s6 =	simm.s32 $0xFFFFFFFF;
	s1 =	simm.s32 $0xFFFFFFFF;
	s0 =	simm.s32 $0xC  }
.LBB2_23:
0x2d1: {  	s2 =	smov.u32 s6;
	s4 =	smov.u32 s1  }
0x2d2: {  	s1 =	sshra.s32 s0, $0x2;
	p1 =	sne.s32 s0, $0x7C;
	s0 =	sadd.s32 $0x4, s0;
	(v2sf) =	vpush v0, $0x0  }
0x2d3: {  	v0 =	vld.msk [tilespmem:s1+$0x3658], $0x1  }
.Ltmp19:
0x2d4: {  	(pc) =	sbr.rel @p1 .LBB2_23-.Ltmp19, $4  }
0x2d5: {  	s6 =	spop (v2sf)  }
0x2d6: {  	p2 =	sne.s32 s4, $0xFFFFFFFF;
	s1 =	smov.u32 s6  }
0x2d7: {  	p3 =	seq.s32 s6, $0xFFFFFFFF;
	s1 =	smov.u32 @p2 s4  }
0x2d8: {  	s6 =	smov.u32 @p3 s2;
	s1 =	smov.u32 @p3 s4  }
0x2d9: {  	(v2sf) =	vpush v0, $0x0;
	_ =	sdelay $0x8  }
0x2da: {  	s0 =	spop (v2sf)  }
0x2db: {  	p1 =	sne.s32 s1, $0xFFFFFFFF;
	s2 =	smov.u32 s0  }
0x2dc: {  	s9 =	simm.s32 $0x6;
	p2 =	seq.s32 s0, $0xFFFFFFFF;
	s2 =	smov.u32 @p1 s1  }
0x2dd: {  	s10 =	simm.s32 $0x3638;
	s2 =	smov.u32 @p2 s1;
	s1 =	spop (v2sf)  }
0x2de: {  	s0 =	smov.u32 @p2 s6;
	p1 =	sne.s32 s2, $0xFFFFFFFF;
	s4 =	smov.u32 s1  }
.Ltmp20:
0x2df: {  	p2 =	seq.s32 s1, $0xFFFFFFFF;
	s4 =	smov.u32 @p1 s2;
	(pc) =	sbr.rel .LBB2_25-.Ltmp20, $4  }
0x2e0: {  	s11 =	simm.s32 $0x0;
	s4 =	smov.u32 @p2 s2;
	s7 =	spop (v2sf)  }
0x2e1: {  	[sflag:s9] =	ssyncpa.u1 $0x0;
	p1 =	sne.s32 s4, $0xFFFFFFFF;
	s8 =	smov.u32 s7  }
0x2e2: {  	s1 =	smov.u32 @p2 s0;
	p2 =	seq.s32 s7, $0xFFFFFFFF;
	s8 =	smov.u32 @p1 s4  }
0x2e3: {  	s6 =	simm.s32 $0x0;
	s7 =	smov.u32 @p2 s1;
	s8 =	smov.u32 @p2 s4  }
.LBB2_30:
0x2e4: {  	p1 =	sgt.u32 s12, $0x186FFF  }
0x2e5: {  	p2 =	seq.s32 @!p1 s12, s8  }
0x2e6: {  	p1 =	por p1, p2  }
0x2e7: {  	p2 =	sne.s32 @!p1 s12, s7  }
0x2e8: {  	p1 =	por p1, !p2  }
0x2e9: {  	s0 =	sshll.u32 @p1 s11, $0x6  }
0x2ea: {  	s0 =	sand.u32 @!p1 $0x1FFFF8, s12  }
0x2eb: {  	s1 =	sand.u32 @!p1 $0x7, s12;
	s0 =	sadd.s32 @!p1 s3, s0  }
0x2ec: {  	[tilespmem:s10], [sflag:$0x6] =	stream.linear.gather @!p1 [hbm4b:s0+s1], $0x8, $0x38;
	[tilespmem:$0x1F0F8] =	vst v63  }
0x2ed: {  	_ =	swait.ge @!p1 [sflag:s9], $0x8  }
0x2ee: {  	[sflag:s9] =	ssyncset.done @!p1 $0x0  }
0x2ef: {  	[sflag:s9] =	ssyncadd.s32 @!p1 $0xFFFFFFF8  }
0x2f0: {  	v1 =	vld @!p1 [tilespmem:$0x3638];
	_ =	sdelay $0x2  }
0x2f1: {  	s0 =	sshll.u32 @!p1 s11, $0x6  }
0x2f2: {  	s1 =	sshrl.u32 @!p1 s0, $0x2  }
0x2f3: {  	[tilespmem:s1+$0x3678] =	vst.add.f32.msk @!p1 $0xffff, v1  }
0x2f4: {  	s0 =	sshrl.u32 s0, $0x2;
	[tilespmem:s6+$0x3658] =	vst.msk $0x1, v0  }
0x2f5: {  	v0 =	vld [tilespmem:s0+$0x3678];
	_ =	sdelay $0x2  }
0x2f6: {  	s31 =	sshll.u32 s6, $0x6  }
0x2f7: {  	s0 =	sshra.s32 s31, $0x2  }
0x2f8: {  	s6 =	sadd.s32 $0x1, s6;
	[tilespmem:s0+$0x3678] =	vst v0  }
.LBB2_32:
0x2f9: {  	s11 =	sadd.s32 $0x1, s11  }
0x2fa: {  	p1 =	sne.s32 s11, $0x20  }
.Ltmp21:
0x2fb: {  	_ = 	snop;
	(pc) =	sbr.rel @!p1 .LBB2_33-.Ltmp21, $1  }
0x2fc: {  	_ =	sdelay $0x3  }
.LBB2_25:
0x2fd: {  	v0 =	vld.msk [tilespmem:s11+$0x3658], $0x1;
	_ =	sdelay $0x4  }
0x2fe: {  	(v2sf) =	vpush v0, $0x0;
	_ =	sdelay $0xe  }
0x2ff: {  	s12 =	spop (v2sf)  }
0x300: {  	p1 =	seq.s32 s12, $0xFFFFFFFF  }
.Ltmp22:
0x301: {  	_ = 	snop;
	(pc) =	sbr.rel @p1 .LBB2_32-.Ltmp22, $1  }
0x302: {  	_ =	sdelay $0x3  }
0x303: {  	p1 =	slt.s32 s6, $0x1  }
.Ltmp23:
0x304: {  	_ = 	snop;
	(pc) =	sbr.rel @p1 .LBB2_30-.Ltmp23, $1  }
0x305: {  	_ =	sdelay $0x3  }
0x306: {  	s13 =	simm.s32 $0x3658;
	p1 =	por $0x0, $0x0  }
0x307: {  	v1 =	vld.msk @!p1 [tilespmem:s13+$0x0], $0x1;
	_ =	sdelay $0x4  }
0x308: {  	(v2sf) =	vpush @!p1 v1, $0x0;
	_ =	sdelay $0xd  }
0x309: {  	p3 =	sne.s32 s6, $0x1  }
.Ltmp24:
0x30a: {  	s0 =	spop @!p1 (v2sf);
	(pc) =	sbr.rel @!p3 .LBB2_29-.Ltmp24, $4  }
0x30b: {  	p2 =	seq.s32 @!p1 s12, s0  }
0x30c: {  	s14 =	simm.s32 $0x0;
	p2 =	por !p2, p1  }
0x30d: {  	s0 =	simm.s32 $0xFFFFFFFF;
	s14 =	simm.s32 @p2 $0xFFFFFFFF  }
0x30e: {  	s15 =	simm.s32 $0x1;
	s14 =	smov.u32 @p1 s0  }
.LBB2_28:
0x30f: {  	s0 =	smov.u32 s14;
	p1 =	sne.s32 s14, $0xFFFFFFFF  }
0x310: {  	s13 =	sadd.s32 $0x1, s13;
	s14 =	smov.u32 s15;
	s15 =	sadd.s32 $0x1, s15  }
0x311: {  	p2 =	sne.s32 s6, s15;
	v1 =	vld.msk @!p1 [tilespmem:s13+$0x0], $0x1;
	_ =	sdelay $0x4  }
0x312: {  	(v2sf) =	vpush @!p1 v1, $0x0;
	_ =	sdelay $0xe  }
.Ltmp25:
0x313: {  	s1 =	spop @!p1 (v2sf);
	(pc) =	sbr.rel @p2 .LBB2_28-.Ltmp25, $4  }
0x314: {  	p3 =	seq.s32 @!p1 s12, s1  }
0x315: {  	p3 =	por !p3, p1  }
0x316: {  	s14 =	simm.s32 @p3 $0xFFFFFFFF  }
0x317: {  	s14 =	smov.u32 @p1 s0  }
.LBB2_29:
0x318: {  	p1 =	sne.s32 s14, $0xFFFFFFFF  }
.Ltmp26:
0x319: {  	_ = 	snop;
	(pc) =	sbr.rel @!p1 .LBB2_30-.Ltmp26, $1  }
0x31a: {  	_ =	sdelay $0x3  }
0x31b: {  	s0 =	sshll.u32 s11, $0x4  }
0x31c: {  	s0 =	sand.u32 $0x3FFFFFF0, s0  }
0x31d: {  	v0 =	vld [tilespmem:s0+$0x3678]  }
.Ltmp27:
0x31e: {  	_ = 	snop;
	(pc) =	sbr.rel .LBB2_32-.Ltmp27, $4  }
0x31f: {  	_ = 	snop  }
0x320: {  	s31 =	sshll.u32 s14, $0x6  }
0x321: {  	s0 =	sshra.s32 s31, $0x2  }
0x322: {  	[tilespmem:s0+$0x3678] =	vst.add.f32.msk $0xffff, v0  }
.LBB2_33:
0x323: {  	s0 =	simm.s32 $0x6;
	p1 =	seq.s32 s6, $0x0  }
0x324: {  	[sflag:s0] =	ssyncpa.u1 $0x1;
	v0 =	vimm.s32 @p1 $0xFFFFFFFF  }
0x325: {  	s9 =	sadd.s32 $0xFFFFFFFF, s6;
	[tilespmem:$0x3878] =	vst @p1 v0  }
0x326: {  	v0 =	vld.msk @!p1 [tilespmem:s9+$0x3658], $0x1;
	_ =	sdelay $0x1  }
0x327: {  	v1 =	vld.msk @!p1 [tilespmem:$0x3658], $0x1;
	_ =	sdelay $0x2  }
0x328: {  	p2 =	seq.s32 @!p1 s9, $0x0;
	v0 =	vbroadcast @!p1 v0, $0x0  }
0x329: {  	vm0 =	vmmov @!p1 $0x1;
	p2 =	por !p2, p1  }
0x32a: {  	v1 =	vnsel @!p1 vm0, $0xFFFFFFFF, v1;
	vm0 =	vcmask @!p1 $0x308;
	v0 =	vpsel !p2, $0xFFFFFFFF, v0  }
0x32b: {  	p2 =	sne.s32 @!p1 s8, s7;
	v0 =	vsel @!p1 vm0, v1, v0  }
0x32c: {  	s0 =	simm.s32 @!p1 $0x3678;
	s1 =	simm.s32 @!p1 $0x0;
	p3 =	por !p2, p1;
	[tilespmem:$0x3878] =	vst @!p1 v0  }
0x32d: {  	[spmem:s1] =	stream.linear.scatter @!p1 [tilespmem:s0], [sflag:$0x1], $0x10, $0x38;
	[tilespmem:$0x1F0F8] =	vst v63  }
0x32e: {  	s0 =	sshll.u32 @!p3 s9, $0x6  }
0x32f: {  	s0 =	sshra.s32 @!p3 s0, $0x2  }
0x330: {  	s1 =	simm.s32 @!p3 $0x10;
	s0 =	sadd.s32 @!p3 $0x3678, s0  }
0x331: {  	[spmem:s1] =	stream.linear.scatter @!p3 [tilespmem:s0], [sflag:$0x1], $0x10, $0x38;
	[tilespmem:$0x1F0F8] =	vst v63  }
0x332: {  	s0 =	simm.s32 @!p3 $0x1  }
0x333: {  	_ =	swait.ge @!p3 [sflag:s0], $0x20  }
0x334: {  	p1 =	por p2, p1;
	[sflag:s0] =	ssyncset.done @!p3 $0x0  }
0x335: {  	[sflag:s0] =	ssyncadd.s32 @!p3 $0xFFFFFFE0;
	s0 =	simm.s32 @!p1 $0x1  }
0x336: {  	_ =	swait.ge @!p1 [sflag:s0], $0x10  }
0x337: {  	s29 =	simm.s32 $0x3878;
	[sflag:s0] =	ssyncset.done @!p1 $0x0  }
0x338: {  	s30 =	simm.s32 $0x200;
	s31 =	simm.s32 $0x1;
	[sflag:s0] =	ssyncadd.s32 @!p1 $0xFFFFFFF0  }
0x339: {  	[spmem:s30] =	stream.linear.scatter [tilespmem:s29], [sflag:$0x1], $0x10, $0x38;
	[tilespmem:$0x1F0F8] =	vst v63  }
0x33a: {  	_ =	swait.ge [sflag:s31], $0x10  }
0x33b: {  	[sflag:s31] =	ssyncset.done $0x0  }
0x33c: {  	p1 =	seq.s32 s17, $0x0;
	s8 =	rddreg [dreg:$0x3];
	[sflag:s31] =	ssyncadd.s32 $0xFFFFFFF0  }
0x33d: {  	s1 =	sshll.u32 @p1 s8, $0xE;
	s7 =	rddreg [dreg:$0x4]  }
0x33e: {  	s0 =	sadd.s32 @p1 $0x15C3C, s1;
	s1 =	sshll.u32 @p1 s7, $0x11  }
0x33f: {  	_ =	sfence.stream.spmem;
	s0 =	sor.u32 @p1 s1, s0  }
0x340: {  	[sflag:s0] =	ssyncadd.remote.s32 @p1 $0x1;
	s0 =	simm.s32 @p1 $0x4  }
0x341: {  	s2 =	simm.s32 @!p1 $0x3C;
	s1 =	sand.u32 $0xFFFFFFFE, s8;
	_ =	swait.ge @p1 [sflag:s0], $0x6  }
0x342: {  	s4 =	simm.s32 @!p1 $0x0;
	s1 =	sadd.s32 @!p1 $0x4, s1;
	[sflag:s0] =	ssyncset.done @p1 $0x0  }
0x343: {  	s5 =	simm.s32 @!p1 $0x20;
	[sflag:s0] =	ssyncadd.s32 @p1 $0xFFFFFFFA;
	s0 =	sshll.u32 @!p1 s1, $0x1A  }
0x344: {  	s1 =	sshll.u32 @!p1 s1, $0xD;
	s0 =	sor.u32 @!p1 s0, s7;
	_ =	swait.eq @!p1 [sflag:s2], $0x1  }
0x345: {  	s1 =	sor.u32 @!p1 $0x1C04, s1;
	s2 =	simm.s32 @!p1 $0x1C03;
	s0 =	sor.u32 @!p1 $0x80004000, s0  }
0x346: {  	[spmem:s5], [sflag:s1] =	dma.general @!p1 [spmem:s4], [sflag:s2], length:$0x4, [dreg:$0x0], stride_count:$0x0, ici_dest:s0, dma_misc:DstOpCode:WRITE  }
0x347: {  	p2 =	slt.s32 s9, $0x2;
	s4 =	simm.s32 @!p1 $0x40;
	s5 =	simm.s32 @!p1 $0x42  }
0x348: {  	[spmem:s5], [sflag:s1] =	dma.general @!p1 [spmem:s4], [sflag:s2], length:$0x2, [dreg:$0x0], stride_count:$0x0, ici_dest:s0, dma_misc:DstOpCode:WRITE  }
.Ltmp28:
0x349: {  	s0 =	simm.s32 @!p1 $0x3;
	(pc) =	sbr.rel @p2 .LBB2_37-.Ltmp28, $4  }
0x34a: {  	s1 =	sshll.u32 @!p1 s8, $0xE;
	_ =	swait.ge @!p1 [sflag:s0], $0x6  }
0x34b: {  	s2 =	sshll.u32 @!p1 s7, $0x11;
	s1 =	sadd.s32 @!p1 $0x11C3C, s1;
	[sflag:s0] =	ssyncset.done @!p1 $0x0  }
0x34c: {  	[sflag:s0] =	ssyncadd.s32 @!p1 $0xFFFFFFFA;
	s0 =	sor.u32 @!p1 s2, s1  }
0x34d: {  	[sflag:s0] =	ssyncadd.remote.s32 @!p1 $0xFFFFFFFF;
	s0 =	simm.s32 $0x0  }
0x34e: {  	s0 =	simm.s32 $0x3659  }
0x34f: {  	v0 =	vld.msk [tilespmem:s0+$0x0], $0x1;
	_ =	sdelay $0x4  }
0x350: {  	(v2sf) =	vpush v0, $0x0;
	_ =	sdelay $0xd  }
0x351: {  	s2 =	sadd.s32 $0xFFFFFFFE, s6  }
0x352: {  	s2 =	sadd.s32 $0xFFFFFFFF, s2;
	s0 =	spop (v2sf)  }
0x353: {  	p2 =	sne.s32 s2, $0x0;
	p1 =	sgt.u32 s0, $0x186FFF  }
.Ltmp29:
0x354: {  	s4 =	sand.u32 @!p1 $0x1FFFF8, s0;
	(pc) =	sbr.rel @!p2 .LBB2_36-.Ltmp29, $4  }
0x355: {  	s1 =	simm.s32 $0x3688;
	s0 =	sand.u32 @!p1 $0x7, s0;
	s4 =	sadd.s32 @!p1 s3, s4  }
0x356: {  	[hbm4b:s4+s0] =	stream.linear.scatter @!p1 [tilespmem:s1], [sflag:$0x5], $0x8, $0x38;
	[tilespmem:$0x1F0F8] =	vst v63  }
0x357: {  	s0 =	simm.s32 $0x0  }
0x358: {  	s6 =	simm.s32 $0x0;
	s7 =	simm.s32 $0x365A;
	s0 =	simm.s32 @!p1 $0x20  }
.LBB2_35:
0x359: {  	v0 =	vld.msk [tilespmem:s7+$0x0], $0x1;
	s2 =	sadd.s32 $0xFFFFFFFF, s2;
	s6 =	sadd.s32 s6, s0  }
0x35a: {  	p1 =	sne.s32 s2, $0x0;
	_ =	sdelay $0x3  }
0x35b: {  	(v2sf) =	vpush v0, $0x0;
	_ =	sdelay $0xe  }
.Ltmp30:
0x35c: {  	s4 =	spop (v2sf);
	(pc) =	sbr.rel @p1 .LBB2_35-.Ltmp30, $4  }
0x35d: {  	s0 =	simm.s32 $0x0;
	p2 =	sgt.u32 s4, $0x186FFF  }
0x35e: {  	s1 =	sadd.s32 $0x10, s1;
	s0 =	simm.s32 @!p2 $0x20;
	s5 =	sand.u32 @!p2 $0x1FFFF8, s4  }
0x35f: {  	s7 =	sadd.s32 $0x1, s7;
	s4 =	sand.u32 @!p2 $0x7, s4;
	s5 =	sadd.s32 @!p2 s3, s5  }
0x360: {  	[hbm4b:s5+s4] =	stream.linear.scatter @!p2 [tilespmem:s1], [sflag:$0x5], $0x8, $0x38;
	[tilespmem:$0x1F0F8] =	vst v63  }
.LBB2_36:
0x361: {  	s0 =	sadd.s32 s6, s0  }
0x362: {  	s0 =	sshrl.u32 s0, $0x2  }
.LBB2_37:
0x363: {  	s1 =	simm.s32 $0x5  }
0x364: {  	_ =	swait.ge [sflag:s1], s0  }
0x365: {  	s31 =	ssub.s32 $0x0, s0;
	[sflag:s1] =	ssyncset.done $0x0  }
0x366: {  	[sflag:s1] =	ssyncadd.s32 s31  }
0x367: {  	[sflag:s1] =	ssyncpa.u1 $0x1  }
.LBB2_38:
0x368: {  	s0 =	sor.u32 s17, s16  }
0x369: {  	p1 =	sne.s32 s0, $0x0  }
.Ltmp31:
0x36a: {  	_ = 	snop;
	(pc) =	sbr.rel @p1 .LBB2_53-.Ltmp31, $3  }
0x36b: {  	_ =	sdelay $0x1  }
0x36c: {  	[bflag:$0x0] =	sbarrier.arrive $0xFFFF  }
0x36d: {  	_ =	sfence  }
0x36e: {  	s0 =	simm.s32 $0x7  }
0x36f: {  	s1 =	simm.s32 $0x200;
	s2 =	simm.s32 $0x3658;
	[sflag:s0] =	ssyncpa.u1 $0x0  }
0x370: {  	[tilespmem:s2], [sflag:$0x7] =	stream.linear.gather [spmem:s1], $0x20, $0x38;
	[tilespmem:$0x1F0F8] =	vst v63  }
0x371: {  	s30 =	simm.s32 $0x3678;
	s1 =	simm.s32 $0x0  }
0x372: {  	[tilespmem:s30], [sflag:$0x7] =	stream.linear.gather [spmem:s1], $0x200, $0x38;
	[tilespmem:$0x1F0F8] =	vst v63  }
.Ltmp32:
0x373: {  	_ = 	snop;
	(pc) =	sbr.rel .LBB2_40-.Ltmp32, $4  }
0x374: {  	_ =	swait.ge [sflag:s0], $0x220  }
0x375: {  	[sflag:s0] =	ssyncset.done $0x0  }
0x376: {  	s31 =	simm.s32 $0x8;
	[sflag:s0] =	ssyncadd.s32 $0xFFFFFDE0  }
0x377: {  	s2 =	simm.s32 $0x0;
	[sflag:s31] =	ssyncpa.u1 $0x0  }
.LBB2_45:
0x378: {  	p1 =	slt.u32 s4, $0x187000  }
0x379: {  	s0 =	sand.u32 @p1 $0x1FFFF8, s4  }
0x37a: {  	s4 =	sand.u32 @p1 $0x7, s4;
	s5 =	simm.s32 @p1 $0x3638;
	s0 =	sadd.s32 @p1 s3, s0  }
0x37b: {  	[tilespmem:s5], [sflag:$0x8] =	stream.linear.gather @p1 [hbm4b:s0+s4], $0x8, $0x38;
	[tilespmem:$0x1F0F8] =	vst v63  }
0x37c: {  	s0 =	simm.s32 @p1 $0x8  }
0x37d: {  	_ =	swait.ge @p1 [sflag:s0], $0x8  }
0x37e: {  	[sflag:s0] =	ssyncset.done @p1 $0x0  }
0x37f: {  	[sflag:s0] =	ssyncadd.s32 @p1 $0xFFFFFFF8  }
0x380: {  	v1 =	vld @p1 [tilespmem:$0x3638];
	_ =	sdelay $0x2  }
0x381: {  	s0 =	sshll.u32 @p1 s2, $0x6  }
0x382: {  	s5 =	sshll.u32 @!p1 s2, $0x6;
	s4 =	sshrl.u32 @p1 s0, $0x2  }
0x383: {  	s5 =	smov.u32 @p1 s0;
	[tilespmem:s4+$0x3678] =	vst.add.f32.msk @p1 $0xffff, v1  }
0x384: {  	s0 =	sshrl.u32 s5, $0x2;
	[tilespmem:s1+$0x3658] =	vst.msk $0x1, v0  }
0x385: {  	v0 =	vld [tilespmem:s0+$0x3678];
	_ =	sdelay $0x2  }
0x386: {  	s31 =	sshll.u32 s1, $0x6  }
0x387: {  	s0 =	sshra.s32 s31, $0x2  }
0x388: {  	s1 =	sadd.s32 $0x1, s1;
	[tilespmem:s0+$0x3678] =	vst v0  }
.LBB2_47:
0x389: {  	s2 =	sadd.s32 $0x1, s2  }
0x38a: {  	p1 =	sne.s32 s2, $0x20  }
.Ltmp33:
0x38b: {  	_ = 	snop;
	(pc) =	sbr.rel @!p1 .LBB2_48-.Ltmp33, $1  }
0x38c: {  	_ =	sdelay $0x3  }
.LBB2_40:
0x38d: {  	v0 =	vld.msk [tilespmem:s2+$0x3658], $0x1;
	_ =	sdelay $0x4  }
0x38e: {  	(v2sf) =	vpush v0, $0x0;
	_ =	sdelay $0xe  }
0x38f: {  	s4 =	spop (v2sf)  }
0x390: {  	p1 =	seq.s32 s4, $0xFFFFFFFF  }
.Ltmp34:
0x391: {  	_ = 	snop;
	(pc) =	sbr.rel @p1 .LBB2_47-.Ltmp34, $1  }
0x392: {  	_ =	sdelay $0x3  }
0x393: {  	p1 =	slt.s32 s1, $0x1  }
.Ltmp35:
0x394: {  	_ = 	snop;
	(pc) =	sbr.rel @p1 .LBB2_45-.Ltmp35, $1  }
0x395: {  	_ =	sdelay $0x3  }
0x396: {  	s5 =	simm.s32 $0x3658;
	p1 =	por $0x0, $0x0  }
0x397: {  	v1 =	vld.msk @!p1 [tilespmem:s5+$0x0], $0x1;
	_ =	sdelay $0x4  }
0x398: {  	(v2sf) =	vpush @!p1 v1, $0x0;
	_ =	sdelay $0xd  }
0x399: {  	p3 =	sne.s32 s1, $0x1  }
.Ltmp36:
0x39a: {  	s0 =	spop @!p1 (v2sf);
	(pc) =	sbr.rel @!p3 .LBB2_44-.Ltmp36, $4  }
0x39b: {  	p2 =	seq.s32 @!p1 s4, s0  }
0x39c: {  	s6 =	simm.s32 $0x0;
	p2 =	por !p2, p1  }
0x39d: {  	s0 =	simm.s32 $0xFFFFFFFF;
	s6 =	simm.s32 @p2 $0xFFFFFFFF  }
0x39e: {  	s7 =	simm.s32 $0x1;
	s6 =	smov.u32 @p1 s0  }
.LBB2_43:
0x39f: {  	s0 =	smov.u32 s6;
	p1 =	sne.s32 s6, $0xFFFFFFFF  }
0x3a0: {  	s5 =	sadd.s32 $0x1, s5;
	s6 =	smov.u32 s7;
	s7 =	sadd.s32 $0x1, s7  }
0x3a1: {  	p2 =	sne.s32 s1, s7;
	v1 =	vld.msk @!p1 [tilespmem:s5+$0x0], $0x1;
	_ =	sdelay $0x4  }
0x3a2: {  	(v2sf) =	vpush @!p1 v1, $0x0;
	_ =	sdelay $0xe  }
.Ltmp37:
0x3a3: {  	s8 =	spop @!p1 (v2sf);
	(pc) =	sbr.rel @p2 .LBB2_43-.Ltmp37, $4  }
0x3a4: {  	p3 =	seq.s32 @!p1 s4, s8  }
0x3a5: {  	p3 =	por !p3, p1  }
0x3a6: {  	s6 =	simm.s32 @p3 $0xFFFFFFFF  }
0x3a7: {  	s6 =	smov.u32 @p1 s0  }
.LBB2_44:
0x3a8: {  	p1 =	sne.s32 s6, $0xFFFFFFFF  }
.Ltmp38:
0x3a9: {  	_ = 	snop;
	(pc) =	sbr.rel @!p1 .LBB2_45-.Ltmp38, $1  }
0x3aa: {  	_ =	sdelay $0x3  }
0x3ab: {  	s0 =	sshll.u32 s2, $0x4  }
0x3ac: {  	s0 =	sand.u32 $0x3FFFFFF0, s0  }
0x3ad: {  	v0 =	vld [tilespmem:s0+$0x3678]  }
.Ltmp39:
0x3ae: {  	_ = 	snop;
	(pc) =	sbr.rel .LBB2_47-.Ltmp39, $4  }
0x3af: {  	_ = 	snop  }
0x3b0: {  	s31 =	sshll.u32 s6, $0x6  }
0x3b1: {  	s0 =	sshra.s32 s31, $0x2  }
0x3b2: {  	[tilespmem:s0+$0x3678] =	vst.add.f32.msk $0xffff, v0  }
.LBB2_48:
0x3b3: {  	p1 =	slt.s32 s1, $0x1  }
.Ltmp40:
0x3b4: {  	_ = 	snop;
	(pc) =	sbr.rel @p1 .LBB2_52-.Ltmp40, $3  }
0x3b5: {  	_ =	sdelay $0x1  }
0x3b6: {  	s0 =	simm.s32 $0x8  }
0x3b7: {  	s2 =	simm.s32 $0x0;
	[sflag:s0] =	ssyncpa.u1 $0x1  }
0x3b8: {  	s0 =	simm.s32 $0x3658  }
0x3b9: {  	v0 =	vld.msk [tilespmem:s0+$0x0], $0x1;
	_ =	sdelay $0x4  }
0x3ba: {  	(v2sf) =	vpush v0, $0x0;
	_ =	sdelay $0xe  }
0x3bb: {  	s1 =	sadd.s32 $0xFFFFFFFF, s1;
	s0 =	spop (v2sf)  }
0x3bc: {  	p2 =	sne.s32 s1, $0x0;
	p1 =	sgt.u32 s0, $0x186FFF  }
.Ltmp41:
0x3bd: {  	s5 =	sand.u32 @!p1 $0x1FFFF8, s0;
	(pc) =	sbr.rel @!p2 .LBB2_51-.Ltmp41, $4  }
0x3be: {  	s4 =	simm.s32 $0x3678;
	s0 =	sand.u32 @!p1 $0x7, s0;
	s5 =	sadd.s32 @!p1 s3, s5  }
0x3bf: {  	[hbm4b:s5+s0] =	stream.linear.scatter @!p1 [tilespmem:s4], [sflag:$0x7], $0x8, $0x38;
	[tilespmem:$0x1F0F8] =	vst v63  }
0x3c0: {  	s0 =	simm.s32 $0x0  }
0x3c1: {  	s5 =	simm.s32 $0x3659;
	s0 =	simm.s32 @!p1 $0x20  }
.LBB2_50:
0x3c2: {  	v0 =	vld.msk [tilespmem:s5+$0x0], $0x1;
	s1 =	sadd.s32 $0xFFFFFFFF, s1;
	s2 =	sadd.s32 s2, s0  }
0x3c3: {  	p1 =	sne.s32 s1, $0x0;
	_ =	sdelay $0x3  }
0x3c4: {  	(v2sf) =	vpush v0, $0x0;
	_ =	sdelay $0xe  }
.Ltmp42:
0x3c5: {  	s6 =	spop (v2sf);
	(pc) =	sbr.rel @p1 .LBB2_50-.Ltmp42, $4  }
0x3c6: {  	s0 =	simm.s32 $0x0;
	p2 =	sgt.u32 s6, $0x186FFF  }
0x3c7: {  	s4 =	sadd.s32 $0x10, s4;
	s0 =	simm.s32 @!p2 $0x20;
	s7 =	sand.u32 @!p2 $0x1FFFF8, s6  }
0x3c8: {  	s5 =	sadd.s32 $0x1, s5;
	s6 =	sand.u32 @!p2 $0x7, s6;
	s7 =	sadd.s32 @!p2 s3, s7  }
0x3c9: {  	[hbm4b:s7+s6] =	stream.linear.scatter @!p2 [tilespmem:s4], [sflag:$0x7], $0x8, $0x38;
	[tilespmem:$0x1F0F8] =	vst v63  }
.LBB2_51:
0x3ca: {  	s0 =	sadd.s32 s2, s0  }
0x3cb: {  	s2 =	sshrl.u32 s0, $0x2  }
.LBB2_52:
0x3cc: {  	s0 =	simm.s32 $0x7  }
0x3cd: {  	_ =	swait.ge [sflag:s0], s2  }
0x3ce: {  	s1 =	ssub.s32 $0x0, s2;
	[sflag:s0] =	ssyncset.done $0x0  }
0x3cf: {  	[sflag:s0] =	ssyncadd.s32 s1  }
0x3d0: {  	[sflag:s0] =	ssyncpa.u1 $0x1  }
.LBB2_53:
0x3d1: {  	_ =	sfence;
	s0 =	simm.s32 $0x1  }
0x3d2: {  	[sflag:s0] =	ssyncpa.u1 $0x1  }
0x3d3: {  	_ =	strace $0x90000056  }
0x3d4: {  	[bflag:$0x2] =	sbarrier.arrive $0xFFFF  }
0x3d5: {  	s0 =	rddreg [dreg:$0x5]  }
0x3d6: {  	s0 =	sadd.s32 @!p0 $0x100000, s0  }
0x3d7: {  	[sflag:s0] =	ssyncadd.tile.s32 @!p0 $0x1;
	_ =	shalt  }
.Lfunc_end2:
_tile_overlayer_lowered:
.L_overlay_start_2:
0x3d8: {  	(tag) =	ssettag $0x2  }
0x3d9: {  	s0 =	rddreg [dreg:$0x0];
	s2 =	stileid.u32  }
0x3da: {  	s1 =	rddreg [dreg:$0x1];
	p0 =	sne.s32 s2, $0x0  }
0x3db: {  	s3 =	rddreg [dreg:$0x2];
	[bflag:$0x3] =	sbarrier.arrive $0xFFFF;
	s2 =	simm.s32 @!p0 $0x1C01  }
0x3dc: {  	[timem:s3], [sflag:s2] =	dma.local @!p0 [hbm:s0], s1  }
0x3dd: {  	s0 =	simm.s32 @!p0 $0x1  }
0x3de: {  	_ =	swait.ge @!p0 [sflag:s0], s1  }
0x3df: {  	s1 =	ssub.s32 @!p0 $0x0, s1;
	[sflag:s0] =	ssyncset.done @!p0 $0x0  }
0x3e0: {  	[sflag:s0] =	ssyncadd.s32 @!p0 s1  }
0x3e1: {  	[bflag:$0x3] =	sbarrier.arrive $0xFFFF  }
0x3e2: {  	_ =	shalt  }

// kernel: sparse-core-data-format-call.1.cloned.1.call-start
scs
called_computation.2_lowered:
.L_overlay_start_0:
0x0: {  	s1 =	sld [smem:$0x3FD9]  }
0x1: {  	s2 =	sld [smem:$0x3FFE];
	_ =	sdelay $0x1  }
0x2: {  	s3 =	srdreg.scid  }
0x3: {  	s0 =	sand.u32 $0x1, s3  }
0x4: {  	s17 =	sshll.u32 s0, $0xA;
	s1 =	sadd.s32 s2, s1  }
0x5: {  	s1 =	sadd.s32 s1, s17  }
0x6: {  	[smem:$0x3FAC] =	sst s1  }
0x7: {  	_ = 	snop  }
0x8: {  	(tm) =	ssettm $0x1  }
0x9: {  	s18 =	sld [smem:$0x3FFB];
	_ =	sdelay $0x3  }
0xa: {  	_ =	strace s18  }
0xb: {  	s1 =	sld [smem:$0x3FFC];
	_ =	sdelay $0x3  }
0xc: {  	_ =	strace s1  }
0xd: {  	s1 =	sld [smem:$0x3FFD];
	_ =	sdelay $0x3  }
0xe: {  	_ =	strace s1  }
0xf: {  	_ =	strace $0x8FFFFFFF  }
0x10: {  	s19 =	sld [smem:$0x3FDB];
	_ =	sdelay $0x1  }
0x11: {  	s20 =	simm.s32 $_scs_section_size  }
0x12: {  	s4 =	simm.s32 $_size__tile_overlayer_lowered;
	s5 =	simm.s32 $_tile_overlayer_lowered  }
0x13: {  	s23 =	simm.s32 $0x1BFF;
	s22 =	sshll.u32 s5, $0x1;
	s1 =	sadd.s32 s20, s19  }
0x14: {  	s6 =	simm.s32 $0x0;
	s21 =	sshll.u32 s4, $0x1;
	s4 =	sadd.s32 s22, s1  }
0x15: {  	[timem:s6], [sflag:s23] =	dma.local [hbm:s4], s21  }
0x16: {  	_ =	swait.ge [sflag:s23], s21  }
0x17: {  	s2 =	ssub.s32 $0x0, s21;
	[sflag:s23] =	ssyncset.done $0x0  }
0x18: {  	[sflag:s23] =	ssyncadd.s32 s2;
	_ =	sdelay $0x1  }
0x19: {  	s24 =	simm.s32 $0x1B8B  }
0x1a: {  	_ =	swait.ge [sflag:s24], $0x1  }
0x1b: {  	[sflag:s24] =	ssyncset.done $0x0  }
0x1c: {  	s26 =	simm.s32 $0x1B8E;
	s25 =	sld [smem:$0x3FFE];
	[sflag:s24] =	ssyncadd.s32 $0xFFFFFFFF  }
0x1d: {  	s27 =	simm.s32 $execute0_lowered;
	[smem:$0x3FD2] =	sst s26  }
0x1e: {  	s4 =	sshll.u32 s27, $0x1;
	_ =	strace $0x8000004F;
	[dreg:$0x1] =	wrdreg $0xFFFFFFFF  }
0x1f: {  	s28 =	simm.s32 $_size_execute0_lowered;
	s1 =	sadd.s32 s1, s4;
	[dreg:$0x0] =	wrdreg $0x0  }
0x20: {  	s4 =	sshll.u32 s28, $0x1;
	[dreg:$0x2] =	wrdreg s1  }
0x21: {  	[dreg:$0x3] =	wrdreg s4  }
0x22: {  	[dreg:$0x4] =	wrdreg $0xC0  }
0x23: {  	_ =	task [dreg:s6], $0x5FFFF  }
0x24: {  	[dreg:$0x1] =	wrdreg $0xFFFFFFFF  }
0x25: {  	[dreg:$0x0] =	wrdreg $0x60  }
0x26: {  	[dreg:$0x2] =	wrdreg s25  }
0x27: {  	[dreg:$0x3] =	wrdreg $0x9  }
0x28: {  	_ =	task.clear_ibuf [dreg:s6], $0x4FFFF;
	_ =	strace $0x9000004F  }
0x29: {  	s29 =	simm.s32 $0x9;
	_ =	strace $0x80000051  }
0x2a: {  	_ =	swait.ge [sflag:s29], $0x1  }
0x2b: {  	[sflag:s29] =	ssyncadd.s32 $0xFFFFFFFF  }
0x2c: {  	_ =	strace $0x90000051  }
0x2d: {  	_ =	sfence  }
0x2e: {  	s30 =	sld [smem:$0x0];
	_ =	sdelay $0x2  }
0x2f: {  	s31 =	sshll.u32 s3, $0xD;
	s3 =	sshrl.u32 s3, $0x2  }
0x30: {  	s2 =	sand.u32 $0x4000, s31;
	s1 =	sadd.s32 s3, s30  }
0x31: {  	s0 =	sor.u32 s2, s0;
	s1 =	sshll.u32 s1, $0x11  }
0x32: {  	s0 =	sor.u32 s1, s0  }
0x33: {  	s0 =	sadd.s32 $0x8F2B, s0  }
0x34: {  	[sflag:s0] =	ssyncadd.remote.s32 $0x1  }
0x35: {  	_ =	sfence.sel $0xFFFF  }
0x36: {  	[dreg:$0x0] =	wrdreg $0xFFFFFFFF;
	(pc) =	sbr.abs _section_cstart, $3  }
0x37: {  	[dreg:$0x1] =	wrdreg $0xFFFFFFFF  }
0x38: {  	_ =	task.clear_ibuf [dreg:s6], $0x2FFFF;
	_ =	strace $0x9FFFFFFF  }
0x39: {  	(tm) =	ssettm $0x7FFFFFFF  }
tec
execute0_lowered:
.L_overlay_start_1:
0x0: {  	(tag) =	ssettag $0x1  }
0x1: {  	s3 =	stileid.u32  }
0x2: {  	s0 =	srdreg.scid;
	s2 =	rddreg [dreg:$0x0];
	_ =	strace $0x80000050  }
0x3: {  	s30 =	simm.s32 $0x1;
	s31 =	simm.s32 $0x2;
	s15 =	simm.s32 $0x0  }
0x4: {  	s14 =	simm.s32 $0x0;
	s1 =	sshll.u32 s3, $0x7;
	s0 =	sshll.u32 s0, $0xB  }
0x5: {  	s16 =	simm.s32 $0x0;
	s11 =	simm.s32 $0x0;
	s0 =	sor.u32 s1, s0  }
0x6: {  	s13 =	simm.s32 $0x0;
	s6 =	sadd.s32 $0x1B72400, s2;
	s5 =	sand.u32 $0xC00, s0  }
0x7: {  	s2 =	sadd.s32 $0x2E32400, s2;
	s8 =	sand.u32 $0x7, s3;
	s0 =	ssub.s32 $0x96000, s5  }
0x8: {  	[dreg:$0x4] =	wrdreg s2;
	s1 =	simm.s32 $0x1;
	s29 =	sand.u32 $0xC00, s0  }
.Ltmp0:
0x9: {  	[dreg:$0x3] =	wrdreg s6;
	p0 =	sne.s32 s29, $0x0;
	(pc) =	sbr.rel .LBB1_1-.Ltmp0, $4  }
0xa: {  	[dreg:$0x6] =	wrdreg s8;
	s0 =	sshrl.u32 s0, $0xC;
	s1 =	simm.s32 @!p0 $0x0  }
0xb: {  	[sflag:s30] =	ssyncpa.u1 $0x0;
	[dreg:$0x2] =	wrdreg s5;
	s7 =	sadd.s32 s1, s0  }
0xc: {  	[sflag:s31] =	ssyncpa.u1 $0x0;
	s9 =	sadd.s32 $0x1, s7;
	[dreg:$0x5] =	wrdreg s7  }
0xd: {  	s12 =	smov.u32 s8;
	s10 =	smov.u32 s5;
	[dreg:$0x7] =	wrdreg s9  }
.LBB1_7:
0xe: {  	s0 =	sadd.s32 $0x1000, s10  }
0xf: {  	s1 =	sadd.s32 $0x10, s11;
	s2 =	smov.u32 s11;
	p1 =	sgt.s32 s0, $0x95FFF  }
0x10: {  	s2 =	smov.u32 @p1 s1  }
0x11: {  	s3 =	sadd.s32 $0x8, s12;
	s4 =	smov.u32 s12;
	p2 =	sgt.s32 s2, $0xF  }
0x12: {  	s4 =	smov.u32 @p2 s3  }
0x13: {  	s0 =	smov.u32 @p1 s5;
	p1 =	sgt.s32 s4, $0x7  }
0x14: {  	p0 =	slt.u32 s13, $0x2;
	s4 =	smov.u32 @p1 s8;
	p1 =	sne.s32 s13, s9  }
.Ltmp1:
0x15: {  	s1 =	simm.s32 @!p0 $0x2;
	(pc) =	sbr.rel @!p1 .LBB1_8-.Ltmp1, $4  }
0x16: {  	s15 =	smov.u32 s10;
	_ =	swait.ge @!p0 [sflag:s1], $0x4000  }
0x17: {  	s14 =	smov.u32 s11;
	s16 =	smov.u32 s12;
	[sflag:s1] =	ssyncset.done @!p0 $0x0  }
0x18: {  	s10 =	smov.u32 s0;
	s2 =	simm.s32 @p2 $0x0;
	[sflag:s1] =	ssyncadd.s32 @!p0 $0xFFFFC000  }
0x19: {  	s11 =	smov.u32 s2;
	s13 =	sadd.s32 $0x1, s13;
	s12 =	smov.u32 s4  }
.LBB1_1:
0x1a: {  	p0 =	sge.u32 s13, s7  }
0x1b: {  	s0 =	sshrl.u32 @!p0 s11, $0x3  }
0x1c: {  	s1 =	sshll.u32 @!p0 s10, $0x3;
	s2 =	sshll.u32 @!p0 s11, $0x7;
	s0 =	smul.u32 @!p0 $0x4B0000, s0  }
0x1d: {  	s3 =	sand.u32 @!p0 $0x7F, s10;
	s1 =	sand.u32 @!p0 $0xFFFFFC00, s1;
	s2 =	sand.u32 @!p0 $0x380, s2  }
0x1e: {  	s0 =	sadd.s32 @!p0 s0, s1;
	s1 =	sor.u32 @!p0 s3, s2  }
0x1f: {  	s1 =	sor.u32 @!p0 s0, s1  }
0x20: {  	s2 =	smulhi.u32 @!p0 $0x1B4E81B5, s1  }
0x21: {  	s0 =	smulhi.u32 @!p0 $0x1B4E81B5, s0  }
0x22: {  	s2 =	sshrl.u32 @!p0 s2, $0x10  }
0x23: {  	s31 =	sadd.s32 $0xFFFFFFFF, s13;
	s0 =	sshrl.u32 @!p0 s0, $0x10;
	s2 =	smul.u32 @!p0 $0x96000, s2  }
0x24: {  	s4 =	smul.u32 @!p0 $0x12C000, s12;
	s3 =	sxor.u32 @!p0 $0xFFFFFFFF, s13;
	s0 =	sand.u32 @!p0 $0xF, s0  }
0x25: {  	s3 =	sshll.u32 @!p0 s3, $0xE;
	s0 =	smul.u32 @!p0 $0x12C00, s0;
	s1 =	ssub.s32 @!p0 s1, s2  }
0x26: {  	s2 =	sand.u32 @!p0 $0x4000, s3;
	s3 =	sadd.s32 @!p0 s6, s4;
	s4 =	sand.u32 @!p0 $0x7, s1  }
0x27: {  	s1 =	sshrl.u32 @!p0 s1, $0x3;
	s0 =	sadd.s32 @!p0 s0, s3;
	s3 =	sshll.u32 @!p0 s4, $0x12  }
0x28: {  	s0 =	sadd.s32 @!p0 s1, s0;
	s1 =	sor.u32 @!p0 $0x2000, s3;
	s3 =	simm.s32 @!p0 $0x4B0000  }
0x29: {  	[tilespmem:s2], [sflag:$0x1] =	stream.strided.gather @!p0 [hbm4b:s0+s1], $0x4000, s3, s1, $0x38;
	[tilespmem:$0x10800] =	vst v63  }
0x2a: {  	p0 =	sge.u32 s31, s7  }
.Ltmp2:
0x2b: {  	_ = 	snop;
	(pc) =	sbr.rel @p0 .LBB1_7-.Ltmp2, $1  }
0x2c: {  	_ =	sdelay $0x3  }
0x2d: {  	[dreg:$0xb] =	wrdreg s16  }
0x2e: {  	[dreg:$0xa] =	wrdreg s15  }
0x2f: {  	[dreg:$0x9] =	wrdreg s14;
	s0 =	sand.u32 $0x1, s13  }
0x30: {  	[dreg:$0x8] =	wrdreg s10;
	s2 =	simm.s32 $0x1;
	s1 =	smul.u32 $0x11000, s0  }
0x31: {  	_ =	swait.ge [sflag:s2], $0x4000  }
0x32: {  	s19 =	simm.s32 $0x0;
	[sflag:s2] =	ssyncset.done $0x0;
	s1 =	sshrl.u32 s1, $0x2  }
0x33: {  	s18 =	sshll.u32 s0, $0xE;
	[sflag:s2] =	ssyncadd.s32 $0xFFFFC000;
	s17 =	sor.u32 $0x8000, s1  }
.LBB1_3:
0x34: {  	s0 =	sshll.u32 s19, $0xA  }
0x35: {  	s1 =	sshll.u32 s19, $0x7;
	s0 =	sand.u32 $0x2000, s0  }
0x36: {  	s1 =	sand.u32 $0x380, s1;
	s0 =	sadd.s32 s0, s18  }
0x37: {  	s0 =	sadd.s32 s1, s0  }
0x38: {  	s20 =	sadd.s32 s19, s17;
	p0 =	por $0x1, $0x1;
	s21 =	simm.s32 $0x0;
	v0 =	vmov s0  }
.LBB1_4:
0x39: {  	s0 =	smul.u32 $0x44, s21;
	s1 =	sshll.u32 s21, $0x3;
	s2 =	sor.u32 $0x80, s21  }
0x3a: {  	s5 =	sor.u32 $0x90, s21;
	s6 =	sor.u32 $0xA0, s21;
	s10 =	sor.u32 $0xB0, s21  }
0x3b: {  	s16 =	sor.u32 $0xC0, s21;
	s28 =	sor.u32 $0xD0, s21;
	p1 =	por p0, p0  }
0x3c: {  	s1 =	sand.u32 $0x3FFFFFF8, s1;
	s3 =	smul.u32 $0x44, s2;
	s4 =	sshll.u32 s2, $0x3  }
0x3d: {  	s2 =	sshll.u32 s5, $0x3;
	s8 =	sshll.u32 s6, $0x3;
	s15 =	sshll.u32 s10, $0x3  }
0x3e: {  	s27 =	smul.u32 $0x44, s16;
	s29 =	sshll.u32 s16, $0x3;
	s0 =	sshra.s32 s0, $0x2  }
0x3f: {  	s31 =	sshll.u32 s28, $0x3;
	s9 =	sand.u32 $0x1400, s2;
	s0 =	sadd.s32 s0, s17  }
0x40: {  	s22 =	sadd.s32 s19, s0;
	s0 =	sand.u32 $0x3FFFFFF8, s4;
	s4 =	smul.u32 $0x44, s5  }
0x41: {  	s3 =	sshra.s32 s3, $0x2;
	s30 =	sshra.s32 s27, $0x2;
	s5 =	smul.u32 $0x44, s6  }
0x42: {  	s23 =	sadd.s32 s3, s20;
	s3 =	sand.u32 $0x1400, s29;
	s29 =	smul.u32 $0x44, s28  }
0x43: {  	v1 =	vld.idx.msk [tilespmem:v0+s1+$0x0 ss:$0x1], $0xffff;
	s27 =	sadd.s32 s30, s20;
	s30 =	sor.u32 $0xE0, s21;
	s7 =	sshra.s32 s4, $0x2  }
0x44: {  	v2 =	vld.idx.msk [tilespmem:v0+s1+$0x10 ss:$0x1], $0xffff;
	s4 =	sand.u32 $0x1400, s8;
	s14 =	sshra.s32 s5, $0x2;
	s8 =	smul.u32 $0x44, s10  }
0x45: {  	v3 =	vld.idx.msk [tilespmem:v0+s1+$0x20 ss:$0x1], $0xffff;
	s5 =	sand.u32 $0x1400, s15;
	s6 =	sshra.s32 s29, $0x2;
	s10 =	sshll.u32 s30, $0x3  }
0x46: {  	v4 =	vld.idx.msk [tilespmem:v0+s1+$0x30 ss:$0x1], $0xffff;
	s24 =	sadd.s32 s7, s20;
	s25 =	sadd.s32 s14, s20;
	s7 =	smul.u32 $0x44, s30  }
0x47: {  	v54 =	vld.idx.msk [tilespmem:v0+s0+$0x0 ss:$0x1], $0xffff;
	s28 =	sadd.s32 s6, s20;
	s14 =	sor.u32 $0xF0, s21;
	s2 =	sand.u32 $0x1400, s10  }
0x48: {  	[tilespmem:s22+$0x0 ss:$0x11] =	vst.msk $0xffff, v1;
	v1 =	vld.idx.msk [tilespmem:v0+s1+$0x50 ss:$0x1], $0xffff;
	s26 =	sshra.s32 s8, $0x2;
	s8 =	sand.u32 $0x1400, s31;
	s31 =	smul.u32 $0x44, s14  }
0x49: {  	[tilespmem:s22+$0x110 ss:$0x11] =	vst.msk $0xffff, v2;
	v2 =	vld.idx.msk [tilespmem:v0+s1+$0x60 ss:$0x1], $0xffff;
	s30 =	sshll.u32 s14, $0x3;
	s14 =	sor.u32 $0x120, s21;
	s26 =	sadd.s32 s26, s20  }
0x4a: {  	[tilespmem:s22+$0x220 ss:$0x11] =	vst.msk $0xffff, v3;
	v3 =	vld.idx.msk [tilespmem:v0+s1+$0x70 ss:$0x1], $0xffff;
	s29 =	sshra.s32 s7, $0x2;
	s7 =	sor.u32 $0x100, s21;
	s10 =	smul.u32 $0x44, s14  }
0x4b: {  	v57 =	vld.idx.msk [tilespmem:v0+s2+$0x60 ss:$0x1], $0xffff;
	s6 =	sand.u32 $0x1400, s30;
	s15 =	sshra.s32 s31, $0x2;
	s16 =	smul.u32 $0x44, s7  }
0x4c: {  	s14 =	sshll.u32 s14, $0x3;
	v56 =	vld.idx.msk [tilespmem:v0+s8+$0x50 ss:$0x1], $0xffff;
	s30 =	sadd.s32 s15, s20;
	s15 =	sor.u32 $0x110, s21  }
0x4d: {  	s7 =	sshll.u32 s7, $0x3;
	s31 =	sshra.s32 s16, $0x2;
	s16 =	smul.u32 $0x44, s15;
	[tilespmem:s22+$0x550 ss:$0x11] =	vst.msk $0xffff, v1;
	v1 =	vld.idx.msk [tilespmem:v0+s4+$0x20 ss:$0x1], $0xffff  }
0x4e: {  	s29 =	sadd.s32 s29, s20;
	s14 =	sand.u32 $0x1800, s14;
	s7 =	sand.u32 $0x3FFFFFF8, s7;
	[tilespmem:s22+$0x660 ss:$0x11] =	vst.msk $0xffff, v2;
	v2 =	vld.idx.msk [tilespmem:v0+s5+$0x30 ss:$0x1], $0xffff  }
0x4f: {  	s0 =	sshra.s32 s10, $0x2;
	s15 =	sshll.u32 s15, $0x3;
	[tilespmem:s22+$0x770 ss:$0x11] =	vst.msk $0xffff, v3;
	v3 =	vld.idx.msk [tilespmem:v0+s3+$0x40 ss:$0x1], $0xffff;
	s16 =	sshra.s32 s16, $0x2  }
0x50: {  	v5 =	vld.idx.msk [tilespmem:v0+s1+$0x40 ss:$0x1], $0xffff;
	s0 =	sadd.s32 s0, s20;
	[tilespmem:s29+$0x0 ss:$0x11] =	vst.msk $0xffff, v57;
	s1 =	sadd.s32 s16, s20;
	s16 =	sor.u32 $0x130, s21  }
0x51: {  	v55 =	vld.idx.msk [tilespmem:v0+s9+$0x10 ss:$0x1], $0xffff;
	s31 =	sadd.s32 s31, s20;
	[tilespmem:s28+$0x0 ss:$0x11] =	vst.msk $0xffff, v56;
	s10 =	smul.u32 $0x44, s16;
	s9 =	sshll.u32 s16, $0x3  }
0x52: {  	s15 =	sand.u32 $0x1800, s15;
	s16 =	sor.u32 $0x140, s21;
	s4 =	sand.u32 $0x1800, s9;
	[tilespmem:s25+$0x0 ss:$0x11] =	vst.msk $0xffff, v1  }
0x53: {  	[tilespmem:s26+$0x0 ss:$0x11] =	vst.msk $0xffff, v2;
	s26 =	sor.u32 $0x180, s21;
	s9 =	sshra.s32 s10, $0x2;
	s10 =	smul.u32 $0x44, s16  }
0x54: {  	s29 =	sor.u32 $0x190, s21;
	v1 =	vld.idx.msk [tilespmem:v0+s6+$0x70 ss:$0x1], $0xffff;
	[tilespmem:s27+$0x0 ss:$0x11] =	vst.msk $0xffff, v3;
	s27 =	smul.u32 $0x44, s26;
	s28 =	sshll.u32 s26, $0x3  }
0x55: {  	[tilespmem:s22+$0x330 ss:$0x11] =	vst.msk $0xffff, v4;
	s5 =	sadd.s32 s9, s20;
	s9 =	sshll.u32 s16, $0x3;
	s16 =	sor.u32 $0x150, s21  }
0x56: {  	[tilespmem:s22+$0x440 ss:$0x11] =	vst.msk $0xffff, v5;
	s3 =	sand.u32 $0x1800, s9;
	s22 =	sshra.s32 s10, $0x2;
	s10 =	smul.u32 $0x44, s16  }
0x57: {  	[tilespmem:s24+$0x0 ss:$0x11] =	vst.msk $0xffff, v55;
	s16 =	sshll.u32 s16, $0x3;
	s8 =	sadd.s32 s22, s20;
	s22 =	sor.u32 $0x160, s21  }
0x58: {  	[tilespmem:s23+$0x0 ss:$0x11] =	vst.msk $0xffff, v54;
	v2 =	vld.idx.msk [tilespmem:v0+s7+$0x0 ss:$0x1], $0xffff;
	s2 =	sand.u32 $0x1800, s16;
	s23 =	sshra.s32 s10, $0x2;
	s24 =	smul.u32 $0x44, s22  }
0x59: {  	s16 =	sshll.u32 s22, $0x3;
	s22 =	sor.u32 $0x170, s21;
	[tilespmem:s30+$0x0 ss:$0x11] =	vst.msk $0xffff, v1;
	v1 =	vld.idx.msk [tilespmem:v0+s3+$0x40 ss:$0x1], $0xffff;
	s3 =	sand.u32 $0x3FFFFFF8, s28  }
0x5a: {  	v3 =	vld.idx.msk [tilespmem:v0+s15+$0x10 ss:$0x1], $0xffff;
	s30 =	sor.u32 $0x1B0, s21;
	s6 =	sadd.s32 s23, s20;
	s7 =	sand.u32 $0x1800, s16  }
0x5b: {  	v58 =	vld.idx.msk [tilespmem:v0+s14+$0x20 ss:$0x1], $0xffff;
	s25 =	sshll.u32 s22, $0x3;
	s15 =	sshll.u32 s30, $0x3;
	s23 =	sshra.s32 s24, $0x2  }
0x5c: {  	v59 =	vld.idx.msk [tilespmem:v0+s4+$0x30 ss:$0x1], $0xffff;
	s24 =	smul.u32 $0x44, s22;
	s14 =	sand.u32 $0x1800, s25;
	s22 =	sshra.s32 s27, $0x2  }
0x5d: {  	s25 =	sor.u32 $0x1A0, s21;
	s9 =	sadd.s32 s23, s20;
	s23 =	smul.u32 $0x44, s29  }
0x5e: {  	[tilespmem:s31+$0x0 ss:$0x11] =	vst.msk $0xffff, v2;
	v2 =	vld.idx.msk [tilespmem:v0+s2+$0x50 ss:$0x1], $0xffff;
	s16 =	sand.u32 $0x1C00, s15;
	s2 =	sadd.s32 s22, s20;
	s28 =	smul.u32 $0x44, s25  }
0x5f: {  	[tilespmem:s1+$0x0 ss:$0x11] =	vst.msk $0xffff, v3;
	v3 =	vld.idx.msk [tilespmem:v0+s7+$0x60 ss:$0x1], $0xffff;
	s22 =	sor.u32 $0x1C0, s21;
	s10 =	sshra.s32 s24, $0x2;
	s24 =	sshll.u32 s29, $0x3  }
0x60: {  	[tilespmem:s0+$0x0 ss:$0x11] =	vst.msk $0xffff, v58;
	v61 =	vld.idx.msk [tilespmem:v0+s3+$0x0 ss:$0x1], $0xffff;
	s29 =	sshll.u32 s25, $0x3;
	s25 =	sor.u32 $0x1D0, s21;
	s7 =	smul.u32 $0x44, s22  }
0x61: {  	[tilespmem:s5+$0x0 ss:$0x11] =	vst.msk $0xffff, v59;
	v60 =	vld.idx.msk [tilespmem:v0+s14+$0x70 ss:$0x1], $0xffff;
	s4 =	sadd.s32 s10, s20;
	s26 =	sand.u32 $0x1C00, s24;
	s27 =	sshra.s32 s23, $0x2  }
0x62: {  	s31 =	sand.u32 $0x1C00, s29;
	s10 =	sshra.s32 s28, $0x2;
	[tilespmem:s8+$0x0 ss:$0x11] =	vst.msk $0xffff, v1;
	s23 =	smul.u32 $0x44, s30;
	v1 =	vld.idx.msk [tilespmem:v0+s26+$0x10 ss:$0x1], $0xffff  }
0x63: {  	[tilespmem:s6+$0x0 ss:$0x11] =	vst.msk $0xffff, v2;
	s24 =	sshll.u32 s22, $0x3;
	s28 =	sor.u32 $0x1E0, s21;
	s0 =	sadd.s32 s27, s20;
	v2 =	vld.idx.msk [tilespmem:v0+s31+$0x20 ss:$0x1], $0xffff  }
0x64: {  	s1 =	sadd.s32 s10, s20;
	s26 =	sand.u32 $0x1C00, s24;
	s27 =	sshll.u32 s25, $0x3;
	[tilespmem:s9+$0x0 ss:$0x11] =	vst.msk $0xffff, v3;
	v3 =	vld.idx.msk [tilespmem:v0+s16+$0x30 ss:$0x1], $0xffff  }
0x65: {  	s30 =	sshll.u32 s28, $0x3;
	s31 =	sor.u32 $0x1F0, s21;
	[tilespmem:s2+$0x0 ss:$0x11] =	vst.msk $0xffff, v61;
	v62 =	vld.idx.msk [tilespmem:v0+s26+$0x40 ss:$0x1], $0xffff;
	s29 =	sand.u32 $0x1C00, s27  }
0x66: {  	s10 =	sand.u32 $0x1C00, s30;
	s14 =	sshll.u32 s31, $0x3;
	s16 =	smul.u32 $0x44, s25;
	[tilespmem:s4+$0x0 ss:$0x11] =	vst.msk $0xffff, v60;
	v63 =	vld.idx.msk [tilespmem:v0+s29+$0x50 ss:$0x1], $0xffff  }
0x67: {  	s15 =	sshra.s32 s23, $0x2;
	s23 =	smul.u32 $0x44, s28;
	s21 =	sand.u32 $0x1C00, s14;
	[tilespmem:s0+$0x0 ss:$0x11] =	vst.msk $0xffff, v1;
	v1 =	vld.idx.msk [tilespmem:v0+s10+$0x60 ss:$0x1], $0xffff  }
0x68: {  	s22 =	sshra.s32 s7, $0x2;
	s26 =	smul.u32 $0x44, s31;
	[tilespmem:s1+$0x0 ss:$0x11] =	vst.msk $0xffff, v2;
	v2 =	vld.idx.msk [tilespmem:v0+s21+$0x70 ss:$0x1], $0xffff;
	s0 =	sadd.s32 s15, s20  }
.Ltmp3:
0x69: {  	s24 =	sadd.s32 s22, s20;
	s25 =	sshra.s32 s16, $0x2;
	[tilespmem:s0+$0x0 ss:$0x11] =	vst.msk $0xffff, v3;
	(pc) =	sbr.rel @p1 .LBB1_4-.Ltmp3, $4  }
0x6a: {  	s28 =	sshra.s32 s23, $0x2;
	s27 =	sadd.s32 s25, s20;
	[tilespmem:s24+$0x0 ss:$0x11] =	vst.msk $0xffff, v62  }
0x6b: {  	s30 =	sshra.s32 s26, $0x2;
	s29 =	sadd.s32 s28, s20;
	[tilespmem:s27+$0x0 ss:$0x11] =	vst.msk $0xffff, v63  }
0x6c: {  	s31 =	sadd.s32 s30, s20;
	[tilespmem:s29+$0x0 ss:$0x11] =	vst.msk $0xffff, v1  }
0x6d: {  	p0 =	por $0x0, $0x0;
	s21 =	simm.s32 $0x200;
	[tilespmem:s31+$0x0 ss:$0x11] =	vst.msk $0xffff, v2  }
0x6e: {  	s19 =	sadd.s32 $0x1, s19  }
0x6f: {  	p0 =	sne.s32 s19, $0x10  }
.Ltmp4:
0x70: {  	_ = 	snop;
	(pc) =	sbr.rel @p0 .LBB1_3-.Ltmp4, $1  }
0x71: {  	_ =	sdelay $0x3  }
0x72: {  	s0 =	rddreg [dreg:$0xb]  }
0x73: {  	s1 =	rddreg [dreg:$0xa]  }
0x74: {  	s4 =	rddreg [dreg:$0x9]  }
0x75: {  	s3 =	rddreg [dreg:$0x4]  }
0x76: {  	s5 =	rddreg [dreg:$0x2]  }
0x77: {  	s6 =	rddreg [dreg:$0x3]  }
0x78: {  	s7 =	rddreg [dreg:$0x5]  }
0x79: {  	s8 =	rddreg [dreg:$0x6]  }
0x7a: {  	s31 =	simm.s32 $0x400;
	s9 =	rddreg [dreg:$0x7];
	s0 =	sshll.u32 s0, $0x4  }
.Ltmp5:
0x7b: {  	s1 =	sshll.u32 s1, $0x7;
	s0 =	sand.u32 $0x70, s0;
	(pc) =	sbr.rel .LBB1_7-.Ltmp5, $4  }
0x7c: {  	s2 =	sshrl.u32 s4, $0x3;
	s29 =	sand.u32 $0x7, s4;
	s0 =	sadd.s32 s3, s0  }
0x7d: {  	s2 =	sand.u32 $0xF, s2;
	s30 =	sshll.u32 s29, $0x12;
	s0 =	sadd.s32 s1, s0  }
0x7e: {  	s10 =	rddreg [dreg:$0x8];
	s1 =	sor.u32 $0x10, s30;
	s0 =	sadd.s32 s2, s0  }
0x7f: {  	[hbm4b:s0+s1] =	stream.strided.scatter [tilespmem:s17], [sflag:$0x2], $0x4000, s31, s1, $0x8;
	[tilespmem:$0x10800] =	vst v63  }
.LBB1_8:
0x80: {  	_ =	sfence.sel $0x180000  }
0x81: {  	s0 =	simm.s32 $0x1;
	[bflag:$0x0] =	sbarrier.arrive $0xFFFF  }
0x82: {  	s30 =	simm.s32 $0x2;
	[sflag:s0] =	ssyncpa.u1 $0x1  }
0x83: {  	[sflag:s30] =	ssyncpa.u1 $0x1  }
0x84: {  	_ =	strace $0x90000050  }
0x85: {  	s31 =	stileid.u32;
	[bflag:$0x2] =	sbarrier.arrive $0xFFFF  }
0x86: {  	p0 =	sne.s32 s31, $0x0;
	s0 =	rddreg [dreg:$0x1]  }
0x87: {  	s0 =	sadd.s32 @!p0 $0x100000, s0  }
0x88: {  	[sflag:s0] =	ssyncadd.tile.s32 @!p0 $0x1;
	_ =	shalt  }
.Lfunc_end1:
_tile_overlayer_lowered:
.L_overlay_start_2:
0x89: {  	(tag) =	ssettag $0x2  }
0x8a: {  	s0 =	rddreg [dreg:$0x0];
	s2 =	stileid.u32  }
0x8b: {  	s1 =	rddreg [dreg:$0x1];
	p0 =	sne.s32 s2, $0x0  }
0x8c: {  	s3 =	rddreg [dreg:$0x2];
	[bflag:$0x3] =	sbarrier.arrive $0xFFFF;
	s2 =	simm.s32 @!p0 $0x1C01  }
0x8d: {  	[timem:s3], [sflag:s2] =	dma.local @!p0 [hbm:s0], s1  }
0x8e: {  	s0 =	simm.s32 @!p0 $0x1  }
0x8f: {  	_ =	swait.ge @!p0 [sflag:s0], s1  }
0x90: {  	s1 =	ssub.s32 @!p0 $0x0, s1;
	[sflag:s0] =	ssyncset.done @!p0 $0x0  }
0x91: {  	[sflag:s0] =	ssyncadd.s32 @!p0 s1  }
0x92: {  	[bflag:$0x3] =	sbarrier.arrive $0xFFFF  }
0x93: {  	_ =	shalt  }

// kernel: sparse-core-data-format-call.2.cloned.1.call-start
scs
called_computation.3_lowered:
.L_overlay_start_0:
0x0: {  	s2 =	sld [smem:$0x3FD9]  }
0x1: {  	s3 =	sld [smem:$0x3FFE];
	_ =	sdelay $0x1  }
0x2: {  	s1 =	srdreg.scid  }
0x3: {  	s0 =	sand.u32 $0x1, s1  }
0x4: {  	s18 =	sshll.u32 s0, $0xA;
	s2 =	sadd.s32 s3, s2  }
0x5: {  	s2 =	sadd.s32 s2, s18  }
0x6: {  	[smem:$0x3FAC] =	sst s2  }
0x7: {  	_ = 	snop  }
0x8: {  	(tm) =	ssettm $0x1  }
0x9: {  	s19 =	sld [smem:$0x3FFB];
	_ =	sdelay $0x3  }
0xa: {  	_ =	strace s19  }
0xb: {  	s2 =	sld [smem:$0x3FFC];
	_ =	sdelay $0x3  }
0xc: {  	_ =	strace s2  }
0xd: {  	s2 =	sld [smem:$0x3FFD];
	_ =	sdelay $0x3  }
0xe: {  	_ =	strace s2  }
0xf: {  	_ =	strace $0x8FFFFFFF  }
0x10: {  	s20 =	sld [smem:$0x3FDB];
	_ =	sdelay $0x1  }
0x11: {  	s21 =	simm.s32 $_scs_section_size  }
0x12: {  	s4 =	simm.s32 $_size__tile_overlayer_lowered;
	s5 =	simm.s32 $_tile_overlayer_lowered  }
0x13: {  	s6 =	simm.s32 $0x1BFF;
	s22 =	sshll.u32 s5, $0x1;
	s3 =	sadd.s32 s21, s20  }
0x14: {  	s23 =	simm.s32 $0x0;
	s4 =	sshll.u32 s4, $0x1;
	s5 =	sadd.s32 s22, s3  }
0x15: {  	[timem:s23], [sflag:s6] =	dma.local [hbm:s5], s4  }
0x16: {  	_ =	swait.ge [sflag:s6], s4  }
0x17: {  	s4 =	ssub.s32 $0x0, s4;
	[sflag:s6] =	ssyncset.done $0x0  }
0x18: {  	[sflag:s6] =	ssyncadd.s32 s4;
	_ =	sdelay $0x1  }
0x19: {  	s24 =	simm.s32 $0x1B8B  }
0x1a: {  	_ =	swait.ge [sflag:s24], $0x1  }
0x1b: {  	[sflag:s24] =	ssyncset.done $0x0  }
0x1c: {  	[sflag:s24] =	ssyncadd.s32 $0xFFFFFFFF  }
0x1d: {  	s4 =	sld [smem:$0x0]  }
0x1e: {  	s5 =	sand.u32 $0xFFFFFFFE, s1  }
0x1f: {  	p0 =	sne.s32 s1, s5  }
0x20: {  	s5 =	sshll.u32 @p0 s5, $0xE  }
0x21: {  	s5 =	sadd.s32 @p0 $0x11B8D, s5;
	s6 =	sshll.u32 @p0 s4, $0x11  }
0x22: {  	s5 =	sor.u32 @p0 s6, s5  }
0x23: {  	[sflag:s5] =	ssyncadd.remote.s32 @p0 $0x1;
	_ =	sdelay $0x1  }
0x24: {  	s5 =	simm.s32 @p0 $0x1B8D  }
0x25: {  	_ =	swait.eq @p0 [sflag:s5], $0x1  }
0x26: {  	[sflag:s5] =	ssyncadd.s32 @p0 $0xFFFFFFFF  }
0x27: {  	s6 =	sshll.u32 @!p0 s1, $0xE  }
0x28: {  	s6 =	sor.u32 @!p0 $0x4000, s6;
	s5 =	simm.s32 @!p0 $0x1B8D  }
0x29: {  	s4 =	sshll.u32 @!p0 s4, $0x11;
	s6 =	sadd.s32 @!p0 $0x11B8D, s6;
	_ =	swait.eq @!p0 [sflag:s5], $0x1  }
0x2a: {  	s4 =	sor.u32 @!p0 s4, s6;
	[sflag:s5] =	ssyncadd.s32 @!p0 $0xFFFFFFFF  }
0x2b: {  	s26 =	simm.s32 $0x1B8E;
	s25 =	sld [smem:$0x3FFE];
	[sflag:s4] =	ssyncadd.remote.s32 @!p0 $0x1  }
0x2c: {  	s27 =	simm.s32 $execute0_lowered;
	[smem:$0x3FD2] =	sst s26  }
0x2d: {  	s5 =	sshll.u32 s27, $0x1;
	_ =	strace $0x8000004C;
	[dreg:$0x1] =	wrdreg $0xFFFFFFFF  }
0x2e: {  	s28 =	simm.s32 $_size_execute0_lowered;
	s3 =	sadd.s32 s3, s5;
	[dreg:$0x0] =	wrdreg $0x0  }
0x2f: {  	s5 =	sshll.u32 s28, $0x1;
	[dreg:$0x2] =	wrdreg s3  }
0x30: {  	[dreg:$0x3] =	wrdreg s5  }
0x31: {  	[dreg:$0x4] =	wrdreg $0xC0  }
0x32: {  	_ =	task [dreg:s23], $0x5FFFF  }
0x33: {  	[dreg:$0x1] =	wrdreg $0xFFFFFFFF  }
0x34: {  	[dreg:$0x0] =	wrdreg $0x60  }
0x35: {  	[dreg:$0x2] =	wrdreg s25  }
0x36: {  	[dreg:$0x3] =	wrdreg $0xA  }
0x37: {  	_ =	task.clear_ibuf [dreg:s23], $0x4FFFF;
	_ =	strace $0x9000004C  }
0x38: {  	s29 =	simm.s32 $0xA;
	_ =	strace $0x8000004E  }
0x39: {  	_ =	swait.ge [sflag:s29], $0x1  }
0x3a: {  	[sflag:s29] =	ssyncadd.s32 $0xFFFFFFFF  }
0x3b: {  	_ =	strace $0x9000004E  }
0x3c: {  	_ =	sfence  }
0x3d: {  	s30 =	sld [smem:$0x0];
	_ =	sdelay $0x2  }
0x3e: {  	s31 =	sshll.u32 s1, $0xD;
	s1 =	sshrl.u32 s1, $0x2  }
0x3f: {  	s4 =	sand.u32 $0x4000, s31;
	s1 =	sadd.s32 s1, s30  }
0x40: {  	s0 =	sor.u32 s4, s0;
	s1 =	sshll.u32 s1, $0x11  }
0x41: {  	s0 =	sor.u32 s1, s0  }
0x42: {  	s0 =	sadd.s32 $0x8F2B, s0  }
0x43: {  	[sflag:s0] =	ssyncadd.remote.s32 $0x1  }
0x44: {  	_ =	sfence.sel $0xFFFF  }
0x45: {  	[dreg:$0x0] =	wrdreg $0xFFFFFFFF;
	(pc) =	sbr.abs _section_cstart, $3  }
0x46: {  	[dreg:$0x1] =	wrdreg $0xFFFFFFFF  }
0x47: {  	_ =	task.clear_ibuf [dreg:s23], $0x2FFFF;
	_ =	strace $0x9FFFFFFF  }
0x48: {  	(tm) =	ssettm $0x7FFFFFFF  }
0x49: {  	_ =	shalt  }
tec
execute0_lowered:
.L_overlay_start_1:
0x0: {  	(tag) =	ssettag $0x1  }
0x1: {  	s0 =	srdreg.scid  }
0x2: {  	s1 =	sshll.u32 s0, $0x4  }
0x3: {  	s4 =	rddreg [dreg:$0x0];
	s0 =	stileid.u32;
	s1 =	sand.u32 $0x10, s1  }
0x4: {  	s7 =	simm.s32 $0x1;
	s8 =	simm.s32 $0x2;
	s2 =	sor.u32 s0, s1  }
0x5: {  	s11 =	simm.s32 $0x0;
	s3 =	sadd.s32 $0x8B2400, s4;
	s2 =	sshll.u32 s2, $0x7  }
0x6: {  	s10 =	simm.s32 $0x0;
	s4 =	sadd.s32 $0x1212400, s4;
	s6 =	ssub.s32 $0x96000, s2  }
.Ltmp0:
0x7: {  	s1 =	rddreg [dreg:$0x1];
	s5 =	sand.u32 $0xF80, s6;
	(pc) =	sbr.rel .LBB1_1-.Ltmp0, $4  }
0x8: {  	_ =	strace $0x8000004D;
	s9 =	smov.u32 s2;
	p0 =	sne.s32 s5, $0x0  }
0x9: {  	s6 =	sshrl.u32 s6, $0xC;
	s5 =	simm.s32 $0x1;
	s7 =	simm.s32 @!p0 $0x0  }
0xa: {  	[sflag:s5] =	ssyncpa.u1 $0x0;
	p0 =	por $0x0, $0x0;
	s6 =	sadd.s32 s7, s6  }
0xb: {  	[sflag:s8] =	ssyncpa.u1 $0x0;
	s8 =	simm.s32 $0x4B0000;
	s7 =	sadd.s32 $0x1, s6  }
.LBB1_4:
0xc: {  	v5 =	vld [tilespmem:s15+$0xFFFFFFD0];
	[tilespmem:s14+$0x2040 ss:$0x81] =	vst.msk $0xffff, v3;
	s17 =	sshll.u32 s11, $0x3  }
0xd: {  	v58 =	vld [tilespmem:s15+$0xFFFFFFE0];
	[tilespmem:s14+$0x2850 ss:$0x81] =	vst.msk $0xffff, v4;
	s25 =	sand.u32 $0x7F, s11;
	s18 =	sand.u32 $0xFFFFFC00, s17  }
0xe: {  	s16 =	sshra.s32 s16, $0x2;
	v59 =	vld [tilespmem:s15+$0xFFFFFFF0];
	[tilespmem:s14+$0x3060 ss:$0x81] =	vst.msk $0xffff, v2;
	s11 =	sor.u32 s25, s18  }
0xf: {  	v60 =	vld [tilespmem:s15+$0x0];
	[tilespmem:s14+$0x0 ss:$0x81] =	vst.msk $0xffff, v0;
	s13 =	sadd.s32 s16, s13;
	s26 =	smulhi.u32 $0x1B4E81B5, s11  }
0x10: {  	v61 =	vld [tilespmem:s15+$0x10];
	s27 =	smulhi.u32 $0x1B4E81B5, s17;
	[tilespmem:s13+$0x3870 ss:$0x81] =	vst.msk $0xffff, v1  }
0x11: {  	v62 =	vld [tilespmem:s15+$0x20];
	[tilespmem:s13+$0x810 ss:$0x81] =	vst.msk $0xffff, v5;
	s14 =	sshrl.u32 s26, $0x10  }
0x12: {  	v63 =	vld [tilespmem:s15+$0xFFFFFFC0];
	s28 =	sshrl.u32 s27, $0x10;
	[tilespmem:s13+$0x1020 ss:$0x81] =	vst.msk $0xffff, v58;
	s14 =	smul.u32 $0x96000, s14  }
0x13: {  	s15 =	sand.u32 $0x7F, s28;
	[tilespmem:s13+$0x1830 ss:$0x81] =	vst.msk $0xffff, v59  }
0x14: {  	[tilespmem:s13+$0x2040 ss:$0x81] =	vst.msk $0xffff, v60;
	s29 =	smul.u32 $0x12C00, s15;
	s11 =	ssub.s32 s11, s14  }
0x15: {  	[tilespmem:s13+$0x2850 ss:$0x81] =	vst.msk $0xffff, v61;
	s30 =	sand.u32 $0x7, s11  }
0x16: {  	[tilespmem:s13+$0x3060 ss:$0x81] =	vst.msk $0xffff, v62;
	s14 =	sadd.s32 s4, s29;
	s11 =	sshrl.u32 s11, $0x3;
	s15 =	sshll.u32 s30, $0x12  }
0x17: {  	[tilespmem:s13+$0x0 ss:$0x81] =	vst.msk $0xffff, v63;
	s11 =	sadd.s32 s11, s14;
	s31 =	sor.u32 $0x400, s15  }
0x18: {  	[hbm4b:s11+s31] =	stream.strided.scatter [tilespmem:s12], [sflag:$0x2], $0x4000, s8, s31, $0x20;
	[tilespmem:$0x10100] =	vst v63  }
.LBB1_5:
0x19: {  	s13 =	sadd.s32 $0x1000, s9  }
0x1a: {  	p2 =	sgt.s32 s13, $0x95FFF  }
0x1b: {  	s13 =	smov.u32 @p2 s2;
	p2 =	sne.s32 s10, s7  }
.Ltmp1:
0x1c: {  	p1 =	slt.u32 s10, $0x2;
	(pc) =	sbr.rel @!p2 .LBB1_6-.Ltmp1, $4  }
0x1d: {  	s12 =	simm.s32 @!p1 $0x2  }
0x1e: {  	s14 =	sadd.s32 $0x1, s10;
	_ =	swait.ge @!p1 [sflag:s12], $0x4000  }
0x1f: {  	s11 =	smov.u32 s9;
	p0 =	por !p0, !p0;
	[sflag:s12] =	ssyncset.done @!p1 $0x0  }
0x20: {  	s10 =	smov.u32 s14;
	s9 =	smov.u32 s13;
	[sflag:s12] =	ssyncadd.s32 @!p1 $0xFFFFC000  }
.LBB1_1:
0x21: {  	p1 =	sge.u32 s10, s6  }
0x22: {  	s12 =	sand.u32 @!p1 $0x1FFFFFF, s9  }
0x23: {  	s13 =	smulhi.u32 @!p1 $0x6D3A07, s12;
	_ =	sdelay $0x1  }
0x24: {  	s13 =	sshrl.u32 @!p1 s13, $0xA  }
0x25: {  	s13 =	smul.u32 @!p1 $0x96000, s13;
	_ =	sdelay $0x1  }
0x26: {  	s14 =	sxor.u32 @!p1 $0xFFFFFFFF, s10;
	s12 =	ssub.s32 @!p1 s12, s13  }
0x27: {  	s31 =	sadd.s32 $0xFFFFFFFF, s10;
	s13 =	sshll.u32 @!p1 s14, $0xE;
	s12 =	sshll.u32 @!p1 s12, $0x4  }
0x28: {  	s14 =	simm.s32 @!p1 $0x0;
	s13 =	sand.u32 @!p1 $0x4000, s13;
	s12 =	sadd.s32 @!p1 s3, s12  }
0x29: {  	[tilespmem:s13], [sflag:$0x1] =	stream.linear.gather @!p1 [hbm4b:s12+s14], $0x4000, $0x38;
	[tilespmem:$0x10100] =	vst v63  }
0x2a: {  	p1 =	sge.u32 s31, s6  }
.Ltmp2:
0x2b: {  	_ = 	snop;
	(pc) =	sbr.rel @p1 .LBB1_5-.Ltmp2, $1  }
0x2c: {  	_ =	sdelay $0x3  }
0x2d: {  	s12 =	simm.s32 $0x1  }
0x2e: {  	_ =	swait.ge [sflag:s5], $0x4000;
	s12 =	simm.s32 @!p0 $0x0  }
0x2f: {  	[sflag:s5] =	ssyncset.done $0x0;
	s13 =	sshll.u32 s12, $0xE  }
0x30: {  	[sflag:s5] =	ssyncadd.s32 $0xFFFFC000;
	s15 =	sor.u32 $0x40, s13  }
0x31: {  	s12 =	smul.u32 $0x10200, s12;
	v0 =	vld [tilespmem:s15+$0x30]  }
0x32: {  	v1 =	vld [tilespmem:s15+$0xFFFFFFD0]  }
0x33: {  	s12 =	sshrl.u32 s12, $0x2;
	v5 =	vld [tilespmem:s15+$0xFFFFFFE0]  }
0x34: {  	v6 =	vld [tilespmem:s15+$0xFFFFFFF0];
	s13 =	sor.u32 $0x8000, s12  }
0x35: {  	s31 =	sand.u32 $0x1, s10;
	v3 =	vld [tilespmem:s15+$0x0];
	s14 =	sadd.s32 $0x0, s13  }
0x36: {  	v4 =	vld [tilespmem:s15+$0x10];
	s12 =	smul.u32 $0x10200, s31;
	[tilespmem:s14+$0x3870 ss:$0x81] =	vst.msk $0xffff, v0  }
0x37: {  	v2 =	vld [tilespmem:s15+$0x20];
	[tilespmem:s14+$0x810 ss:$0x81] =	vst.msk $0xffff, v1  }
0x38: {  	s12 =	sshrl.u32 s12, $0x2;
	v0 =	vld [tilespmem:s15+$0xFFFFFFC0];
	[tilespmem:s14+$0x1020 ss:$0x81] =	vst.msk $0xffff, v5;
	s15 =	sadd.s32 $0x80, s15  }
0x39: {  	s16 =	simm.s32 $0x4;
	s17 =	simm.s32 $0x8;
	s12 =	sor.u32 $0x8000, s12;
	[tilespmem:s14+$0x1830 ss:$0x81] =	vst.msk $0xffff, v6;
	v1 =	vld [tilespmem:s15+$0x30]  }
.LBB1_3:
0x3a: {  	p1 =	sne.s32 s17, $0x1FC;
	v5 =	vld [tilespmem:s15+$0xFFFFFFD0];
	[tilespmem:s14+$0x2040 ss:$0x81] =	vst.msk $0xffff, v3  }
0x3b: {  	v6 =	vld [tilespmem:s15+$0xFFFFFFE0];
	[tilespmem:s14+$0x2850 ss:$0x81] =	vst.msk $0xffff, v4  }
0x3c: {  	s18 =	sshra.s32 s16, $0x2;
	s16 =	smov.u32 s17;
	v7 =	vld [tilespmem:s15+$0xFFFFFFF0];
	[tilespmem:s14+$0x3060 ss:$0x81] =	vst.msk $0xffff, v2  }
.Ltmp3:
0x3d: {  	v3 =	vld [tilespmem:s15+$0x0];
	[tilespmem:s14+$0x0 ss:$0x81] =	vst.msk $0xffff, v0;
	s14 =	sadd.s32 s18, s13;
	(pc) =	sbr.rel @p1 .LBB1_3-.Ltmp3, $4  }
0x3e: {  	v4 =	vld [tilespmem:s15+$0x10];
	[tilespmem:s14+$0x3870 ss:$0x81] =	vst.msk $0xffff, v1  }
0x3f: {  	[tilespmem:s14+$0x810 ss:$0x81] =	vst.msk $0xffff, v5;
	v2 =	vld [tilespmem:s15+$0x20]  }
0x40: {  	v0 =	vld [tilespmem:s15+$0xFFFFFFC0];
	[tilespmem:s14+$0x1020 ss:$0x81] =	vst.msk $0xffff, v6;
	s15 =	sadd.s32 $0x80, s15  }
0x41: {  	s17 =	sadd.s32 $0x4, s17;
	v1 =	vld [tilespmem:s15+$0x30];
	[tilespmem:s14+$0x1830 ss:$0x81] =	vst.msk $0xffff, v7  }
.Ltmp4:
0x42: {  	_ = 	snop;
	(pc) =	sbr.rel .LBB1_4-.Ltmp4, $1  }
0x43: {  	_ =	sdelay $0x3  }
.LBB1_6:
0x44: {  	_ =	sfence.sel $0x180000  }
0x45: {  	s2 =	simm.s32 $0x1;
	[bflag:$0x0] =	sbarrier.arrive $0xFFFF  }
0x46: {  	s31 =	simm.s32 $0x2;
	[sflag:s2] =	ssyncpa.u1 $0x1  }
0x47: {  	[sflag:s31] =	ssyncpa.u1 $0x1  }
0x48: {  	p0 =	sne.s32 s0, $0x0;
	_ =	strace $0x9000004D  }
0x49: {  	s0 =	sadd.s32 @!p0 $0x100000, s1;
	[bflag:$0x2] =	sbarrier.arrive $0xFFFF  }
0x4a: {  	[sflag:s0] =	ssyncadd.tile.s32 @!p0 $0x1;
	_ =	shalt  }
.Lfunc_end1:
_tile_overlayer_lowered:
.L_overlay_start_2:
0x4b: {  	(tag) =	ssettag $0x2  }
0x4c: {  	s0 =	rddreg [dreg:$0x0];
	s2 =	stileid.u32  }
0x4d: {  	s1 =	rddreg [dreg:$0x1];
	p0 =	sne.s32 s2, $0x0  }
0x4e: {  	s3 =	rddreg [dreg:$0x2];
	[bflag:$0x3] =	sbarrier.arrive $0xFFFF;
	s2 =	simm.s32 @!p0 $0x1C01  }
0x4f: {  	[timem:s3], [sflag:s2] =	dma.local @!p0 [hbm:s0], s1  }
0x50: {  	s0 =	simm.s32 @!p0 $0x1  }
0x51: {  	_ =	swait.ge @!p0 [sflag:s0], s1  }
0x52: {  	s1 =	ssub.s32 @!p0 $0x0, s1;
	[sflag:s0] =	ssyncset.done @!p0 $0x0  }
0x53: {  	[sflag:s0] =	ssyncadd.s32 @!p0 s1  }
0x54: {  	[bflag:$0x3] =	sbarrier.arrive $0xFFFF  }
0x55: {  	_ =	shalt  }

// kernel: sparse-core-data-format-call.cloned.1.call-start
scs
called_computation.1_lowered:
.L_overlay_start_0:
0x0: {  	s1 =	sld [smem:$0x3FD9]  }
0x1: {  	s2 =	sld [smem:$0x3FFE];
	_ =	sdelay $0x1  }
0x2: {  	s3 =	srdreg.scid  }
0x3: {  	s0 =	sand.u32 $0x1, s3  }
0x4: {  	s17 =	sshll.u32 s0, $0xA;
	s1 =	sadd.s32 s2, s1  }
0x5: {  	s1 =	sadd.s32 s1, s17  }
0x6: {  	[smem:$0x3FAC] =	sst s1  }
0x7: {  	_ = 	snop  }
0x8: {  	(tm) =	ssettm $0x1  }
0x9: {  	s18 =	sld [smem:$0x3FFB];
	_ =	sdelay $0x3  }
0xa: {  	_ =	strace s18  }
0xb: {  	s1 =	sld [smem:$0x3FFC];
	_ =	sdelay $0x3  }
0xc: {  	_ =	strace s1  }
0xd: {  	s1 =	sld [smem:$0x3FFD];
	_ =	sdelay $0x3  }
0xe: {  	_ =	strace s1  }
0xf: {  	_ =	strace $0x8FFFFFFF  }
0x10: {  	s19 =	sld [smem:$0x3FDB];
	_ =	sdelay $0x1  }
0x11: {  	s20 =	simm.s32 $_scs_section_size  }
0x12: {  	s4 =	simm.s32 $_size__tile_overlayer_lowered;
	s5 =	simm.s32 $_tile_overlayer_lowered  }
0x13: {  	s23 =	simm.s32 $0x1BFF;
	s22 =	sshll.u32 s5, $0x1;
	s1 =	sadd.s32 s20, s19  }
0x14: {  	s6 =	simm.s32 $0x0;
	s21 =	sshll.u32 s4, $0x1;
	s4 =	sadd.s32 s22, s1  }
0x15: {  	[timem:s6], [sflag:s23] =	dma.local [hbm:s4], s21  }
0x16: {  	_ =	swait.ge [sflag:s23], s21  }
0x17: {  	s2 =	ssub.s32 $0x0, s21;
	[sflag:s23] =	ssyncset.done $0x0  }
0x18: {  	[sflag:s23] =	ssyncadd.s32 s2;
	_ =	sdelay $0x1  }
0x19: {  	s24 =	simm.s32 $0x1B8B  }
0x1a: {  	_ =	swait.ge [sflag:s24], $0x1  }
0x1b: {  	[sflag:s24] =	ssyncset.done $0x0  }
0x1c: {  	s26 =	simm.s32 $0x1B8E;
	s25 =	sld [smem:$0x3FFE];
	[sflag:s24] =	ssyncadd.s32 $0xFFFFFFFF  }
0x1d: {  	s27 =	simm.s32 $execute0_lowered;
	[smem:$0x3FD2] =	sst s26  }
0x1e: {  	s4 =	sshll.u32 s27, $0x1;
	_ =	strace $0x80000052;
	[dreg:$0x1] =	wrdreg $0xFFFFFFFF  }
0x1f: {  	s28 =	simm.s32 $_size_execute0_lowered;
	s1 =	sadd.s32 s1, s4;
	[dreg:$0x0] =	wrdreg $0x0  }
0x20: {  	s4 =	sshll.u32 s28, $0x1;
	[dreg:$0x2] =	wrdreg s1  }
0x21: {  	[dreg:$0x3] =	wrdreg s4  }
0x22: {  	[dreg:$0x4] =	wrdreg $0xC0  }
0x23: {  	_ =	task [dreg:s6], $0x5FFFF  }
0x24: {  	[dreg:$0x1] =	wrdreg $0xFFFFFFFF  }
0x25: {  	[dreg:$0x0] =	wrdreg $0x60  }
0x26: {  	[dreg:$0x2] =	wrdreg s25  }
0x27: {  	[dreg:$0x3] =	wrdreg $0xA  }
0x28: {  	_ =	task.clear_ibuf [dreg:s6], $0x4FFFF;
	_ =	strace $0x90000052  }
0x29: {  	s29 =	simm.s32 $0xA;
	_ =	strace $0x80000054  }
0x2a: {  	_ =	swait.ge [sflag:s29], $0x1  }
0x2b: {  	[sflag:s29] =	ssyncadd.s32 $0xFFFFFFFF  }
0x2c: {  	_ =	strace $0x90000054  }
0x2d: {  	_ =	sfence  }
0x2e: {  	s30 =	sld [smem:$0x0];
	_ =	sdelay $0x2  }
0x2f: {  	s31 =	sshll.u32 s3, $0xD;
	s3 =	sshrl.u32 s3, $0x2  }
0x30: {  	s2 =	sand.u32 $0x4000, s31;
	s1 =	sadd.s32 s3, s30  }
0x31: {  	s0 =	sor.u32 s2, s0;
	s1 =	sshll.u32 s1, $0x11  }
0x32: {  	s0 =	sor.u32 s1, s0  }
0x33: {  	s0 =	sadd.s32 $0x8F2B, s0  }
0x34: {  	[sflag:s0] =	ssyncadd.remote.s32 $0x1  }
0x35: {  	_ =	sfence.sel $0xFFFF  }
0x36: {  	[dreg:$0x0] =	wrdreg $0xFFFFFFFF;
	(pc) =	sbr.abs _section_cstart, $3  }
0x37: {  	[dreg:$0x1] =	wrdreg $0xFFFFFFFF  }
0x38: {  	_ =	task.clear_ibuf [dreg:s6], $0x2FFFF;
	_ =	strace $0x9FFFFFFF  }
0x39: {  	(tm) =	ssettm $0x7FFFFFFF  }
tec
execute0_lowered:
.L_overlay_start_1:
0x0: {  	(tag) =	ssettag $0x1  }
0x1: {  	s0 =	srdreg.scid  }
0x2: {  	s4 =	rddreg [dreg:$0x0];
	s1 =	stileid.u32  }
0x3: {  	s5 =	simm.s32 $0x1;
	s7 =	simm.s32 $0x2;
	s0 =	sshll.u32 s0, $0x4  }
0x4: {  	s11 =	simm.s32 $0x0;
	p0 =	por $0x0, $0x0;
	s2 =	sand.u32 $0x10, s0  }
.Ltmp0:
0x5: {  	s8 =	simm.s32 $0xC3800;
	s3 =	sor.u32 s1, s2;
	(pc) =	sbr.rel .LBB1_1-.Ltmp0, $4  }
0x6: {  	s0 =	rddreg [dreg:$0x1];
	_ =	strace $0x80000053;
	s3 =	sshll.u32 s3, $0x7  }
0x7: {  	s10 =	simm.s32 $0x0;
	s2 =	sadd.s32 $0xC3AA00, s4;
	s6 =	ssub.s32 $0x18680, s3  }
0x8: {  	s4 =	sadd.s32 $0x2A00, s4;
	[sflag:s5] =	ssyncpa.u1 $0x0;
	s6 =	sshrl.u32 s6, $0xC  }
0x9: {  	[sflag:s7] =	ssyncpa.u1 $0x0;
	s9 =	smov.u32 s3;
	s7 =	sadd.s32 $0x2, s6  }
.LBB1_5:
0xa: {  	s13 =	sadd.s32 $0x1000, s9  }
0xb: {  	p2 =	sgt.s32 s13, $0x1869F  }
0xc: {  	s13 =	smov.u32 @p2 s3;
	p2 =	sne.s32 s10, s7  }
.Ltmp1:
0xd: {  	p1 =	slt.u32 s10, $0x2;
	(pc) =	sbr.rel @!p2 .LBB1_6-.Ltmp1, $4  }
0xe: {  	s12 =	simm.s32 @!p1 $0x2  }
0xf: {  	s14 =	sadd.s32 $0x1, s10;
	_ =	swait.ge @!p1 [sflag:s12], $0x4000  }
0x10: {  	s11 =	smov.u32 s9;
	p0 =	por !p0, !p0;
	[sflag:s12] =	ssyncset.done @!p1 $0x0  }
0x11: {  	s10 =	smov.u32 s14;
	s9 =	smov.u32 s13;
	[sflag:s12] =	ssyncadd.s32 @!p1 $0xFFFFC000  }
.LBB1_1:
0x12: {  	p1 =	sgt.u32 s10, s6  }
0x13: {  	p2 =	sgt.s32 @!p1 s9, $0x18620  }
0x14: {  	s12 =	smov.u32 s9;
	s13 =	sshra.s32 @!p1 s9, $0x1F;
	p2 =	por !p2, p1  }
0x15: {  	s13 =	sand.u32 @!p1 s13, s9;
	s12 =	simm.s32 @p2 $0x18620  }
0x16: {  	s12 =	ssub.s32 @!p1 s12, s13  }
0x17: {  	s14 =	sxor.u32 @!p1 $0xFFFFFFFF, s10;
	s12 =	sadd.s32 @!p1 $0xFFFE79E0, s12  }
0x18: {  	s15 =	simm.s32 @!p1 $0x10;
	s16 =	simm.s32 @!p1 $0x80;
	s13 =	sshll.u32 @!p1 s12, $0x9  }
0x19: {  	p2 =	sgt.s32 @!p1 s12, $0x7F;
	s12 =	ssub.s32 @!p1 $0x10000, s13;
	s13 =	sshll.u32 @!p1 s14, $0xE  }
0x1a: {  	p2 =	por !p2, p1;
	s14 =	sshll.u32 @!p1 s9, $0x7;
	s12 =	sshrl.u32 @!p1 s12, $0x2  }
0x1b: {  	s13 =	sand.u32 @!p1 $0x4000, s13;
	s14 =	sadd.s32 @!p1 s2, s14;
	s12 =	simm.s32 @!p2 $0x0  }
0x1c: {  	[tilespmem:s13], [sflag:$0x1] =	stream.strided.gather @!p1 [hbm4b:s14+s15], s12, s16, s15, $0x38;
	[tilespmem:$0x10100] =	vst v63  }
0x1d: {  	p1 =	seq.s32 s10, $0x0  }
0x1e: {  	p2 =	sge.u32 @!p1 s10, s7  }
0x1f: {  	p1 =	por p1, p2  }
.Ltmp2:
0x20: {  	_ = 	snop;
	(pc) =	sbr.rel @p1 .LBB1_5-.Ltmp2, $1  }
0x21: {  	_ =	sdelay $0x3  }
0x22: {  	p1 =	sgt.s32 s11, $0x18620;
	s12 =	smov.u32 s11;
	s13 =	sshra.s32 s11, $0x1F  }
0x23: {  	s12 =	simm.s32 @!p1 $0x18620;
	s13 =	sand.u32 s13, s11  }
0x24: {  	s12 =	ssub.s32 s12, s13  }
0x25: {  	s12 =	sadd.s32 $0xFFFE79E0, s12  }
0x26: {  	s29 =	sshll.u32 s12, $0x9  }
0x27: {  	s13 =	ssub.s32 $0x10000, s29  }
0x28: {  	p1 =	sgt.s32 s12, $0x7F;
	s12 =	sshrl.u32 s13, $0x2  }
0x29: {  	s13 =	simm.s32 $0x1;
	s12 =	simm.s32 @p1 $0x0  }
0x2a: {  	s13 =	simm.s32 @!p0 $0x0;
	_ =	swait.ge [sflag:s5], s12  }
0x2b: {  	s14 =	sshll.u32 s13, $0xE;
	s12 =	ssub.s32 $0x0, s12;
	[sflag:s5] =	ssyncset.done $0x0  }
0x2c: {  	s15 =	sor.u32 $0x40, s14;
	[sflag:s5] =	ssyncadd.s32 s12  }
0x2d: {  	s30 =	smul.u32 $0x10200, s13;
	v0 =	vld [tilespmem:s15+$0x30]  }
0x2e: {  	v1 =	vld [tilespmem:s15+$0xFFFFFFD0]  }
0x2f: {  	s12 =	sshrl.u32 s30, $0x2;
	v5 =	vld [tilespmem:s15+$0xFFFFFFE0]  }
0x30: {  	s13 =	sor.u32 $0x8000, s12;
	v6 =	vld [tilespmem:s15+$0xFFFFFFF0]  }
0x31: {  	s31 =	sand.u32 $0x1, s10;
	v3 =	vld [tilespmem:s15+$0x0];
	s14 =	sadd.s32 $0x0, s13  }
0x32: {  	s12 =	smul.u32 $0x10200, s31;
	v4 =	vld [tilespmem:s15+$0x10];
	[tilespmem:s14+$0x3870 ss:$0x81] =	vst.msk $0xffff, v0  }
0x33: {  	v2 =	vld [tilespmem:s15+$0x20];
	[tilespmem:s14+$0x810 ss:$0x81] =	vst.msk $0xffff, v1  }
0x34: {  	s12 =	sshrl.u32 s12, $0x2;
	v0 =	vld [tilespmem:s15+$0xFFFFFFC0];
	[tilespmem:s14+$0x1020 ss:$0x81] =	vst.msk $0xffff, v5;
	s15 =	sadd.s32 $0x80, s15  }
0x35: {  	s16 =	simm.s32 $0x4;
	s17 =	simm.s32 $0x8;
	s12 =	sor.u32 $0x8000, s12;
	[tilespmem:s14+$0x1830 ss:$0x81] =	vst.msk $0xffff, v6;
	v1 =	vld [tilespmem:s15+$0x30]  }
.LBB1_3:
0x36: {  	p1 =	sne.s32 s17, $0x1FC;
	v5 =	vld [tilespmem:s15+$0xFFFFFFD0];
	[tilespmem:s14+$0x2040 ss:$0x81] =	vst.msk $0xffff, v3  }
0x37: {  	v6 =	vld [tilespmem:s15+$0xFFFFFFE0];
	[tilespmem:s14+$0x2850 ss:$0x81] =	vst.msk $0xffff, v4  }
0x38: {  	s18 =	sshra.s32 s16, $0x2;
	s16 =	smov.u32 s17;
	v7 =	vld [tilespmem:s15+$0xFFFFFFF0];
	[tilespmem:s14+$0x3060 ss:$0x81] =	vst.msk $0xffff, v2  }
.Ltmp3:
0x39: {  	v3 =	vld [tilespmem:s15+$0x0];
	[tilespmem:s14+$0x0 ss:$0x81] =	vst.msk $0xffff, v0;
	s14 =	sadd.s32 s18, s13;
	(pc) =	sbr.rel @p1 .LBB1_3-.Ltmp3, $4  }
0x3a: {  	v4 =	vld [tilespmem:s15+$0x10];
	[tilespmem:s14+$0x3870 ss:$0x81] =	vst.msk $0xffff, v1  }
0x3b: {  	[tilespmem:s14+$0x810 ss:$0x81] =	vst.msk $0xffff, v5;
	v2 =	vld [tilespmem:s15+$0x20]  }
0x3c: {  	v0 =	vld [tilespmem:s15+$0xFFFFFFC0];
	[tilespmem:s14+$0x1020 ss:$0x81] =	vst.msk $0xffff, v6;
	s15 =	sadd.s32 $0x80, s15  }
0x3d: {  	s17 =	sadd.s32 $0x4, s17;
	v1 =	vld [tilespmem:s15+$0x30];
	[tilespmem:s14+$0x1830 ss:$0x81] =	vst.msk $0xffff, v7  }
0x3e: {  	v5 =	vld [tilespmem:s15+$0xFFFFFFD0];
	[tilespmem:s14+$0x2040 ss:$0x81] =	vst.msk $0xffff, v3;
	s17 =	sshll.u32 s11, $0x3  }
0x3f: {  	v58 =	vld [tilespmem:s15+$0xFFFFFFE0];
	s25 =	sand.u32 $0x7F, s11;
	[tilespmem:s14+$0x2850 ss:$0x81] =	vst.msk $0xffff, v4;
	s17 =	sand.u32 $0xFFFFFC00, s17  }
0x40: {  	s16 =	sshra.s32 s16, $0x2;
	v59 =	vld [tilespmem:s15+$0xFFFFFFF0];
	[tilespmem:s14+$0x3060 ss:$0x81] =	vst.msk $0xffff, v2;
	s11 =	sor.u32 s25, s17  }
0x41: {  	v60 =	vld [tilespmem:s15+$0x0];
	s13 =	sadd.s32 s16, s13;
	[tilespmem:s14+$0x0 ss:$0x81] =	vst.msk $0xffff, v0;
	s26 =	smulhi.u32 $0xA79C7B17, s11  }
0x42: {  	v61 =	vld [tilespmem:s15+$0x10];
	[tilespmem:s13+$0x3870 ss:$0x81] =	vst.msk $0xffff, v1  }
0x43: {  	v62 =	vld [tilespmem:s15+$0x20];
	s27 =	smulhi.u32 $0xA79C7B17, s17;
	[tilespmem:s13+$0x810 ss:$0x81] =	vst.msk $0xffff, v5;
	s14 =	sshrl.u32 s26, $0x10  }
0x44: {  	v63 =	vld [tilespmem:s15+$0xFFFFFFC0];
	[tilespmem:s13+$0x1020 ss:$0x81] =	vst.msk $0xffff, v58;
	s14 =	smul.u32 $0x18700, s14  }
0x45: {  	s28 =	sshrl.u32 s27, $0x10;
	[tilespmem:s13+$0x1830 ss:$0x81] =	vst.msk $0xffff, v59  }
.Ltmp4:
0x46: {  	[tilespmem:s13+$0x2040 ss:$0x81] =	vst.msk $0xffff, v60;
	s29 =	sand.u32 $0xF, s28;
	s11 =	ssub.s32 s11, s14;
	(pc) =	sbr.rel .LBB1_5-.Ltmp4, $4  }
0x47: {  	[tilespmem:s13+$0x2850 ss:$0x81] =	vst.msk $0xffff, v61;
	s14 =	smul.u32 $0x30E0, s29;
	s30 =	sshrl.u32 s11, $0x3;
	s11 =	sand.u32 $0x7, s11  }
0x48: {  	[tilespmem:s13+$0x3060 ss:$0x81] =	vst.msk $0xffff, v62;
	s15 =	sadd.s32 s4, s30;
	s11 =	sshll.u32 s11, $0x12  }
0x49: {  	[tilespmem:s13+$0x0 ss:$0x81] =	vst.msk $0xffff, v63;
	s31 =	sadd.s32 s14, s15;
	s11 =	sor.u32 $0x400, s11  }
0x4a: {  	[hbm4b:s31+s11] =	stream.strided.scatter [tilespmem:s12], [sflag:$0x2], $0x4000, s8, s11, $0x20;
	[tilespmem:$0x10100] =	vst v63  }
.LBB1_6:
0x4b: {  	_ =	sfence.sel $0x180000  }
0x4c: {  	s2 =	simm.s32 $0x1;
	[bflag:$0x0] =	sbarrier.arrive $0xFFFF  }
0x4d: {  	s31 =	simm.s32 $0x2;
	[sflag:s2] =	ssyncpa.u1 $0x1  }
0x4e: {  	[sflag:s31] =	ssyncpa.u1 $0x1  }
0x4f: {  	p0 =	sne.s32 s1, $0x0;
	_ =	strace $0x90000053  }
0x50: {  	s0 =	sadd.s32 @!p0 $0x100000, s0;
	[bflag:$0x2] =	sbarrier.arrive $0xFFFF  }
0x51: {  	[sflag:s0] =	ssyncadd.tile.s32 @!p0 $0x1;
	_ =	shalt  }
.Lfunc_end1:
_tile_overlayer_lowered:
.L_overlay_start_2:
0x52: {  	(tag) =	ssettag $0x2  }
0x53: {  	s0 =	rddreg [dreg:$0x0];
	s2 =	stileid.u32  }
0x54: {  	s1 =	rddreg [dreg:$0x1];
	p0 =	sne.s32 s2, $0x0  }
0x55: {  	s3 =	rddreg [dreg:$0x2];
	[bflag:$0x3] =	sbarrier.arrive $0xFFFF;
	s2 =	simm.s32 @!p0 $0x1C01  }
0x56: {  	[timem:s3], [sflag:s2] =	dma.local @!p0 [hbm:s0], s1  }
0x57: {  	s0 =	simm.s32 @!p0 $0x1  }
0x58: {  	_ =	swait.ge @!p0 [sflag:s0], s1  }
0x59: {  	s1 =	ssub.s32 @!p0 $0x0, s1;
	[sflag:s0] =	ssyncset.done @!p0 $0x0  }
0x5a: {  	[sflag:s0] =	ssyncadd.s32 @!p0 s1  }
0x5b: {  	[bflag:$0x3] =	sbarrier.arrive $0xFFFF  }
0x5c: {  	_ =	shalt  }

</sc_bundles>
